<compile_context>
chip_gen: v7x
topology: tpu7x:2x2x1
jax: 0.10.2.dev20260603
libtpu: 0.0.44.dev20260713+nightly
codegen_flags: <defaults>
</compile_context>

<pallas_src>
import functools

import numpy as np
import jax
import jax.numpy as jnp
from jax import lax
from jax.experimental import pallas as pl
from jax.experimental.pallas import tpu as pltpu
from jax.experimental.pallas import tpu_sc as plsc

_B, _K, _V = 1024, 20, 1000
_NC, _NS, _L = 2, 16, 16
_NW = _NC * _NS
_UPW = _B // _NW
_NPAIR = _K * (_K - 1) // 2
_PPAD = 192
_CPU = _PPAD // _L
_RPU = 3
_RLEN = _PPAD // _RPU
_CPR = _RLEN // _L
_ROWS = _UPW * _RPU
_HROWS = _ROWS // 2
_SCALE = np.float32(1.0 / (_B * _K * (_K - 1)))


_THRESH = [a * _K - a * (a + 1) // 2 for a in range(1, _K)]


def _make_sc_kernel():
    mesh = plsc.VectorSubcoreMesh(core_axis_name="c", subcore_axis_name="s")

    @functools.partial(
        pl.kernel,
        mesh=mesh,
        compiler_params=pltpu.CompilerParams(needs_layout_passes=False),
        out_type=jax.ShapeDtypeStruct((_NW * _L,), jnp.float32),
        scratch_types=[
            pltpu.VMEM((_UPW * _K,), jnp.int32),
            pltpu.VMEM((_PPAD,), jnp.int32),
            pltpu.VMEM((_PPAD,), jnp.int32),
            pltpu.VMEM((_ROWS, _RLEN), jnp.int32),
            pltpu.VMEM((_ROWS, _RLEN), jnp.float32),
            pltpu.VMEM((_L,), jnp.float32),
            pltpu.SemaphoreType.DMA,
            pltpu.SemaphoreType.DMA,
        ],
    )
    def ild_kernel(rec_hbm, d_hbm, out_hbm,
                   rec_v, pa_v, pc_v, idx_v, val_v, acc_v, sem_a, sem_b):
        wid = lax.axis_index("s") * _NC + lax.axis_index("c")
        pltpu.sync_copy(rec_hbm.at[pl.ds(wid * (_UPW * _K), _UPW * _K)],
                        rec_v)

        lane = lax.iota(jnp.int32, _L)
        one = jnp.ones((_L,), jnp.int32)
        zero = jnp.zeros((_L,), jnp.int32)
        for t in range(_CPU):
            p = lane + t * _L
            a = zero
            for th in _THRESH:
                a = a + jnp.where(p >= th, one, zero)
            c = p - (a * _K - (a * (a + 1)) // 2) + a + 1
            c = jnp.minimum(c, _K - 1)
            pa_v[pl.ds(t * _L, _L)] = a
            pc_v[pl.ds(t * _L, _L)] = c

        def build_user(u, sem):
            base = u * _K
            for r in range(_RPU):
                for tc in range(_CPR):
                    t = r * _CPR + tc
                    ia = plsc.load_gather(rec_v, [pa_v[pl.ds(t * _L, _L)]
                                                  + base])
                    ic = plsc.load_gather(rec_v, [pc_v[pl.ds(t * _L, _L)]
                                                  + base])
                    idx_v[u * _RPU + r, pl.ds(tc * _L, _L)] = ia * _V + ic
                pltpu.make_async_copy(
                    d_hbm.at[idx_v.at[u * _RPU + r]],
                    val_v.at[u * _RPU + r], sem).start()

        lax.fori_loop(0, _UPW // 2,
                      lambda u, c: (build_user(u, sem_a), c)[1], 0)
        lax.fori_loop(_UPW // 2, _UPW,
                      lambda u, c: (build_user(u, sem_b), c)[1], 0)

        def drain(sem, lo, hi):
            for j in range(lo, hi):
                pltpu.make_async_copy(d_hbm.at[pl.ds(0, _RLEN)],
                                      val_v.at[j], sem).wait()

        tailmask = jnp.where(lane + (_CPU - 1) * _L < _NPAIR,
                             jnp.float32(1.0), jnp.float32(0.0))

        def red(j, acc):
            for tc in range(_CPR):
                v = val_v[j, pl.ds(tc * _L, _L)]
                if tc == _CPR - 1:
                    v = jnp.where((j % _RPU) == _RPU - 1, v * tailmask, v)
                acc = acc + v
            return acc

        drain(sem_a, 0, _HROWS)
        acc = lax.fori_loop(0, _HROWS, red, jnp.zeros((_L,), jnp.float32))
        drain(sem_b, _HROWS, _ROWS)
        acc = lax.fori_loop(_HROWS, _ROWS, red, acc)
        acc_v[...] = acc * _SCALE
        pltpu.sync_copy(acc_v, out_hbm.at[pl.ds(wid * _L, _L)])

    return ild_kernel


_SC_KERNEL = _make_sc_kernel()


def kernel(recommendations, distance_matrix):
    rec = recommendations.astype(jnp.int32).reshape(-1)
    dflat = distance_matrix.reshape(-1)
    partials = _SC_KERNEL(rec, dflat)
    return jnp.sum(partials)

# --- scband reference (transcript-rebuilt; emitter-appended) ---
"""Pipeline reference for scband-intra-list-diversity-score-19378892440031 (READ-ONLY COPY).

The authoritative reference and input builder live on the scoring server;
editing this copy changes nothing except your own understanding.
"""

import jax, jax.numpy as jnp
import numpy as np

B, K, V = 1024, 20, 1000

def setup_inputs(seed: int = 0) -> dict:
    key = jax.random.key(seed)
    k1, k2 = jax.random.split(key)
    recommendations = jax.random.randint(k1, (B, K), 0, V, dtype=jnp.int64)
    distance_matrix = jax.random.uniform(k2, (V, V), dtype=jnp.float32)
    return {"recommendations": recommendations, "distance_matrix": distance_matrix}

def reference(recommendations, distance_matrix):
    # Intra-List Diversity: for each user, sum of pairwise distances over all
    # index pairs a<b in the recommendation list, normalized by K*(K-1), then mean-reduced.
    Bn, Kn = recommendations.shape
    ri = recommendations[:, :, None]  # [B, K, 1]
    rj = recommendations[:, None, :]  # [B, 1, K]
    d = distance_matrix[ri, rj]       # [B, K, K] gather
    mask = jnp.triu(jnp.ones((Kn, Kn), dtype=d.dtype), k=1)  # pairs a<b (combinations)
    loss_values = jnp.sum(d * mask, axis=(1, 2))  # [B]
    loss_values = loss_values / (Kn * (Kn - 1))
    return jnp.mean(loss_values)

if __name__ == "__main__":
    import jax
    _d = setup_inputs()
    print(jax.jit(kernel)(*tuple(_d.values())))

</pallas_src>

<mosaic_0001>
#map = affine_map<(d0, d1) -> (0)>
module attributes {stable_mosaic.version = 14 : i64} {
  func.func @ild_kernel(%arg0: i32, %arg1: i32, %arg2: memref<20480xi32, #tpu.memory_space<hbm>>, %arg3: memref<1000000xf32, #tpu.memory_space<hbm>>, %arg4: memref<512xf32, #tpu.memory_space<hbm>>, %arg5: memref<640xi32, #tpu.memory_space<vmem>>, %arg6: memref<192xi32, #tpu.memory_space<vmem>>, %arg7: memref<192xi32, #tpu.memory_space<vmem>>, %arg8: memref<96x64xi32, #tpu.memory_space<vmem>>, %arg9: memref<96x64xf32, #tpu.memory_space<vmem>>, %arg10: memref<16xf32, #tpu.memory_space<vmem>>, %arg11: memref<!tpu.dma_semaphore, #tpu.memory_space<semaphore_mem>>, %arg12: memref<!tpu.dma_semaphore, #tpu.memory_space<semaphore_mem>>) attributes {dimension_semantics = [#tpu.dimension_semantics<core_parallel>, #tpu.dimension_semantics<subcore_parallel>], iteration_bounds = array<i64: 2, 16>, scalar_prefetch = 0 : i64, scratch_operands = 8 : i64, tpu.core_type = #tpu.core_type<sc_vector_subcore>, window_params = [{transform_indices = #map}, {transform_indices = #map}, {transform_indices = #map}]} {
    %mul3A = arith.constant 2 : i32
    %mul3A_0 = arith.muli %arg1, %mul3A : i32
    %add3A = arith.addi %mul3A_0, %arg0 : i32
    %mul3A_1 = arith.constant 640 : i32
    %mul3A_2 = arith.muli %add3A, %mul3A_1 : i32
    "tpu.region"() ({
      %run_scoped3A = tpu.sem_alloc : memref<!tpu.dma_semaphore, #tpu.memory_space<semaphore_mem>>
      %dma_start3A = tpu.memref_slice %arg2[%mul3A_2] : memref<20480xi32, #tpu.memory_space<hbm>> -> memref<640xi32, #tpu.memory_space<hbm>>
      %dma_start3A_2880 = tpu.memref_slice %arg2[%mul3A_2] : memref<20480xi32, #tpu.memory_space<hbm>> -> memref<640xi32, #tpu.memory_space<hbm>>
      tpu.enqueue_dma source(%dma_start3A_2880 : memref<640xi32, #tpu.memory_space<hbm>>) target(%arg5 : memref<640xi32, #tpu.memory_space<vmem>>) target_semaphore(%run_scoped3A : memref<!tpu.dma_semaphore, #tpu.memory_space<semaphore_mem>>)
      %dma_wait3A_2881 = tpu.memref_slice %arg2[%mul3A_2] : memref<20480xi32, #tpu.memory_space<hbm>> -> memref<640xi32, #tpu.memory_space<hbm>>
      %dma_wait3A_2882 = tpu.memref_slice %arg2[%mul3A_2] : memref<20480xi32, #tpu.memory_space<hbm>> -> memref<640xi32, #tpu.memory_space<hbm>>
      tpu.wait_dma2 semaphore(%run_scoped3A : memref<!tpu.dma_semaphore, #tpu.memory_space<semaphore_mem>>) src(%dma_wait3A_2882 : memref<640xi32, #tpu.memory_space<hbm>>) dst(%arg5 : memref<640xi32, #tpu.memory_space<vmem>>)
      tpu.yield
    }) : () -> ()
    %iota3A = tpu.iota {dimensions = array<i32: 0>} : vector<16xi32>
    %broadcast_in_dim3A = arith.constant 1 : i32
    %broadcast_in_dim3A_3 = vector.broadcast %broadcast_in_dim3A : i32 to vector<16xi32>
    %broadcast_in_dim3A_4 = arith.constant 0 : i32
    %broadcast_in_dim3A_5 = vector.broadcast %broadcast_in_dim3A_4 : i32 to vector<16xi32>
    %add3A_6 = arith.constant 0 : i32
    %add3A_7 = vector.broadcast %add3A_6 : i32 to vector<16xi32>
    %add3A_8 = arith.addi %iota3A, %add3A_7 : vector<16xi32>
    %ge3A = arith.constant 19 : i32
    %ge3A_9 = vector.broadcast %ge3A : i32 to vector<16xi32>
    %ge3A_10 = arith.cmpi sge, %add3A_8, %ge3A_9 : vector<16xi32>
    %select_n3A = arith.select %ge3A_10, %broadcast_in_dim3A_3, %broadcast_in_dim3A_5 : vector<16xi1>, vector<16xi32>
    %add3A_11 = arith.addi %broadcast_in_dim3A_5, %select_n3A : vector<16xi32>
    %ge3A_12 = arith.constant 37 : i32
    %ge3A_13 = vector.broadcast %ge3A_12 : i32 to vector<16xi32>
    %ge3A_14 = arith.cmpi sge, %add3A_8, %ge3A_13 : vector<16xi32>
    %select_n3A_15 = arith.select %ge3A_14, %broadcast_in_dim3A_3, %broadcast_in_dim3A_5 : vector<16xi1>, vector<16xi32>
    %add3A_16 = arith.addi %add3A_11, %select_n3A_15 : vector<16xi32>
    %ge3A_17 = arith.constant 54 : i32
    %ge3A_18 = vector.broadcast %ge3A_17 : i32 to vector<16xi32>
    %ge3A_19 = arith.cmpi sge, %add3A_8, %ge3A_18 : vector<16xi32>
    %select_n3A_20 = arith.select %ge3A_19, %broadcast_in_dim3A_3, %broadcast_in_dim3A_5 : vector<16xi1>, vector<16xi32>
    %add3A_21 = arith.addi %add3A_16, %select_n3A_20 : vector<16xi32>
    %ge3A_22 = arith.constant 70 : i32
    %ge3A_23 = vector.broadcast %ge3A_22 : i32 to vector<16xi32>
    %ge3A_24 = arith.cmpi sge, %add3A_8, %ge3A_23 : vector<16xi32>
    %select_n3A_25 = arith.select %ge3A_24, %broadcast_in_dim3A_3, %broadcast_in_dim3A_5 : vector<16xi1>, vector<16xi32>
    %add3A_26 = arith.addi %add3A_21, %select_n3A_25 : vector<16xi32>
    %ge3A_27 = arith.constant 85 : i32
    %ge3A_28 = vector.broadcast %ge3A_27 : i32 to vector<16xi32>
    %ge3A_29 = arith.cmpi sge, %add3A_8, %ge3A_28 : vector<16xi32>
    %select_n3A_30 = arith.select %ge3A_29, %broadcast_in_dim3A_3, %broadcast_in_dim3A_5 : vector<16xi1>, vector<16xi32>
    %add3A_31 = arith.addi %add3A_26, %select_n3A_30 : vector<16xi32>
    %ge3A_32 = arith.constant 99 : i32
    %ge3A_33 = vector.broadcast %ge3A_32 : i32 to vector<16xi32>
    %ge3A_34 = arith.cmpi sge, %add3A_8, %ge3A_33 : vector<16xi32>
    %select_n3A_35 = arith.select %ge3A_34, %broadcast_in_dim3A_3, %broadcast_in_dim3A_5 : vector<16xi1>, vector<16xi32>
    %add3A_36 = arith.addi %add3A_31, %select_n3A_35 : vector<16xi32>
    %ge3A_37 = arith.constant 112 : i32
    %ge3A_38 = vector.broadcast %ge3A_37 : i32 to vector<16xi32>
    %ge3A_39 = arith.cmpi sge, %add3A_8, %ge3A_38 : vector<16xi32>
    %select_n3A_40 = arith.select %ge3A_39, %broadcast_in_dim3A_3, %broadcast_in_dim3A_5 : vector<16xi1>, vector<16xi32>
    %add3A_41 = arith.addi %add3A_36, %select_n3A_40 : vector<16xi32>
    %ge3A_42 = arith.constant 124 : i32
    %ge3A_43 = vector.broadcast %ge3A_42 : i32 to vector<16xi32>
    %ge3A_44 = arith.cmpi sge, %add3A_8, %ge3A_43 : vector<16xi32>
    %select_n3A_45 = arith.select %ge3A_44, %broadcast_in_dim3A_3, %broadcast_in_dim3A_5 : vector<16xi1>, vector<16xi32>
    %add3A_46 = arith.addi %add3A_41, %select_n3A_45 : vector<16xi32>
    %ge3A_47 = arith.constant 135 : i32
    %ge3A_48 = vector.broadcast %ge3A_47 : i32 to vector<16xi32>
    %ge3A_49 = arith.cmpi sge, %add3A_8, %ge3A_48 : vector<16xi32>
    %select_n3A_50 = arith.select %ge3A_49, %broadcast_in_dim3A_3, %broadcast_in_dim3A_5 : vector<16xi1>, vector<16xi32>
    %add3A_51 = arith.addi %add3A_46, %select_n3A_50 : vector<16xi32>
    %ge3A_52 = arith.constant 145 : i32
    %ge3A_53 = vector.broadcast %ge3A_52 : i32 to vector<16xi32>
    %ge3A_54 = arith.cmpi sge, %add3A_8, %ge3A_53 : vector<16xi32>
    %select_n3A_55 = arith.select %ge3A_54, %broadcast_in_dim3A_3, %broadcast_in_dim3A_5 : vector<16xi1>, vector<16xi32>
    %add3A_56 = arith.addi %add3A_51, %select_n3A_55 : vector<16xi32>
    %ge3A_57 = arith.constant 154 : i32
    %ge3A_58 = vector.broadcast %ge3A_57 : i32 to vector<16xi32>
    %ge3A_59 = arith.cmpi sge, %add3A_8, %ge3A_58 : vector<16xi32>
    %select_n3A_60 = arith.select %ge3A_59, %broadcast_in_dim3A_3, %broadcast_in_dim3A_5 : vector<16xi1>, vector<16xi32>
    %add3A_61 = arith.addi %add3A_56, %select_n3A_60 : vector<16xi32>
    %ge3A_62 = arith.constant 162 : i32
    %ge3A_63 = vector.broadcast %ge3A_62 : i32 to vector<16xi32>
    %ge3A_64 = arith.cmpi sge, %add3A_8, %ge3A_63 : vector<16xi32>
    %select_n3A_65 = arith.select %ge3A_64, %broadcast_in_dim3A_3, %broadcast_in_dim3A_5 : vector<16xi1>, vector<16xi32>
    %add3A_66 = arith.addi %add3A_61, %select_n3A_65 : vector<16xi32>
    %ge3A_67 = arith.constant 169 : i32
    %ge3A_68 = vector.broadcast %ge3A_67 : i32 to vector<16xi32>
    %ge3A_69 = arith.cmpi sge, %add3A_8, %ge3A_68 : vector<16xi32>
    %select_n3A_70 = arith.select %ge3A_69, %broadcast_in_dim3A_3, %broadcast_in_dim3A_5 : vector<16xi1>, vector<16xi32>
    %add3A_71 = arith.addi %add3A_66, %select_n3A_70 : vector<16xi32>
    %ge3A_72 = arith.constant 175 : i32
    %ge3A_73 = vector.broadcast %ge3A_72 : i32 to vector<16xi32>
    %ge3A_74 = arith.cmpi sge, %add3A_8, %ge3A_73 : vector<16xi32>
    %select_n3A_75 = arith.select %ge3A_74, %broadcast_in_dim3A_3, %broadcast_in_dim3A_5 : vector<16xi1>, vector<16xi32>
    %add3A_76 = arith.addi %add3A_71, %select_n3A_75 : vector<16xi32>
    %ge3A_77 = arith.constant 180 : i32
    %ge3A_78 = vector.broadcast %ge3A_77 : i32 to vector<16xi32>
    %ge3A_79 = arith.cmpi sge, %add3A_8, %ge3A_78 : vector<16xi32>
    %select_n3A_80 = arith.select %ge3A_79, %broadcast_in_dim3A_3, %broadcast_in_dim3A_5 : vector<16xi1>, vector<16xi32>
    %add3A_81 = arith.addi %add3A_76, %select_n3A_80 : vector<16xi32>
    %ge3A_82 = arith.constant 184 : i32
    %ge3A_83 = vector.broadcast %ge3A_82 : i32 to vector<16xi32>
    %ge3A_84 = arith.cmpi sge, %add3A_8, %ge3A_83 : vector<16xi32>
    %select_n3A_85 = arith.select %ge3A_84, %broadcast_in_dim3A_3, %broadcast_in_dim3A_5 : vector<16xi1>, vector<16xi32>
    %add3A_86 = arith.addi %add3A_81, %select_n3A_85 : vector<16xi32>
    %ge3A_87 = arith.constant 187 : i32
    %ge3A_88 = vector.broadcast %ge3A_87 : i32 to vector<16xi32>
    %ge3A_89 = arith.cmpi sge, %add3A_8, %ge3A_88 : vector<16xi32>
    %select_n3A_90 = arith.select %ge3A_89, %broadcast_in_dim3A_3, %broadcast_in_dim3A_5 : vector<16xi1>, vector<16xi32>
    %add3A_91 = arith.addi %add3A_86, %select_n3A_90 : vector<16xi32>
    %ge3A_92 = arith.constant 189 : i32
    %ge3A_93 = vector.broadcast %ge3A_92 : i32 to vector<16xi32>
    %ge3A_94 = arith.cmpi sge, %add3A_8, %ge3A_93 : vector<16xi32>
    %select_n3A_95 = arith.select %ge3A_94, %broadcast_in_dim3A_3, %broadcast_in_dim3A_5 : vector<16xi1>, vector<16xi32>
    %add3A_96 = arith.addi %add3A_91, %select_n3A_95 : vector<16xi32>
    %ge3A_97 = arith.constant 190 : i32
    %ge3A_98 = vector.broadcast %ge3A_97 : i32 to vector<16xi32>
    %ge3A_99 = arith.cmpi sge, %add3A_8, %ge3A_98 : vector<16xi32>
    %select_n3A_100 = arith.select %ge3A_99, %broadcast_in_dim3A_3, %broadcast_in_dim3A_5 : vector<16xi1>, vector<16xi32>
    %add3A_101 = arith.addi %add3A_96, %select_n3A_100 : vector<16xi32>
    %mul3A_102 = arith.constant 20 : i32
    %mul3A_103 = vector.broadcast %mul3A_102 : i32 to vector<16xi32>
    %mul3A_104 = arith.muli %add3A_101, %mul3A_103 : vector<16xi32>
    %add3A_105 = arith.constant 1 : i32
    %add3A_106 = vector.broadcast %add3A_105 : i32 to vector<16xi32>
    %add3A_107 = arith.addi %add3A_101, %add3A_106 : vector<16xi32>
    %mul3A_108 = arith.muli %add3A_101, %add3A_107 : vector<16xi32>
    %jit3A = arith.constant 2 : i32
    %div3A = vector.broadcast %jit3A : i32 to vector<16xi32>
    %div3A_109 = arith.divsi %mul3A_108, %div3A : vector<16xi32>
    %sign3A = arith.constant 0 : i32
    %sign3A_110 = vector.broadcast %sign3A : i32 to vector<16xi32>
    %sign3A_111 = arith.cmpi sgt, %mul3A_108, %sign3A_110 : vector<16xi32>
    %sign3A_112 = arith.extui %sign3A_111 : vector<16xi1> to vector<16xi32>
    %sign3A_113 = arith.constant 0 : i32
    %sign3A_114 = vector.broadcast %sign3A_113 : i32 to vector<16xi32>
    %sign3A_115 = arith.cmpi slt, %mul3A_108, %sign3A_114 : vector<16xi32>
    %sign3A_116 = arith.extui %sign3A_115 : vector<16xi1> to vector<16xi32>
    %sign3A_117 = arith.subi %sign3A_112, %sign3A_116 : vector<16xi32>
    %sign3A_118 = arith.constant 0 : i32
    %sign3A_119 = arith.cmpi sgt, %jit3A, %sign3A_118 : i32
    %sign3A_120 = arith.extui %sign3A_119 : i1 to i32
    %sign3A_121 = arith.constant 0 : i32
    %sign3A_122 = arith.cmpi slt, %jit3A, %sign3A_121 : i32
    %sign3A_123 = arith.extui %sign3A_122 : i1 to i32
    %sign3A_124 = arith.subi %sign3A_120, %sign3A_123 : i32
    %ne3A = vector.broadcast %sign3A_124 : i32 to vector<16xi32>
    %ne3A_125 = arith.cmpi ne, %sign3A_117, %ne3A : vector<16xi32>
    %rem3A = vector.broadcast %jit3A : i32 to vector<16xi32>
    %rem3A_126 = arith.remsi %mul3A_108, %rem3A : vector<16xi32>
    %ne3A_127 = arith.constant 0 : i32
    %ne3A_128 = vector.broadcast %ne3A_127 : i32 to vector<16xi32>
    %ne3A_129 = arith.cmpi ne, %rem3A_126, %ne3A_128 : vector<16xi32>
    %and3A = arith.andi %ne3A_125, %ne3A_129 : vector<16xi1>
    %sub3A = arith.constant 1 : i32
    %sub3A_130 = vector.broadcast %sub3A : i32 to vector<16xi32>
    %sub3A_131 = arith.subi %div3A_109, %sub3A_130 : vector<16xi32>
    %select_n3A_132 = arith.select %and3A, %sub3A_131, %div3A_109 : vector<16xi1>, vector<16xi32>
    %sub3A_133 = arith.subi %mul3A_104, %select_n3A_132 : vector<16xi32>
    %sub3A_134 = arith.subi %add3A_8, %sub3A_133 : vector<16xi32>
    %add3A_135 = arith.addi %sub3A_134, %add3A_101 : vector<16xi32>
    %add3A_136 = arith.constant 1 : i32
    %add3A_137 = vector.broadcast %add3A_136 : i32 to vector<16xi32>
    %add3A_138 = arith.addi %add3A_135, %add3A_137 : vector<16xi32>
    %min3A = arith.constant 19 : i32
    %min3A_139 = vector.broadcast %min3A : i32 to vector<16xi32>
    %min3A_140 = arith.minsi %add3A_138, %min3A_139 : vector<16xi32>
    %swap3A = arith.constant 0 : index
    %swap3A_141 = tpu.vector_load %arg6[%swap3A] {strides = array<i32>} : memref<192xi32, #tpu.memory_space<vmem>>, vector<16xi32>,
    tpu.vector_store %arg6[%swap3A], %add3A_101 {strides = array<i32>} : memref<192xi32, #tpu.memory_space<vmem>>, vector<16xi32>,
    %swap3A_142 = arith.constant 0 : index
    %swap3A_143 = tpu.vector_load %arg7[%swap3A_142] {strides = array<i32>} : memref<192xi32, #tpu.memory_space<vmem>>, vector<16xi32>,
    tpu.vector_store %arg7[%swap3A_142], %min3A_140 {strides = array<i32>} : memref<192xi32, #tpu.memory_space<vmem>>, vector<16xi32>,
    %add3A_144 = arith.constant 16 : i32
    %add3A_145 = vector.broadcast %add3A_144 : i32 to vector<16xi32>
    %add3A_146 = arith.addi %iota3A, %add3A_145 : vector<16xi32>
    %ge3A_147 = arith.constant 19 : i32
    %ge3A_148 = vector.broadcast %ge3A_147 : i32 to vector<16xi32>
    %ge3A_149 = arith.cmpi sge, %add3A_146, %ge3A_148 : vector<16xi32>
    %select_n3A_150 = arith.select %ge3A_149, %broadcast_in_dim3A_3, %broadcast_in_dim3A_5 : vector<16xi1>, vector<16xi32>
    %add3A_151 = arith.addi %broadcast_in_dim3A_5, %select_n3A_150 : vector<16xi32>
    %ge3A_152 = arith.constant 37 : i32
    %ge3A_153 = vector.broadcast %ge3A_152 : i32 to vector<16xi32>
    %ge3A_154 = arith.cmpi sge, %add3A_146, %ge3A_153 : vector<16xi32>
    %select_n3A_155 = arith.select %ge3A_154, %broadcast_in_dim3A_3, %broadcast_in_dim3A_5 : vector<16xi1>, vector<16xi32>
    %add3A_156 = arith.addi %add3A_151, %select_n3A_155 : vector<16xi32>
    %ge3A_157 = arith.constant 54 : i32
    %ge3A_158 = vector.broadcast %ge3A_157 : i32 to vector<16xi32>
    %ge3A_159 = arith.cmpi sge, %add3A_146, %ge3A_158 : vector<16xi32>
    %select_n3A_160 = arith.select %ge3A_159, %broadcast_in_dim3A_3, %broadcast_in_dim3A_5 : vector<16xi1>, vector<16xi32>
    %add3A_161 = arith.addi %add3A_156, %select_n3A_160 : vector<16xi32>
    %ge3A_162 = arith.constant 70 : i32
    %ge3A_163 = vector.broadcast %ge3A_162 : i32 to vector<16xi32>
    %ge3A_164 = arith.cmpi sge, %add3A_146, %ge3A_163 : vector<16xi32>
    %select_n3A_165 = arith.select %ge3A_164, %broadcast_in_dim3A_3, %broadcast_in_dim3A_5 : vector<16xi1>, vector<16xi32>
    %add3A_166 = arith.addi %add3A_161, %select_n3A_165 : vector<16xi32>
    %ge3A_167 = arith.constant 85 : i32
    %ge3A_168 = vector.broadcast %ge3A_167 : i32 to vector<16xi32>
    %ge3A_169 = arith.cmpi sge, %add3A_146, %ge3A_168 : vector<16xi32>
    %select_n3A_170 = arith.select %ge3A_169, %broadcast_in_dim3A_3, %broadcast_in_dim3A_5 : vector<16xi1>, vector<16xi32>
    %add3A_171 = arith.addi %add3A_166, %select_n3A_170 : vector<16xi32>
    %ge3A_172 = arith.constant 99 : i32
    %ge3A_173 = vector.broadcast %ge3A_172 : i32 to vector<16xi32>
    %ge3A_174 = arith.cmpi sge, %add3A_146, %ge3A_173 : vector<16xi32>
    %select_n3A_175 = arith.select %ge3A_174, %broadcast_in_dim3A_3, %broadcast_in_dim3A_5 : vector<16xi1>, vector<16xi32>
    %add3A_176 = arith.addi %add3A_171, %select_n3A_175 : vector<16xi32>
    %ge3A_177 = arith.constant 112 : i32
    %ge3A_178 = vector.broadcast %ge3A_177 : i32 to vector<16xi32>
    %ge3A_179 = arith.cmpi sge, %add3A_146, %ge3A_178 : vector<16xi32>
    %select_n3A_180 = arith.select %ge3A_179, %broadcast_in_dim3A_3, %broadcast_in_dim3A_5 : vector<16xi1>, vector<16xi32>
    %add3A_181 = arith.addi %add3A_176, %select_n3A_180 : vector<16xi32>
    %ge3A_182 = arith.constant 124 : i32
    %ge3A_183 = vector.broadcast %ge3A_182 : i32 to vector<16xi32>
    %ge3A_184 = arith.cmpi sge, %add3A_146, %ge3A_183 : vector<16xi32>
    %select_n3A_185 = arith.select %ge3A_184, %broadcast_in_dim3A_3, %broadcast_in_dim3A_5 : vector<16xi1>, vector<16xi32>
    %add3A_186 = arith.addi %add3A_181, %select_n3A_185 : vector<16xi32>
    %ge3A_187 = arith.constant 135 : i32
    %ge3A_188 = vector.broadcast %ge3A_187 : i32 to vector<16xi32>
    %ge3A_189 = arith.cmpi sge, %add3A_146, %ge3A_188 : vector<16xi32>
    %select_n3A_190 = arith.select %ge3A_189, %broadcast_in_dim3A_3, %broadcast_in_dim3A_5 : vector<16xi1>, vector<16xi32>
    %add3A_191 = arith.addi %add3A_186, %select_n3A_190 : vector<16xi32>
    %ge3A_192 = arith.constant 145 : i32
    %ge3A_193 = vector.broadcast %ge3A_192 : i32 to vector<16xi32>
    %ge3A_194 = arith.cmpi sge, %add3A_146, %ge3A_193 : vector<16xi32>
    %select_n3A_195 = arith.select %ge3A_194, %broadcast_in_dim3A_3, %broadcast_in_dim3A_5 : vector<16xi1>, vector<16xi32>
    %add3A_196 = arith.addi %add3A_191, %select_n3A_195 : vector<16xi32>
    %ge3A_197 = arith.constant 154 : i32
    %ge3A_198 = vector.broadcast %ge3A_197 : i32 to vector<16xi32>
    %ge3A_199 = arith.cmpi sge, %add3A_146, %ge3A_198 : vector<16xi32>
    %select_n3A_200 = arith.select %ge3A_199, %broadcast_in_dim3A_3, %broadcast_in_dim3A_5 : vector<16xi1>, vector<16xi32>
    %add3A_201 = arith.addi %add3A_196, %select_n3A_200 : vector<16xi32>
    %ge3A_202 = arith.constant 162 : i32
    %ge3A_203 = vector.broadcast %ge3A_202 : i32 to vector<16xi32>
    %ge3A_204 = arith.cmpi sge, %add3A_146, %ge3A_203 : vector<16xi32>
    %select_n3A_205 = arith.select %ge3A_204, %broadcast_in_dim3A_3, %broadcast_in_dim3A_5 : vector<16xi1>, vector<16xi32>
    %add3A_206 = arith.addi %add3A_201, %select_n3A_205 : vector<16xi32>
    %ge3A_207 = arith.constant 169 : i32
    %ge3A_208 = vector.broadcast %ge3A_207 : i32 to vector<16xi32>
    %ge3A_209 = arith.cmpi sge, %add3A_146, %ge3A_208 : vector<16xi32>
    %select_n3A_210 = arith.select %ge3A_209, %broadcast_in_dim3A_3, %broadcast_in_dim3A_5 : vector<16xi1>, vector<16xi32>
    %add3A_211 = arith.addi %add3A_206, %select_n3A_210 : vector<16xi32>
    %ge3A_212 = arith.constant 175 : i32
    %ge3A_213 = vector.broadcast %ge3A_212 : i32 to vector<16xi32>
    %ge3A_214 = arith.cmpi sge, %add3A_146, %ge3A_213 : vector<16xi32>
    %select_n3A_215 = arith.select %ge3A_214, %broadcast_in_dim3A_3, %broadcast_in_dim3A_5 : vector<16xi1>, vector<16xi32>
    %add3A_216 = arith.addi %add3A_211, %select_n3A_215 : vector<16xi32>
    %ge3A_217 = arith.constant 180 : i32
    %ge3A_218 = vector.broadcast %ge3A_217 : i32 to vector<16xi32>
    %ge3A_219 = arith.cmpi sge, %add3A_146, %ge3A_218 : vector<16xi32>
    %select_n3A_220 = arith.select %ge3A_219, %broadcast_in_dim3A_3, %broadcast_in_dim3A_5 : vector<16xi1>, vector<16xi32>
    %add3A_221 = arith.addi %add3A_216, %select_n3A_220 : vector<16xi32>
    %ge3A_222 = arith.constant 184 : i32
    %ge3A_223 = vector.broadcast %ge3A_222 : i32 to vector<16xi32>
    %ge3A_224 = arith.cmpi sge, %add3A_146, %ge3A_223 : vector<16xi32>
    %select_n3A_225 = arith.select %ge3A_224, %broadcast_in_dim3A_3, %broadcast_in_dim3A_5 : vector<16xi1>, vector<16xi32>
    %add3A_226 = arith.addi %add3A_221, %select_n3A_225 : vector<16xi32>
    %ge3A_227 = arith.constant 187 : i32
    %ge3A_228 = vector.broadcast %ge3A_227 : i32 to vector<16xi32>
    %ge3A_229 = arith.cmpi sge, %add3A_146, %ge3A_228 : vector<16xi32>
    %select_n3A_230 = arith.select %ge3A_229, %broadcast_in_dim3A_3, %broadcast_in_dim3A_5 : vector<16xi1>, vector<16xi32>
    %add3A_231 = arith.addi %add3A_226, %select_n3A_230 : vector<16xi32>
    %ge3A_232 = arith.constant 189 : i32
    %ge3A_233 = vector.broadcast %ge3A_232 : i32 to vector<16xi32>
    %ge3A_234 = arith.cmpi sge, %add3A_146, %ge3A_233 : vector<16xi32>
    %select_n3A_235 = arith.select %ge3A_234, %broadcast_in_dim3A_3, %broadcast_in_dim3A_5 : vector<16xi1>, vector<16xi32>
    %add3A_236 = arith.addi %add3A_231, %select_n3A_235 : vector<16xi32>
    %ge3A_237 = arith.constant 190 : i32
    %ge3A_238 = vector.broadcast %ge3A_237 : i32 to vector<16xi32>
    %ge3A_239 = arith.cmpi sge, %add3A_146, %ge3A_238 : vector<16xi32>
    %select_n3A_240 = arith.select %ge3A_239, %broadcast_in_dim3A_3, %broadcast_in_dim3A_5 : vector<16xi1>, vector<16xi32>
    %add3A_241 = arith.addi %add3A_236, %select_n3A_240 : vector<16xi32>
    %mul3A_242 = arith.constant 20 : i32
    %mul3A_243 = vector.broadcast %mul3A_242 : i32 to vector<16xi32>
    %mul3A_244 = arith.muli %add3A_241, %mul3A_243 : vector<16xi32>
    %add3A_245 = arith.constant 1 : i32
    %add3A_246 = vector.broadcast %add3A_245 : i32 to vector<16xi32>
    %add3A_247 = arith.addi %add3A_241, %add3A_246 : vector<16xi32>
    %mul3A_248 = arith.muli %add3A_241, %add3A_247 : vector<16xi32>
    %jit3A_249 = arith.constant 2 : i32
    %div3A_250 = vector.broadcast %jit3A_249 : i32 to vector<16xi32>
    %div3A_251 = arith.divsi %mul3A_248, %div3A_250 : vector<16xi32>
    %sign3A_252 = arith.constant 0 : i32
    %sign3A_253 = vector.broadcast %sign3A_252 : i32 to vector<16xi32>
    %sign3A_254 = arith.cmpi sgt, %mul3A_248, %sign3A_253 : vector<16xi32>
    %sign3A_255 = arith.extui %sign3A_254 : vector<16xi1> to vector<16xi32>
    %sign3A_256 = arith.constant 0 : i32
    %sign3A_257 = vector.broadcast %sign3A_256 : i32 to vector<16xi32>
    %sign3A_258 = arith.cmpi slt, %mul3A_248, %sign3A_257 : vector<16xi32>
    %sign3A_259 = arith.extui %sign3A_258 : vector<16xi1> to vector<16xi32>
    %sign3A_260 = arith.subi %sign3A_255, %sign3A_259 : vector<16xi32>
    %sign3A_261 = arith.constant 0 : i32
    %sign3A_262 = arith.cmpi sgt, %jit3A_249, %sign3A_261 : i32
    %sign3A_263 = arith.extui %sign3A_262 : i1 to i32
    %sign3A_264 = arith.constant 0 : i32
    %sign3A_265 = arith.cmpi slt, %jit3A_249, %sign3A_264 : i32
    %sign3A_266 = arith.extui %sign3A_265 : i1 to i32
    %sign3A_267 = arith.subi %sign3A_263, %sign3A_266 : i32
    %ne3A_268 = vector.broadcast %sign3A_267 : i32 to vector<16xi32>
    %ne3A_269 = arith.cmpi ne, %sign3A_260, %ne3A_268 : vector<16xi32>
    %rem3A_270 = vector.broadcast %jit3A_249 : i32 to vector<16xi32>
    %rem3A_271 = arith.remsi %mul3A_248, %rem3A_270 : vector<16xi32>
    %ne3A_272 = arith.constant 0 : i32
    %ne3A_273 = vector.broadcast %ne3A_272 : i32 to vector<16xi32>
    %ne3A_274 = arith.cmpi ne, %rem3A_271, %ne3A_273 : vector<16xi32>
    %and3A_275 = arith.andi %ne3A_269, %ne3A_274 : vector<16xi1>
    %sub3A_276 = arith.constant 1 : i32
    %sub3A_277 = vector.broadcast %sub3A_276 : i32 to vector<16xi32>
    %sub3A_278 = arith.subi %div3A_251, %sub3A_277 : vector<16xi32>
    %select_n3A_279 = arith.select %and3A_275, %sub3A_278, %div3A_251 : vector<16xi1>, vector<16xi32>
    %sub3A_280 = arith.subi %mul3A_244, %select_n3A_279 : vector<16xi32>
    %sub3A_281 = arith.subi %add3A_146, %sub3A_280 : vector<16xi32>
    %add3A_282 = arith.addi %sub3A_281, %add3A_241 : vector<16xi32>
    %add3A_283 = arith.constant 1 : i32
    %add3A_284 = vector.broadcast %add3A_283 : i32 to vector<16xi32>
    %add3A_285 = arith.addi %add3A_282, %add3A_284 : vector<16xi32>
    %min3A_286 = arith.constant 19 : i32
    %min3A_287 = vector.broadcast %min3A_286 : i32 to vector<16xi32>
    %min3A_288 = arith.minsi %add3A_285, %min3A_287 : vector<16xi32>
    %swap3A_289 = arith.constant 16 : index
    %swap3A_290 = tpu.vector_load %arg6[%swap3A_289] {strides = array<i32>} : memref<192xi32, #tpu.memory_space<vmem>>, vector<16xi32>,
    tpu.vector_store %arg6[%swap3A_289], %add3A_241 {strides = array<i32>} : memref<192xi32, #tpu.memory_space<vmem>>, vector<16xi32>,
    %swap3A_291 = arith.constant 16 : index
    %swap3A_292 = tpu.vector_load %arg7[%swap3A_291] {strides = array<i32>} : memref<192xi32, #tpu.memory_space<vmem>>, vector<16xi32>,
    tpu.vector_store %arg7[%swap3A_291], %min3A_288 {strides = array<i32>} : memref<192xi32, #tpu.memory_space<vmem>>, vector<16xi32>,
    %add3A_293 = arith.constant 32 : i32
    %add3A_294 = vector.broadcast %add3A_293 : i32 to vector<16xi32>
    %add3A_295 = arith.addi %iota3A, %add3A_294 : vector<16xi32>
    %ge3A_296 = arith.constant 19 : i32
    %ge3A_297 = vector.broadcast %ge3A_296 : i32 to vector<16xi32>
    %ge3A_298 = arith.cmpi sge, %add3A_295, %ge3A_297 : vector<16xi32>
    %select_n3A_299 = arith.select %ge3A_298, %broadcast_in_dim3A_3, %broadcast_in_dim3A_5 : vector<16xi1>, vector<16xi32>
    %add3A_300 = arith.addi %broadcast_in_dim3A_5, %select_n3A_299 : vector<16xi32>
    %ge3A_301 = arith.constant 37 : i32
    %ge3A_302 = vector.broadcast %ge3A_301 : i32 to vector<16xi32>
    %ge3A_303 = arith.cmpi sge, %add3A_295, %ge3A_302 : vector<16xi32>
    %select_n3A_304 = arith.select %ge3A_303, %broadcast_in_dim3A_3, %broadcast_in_dim3A_5 : vector<16xi1>, vector<16xi32>
    %add3A_305 = arith.addi %add3A_300, %select_n3A_304 : vector<16xi32>
    %ge3A_306 = arith.constant 54 : i32
    %ge3A_307 = vector.broadcast %ge3A_306 : i32 to vector<16xi32>
    %ge3A_308 = arith.cmpi sge, %add3A_295, %ge3A_307 : vector<16xi32>
    %select_n3A_309 = arith.select %ge3A_308, %broadcast_in_dim3A_3, %broadcast_in_dim3A_5 : vector<16xi1>, vector<16xi32>
    %add3A_310 = arith.addi %add3A_305, %select_n3A_309 : vector<16xi32>
    %ge3A_311 = arith.constant 70 : i32
    %ge3A_312 = vector.broadcast %ge3A_311 : i32 to vector<16xi32>
    %ge3A_313 = arith.cmpi sge, %add3A_295, %ge3A_312 : vector<16xi32>
    %select_n3A_314 = arith.select %ge3A_313, %broadcast_in_dim3A_3, %broadcast_in_dim3A_5 : vector<16xi1>, vector<16xi32>
    %add3A_315 = arith.addi %add3A_310, %select_n3A_314 : vector<16xi32>
    %ge3A_316 = arith.constant 85 : i32
    %ge3A_317 = vector.broadcast %ge3A_316 : i32 to vector<16xi32>
    %ge3A_318 = arith.cmpi sge, %add3A_295, %ge3A_317 : vector<16xi32>
    %select_n3A_319 = arith.select %ge3A_318, %broadcast_in_dim3A_3, %broadcast_in_dim3A_5 : vector<16xi1>, vector<16xi32>
    %add3A_320 = arith.addi %add3A_315, %select_n3A_319 : vector<16xi32>
    %ge3A_321 = arith.constant 99 : i32
    %ge3A_322 = vector.broadcast %ge3A_321 : i32 to vector<16xi32>
    %ge3A_323 = arith.cmpi sge, %add3A_295, %ge3A_322 : vector<16xi32>
    %select_n3A_324 = arith.select %ge3A_323, %broadcast_in_dim3A_3, %broadcast_in_dim3A_5 : vector<16xi1>, vector<16xi32>
    %add3A_325 = arith.addi %add3A_320, %select_n3A_324 : vector<16xi32>
    %ge3A_326 = arith.constant 112 : i32
    %ge3A_327 = vector.broadcast %ge3A_326 : i32 to vector<16xi32>
    %ge3A_328 = arith.cmpi sge, %add3A_295, %ge3A_327 : vector<16xi32>
    %select_n3A_329 = arith.select %ge3A_328, %broadcast_in_dim3A_3, %broadcast_in_dim3A_5 : vector<16xi1>, vector<16xi32>
    %add3A_330 = arith.addi %add3A_325, %select_n3A_329 : vector<16xi32>
    %ge3A_331 = arith.constant 124 : i32
    %ge3A_332 = vector.broadcast %ge3A_331 : i32 to vector<16xi32>
    %ge3A_333 = arith.cmpi sge, %add3A_295, %ge3A_332 : vector<16xi32>
    %select_n3A_334 = arith.select %ge3A_333, %broadcast_in_dim3A_3, %broadcast_in_dim3A_5 : vector<16xi1>, vector<16xi32>
    %add3A_335 = arith.addi %add3A_330, %select_n3A_334 : vector<16xi32>
    %ge3A_336 = arith.constant 135 : i32
    %ge3A_337 = vector.broadcast %ge3A_336 : i32 to vector<16xi32>
    %ge3A_338 = arith.cmpi sge, %add3A_295, %ge3A_337 : vector<16xi32>
    %select_n3A_339 = arith.select %ge3A_338, %broadcast_in_dim3A_3, %broadcast_in_dim3A_5 : vector<16xi1>, vector<16xi32>
    %add3A_340 = arith.addi %add3A_335, %select_n3A_339 : vector<16xi32>
    %ge3A_341 = arith.constant 145 : i32
    %ge3A_342 = vector.broadcast %ge3A_341 : i32 to vector<16xi32>
    %ge3A_343 = arith.cmpi sge, %add3A_295, %ge3A_342 : vector<16xi32>
    %select_n3A_344 = arith.select %ge3A_343, %broadcast_in_dim3A_3, %broadcast_in_dim3A_5 : vector<16xi1>, vector<16xi32>
    %add3A_345 = arith.addi %add3A_340, %select_n3A_344 : vector<16xi32>
    %ge3A_346 = arith.constant 154 : i32
    %ge3A_347 = vector.broadcast %ge3A_346 : i32 to vector<16xi32>
    %ge3A_348 = arith.cmpi sge, %add3A_295, %ge3A_347 : vector<16xi32>
    %select_n3A_349 = arith.select %ge3A_348, %broadcast_in_dim3A_3, %broadcast_in_dim3A_5 : vector<16xi1>, vector<16xi32>
    %add3A_350 = arith.addi %add3A_345, %select_n3A_349 : vector<16xi32>
    %ge3A_351 = arith.constant 162 : i32
    %ge3A_352 = vector.broadcast %ge3A_351 : i32 to vector<16xi32>
    %ge3A_353 = arith.cmpi sge, %add3A_295, %ge3A_352 : vector<16xi32>
    %select_n3A_354 = arith.select %ge3A_353, %broadcast_in_dim3A_3, %broadcast_in_dim3A_5 : vector<16xi1>, vector<16xi32>
    %add3A_355 = arith.addi %add3A_350, %select_n3A_354 : vector<16xi32>
    %ge3A_356 = arith.constant 169 : i32
    %ge3A_357 = vector.broadcast %ge3A_356 : i32 to vector<16xi32>
    %ge3A_358 = arith.cmpi sge, %add3A_295, %ge3A_357 : vector<16xi32>
    %select_n3A_359 = arith.select %ge3A_358, %broadcast_in_dim3A_3, %broadcast_in_dim3A_5 : vector<16xi1>, vector<16xi32>
    %add3A_360 = arith.addi %add3A_355, %select_n3A_359 : vector<16xi32>
    %ge3A_361 = arith.constant 175 : i32
    %ge3A_362 = vector.broadcast %ge3A_361 : i32 to vector<16xi32>
    %ge3A_363 = arith.cmpi sge, %add3A_295, %ge3A_362 : vector<16xi32>
    %select_n3A_364 = arith.select %ge3A_363, %broadcast_in_dim3A_3, %broadcast_in_dim3A_5 : vector<16xi1>, vector<16xi32>
    %add3A_365 = arith.addi %add3A_360, %select_n3A_364 : vector<16xi32>
    %ge3A_366 = arith.constant 180 : i32
    %ge3A_367 = vector.broadcast %ge3A_366 : i32 to vector<16xi32>
    %ge3A_368 = arith.cmpi sge, %add3A_295, %ge3A_367 : vector<16xi32>
    %select_n3A_369 = arith.select %ge3A_368, %broadcast_in_dim3A_3, %broadcast_in_dim3A_5 : vector<16xi1>, vector<16xi32>
    %add3A_370 = arith.addi %add3A_365, %select_n3A_369 : vector<16xi32>
    %ge3A_371 = arith.constant 184 : i32
    %ge3A_372 = vector.broadcast %ge3A_371 : i32 to vector<16xi32>
    %ge3A_373 = arith.cmpi sge, %add3A_295, %ge3A_372 : vector<16xi32>
    %select_n3A_374 = arith.select %ge3A_373, %broadcast_in_dim3A_3, %broadcast_in_dim3A_5 : vector<16xi1>, vector<16xi32>
    %add3A_375 = arith.addi %add3A_370, %select_n3A_374 : vector<16xi32>
    %ge3A_376 = arith.constant 187 : i32
    %ge3A_377 = vector.broadcast %ge3A_376 : i32 to vector<16xi32>
    %ge3A_378 = arith.cmpi sge, %add3A_295, %ge3A_377 : vector<16xi32>
    %select_n3A_379 = arith.select %ge3A_378, %broadcast_in_dim3A_3, %broadcast_in_dim3A_5 : vector<16xi1>, vector<16xi32>
    %add3A_380 = arith.addi %add3A_375, %select_n3A_379 : vector<16xi32>
    %ge3A_381 = arith.constant 189 : i32
    %ge3A_382 = vector.broadcast %ge3A_381 : i32 to vector<16xi32>
    %ge3A_383 = arith.cmpi sge, %add3A_295, %ge3A_382 : vector<16xi32>
    %select_n3A_384 = arith.select %ge3A_383, %broadcast_in_dim3A_3, %broadcast_in_dim3A_5 : vector<16xi1>, vector<16xi32>
    %add3A_385 = arith.addi %add3A_380, %select_n3A_384 : vector<16xi32>
    %ge3A_386 = arith.constant 190 : i32
    %ge3A_387 = vector.broadcast %ge3A_386 : i32 to vector<16xi32>
    %ge3A_388 = arith.cmpi sge, %add3A_295, %ge3A_387 : vector<16xi32>
    %select_n3A_389 = arith.select %ge3A_388, %broadcast_in_dim3A_3, %broadcast_in_dim3A_5 : vector<16xi1>, vector<16xi32>
    %add3A_390 = arith.addi %add3A_385, %select_n3A_389 : vector<16xi32>
    %mul3A_391 = arith.constant 20 : i32
    %mul3A_392 = vector.broadcast %mul3A_391 : i32 to vector<16xi32>
    %mul3A_393 = arith.muli %add3A_390, %mul3A_392 : vector<16xi32>
    %add3A_394 = arith.constant 1 : i32
    %add3A_395 = vector.broadcast %add3A_394 : i32 to vector<16xi32>
    %add3A_396 = arith.addi %add3A_390, %add3A_395 : vector<16xi32>
    %mul3A_397 = arith.muli %add3A_390, %add3A_396 : vector<16xi32>
    %jit3A_398 = arith.constant 2 : i32
    %div3A_399 = vector.broadcast %jit3A_398 : i32 to vector<16xi32>
    %div3A_400 = arith.divsi %mul3A_397, %div3A_399 : vector<16xi32>
    %sign3A_401 = arith.constant 0 : i32
    %sign3A_402 = vector.broadcast %sign3A_401 : i32 to vector<16xi32>
    %sign3A_403 = arith.cmpi sgt, %mul3A_397, %sign3A_402 : vector<16xi32>
    %sign3A_404 = arith.extui %sign3A_403 : vector<16xi1> to vector<16xi32>
    %sign3A_405 = arith.constant 0 : i32
    %sign3A_406 = vector.broadcast %sign3A_405 : i32 to vector<16xi32>
    %sign3A_407 = arith.cmpi slt, %mul3A_397, %sign3A_406 : vector<16xi32>
    %sign3A_408 = arith.extui %sign3A_407 : vector<16xi1> to vector<16xi32>
    %sign3A_409 = arith.subi %sign3A_404, %sign3A_408 : vector<16xi32>
    %sign3A_410 = arith.constant 0 : i32
    %sign3A_411 = arith.cmpi sgt, %jit3A_398, %sign3A_410 : i32
    %sign3A_412 = arith.extui %sign3A_411 : i1 to i32
    %sign3A_413 = arith.constant 0 : i32
    %sign3A_414 = arith.cmpi slt, %jit3A_398, %sign3A_413 : i32
    %sign3A_415 = arith.extui %sign3A_414 : i1 to i32
    %sign3A_416 = arith.subi %sign3A_412, %sign3A_415 : i32
    %ne3A_417 = vector.broadcast %sign3A_416 : i32 to vector<16xi32>
    %ne3A_418 = arith.cmpi ne, %sign3A_409, %ne3A_417 : vector<16xi32>
    %rem3A_419 = vector.broadcast %jit3A_398 : i32 to vector<16xi32>
    %rem3A_420 = arith.remsi %mul3A_397, %rem3A_419 : vector<16xi32>
    %ne3A_421 = arith.constant 0 : i32
    %ne3A_422 = vector.broadcast %ne3A_421 : i32 to vector<16xi32>
    %ne3A_423 = arith.cmpi ne, %rem3A_420, %ne3A_422 : vector<16xi32>
    %and3A_424 = arith.andi %ne3A_418, %ne3A_423 : vector<16xi1>
    %sub3A_425 = arith.constant 1 : i32
    %sub3A_426 = vector.broadcast %sub3A_425 : i32 to vector<16xi32>
    %sub3A_427 = arith.subi %div3A_400, %sub3A_426 : vector<16xi32>
    %select_n3A_428 = arith.select %and3A_424, %sub3A_427, %div3A_400 : vector<16xi1>, vector<16xi32>
    %sub3A_429 = arith.subi %mul3A_393, %select_n3A_428 : vector<16xi32>
    %sub3A_430 = arith.subi %add3A_295, %sub3A_429 : vector<16xi32>
    %add3A_431 = arith.addi %sub3A_430, %add3A_390 : vector<16xi32>
    %add3A_432 = arith.constant 1 : i32
    %add3A_433 = vector.broadcast %add3A_432 : i32 to vector<16xi32>
    %add3A_434 = arith.addi %add3A_431, %add3A_433 : vector<16xi32>
    %min3A_435 = arith.constant 19 : i32
    %min3A_436 = vector.broadcast %min3A_435 : i32 to vector<16xi32>
    %min3A_437 = arith.minsi %add3A_434, %min3A_436 : vector<16xi32>
    %swap3A_438 = arith.constant 32 : index
    %swap3A_439 = tpu.vector_load %arg6[%swap3A_438] {strides = array<i32>} : memref<192xi32, #tpu.memory_space<vmem>>, vector<16xi32>,
    tpu.vector_store %arg6[%swap3A_438], %add3A_390 {strides = array<i32>} : memref<192xi32, #tpu.memory_space<vmem>>, vector<16xi32>,
    %swap3A_440 = arith.constant 32 : index
    %swap3A_441 = tpu.vector_load %arg7[%swap3A_440] {strides = array<i32>} : memref<192xi32, #tpu.memory_space<vmem>>, vector<16xi32>,
    tpu.vector_store %arg7[%swap3A_440], %min3A_437 {strides = array<i32>} : memref<192xi32, #tpu.memory_space<vmem>>, vector<16xi32>,
    %add3A_442 = arith.constant 48 : i32
    %add3A_443 = vector.broadcast %add3A_442 : i32 to vector<16xi32>
    %add3A_444 = arith.addi %iota3A, %add3A_443 : vector<16xi32>
    %ge3A_445 = arith.constant 19 : i32
    %ge3A_446 = vector.broadcast %ge3A_445 : i32 to vector<16xi32>
    %ge3A_447 = arith.cmpi sge, %add3A_444, %ge3A_446 : vector<16xi32>
    %select_n3A_448 = arith.select %ge3A_447, %broadcast_in_dim3A_3, %broadcast_in_dim3A_5 : vector<16xi1>, vector<16xi32>
    %add3A_449 = arith.addi %broadcast_in_dim3A_5, %select_n3A_448 : vector<16xi32>
    %ge3A_450 = arith.constant 37 : i32
    %ge3A_451 = vector.broadcast %ge3A_450 : i32 to vector<16xi32>
    %ge3A_452 = arith.cmpi sge, %add3A_444, %ge3A_451 : vector<16xi32>
    %select_n3A_453 = arith.select %ge3A_452, %broadcast_in_dim3A_3, %broadcast_in_dim3A_5 : vector<16xi1>, vector<16xi32>
    %add3A_454 = arith.addi %add3A_449, %select_n3A_453 : vector<16xi32>
    %ge3A_455 = arith.constant 54 : i32
    %ge3A_456 = vector.broadcast %ge3A_455 : i32 to vector<16xi32>
    %ge3A_457 = arith.cmpi sge, %add3A_444, %ge3A_456 : vector<16xi32>
    %select_n3A_458 = arith.select %ge3A_457, %broadcast_in_dim3A_3, %broadcast_in_dim3A_5 : vector<16xi1>, vector<16xi32>
    %add3A_459 = arith.addi %add3A_454, %select_n3A_458 : vector<16xi32>
    %ge3A_460 = arith.constant 70 : i32
    %ge3A_461 = vector.broadcast %ge3A_460 : i32 to vector<16xi32>
    %ge3A_462 = arith.cmpi sge, %add3A_444, %ge3A_461 : vector<16xi32>
    %select_n3A_463 = arith.select %ge3A_462, %broadcast_in_dim3A_3, %broadcast_in_dim3A_5 : vector<16xi1>, vector<16xi32>
    %add3A_464 = arith.addi %add3A_459, %select_n3A_463 : vector<16xi32>
    %ge3A_465 = arith.constant 85 : i32
    %ge3A_466 = vector.broadcast %ge3A_465 : i32 to vector<16xi32>
    %ge3A_467 = arith.cmpi sge, %add3A_444, %ge3A_466 : vector<16xi32>
    %select_n3A_468 = arith.select %ge3A_467, %broadcast_in_dim3A_3, %broadcast_in_dim3A_5 : vector<16xi1>, vector<16xi32>
    %add3A_469 = arith.addi %add3A_464, %select_n3A_468 : vector<16xi32>
    %ge3A_470 = arith.constant 99 : i32
    %ge3A_471 = vector.broadcast %ge3A_470 : i32 to vector<16xi32>
    %ge3A_472 = arith.cmpi sge, %add3A_444, %ge3A_471 : vector<16xi32>
    %select_n3A_473 = arith.select %ge3A_472, %broadcast_in_dim3A_3, %broadcast_in_dim3A_5 : vector<16xi1>, vector<16xi32>
    %add3A_474 = arith.addi %add3A_469, %select_n3A_473 : vector<16xi32>
    %ge3A_475 = arith.constant 112 : i32
    %ge3A_476 = vector.broadcast %ge3A_475 : i32 to vector<16xi32>
    %ge3A_477 = arith.cmpi sge, %add3A_444, %ge3A_476 : vector<16xi32>
    %select_n3A_478 = arith.select %ge3A_477, %broadcast_in_dim3A_3, %broadcast_in_dim3A_5 : vector<16xi1>, vector<16xi32>
    %add3A_479 = arith.addi %add3A_474, %select_n3A_478 : vector<16xi32>
    %ge3A_480 = arith.constant 124 : i32
    %ge3A_481 = vector.broadcast %ge3A_480 : i32 to vector<16xi32>
    %ge3A_482 = arith.cmpi sge, %add3A_444, %ge3A_481 : vector<16xi32>
    %select_n3A_483 = arith.select %ge3A_482, %broadcast_in_dim3A_3, %broadcast_in_dim3A_5 : vector<16xi1>, vector<16xi32>
    %add3A_484 = arith.addi %add3A_479, %select_n3A_483 : vector<16xi32>
    %ge3A_485 = arith.constant 135 : i32
    %ge3A_486 = vector.broadcast %ge3A_485 : i32 to vector<16xi32>
    %ge3A_487 = arith.cmpi sge, %add3A_444, %ge3A_486 : vector<16xi32>
    %select_n3A_488 = arith.select %ge3A_487, %broadcast_in_dim3A_3, %broadcast_in_dim3A_5 : vector<16xi1>, vector<16xi32>
    %add3A_489 = arith.addi %add3A_484, %select_n3A_488 : vector<16xi32>
    %ge3A_490 = arith.constant 145 : i32
    %ge3A_491 = vector.broadcast %ge3A_490 : i32 to vector<16xi32>
    %ge3A_492 = arith.cmpi sge, %add3A_444, %ge3A_491 : vector<16xi32>
    %select_n3A_493 = arith.select %ge3A_492, %broadcast_in_dim3A_3, %broadcast_in_dim3A_5 : vector<16xi1>, vector<16xi32>
    %add3A_494 = arith.addi %add3A_489, %select_n3A_493 : vector<16xi32>
    %ge3A_495 = arith.constant 154 : i32
    %ge3A_496 = vector.broadcast %ge3A_495 : i32 to vector<16xi32>
    %ge3A_497 = arith.cmpi sge, %add3A_444, %ge3A_496 : vector<16xi32>
    %select_n3A_498 = arith.select %ge3A_497, %broadcast_in_dim3A_3, %broadcast_in_dim3A_5 : vector<16xi1>, vector<16xi32>
    %add3A_499 = arith.addi %add3A_494, %select_n3A_498 : vector<16xi32>
    %ge3A_500 = arith.constant 162 : i32
    %ge3A_501 = vector.broadcast %ge3A_500 : i32 to vector<16xi32>
    %ge3A_502 = arith.cmpi sge, %add3A_444, %ge3A_501 : vector<16xi32>
    %select_n3A_503 = arith.select %ge3A_502, %broadcast_in_dim3A_3, %broadcast_in_dim3A_5 : vector<16xi1>, vector<16xi32>
    %add3A_504 = arith.addi %add3A_499, %select_n3A_503 : vector<16xi32>
    %ge3A_505 = arith.constant 169 : i32
    %ge3A_506 = vector.broadcast %ge3A_505 : i32 to vector<16xi32>
    %ge3A_507 = arith.cmpi sge, %add3A_444, %ge3A_506 : vector<16xi32>
    %select_n3A_508 = arith.select %ge3A_507, %broadcast_in_dim3A_3, %broadcast_in_dim3A_5 : vector<16xi1>, vector<16xi32>
    %add3A_509 = arith.addi %add3A_504, %select_n3A_508 : vector<16xi32>
    %ge3A_510 = arith.constant 175 : i32
    %ge3A_511 = vector.broadcast %ge3A_510 : i32 to vector<16xi32>
    %ge3A_512 = arith.cmpi sge, %add3A_444, %ge3A_511 : vector<16xi32>
    %select_n3A_513 = arith.select %ge3A_512, %broadcast_in_dim3A_3, %broadcast_in_dim3A_5 : vector<16xi1>, vector<16xi32>
    %add3A_514 = arith.addi %add3A_509, %select_n3A_513 : vector<16xi32>
    %ge3A_515 = arith.constant 180 : i32
    %ge3A_516 = vector.broadcast %ge3A_515 : i32 to vector<16xi32>
    %ge3A_517 = arith.cmpi sge, %add3A_444, %ge3A_516 : vector<16xi32>
    %select_n3A_518 = arith.select %ge3A_517, %broadcast_in_dim3A_3, %broadcast_in_dim3A_5 : vector<16xi1>, vector<16xi32>
    %add3A_519 = arith.addi %add3A_514, %select_n3A_518 : vector<16xi32>
    %ge3A_520 = arith.constant 184 : i32
    %ge3A_521 = vector.broadcast %ge3A_520 : i32 to vector<16xi32>
    %ge3A_522 = arith.cmpi sge, %add3A_444, %ge3A_521 : vector<16xi32>
    %select_n3A_523 = arith.select %ge3A_522, %broadcast_in_dim3A_3, %broadcast_in_dim3A_5 : vector<16xi1>, vector<16xi32>
    %add3A_524 = arith.addi %add3A_519, %select_n3A_523 : vector<16xi32>
    %ge3A_525 = arith.constant 187 : i32
    %ge3A_526 = vector.broadcast %ge3A_525 : i32 to vector<16xi32>
    %ge3A_527 = arith.cmpi sge, %add3A_444, %ge3A_526 : vector<16xi32>
    %select_n3A_528 = arith.select %ge3A_527, %broadcast_in_dim3A_3, %broadcast_in_dim3A_5 : vector<16xi1>, vector<16xi32>
    %add3A_529 = arith.addi %add3A_524, %select_n3A_528 : vector<16xi32>
    %ge3A_530 = arith.constant 189 : i32
    %ge3A_531 = vector.broadcast %ge3A_530 : i32 to vector<16xi32>
    %ge3A_532 = arith.cmpi sge, %add3A_444, %ge3A_531 : vector<16xi32>
    %select_n3A_533 = arith.select %ge3A_532, %broadcast_in_dim3A_3, %broadcast_in_dim3A_5 : vector<16xi1>, vector<16xi32>
    %add3A_534 = arith.addi %add3A_529, %select_n3A_533 : vector<16xi32>
    %ge3A_535 = arith.constant 190 : i32
    %ge3A_536 = vector.broadcast %ge3A_535 : i32 to vector<16xi32>
    %ge3A_537 = arith.cmpi sge, %add3A_444, %ge3A_536 : vector<16xi32>
    %select_n3A_538 = arith.select %ge3A_537, %broadcast_in_dim3A_3, %broadcast_in_dim3A_5 : vector<16xi1>, vector<16xi32>
    %add3A_539 = arith.addi %add3A_534, %select_n3A_538 : vector<16xi32>
    %mul3A_540 = arith.constant 20 : i32
    %mul3A_541 = vector.broadcast %mul3A_540 : i32 to vector<16xi32>
    %mul3A_542 = arith.muli %add3A_539, %mul3A_541 : vector<16xi32>
    %add3A_543 = arith.constant 1 : i32
    %add3A_544 = vector.broadcast %add3A_543 : i32 to vector<16xi32>
    %add3A_545 = arith.addi %add3A_539, %add3A_544 : vector<16xi32>
    %mul3A_546 = arith.muli %add3A_539, %add3A_545 : vector<16xi32>
    %jit3A_547 = arith.constant 2 : i32
    %div3A_548 = vector.broadcast %jit3A_547 : i32 to vector<16xi32>
    %div3A_549 = arith.divsi %mul3A_546, %div3A_548 : vector<16xi32>
    %sign3A_550 = arith.constant 0 : i32
    %sign3A_551 = vector.broadcast %sign3A_550 : i32 to vector<16xi32>
    %sign3A_552 = arith.cmpi sgt, %mul3A_546, %sign3A_551 : vector<16xi32>
    %sign3A_553 = arith.extui %sign3A_552 : vector<16xi1> to vector<16xi32>
    %sign3A_554 = arith.constant 0 : i32
    %sign3A_555 = vector.broadcast %sign3A_554 : i32 to vector<16xi32>
    %sign3A_556 = arith.cmpi slt, %mul3A_546, %sign3A_555 : vector<16xi32>
    %sign3A_557 = arith.extui %sign3A_556 : vector<16xi1> to vector<16xi32>
    %sign3A_558 = arith.subi %sign3A_553, %sign3A_557 : vector<16xi32>
    %sign3A_559 = arith.constant 0 : i32
    %sign3A_560 = arith.cmpi sgt, %jit3A_547, %sign3A_559 : i32
    %sign3A_561 = arith.extui %sign3A_560 : i1 to i32
    %sign3A_562 = arith.constant 0 : i32
    %sign3A_563 = arith.cmpi slt, %jit3A_547, %sign3A_562 : i32
    %sign3A_564 = arith.extui %sign3A_563 : i1 to i32
    %sign3A_565 = arith.subi %sign3A_561, %sign3A_564 : i32
    %ne3A_566 = vector.broadcast %sign3A_565 : i32 to vector<16xi32>
    %ne3A_567 = arith.cmpi ne, %sign3A_558, %ne3A_566 : vector<16xi32>
    %rem3A_568 = vector.broadcast %jit3A_547 : i32 to vector<16xi32>
    %rem3A_569 = arith.remsi %mul3A_546, %rem3A_568 : vector<16xi32>
    %ne3A_570 = arith.constant 0 : i32
    %ne3A_571 = vector.broadcast %ne3A_570 : i32 to vector<16xi32>
    %ne3A_572 = arith.cmpi ne, %rem3A_569, %ne3A_571 : vector<16xi32>
    %and3A_573 = arith.andi %ne3A_567, %ne3A_572 : vector<16xi1>
    %sub3A_574 = arith.constant 1 : i32
    %sub3A_575 = vector.broadcast %sub3A_574 : i32 to vector<16xi32>
    %sub3A_576 = arith.subi %div3A_549, %sub3A_575 : vector<16xi32>
    %select_n3A_577 = arith.select %and3A_573, %sub3A_576, %div3A_549 : vector<16xi1>, vector<16xi32>
    %sub3A_578 = arith.subi %mul3A_542, %select_n3A_577 : vector<16xi32>
    %sub3A_579 = arith.subi %add3A_444, %sub3A_578 : vector<16xi32>
    %add3A_580 = arith.addi %sub3A_579, %add3A_539 : vector<16xi32>
    %add3A_581 = arith.constant 1 : i32
    %add3A_582 = vector.broadcast %add3A_581 : i32 to vector<16xi32>
    %add3A_583 = arith.addi %add3A_580, %add3A_582 : vector<16xi32>
    %min3A_584 = arith.constant 19 : i32
    %min3A_585 = vector.broadcast %min3A_584 : i32 to vector<16xi32>
    %min3A_586 = arith.minsi %add3A_583, %min3A_585 : vector<16xi32>
    %swap3A_587 = arith.constant 48 : index
    %swap3A_588 = tpu.vector_load %arg6[%swap3A_587] {strides = array<i32>} : memref<192xi32, #tpu.memory_space<vmem>>, vector<16xi32>,
    tpu.vector_store %arg6[%swap3A_587], %add3A_539 {strides = array<i32>} : memref<192xi32, #tpu.memory_space<vmem>>, vector<16xi32>,
    %swap3A_589 = arith.constant 48 : index
    %swap3A_590 = tpu.vector_load %arg7[%swap3A_589] {strides = array<i32>} : memref<192xi32, #tpu.memory_space<vmem>>, vector<16xi32>,
    tpu.vector_store %arg7[%swap3A_589], %min3A_586 {strides = array<i32>} : memref<192xi32, #tpu.memory_space<vmem>>, vector<16xi32>,
    %add3A_591 = arith.constant 64 : i32
    %add3A_592 = vector.broadcast %add3A_591 : i32 to vector<16xi32>
    %add3A_593 = arith.addi %iota3A, %add3A_592 : vector<16xi32>
    %ge3A_594 = arith.constant 19 : i32
    %ge3A_595 = vector.broadcast %ge3A_594 : i32 to vector<16xi32>
    %ge3A_596 = arith.cmpi sge, %add3A_593, %ge3A_595 : vector<16xi32>
    %select_n3A_597 = arith.select %ge3A_596, %broadcast_in_dim3A_3, %broadcast_in_dim3A_5 : vector<16xi1>, vector<16xi32>
    %add3A_598 = arith.addi %broadcast_in_dim3A_5, %select_n3A_597 : vector<16xi32>
    %ge3A_599 = arith.constant 37 : i32
    %ge3A_600 = vector.broadcast %ge3A_599 : i32 to vector<16xi32>
    %ge3A_601 = arith.cmpi sge, %add3A_593, %ge3A_600 : vector<16xi32>
    %select_n3A_602 = arith.select %ge3A_601, %broadcast_in_dim3A_3, %broadcast_in_dim3A_5 : vector<16xi1>, vector<16xi32>
    %add3A_603 = arith.addi %add3A_598, %select_n3A_602 : vector<16xi32>
    %ge3A_604 = arith.constant 54 : i32
    %ge3A_605 = vector.broadcast %ge3A_604 : i32 to vector<16xi32>
    %ge3A_606 = arith.cmpi sge, %add3A_593, %ge3A_605 : vector<16xi32>
    %select_n3A_607 = arith.select %ge3A_606, %broadcast_in_dim3A_3, %broadcast_in_dim3A_5 : vector<16xi1>, vector<16xi32>
    %add3A_608 = arith.addi %add3A_603, %select_n3A_607 : vector<16xi32>
    %ge3A_609 = arith.constant 70 : i32
    %ge3A_610 = vector.broadcast %ge3A_609 : i32 to vector<16xi32>
    %ge3A_611 = arith.cmpi sge, %add3A_593, %ge3A_610 : vector<16xi32>
    %select_n3A_612 = arith.select %ge3A_611, %broadcast_in_dim3A_3, %broadcast_in_dim3A_5 : vector<16xi1>, vector<16xi32>
    %add3A_613 = arith.addi %add3A_608, %select_n3A_612 : vector<16xi32>
    %ge3A_614 = arith.constant 85 : i32
    %ge3A_615 = vector.broadcast %ge3A_614 : i32 to vector<16xi32>
    %ge3A_616 = arith.cmpi sge, %add3A_593, %ge3A_615 : vector<16xi32>
    %select_n3A_617 = arith.select %ge3A_616, %broadcast_in_dim3A_3, %broadcast_in_dim3A_5 : vector<16xi1>, vector<16xi32>
    %add3A_618 = arith.addi %add3A_613, %select_n3A_617 : vector<16xi32>
    %ge3A_619 = arith.constant 99 : i32
    %ge3A_620 = vector.broadcast %ge3A_619 : i32 to vector<16xi32>
    %ge3A_621 = arith.cmpi sge, %add3A_593, %ge3A_620 : vector<16xi32>
    %select_n3A_622 = arith.select %ge3A_621, %broadcast_in_dim3A_3, %broadcast_in_dim3A_5 : vector<16xi1>, vector<16xi32>
    %add3A_623 = arith.addi %add3A_618, %select_n3A_622 : vector<16xi32>
    %ge3A_624 = arith.constant 112 : i32
    %ge3A_625 = vector.broadcast %ge3A_624 : i32 to vector<16xi32>
    %ge3A_626 = arith.cmpi sge, %add3A_593, %ge3A_625 : vector<16xi32>
    %select_n3A_627 = arith.select %ge3A_626, %broadcast_in_dim3A_3, %broadcast_in_dim3A_5 : vector<16xi1>, vector<16xi32>
    %add3A_628 = arith.addi %add3A_623, %select_n3A_627 : vector<16xi32>
    %ge3A_629 = arith.constant 124 : i32
    %ge3A_630 = vector.broadcast %ge3A_629 : i32 to vector<16xi32>
    %ge3A_631 = arith.cmpi sge, %add3A_593, %ge3A_630 : vector<16xi32>
    %select_n3A_632 = arith.select %ge3A_631, %broadcast_in_dim3A_3, %broadcast_in_dim3A_5 : vector<16xi1>, vector<16xi32>
    %add3A_633 = arith.addi %add3A_628, %select_n3A_632 : vector<16xi32>
    %ge3A_634 = arith.constant 135 : i32
    %ge3A_635 = vector.broadcast %ge3A_634 : i32 to vector<16xi32>
    %ge3A_636 = arith.cmpi sge, %add3A_593, %ge3A_635 : vector<16xi32>
    %select_n3A_637 = arith.select %ge3A_636, %broadcast_in_dim3A_3, %broadcast_in_dim3A_5 : vector<16xi1>, vector<16xi32>
    %add3A_638 = arith.addi %add3A_633, %select_n3A_637 : vector<16xi32>
    %ge3A_639 = arith.constant 145 : i32
    %ge3A_640 = vector.broadcast %ge3A_639 : i32 to vector<16xi32>
    %ge3A_641 = arith.cmpi sge, %add3A_593, %ge3A_640 : vector<16xi32>
    %select_n3A_642 = arith.select %ge3A_641, %broadcast_in_dim3A_3, %broadcast_in_dim3A_5 : vector<16xi1>, vector<16xi32>
    %add3A_643 = arith.addi %add3A_638, %select_n3A_642 : vector<16xi32>
    %ge3A_644 = arith.constant 154 : i32
    %ge3A_645 = vector.broadcast %ge3A_644 : i32 to vector<16xi32>
    %ge3A_646 = arith.cmpi sge, %add3A_593, %ge3A_645 : vector<16xi32>
    %select_n3A_647 = arith.select %ge3A_646, %broadcast_in_dim3A_3, %broadcast_in_dim3A_5 : vector<16xi1>, vector<16xi32>
    %add3A_648 = arith.addi %add3A_643, %select_n3A_647 : vector<16xi32>
    %ge3A_649 = arith.constant 162 : i32
    %ge3A_650 = vector.broadcast %ge3A_649 : i32 to vector<16xi32>
    %ge3A_651 = arith.cmpi sge, %add3A_593, %ge3A_650 : vector<16xi32>
    %select_n3A_652 = arith.select %ge3A_651, %broadcast_in_dim3A_3, %broadcast_in_dim3A_5 : vector<16xi1>, vector<16xi32>
    %add3A_653 = arith.addi %add3A_648, %select_n3A_652 : vector<16xi32>
    %ge3A_654 = arith.constant 169 : i32
    %ge3A_655 = vector.broadcast %ge3A_654 : i32 to vector<16xi32>
    %ge3A_656 = arith.cmpi sge, %add3A_593, %ge3A_655 : vector<16xi32>
    %select_n3A_657 = arith.select %ge3A_656, %broadcast_in_dim3A_3, %broadcast_in_dim3A_5 : vector<16xi1>, vector<16xi32>
    %add3A_658 = arith.addi %add3A_653, %select_n3A_657 : vector<16xi32>
    %ge3A_659 = arith.constant 175 : i32
    %ge3A_660 = vector.broadcast %ge3A_659 : i32 to vector<16xi32>
    %ge3A_661 = arith.cmpi sge, %add3A_593, %ge3A_660 : vector<16xi32>
    %select_n3A_662 = arith.select %ge3A_661, %broadcast_in_dim3A_3, %broadcast_in_dim3A_5 : vector<16xi1>, vector<16xi32>
    %add3A_663 = arith.addi %add3A_658, %select_n3A_662 : vector<16xi32>
    %ge3A_664 = arith.constant 180 : i32
    %ge3A_665 = vector.broadcast %ge3A_664 : i32 to vector<16xi32>
    %ge3A_666 = arith.cmpi sge, %add3A_593, %ge3A_665 : vector<16xi32>
    %select_n3A_667 = arith.select %ge3A_666, %broadcast_in_dim3A_3, %broadcast_in_dim3A_5 : vector<16xi1>, vector<16xi32>
    %add3A_668 = arith.addi %add3A_663, %select_n3A_667 : vector<16xi32>
    %ge3A_669 = arith.constant 184 : i32
    %ge3A_670 = vector.broadcast %ge3A_669 : i32 to vector<16xi32>
    %ge3A_671 = arith.cmpi sge, %add3A_593, %ge3A_670 : vector<16xi32>
    %select_n3A_672 = arith.select %ge3A_671, %broadcast_in_dim3A_3, %broadcast_in_dim3A_5 : vector<16xi1>, vector<16xi32>
    %add3A_673 = arith.addi %add3A_668, %select_n3A_672 : vector<16xi32>
    %ge3A_674 = arith.constant 187 : i32
    %ge3A_675 = vector.broadcast %ge3A_674 : i32 to vector<16xi32>
    %ge3A_676 = arith.cmpi sge, %add3A_593, %ge3A_675 : vector<16xi32>
    %select_n3A_677 = arith.select %ge3A_676, %broadcast_in_dim3A_3, %broadcast_in_dim3A_5 : vector<16xi1>, vector<16xi32>
    %add3A_678 = arith.addi %add3A_673, %select_n3A_677 : vector<16xi32>
    %ge3A_679 = arith.constant 189 : i32
    %ge3A_680 = vector.broadcast %ge3A_679 : i32 to vector<16xi32>
    %ge3A_681 = arith.cmpi sge, %add3A_593, %ge3A_680 : vector<16xi32>
    %select_n3A_682 = arith.select %ge3A_681, %broadcast_in_dim3A_3, %broadcast_in_dim3A_5 : vector<16xi1>, vector<16xi32>
    %add3A_683 = arith.addi %add3A_678, %select_n3A_682 : vector<16xi32>
    %ge3A_684 = arith.constant 190 : i32
    %ge3A_685 = vector.broadcast %ge3A_684 : i32 to vector<16xi32>
    %ge3A_686 = arith.cmpi sge, %add3A_593, %ge3A_685 : vector<16xi32>
    %select_n3A_687 = arith.select %ge3A_686, %broadcast_in_dim3A_3, %broadcast_in_dim3A_5 : vector<16xi1>, vector<16xi32>
    %add3A_688 = arith.addi %add3A_683, %select_n3A_687 : vector<16xi32>
    %mul3A_689 = arith.constant 20 : i32
    %mul3A_690 = vector.broadcast %mul3A_689 : i32 to vector<16xi32>
    %mul3A_691 = arith.muli %add3A_688, %mul3A_690 : vector<16xi32>
    %add3A_692 = arith.constant 1 : i32
    %add3A_693 = vector.broadcast %add3A_692 : i32 to vector<16xi32>
    %add3A_694 = arith.addi %add3A_688, %add3A_693 : vector<16xi32>
    %mul3A_695 = arith.muli %add3A_688, %add3A_694 : vector<16xi32>
    %jit3A_696 = arith.constant 2 : i32
    %div3A_697 = vector.broadcast %jit3A_696 : i32 to vector<16xi32>
    %div3A_698 = arith.divsi %mul3A_695, %div3A_697 : vector<16xi32>
    %sign3A_699 = arith.constant 0 : i32
    %sign3A_700 = vector.broadcast %sign3A_699 : i32 to vector<16xi32>
    %sign3A_701 = arith.cmpi sgt, %mul3A_695, %sign3A_700 : vector<16xi32>
    %sign3A_702 = arith.extui %sign3A_701 : vector<16xi1> to vector<16xi32>
    %sign3A_703 = arith.constant 0 : i32
    %sign3A_704 = vector.broadcast %sign3A_703 : i32 to vector<16xi32>
    %sign3A_705 = arith.cmpi slt, %mul3A_695, %sign3A_704 : vector<16xi32>
    %sign3A_706 = arith.extui %sign3A_705 : vector<16xi1> to vector<16xi32>
    %sign3A_707 = arith.subi %sign3A_702, %sign3A_706 : vector<16xi32>
    %sign3A_708 = arith.constant 0 : i32
    %sign3A_709 = arith.cmpi sgt, %jit3A_696, %sign3A_708 : i32
    %sign3A_710 = arith.extui %sign3A_709 : i1 to i32
    %sign3A_711 = arith.constant 0 : i32
    %sign3A_712 = arith.cmpi slt, %jit3A_696, %sign3A_711 : i32
    %sign3A_713 = arith.extui %sign3A_712 : i1 to i32
    %sign3A_714 = arith.subi %sign3A_710, %sign3A_713 : i32
    %ne3A_715 = vector.broadcast %sign3A_714 : i32 to vector<16xi32>
    %ne3A_716 = arith.cmpi ne, %sign3A_707, %ne3A_715 : vector<16xi32>
    %rem3A_717 = vector.broadcast %jit3A_696 : i32 to vector<16xi32>
    %rem3A_718 = arith.remsi %mul3A_695, %rem3A_717 : vector<16xi32>
    %ne3A_719 = arith.constant 0 : i32
    %ne3A_720 = vector.broadcast %ne3A_719 : i32 to vector<16xi32>
    %ne3A_721 = arith.cmpi ne, %rem3A_718, %ne3A_720 : vector<16xi32>
    %and3A_722 = arith.andi %ne3A_716, %ne3A_721 : vector<16xi1>
    %sub3A_723 = arith.constant 1 : i32
    %sub3A_724 = vector.broadcast %sub3A_723 : i32 to vector<16xi32>
    %sub3A_725 = arith.subi %div3A_698, %sub3A_724 : vector<16xi32>
    %select_n3A_726 = arith.select %and3A_722, %sub3A_725, %div3A_698 : vector<16xi1>, vector<16xi32>
    %sub3A_727 = arith.subi %mul3A_691, %select_n3A_726 : vector<16xi32>
    %sub3A_728 = arith.subi %add3A_593, %sub3A_727 : vector<16xi32>
    %add3A_729 = arith.addi %sub3A_728, %add3A_688 : vector<16xi32>
    %add3A_730 = arith.constant 1 : i32
    %add3A_731 = vector.broadcast %add3A_730 : i32 to vector<16xi32>
    %add3A_732 = arith.addi %add3A_729, %add3A_731 : vector<16xi32>
    %min3A_733 = arith.constant 19 : i32
    %min3A_734 = vector.broadcast %min3A_733 : i32 to vector<16xi32>
    %min3A_735 = arith.minsi %add3A_732, %min3A_734 : vector<16xi32>
    %swap3A_736 = arith.constant 64 : index
    %swap3A_737 = tpu.vector_load %arg6[%swap3A_736] {strides = array<i32>} : memref<192xi32, #tpu.memory_space<vmem>>, vector<16xi32>,
    tpu.vector_store %arg6[%swap3A_736], %add3A_688 {strides = array<i32>} : memref<192xi32, #tpu.memory_space<vmem>>, vector<16xi32>,
    %swap3A_738 = arith.constant 64 : index
    %swap3A_739 = tpu.vector_load %arg7[%swap3A_738] {strides = array<i32>} : memref<192xi32, #tpu.memory_space<vmem>>, vector<16xi32>,
    tpu.vector_store %arg7[%swap3A_738], %min3A_735 {strides = array<i32>} : memref<192xi32, #tpu.memory_space<vmem>>, vector<16xi32>,
    %add3A_740 = arith.constant 80 : i32
    %add3A_741 = vector.broadcast %add3A_740 : i32 to vector<16xi32>
    %add3A_742 = arith.addi %iota3A, %add3A_741 : vector<16xi32>
    %ge3A_743 = arith.constant 19 : i32
    %ge3A_744 = vector.broadcast %ge3A_743 : i32 to vector<16xi32>
    %ge3A_745 = arith.cmpi sge, %add3A_742, %ge3A_744 : vector<16xi32>
    %select_n3A_746 = arith.select %ge3A_745, %broadcast_in_dim3A_3, %broadcast_in_dim3A_5 : vector<16xi1>, vector<16xi32>
    %add3A_747 = arith.addi %broadcast_in_dim3A_5, %select_n3A_746 : vector<16xi32>
    %ge3A_748 = arith.constant 37 : i32
    %ge3A_749 = vector.broadcast %ge3A_748 : i32 to vector<16xi32>
    %ge3A_750 = arith.cmpi sge, %add3A_742, %ge3A_749 : vector<16xi32>
    %select_n3A_751 = arith.select %ge3A_750, %broadcast_in_dim3A_3, %broadcast_in_dim3A_5 : vector<16xi1>, vector<16xi32>
    %add3A_752 = arith.addi %add3A_747, %select_n3A_751 : vector<16xi32>
    %ge3A_753 = arith.constant 54 : i32
    %ge3A_754 = vector.broadcast %ge3A_753 : i32 to vector<16xi32>
    %ge3A_755 = arith.cmpi sge, %add3A_742, %ge3A_754 : vector<16xi32>
    %select_n3A_756 = arith.select %ge3A_755, %broadcast_in_dim3A_3, %broadcast_in_dim3A_5 : vector<16xi1>, vector<16xi32>
    %add3A_757 = arith.addi %add3A_752, %select_n3A_756 : vector<16xi32>
    %ge3A_758 = arith.constant 70 : i32
    %ge3A_759 = vector.broadcast %ge3A_758 : i32 to vector<16xi32>
    %ge3A_760 = arith.cmpi sge, %add3A_742, %ge3A_759 : vector<16xi32>
    %select_n3A_761 = arith.select %ge3A_760, %broadcast_in_dim3A_3, %broadcast_in_dim3A_5 : vector<16xi1>, vector<16xi32>
    %add3A_762 = arith.addi %add3A_757, %select_n3A_761 : vector<16xi32>
    %ge3A_763 = arith.constant 85 : i32
    %ge3A_764 = vector.broadcast %ge3A_763 : i32 to vector<16xi32>
    %ge3A_765 = arith.cmpi sge, %add3A_742, %ge3A_764 : vector<16xi32>
    %select_n3A_766 = arith.select %ge3A_765, %broadcast_in_dim3A_3, %broadcast_in_dim3A_5 : vector<16xi1>, vector<16xi32>
    %add3A_767 = arith.addi %add3A_762, %select_n3A_766 : vector<16xi32>
    %ge3A_768 = arith.constant 99 : i32
    %ge3A_769 = vector.broadcast %ge3A_768 : i32 to vector<16xi32>
    %ge3A_770 = arith.cmpi sge, %add3A_742, %ge3A_769 : vector<16xi32>
    %select_n3A_771 = arith.select %ge3A_770, %broadcast_in_dim3A_3, %broadcast_in_dim3A_5 : vector<16xi1>, vector<16xi32>
    %add3A_772 = arith.addi %add3A_767, %select_n3A_771 : vector<16xi32>
    %ge3A_773 = arith.constant 112 : i32
    %ge3A_774 = vector.broadcast %ge3A_773 : i32 to vector<16xi32>
    %ge3A_775 = arith.cmpi sge, %add3A_742, %ge3A_774 : vector<16xi32>
    %select_n3A_776 = arith.select %ge3A_775, %broadcast_in_dim3A_3, %broadcast_in_dim3A_5 : vector<16xi1>, vector<16xi32>
    %add3A_777 = arith.addi %add3A_772, %select_n3A_776 : vector<16xi32>
    %ge3A_778 = arith.constant 124 : i32
    %ge3A_779 = vector.broadcast %ge3A_778 : i32 to vector<16xi32>
    %ge3A_780 = arith.cmpi sge, %add3A_742, %ge3A_779 : vector<16xi32>
    %select_n3A_781 = arith.select %ge3A_780, %broadcast_in_dim3A_3, %broadcast_in_dim3A_5 : vector<16xi1>, vector<16xi32>
    %add3A_782 = arith.addi %add3A_777, %select_n3A_781 : vector<16xi32>
    %ge3A_783 = arith.constant 135 : i32
    %ge3A_784 = vector.broadcast %ge3A_783 : i32 to vector<16xi32>
    %ge3A_785 = arith.cmpi sge, %add3A_742, %ge3A_784 : vector<16xi32>
    %select_n3A_786 = arith.select %ge3A_785, %broadcast_in_dim3A_3, %broadcast_in_dim3A_5 : vector<16xi1>, vector<16xi32>
    %add3A_787 = arith.addi %add3A_782, %select_n3A_786 : vector<16xi32>
    %ge3A_788 = arith.constant 145 : i32
    %ge3A_789 = vector.broadcast %ge3A_788 : i32 to vector<16xi32>
    %ge3A_790 = arith.cmpi sge, %add3A_742, %ge3A_789 : vector<16xi32>
    %select_n3A_791 = arith.select %ge3A_790, %broadcast_in_dim3A_3, %broadcast_in_dim3A_5 : vector<16xi1>, vector<16xi32>
    %add3A_792 = arith.addi %add3A_787, %select_n3A_791 : vector<16xi32>
    %ge3A_793 = arith.constant 154 : i32
    %ge3A_794 = vector.broadcast %ge3A_793 : i32 to vector<16xi32>
    %ge3A_795 = arith.cmpi sge, %add3A_742, %ge3A_794 : vector<16xi32>
    %select_n3A_796 = arith.select %ge3A_795, %broadcast_in_dim3A_3, %broadcast_in_dim3A_5 : vector<16xi1>, vector<16xi32>
    %add3A_797 = arith.addi %add3A_792, %select_n3A_796 : vector<16xi32>
    %ge3A_798 = arith.constant 162 : i32
    %ge3A_799 = vector.broadcast %ge3A_798 : i32 to vector<16xi32>
    %ge3A_800 = arith.cmpi sge, %add3A_742, %ge3A_799 : vector<16xi32>
    %select_n3A_801 = arith.select %ge3A_800, %broadcast_in_dim3A_3, %broadcast_in_dim3A_5 : vector<16xi1>, vector<16xi32>
    %add3A_802 = arith.addi %add3A_797, %select_n3A_801 : vector<16xi32>
    %ge3A_803 = arith.constant 169 : i32
    %ge3A_804 = vector.broadcast %ge3A_803 : i32 to vector<16xi32>
    %ge3A_805 = arith.cmpi sge, %add3A_742, %ge3A_804 : vector<16xi32>
    %select_n3A_806 = arith.select %ge3A_805, %broadcast_in_dim3A_3, %broadcast_in_dim3A_5 : vector<16xi1>, vector<16xi32>
    %add3A_807 = arith.addi %add3A_802, %select_n3A_806 : vector<16xi32>
    %ge3A_808 = arith.constant 175 : i32
    %ge3A_809 = vector.broadcast %ge3A_808 : i32 to vector<16xi32>
    %ge3A_810 = arith.cmpi sge, %add3A_742, %ge3A_809 : vector<16xi32>
    %select_n3A_811 = arith.select %ge3A_810, %broadcast_in_dim3A_3, %broadcast_in_dim3A_5 : vector<16xi1>, vector<16xi32>
    %add3A_812 = arith.addi %add3A_807, %select_n3A_811 : vector<16xi32>
    %ge3A_813 = arith.constant 180 : i32
    %ge3A_814 = vector.broadcast %ge3A_813 : i32 to vector<16xi32>
    %ge3A_815 = arith.cmpi sge, %add3A_742, %ge3A_814 : vector<16xi32>
    %select_n3A_816 = arith.select %ge3A_815, %broadcast_in_dim3A_3, %broadcast_in_dim3A_5 : vector<16xi1>, vector<16xi32>
    %add3A_817 = arith.addi %add3A_812, %select_n3A_816 : vector<16xi32>
    %ge3A_818 = arith.constant 184 : i32
    %ge3A_819 = vector.broadcast %ge3A_818 : i32 to vector<16xi32>
    %ge3A_820 = arith.cmpi sge, %add3A_742, %ge3A_819 : vector<16xi32>
    %select_n3A_821 = arith.select %ge3A_820, %broadcast_in_dim3A_3, %broadcast_in_dim3A_5 : vector<16xi1>, vector<16xi32>
    %add3A_822 = arith.addi %add3A_817, %select_n3A_821 : vector<16xi32>
    %ge3A_823 = arith.constant 187 : i32
    %ge3A_824 = vector.broadcast %ge3A_823 : i32 to vector<16xi32>
    %ge3A_825 = arith.cmpi sge, %add3A_742, %ge3A_824 : vector<16xi32>
    %select_n3A_826 = arith.select %ge3A_825, %broadcast_in_dim3A_3, %broadcast_in_dim3A_5 : vector<16xi1>, vector<16xi32>
    %add3A_827 = arith.addi %add3A_822, %select_n3A_826 : vector<16xi32>
    %ge3A_828 = arith.constant 189 : i32
    %ge3A_829 = vector.broadcast %ge3A_828 : i32 to vector<16xi32>
    %ge3A_830 = arith.cmpi sge, %add3A_742, %ge3A_829 : vector<16xi32>
    %select_n3A_831 = arith.select %ge3A_830, %broadcast_in_dim3A_3, %broadcast_in_dim3A_5 : vector<16xi1>, vector<16xi32>
    %add3A_832 = arith.addi %add3A_827, %select_n3A_831 : vector<16xi32>
    %ge3A_833 = arith.constant 190 : i32
    %ge3A_834 = vector.broadcast %ge3A_833 : i32 to vector<16xi32>
    %ge3A_835 = arith.cmpi sge, %add3A_742, %ge3A_834 : vector<16xi32>
    %select_n3A_836 = arith.select %ge3A_835, %broadcast_in_dim3A_3, %broadcast_in_dim3A_5 : vector<16xi1>, vector<16xi32>
    %add3A_837 = arith.addi %add3A_832, %select_n3A_836 : vector<16xi32>
    %mul3A_838 = arith.constant 20 : i32
    %mul3A_839 = vector.broadcast %mul3A_838 : i32 to vector<16xi32>
    %mul3A_840 = arith.muli %add3A_837, %mul3A_839 : vector<16xi32>
    %add3A_841 = arith.constant 1 : i32
    %add3A_842 = vector.broadcast %add3A_841 : i32 to vector<16xi32>
    %add3A_843 = arith.addi %add3A_837, %add3A_842 : vector<16xi32>
    %mul3A_844 = arith.muli %add3A_837, %add3A_843 : vector<16xi32>
    %jit3A_845 = arith.constant 2 : i32
    %div3A_846 = vector.broadcast %jit3A_845 : i32 to vector<16xi32>
    %div3A_847 = arith.divsi %mul3A_844, %div3A_846 : vector<16xi32>
    %sign3A_848 = arith.constant 0 : i32
    %sign3A_849 = vector.broadcast %sign3A_848 : i32 to vector<16xi32>
    %sign3A_850 = arith.cmpi sgt, %mul3A_844, %sign3A_849 : vector<16xi32>
    %sign3A_851 = arith.extui %sign3A_850 : vector<16xi1> to vector<16xi32>
    %sign3A_852 = arith.constant 0 : i32
    %sign3A_853 = vector.broadcast %sign3A_852 : i32 to vector<16xi32>
    %sign3A_854 = arith.cmpi slt, %mul3A_844, %sign3A_853 : vector<16xi32>
    %sign3A_855 = arith.extui %sign3A_854 : vector<16xi1> to vector<16xi32>
    %sign3A_856 = arith.subi %sign3A_851, %sign3A_855 : vector<16xi32>
    %sign3A_857 = arith.constant 0 : i32
    %sign3A_858 = arith.cmpi sgt, %jit3A_845, %sign3A_857 : i32
    %sign3A_859 = arith.extui %sign3A_858 : i1 to i32
    %sign3A_860 = arith.constant 0 : i32
    %sign3A_861 = arith.cmpi slt, %jit3A_845, %sign3A_860 : i32
    %sign3A_862 = arith.extui %sign3A_861 : i1 to i32
    %sign3A_863 = arith.subi %sign3A_859, %sign3A_862 : i32
    %ne3A_864 = vector.broadcast %sign3A_863 : i32 to vector<16xi32>
    %ne3A_865 = arith.cmpi ne, %sign3A_856, %ne3A_864 : vector<16xi32>
    %rem3A_866 = vector.broadcast %jit3A_845 : i32 to vector<16xi32>
    %rem3A_867 = arith.remsi %mul3A_844, %rem3A_866 : vector<16xi32>
    %ne3A_868 = arith.constant 0 : i32
    %ne3A_869 = vector.broadcast %ne3A_868 : i32 to vector<16xi32>
    %ne3A_870 = arith.cmpi ne, %rem3A_867, %ne3A_869 : vector<16xi32>
    %and3A_871 = arith.andi %ne3A_865, %ne3A_870 : vector<16xi1>
    %sub3A_872 = arith.constant 1 : i32
    %sub3A_873 = vector.broadcast %sub3A_872 : i32 to vector<16xi32>
    %sub3A_874 = arith.subi %div3A_847, %sub3A_873 : vector<16xi32>
    %select_n3A_875 = arith.select %and3A_871, %sub3A_874, %div3A_847 : vector<16xi1>, vector<16xi32>
    %sub3A_876 = arith.subi %mul3A_840, %select_n3A_875 : vector<16xi32>
    %sub3A_877 = arith.subi %add3A_742, %sub3A_876 : vector<16xi32>
    %add3A_878 = arith.addi %sub3A_877, %add3A_837 : vector<16xi32>
    %add3A_879 = arith.constant 1 : i32
    %add3A_880 = vector.broadcast %add3A_879 : i32 to vector<16xi32>
    %add3A_881 = arith.addi %add3A_878, %add3A_880 : vector<16xi32>
    %min3A_882 = arith.constant 19 : i32
    %min3A_883 = vector.broadcast %min3A_882 : i32 to vector<16xi32>
    %min3A_884 = arith.minsi %add3A_881, %min3A_883 : vector<16xi32>
    %swap3A_885 = arith.constant 80 : index
    %swap3A_886 = tpu.vector_load %arg6[%swap3A_885] {strides = array<i32>} : memref<192xi32, #tpu.memory_space<vmem>>, vector<16xi32>,
    tpu.vector_store %arg6[%swap3A_885], %add3A_837 {strides = array<i32>} : memref<192xi32, #tpu.memory_space<vmem>>, vector<16xi32>,
    %swap3A_887 = arith.constant 80 : index
    %swap3A_888 = tpu.vector_load %arg7[%swap3A_887] {strides = array<i32>} : memref<192xi32, #tpu.memory_space<vmem>>, vector<16xi32>,
    tpu.vector_store %arg7[%swap3A_887], %min3A_884 {strides = array<i32>} : memref<192xi32, #tpu.memory_space<vmem>>, vector<16xi32>,
    %add3A_889 = arith.constant 96 : i32
    %add3A_890 = vector.broadcast %add3A_889 : i32 to vector<16xi32>
    %add3A_891 = arith.addi %iota3A, %add3A_890 : vector<16xi32>
    %ge3A_892 = arith.constant 19 : i32
    %ge3A_893 = vector.broadcast %ge3A_892 : i32 to vector<16xi32>
    %ge3A_894 = arith.cmpi sge, %add3A_891, %ge3A_893 : vector<16xi32>
    %select_n3A_895 = arith.select %ge3A_894, %broadcast_in_dim3A_3, %broadcast_in_dim3A_5 : vector<16xi1>, vector<16xi32>
    %add3A_896 = arith.addi %broadcast_in_dim3A_5, %select_n3A_895 : vector<16xi32>
    %ge3A_897 = arith.constant 37 : i32
    %ge3A_898 = vector.broadcast %ge3A_897 : i32 to vector<16xi32>
    %ge3A_899 = arith.cmpi sge, %add3A_891, %ge3A_898 : vector<16xi32>
    %select_n3A_900 = arith.select %ge3A_899, %broadcast_in_dim3A_3, %broadcast_in_dim3A_5 : vector<16xi1>, vector<16xi32>
    %add3A_901 = arith.addi %add3A_896, %select_n3A_900 : vector<16xi32>
    %ge3A_902 = arith.constant 54 : i32
    %ge3A_903 = vector.broadcast %ge3A_902 : i32 to vector<16xi32>
    %ge3A_904 = arith.cmpi sge, %add3A_891, %ge3A_903 : vector<16xi32>
    %select_n3A_905 = arith.select %ge3A_904, %broadcast_in_dim3A_3, %broadcast_in_dim3A_5 : vector<16xi1>, vector<16xi32>
    %add3A_906 = arith.addi %add3A_901, %select_n3A_905 : vector<16xi32>
    %ge3A_907 = arith.constant 70 : i32
    %ge3A_908 = vector.broadcast %ge3A_907 : i32 to vector<16xi32>
    %ge3A_909 = arith.cmpi sge, %add3A_891, %ge3A_908 : vector<16xi32>
    %select_n3A_910 = arith.select %ge3A_909, %broadcast_in_dim3A_3, %broadcast_in_dim3A_5 : vector<16xi1>, vector<16xi32>
    %add3A_911 = arith.addi %add3A_906, %select_n3A_910 : vector<16xi32>
    %ge3A_912 = arith.constant 85 : i32
    %ge3A_913 = vector.broadcast %ge3A_912 : i32 to vector<16xi32>
    %ge3A_914 = arith.cmpi sge, %add3A_891, %ge3A_913 : vector<16xi32>
    %select_n3A_915 = arith.select %ge3A_914, %broadcast_in_dim3A_3, %broadcast_in_dim3A_5 : vector<16xi1>, vector<16xi32>
    %add3A_916 = arith.addi %add3A_911, %select_n3A_915 : vector<16xi32>
    %ge3A_917 = arith.constant 99 : i32
    %ge3A_918 = vector.broadcast %ge3A_917 : i32 to vector<16xi32>
    %ge3A_919 = arith.cmpi sge, %add3A_891, %ge3A_918 : vector<16xi32>
    %select_n3A_920 = arith.select %ge3A_919, %broadcast_in_dim3A_3, %broadcast_in_dim3A_5 : vector<16xi1>, vector<16xi32>
    %add3A_921 = arith.addi %add3A_916, %select_n3A_920 : vector<16xi32>
    %ge3A_922 = arith.constant 112 : i32
    %ge3A_923 = vector.broadcast %ge3A_922 : i32 to vector<16xi32>
    %ge3A_924 = arith.cmpi sge, %add3A_891, %ge3A_923 : vector<16xi32>
    %select_n3A_925 = arith.select %ge3A_924, %broadcast_in_dim3A_3, %broadcast_in_dim3A_5 : vector<16xi1>, vector<16xi32>
    %add3A_926 = arith.addi %add3A_921, %select_n3A_925 : vector<16xi32>
    %ge3A_927 = arith.constant 124 : i32
    %ge3A_928 = vector.broadcast %ge3A_927 : i32 to vector<16xi32>
    %ge3A_929 = arith.cmpi sge, %add3A_891, %ge3A_928 : vector<16xi32>
    %select_n3A_930 = arith.select %ge3A_929, %broadcast_in_dim3A_3, %broadcast_in_dim3A_5 : vector<16xi1>, vector<16xi32>
    %add3A_931 = arith.addi %add3A_926, %select_n3A_930 : vector<16xi32>
    %ge3A_932 = arith.constant 135 : i32
    %ge3A_933 = vector.broadcast %ge3A_932 : i32 to vector<16xi32>
    %ge3A_934 = arith.cmpi sge, %add3A_891, %ge3A_933 : vector<16xi32>
    %select_n3A_935 = arith.select %ge3A_934, %broadcast_in_dim3A_3, %broadcast_in_dim3A_5 : vector<16xi1>, vector<16xi32>
    %add3A_936 = arith.addi %add3A_931, %select_n3A_935 : vector<16xi32>
    %ge3A_937 = arith.constant 145 : i32
    %ge3A_938 = vector.broadcast %ge3A_937 : i32 to vector<16xi32>
    %ge3A_939 = arith.cmpi sge, %add3A_891, %ge3A_938 : vector<16xi32>
    %select_n3A_940 = arith.select %ge3A_939, %broadcast_in_dim3A_3, %broadcast_in_dim3A_5 : vector<16xi1>, vector<16xi32>
    %add3A_941 = arith.addi %add3A_936, %select_n3A_940 : vector<16xi32>
    %ge3A_942 = arith.constant 154 : i32
    %ge3A_943 = vector.broadcast %ge3A_942 : i32 to vector<16xi32>
    %ge3A_944 = arith.cmpi sge, %add3A_891, %ge3A_943 : vector<16xi32>
    %select_n3A_945 = arith.select %ge3A_944, %broadcast_in_dim3A_3, %broadcast_in_dim3A_5 : vector<16xi1>, vector<16xi32>
    %add3A_946 = arith.addi %add3A_941, %select_n3A_945 : vector<16xi32>
    %ge3A_947 = arith.constant 162 : i32
    %ge3A_948 = vector.broadcast %ge3A_947 : i32 to vector<16xi32>
    %ge3A_949 = arith.cmpi sge, %add3A_891, %ge3A_948 : vector<16xi32>
    %select_n3A_950 = arith.select %ge3A_949, %broadcast_in_dim3A_3, %broadcast_in_dim3A_5 : vector<16xi1>, vector<16xi32>
    %add3A_951 = arith.addi %add3A_946, %select_n3A_950 : vector<16xi32>
    %ge3A_952 = arith.constant 169 : i32
    %ge3A_953 = vector.broadcast %ge3A_952 : i32 to vector<16xi32>
    %ge3A_954 = arith.cmpi sge, %add3A_891, %ge3A_953 : vector<16xi32>
    %select_n3A_955 = arith.select %ge3A_954, %broadcast_in_dim3A_3, %broadcast_in_dim3A_5 : vector<16xi1>, vector<16xi32>
    %add3A_956 = arith.addi %add3A_951, %select_n3A_955 : vector<16xi32>
    %ge3A_957 = arith.constant 175 : i32
    %ge3A_958 = vector.broadcast %ge3A_957 : i32 to vector<16xi32>
    %ge3A_959 = arith.cmpi sge, %add3A_891, %ge3A_958 : vector<16xi32>
    %select_n3A_960 = arith.select %ge3A_959, %broadcast_in_dim3A_3, %broadcast_in_dim3A_5 : vector<16xi1>, vector<16xi32>
    %add3A_961 = arith.addi %add3A_956, %select_n3A_960 : vector<16xi32>
    %ge3A_962 = arith.constant 180 : i32
    %ge3A_963 = vector.broadcast %ge3A_962 : i32 to vector<16xi32>
    %ge3A_964 = arith.cmpi sge, %add3A_891, %ge3A_963 : vector<16xi32>
    %select_n3A_965 = arith.select %ge3A_964, %broadcast_in_dim3A_3, %broadcast_in_dim3A_5 : vector<16xi1>, vector<16xi32>
    %add3A_966 = arith.addi %add3A_961, %select_n3A_965 : vector<16xi32>
    %ge3A_967 = arith.constant 184 : i32
    %ge3A_968 = vector.broadcast %ge3A_967 : i32 to vector<16xi32>
    %ge3A_969 = arith.cmpi sge, %add3A_891, %ge3A_968 : vector<16xi32>
    %select_n3A_970 = arith.select %ge3A_969, %broadcast_in_dim3A_3, %broadcast_in_dim3A_5 : vector<16xi1>, vector<16xi32>
    %add3A_971 = arith.addi %add3A_966, %select_n3A_970 : vector<16xi32>
    %ge3A_972 = arith.constant 187 : i32
    %ge3A_973 = vector.broadcast %ge3A_972 : i32 to vector<16xi32>
    %ge3A_974 = arith.cmpi sge, %add3A_891, %ge3A_973 : vector<16xi32>
    %select_n3A_975 = arith.select %ge3A_974, %broadcast_in_dim3A_3, %broadcast_in_dim3A_5 : vector<16xi1>, vector<16xi32>
    %add3A_976 = arith.addi %add3A_971, %select_n3A_975 : vector<16xi32>
    %ge3A_977 = arith.constant 189 : i32
    %ge3A_978 = vector.broadcast %ge3A_977 : i32 to vector<16xi32>
    %ge3A_979 = arith.cmpi sge, %add3A_891, %ge3A_978 : vector<16xi32>
    %select_n3A_980 = arith.select %ge3A_979, %broadcast_in_dim3A_3, %broadcast_in_dim3A_5 : vector<16xi1>, vector<16xi32>
    %add3A_981 = arith.addi %add3A_976, %select_n3A_980 : vector<16xi32>
    %ge3A_982 = arith.constant 190 : i32
    %ge3A_983 = vector.broadcast %ge3A_982 : i32 to vector<16xi32>
    %ge3A_984 = arith.cmpi sge, %add3A_891, %ge3A_983 : vector<16xi32>
    %select_n3A_985 = arith.select %ge3A_984, %broadcast_in_dim3A_3, %broadcast_in_dim3A_5 : vector<16xi1>, vector<16xi32>
    %add3A_986 = arith.addi %add3A_981, %select_n3A_985 : vector<16xi32>
    %mul3A_987 = arith.constant 20 : i32
    %mul3A_988 = vector.broadcast %mul3A_987 : i32 to vector<16xi32>
    %mul3A_989 = arith.muli %add3A_986, %mul3A_988 : vector<16xi32>
    %add3A_990 = arith.constant 1 : i32
    %add3A_991 = vector.broadcast %add3A_990 : i32 to vector<16xi32>
    %add3A_992 = arith.addi %add3A_986, %add3A_991 : vector<16xi32>
    %mul3A_993 = arith.muli %add3A_986, %add3A_992 : vector<16xi32>
    %jit3A_994 = arith.constant 2 : i32
    %div3A_995 = vector.broadcast %jit3A_994 : i32 to vector<16xi32>
    %div3A_996 = arith.divsi %mul3A_993, %div3A_995 : vector<16xi32>
    %sign3A_997 = arith.constant 0 : i32
    %sign3A_998 = vector.broadcast %sign3A_997 : i32 to vector<16xi32>
    %sign3A_999 = arith.cmpi sgt, %mul3A_993, %sign3A_998 : vector<16xi32>
    %sign3A_1000 = arith.extui %sign3A_999 : vector<16xi1> to vector<16xi32>
    %sign3A_1001 = arith.constant 0 : i32
    %sign3A_1002 = vector.broadcast %sign3A_1001 : i32 to vector<16xi32>
    %sign3A_1003 = arith.cmpi slt, %mul3A_993, %sign3A_1002 : vector<16xi32>
    %sign3A_1004 = arith.extui %sign3A_1003 : vector<16xi1> to vector<16xi32>
    %sign3A_1005 = arith.subi %sign3A_1000, %sign3A_1004 : vector<16xi32>
    %sign3A_1006 = arith.constant 0 : i32
    %sign3A_1007 = arith.cmpi sgt, %jit3A_994, %sign3A_1006 : i32
    %sign3A_1008 = arith.extui %sign3A_1007 : i1 to i32
    %sign3A_1009 = arith.constant 0 : i32
    %sign3A_1010 = arith.cmpi slt, %jit3A_994, %sign3A_1009 : i32
    %sign3A_1011 = arith.extui %sign3A_1010 : i1 to i32
    %sign3A_1012 = arith.subi %sign3A_1008, %sign3A_1011 : i32
    %ne3A_1013 = vector.broadcast %sign3A_1012 : i32 to vector<16xi32>
    %ne3A_1014 = arith.cmpi ne, %sign3A_1005, %ne3A_1013 : vector<16xi32>
    %rem3A_1015 = vector.broadcast %jit3A_994 : i32 to vector<16xi32>
    %rem3A_1016 = arith.remsi %mul3A_993, %rem3A_1015 : vector<16xi32>
    %ne3A_1017 = arith.constant 0 : i32
    %ne3A_1018 = vector.broadcast %ne3A_1017 : i32 to vector<16xi32>
    %ne3A_1019 = arith.cmpi ne, %rem3A_1016, %ne3A_1018 : vector<16xi32>
    %and3A_1020 = arith.andi %ne3A_1014, %ne3A_1019 : vector<16xi1>
    %sub3A_1021 = arith.constant 1 : i32
    %sub3A_1022 = vector.broadcast %sub3A_1021 : i32 to vector<16xi32>
    %sub3A_1023 = arith.subi %div3A_996, %sub3A_1022 : vector<16xi32>
    %select_n3A_1024 = arith.select %and3A_1020, %sub3A_1023, %div3A_996 : vector<16xi1>, vector<16xi32>
    %sub3A_1025 = arith.subi %mul3A_989, %select_n3A_1024 : vector<16xi32>
    %sub3A_1026 = arith.subi %add3A_891, %sub3A_1025 : vector<16xi32>
    %add3A_1027 = arith.addi %sub3A_1026, %add3A_986 : vector<16xi32>
    %add3A_1028 = arith.constant 1 : i32
    %add3A_1029 = vector.broadcast %add3A_1028 : i32 to vector<16xi32>
    %add3A_1030 = arith.addi %add3A_1027, %add3A_1029 : vector<16xi32>
    %min3A_1031 = arith.constant 19 : i32
    %min3A_1032 = vector.broadcast %min3A_1031 : i32 to vector<16xi32>
    %min3A_1033 = arith.minsi %add3A_1030, %min3A_1032 : vector<16xi32>
    %swap3A_1034 = arith.constant 96 : index
    %swap3A_1035 = tpu.vector_load %arg6[%swap3A_1034] {strides = array<i32>} : memref<192xi32, #tpu.memory_space<vmem>>, vector<16xi32>,
    tpu.vector_store %arg6[%swap3A_1034], %add3A_986 {strides = array<i32>} : memref<192xi32, #tpu.memory_space<vmem>>, vector<16xi32>,
    %swap3A_1036 = arith.constant 96 : index
    %swap3A_1037 = tpu.vector_load %arg7[%swap3A_1036] {strides = array<i32>} : memref<192xi32, #tpu.memory_space<vmem>>, vector<16xi32>,
    tpu.vector_store %arg7[%swap3A_1036], %min3A_1033 {strides = array<i32>} : memref<192xi32, #tpu.memory_space<vmem>>, vector<16xi32>,
    %add3A_1038 = arith.constant 112 : i32
    %add3A_1039 = vector.broadcast %add3A_1038 : i32 to vector<16xi32>
    %add3A_1040 = arith.addi %iota3A, %add3A_1039 : vector<16xi32>
    %ge3A_1041 = arith.constant 19 : i32
    %ge3A_1042 = vector.broadcast %ge3A_1041 : i32 to vector<16xi32>
    %ge3A_1043 = arith.cmpi sge, %add3A_1040, %ge3A_1042 : vector<16xi32>
    %select_n3A_1044 = arith.select %ge3A_1043, %broadcast_in_dim3A_3, %broadcast_in_dim3A_5 : vector<16xi1>, vector<16xi32>
    %add3A_1045 = arith.addi %broadcast_in_dim3A_5, %select_n3A_1044 : vector<16xi32>
    %ge3A_1046 = arith.constant 37 : i32
    %ge3A_1047 = vector.broadcast %ge3A_1046 : i32 to vector<16xi32>
    %ge3A_1048 = arith.cmpi sge, %add3A_1040, %ge3A_1047 : vector<16xi32>
    %select_n3A_1049 = arith.select %ge3A_1048, %broadcast_in_dim3A_3, %broadcast_in_dim3A_5 : vector<16xi1>, vector<16xi32>
    %add3A_1050 = arith.addi %add3A_1045, %select_n3A_1049 : vector<16xi32>
    %ge3A_1051 = arith.constant 54 : i32
    %ge3A_1052 = vector.broadcast %ge3A_1051 : i32 to vector<16xi32>
    %ge3A_1053 = arith.cmpi sge, %add3A_1040, %ge3A_1052 : vector<16xi32>
    %select_n3A_1054 = arith.select %ge3A_1053, %broadcast_in_dim3A_3, %broadcast_in_dim3A_5 : vector<16xi1>, vector<16xi32>
    %add3A_1055 = arith.addi %add3A_1050, %select_n3A_1054 : vector<16xi32>
    %ge3A_1056 = arith.constant 70 : i32
    %ge3A_1057 = vector.broadcast %ge3A_1056 : i32 to vector<16xi32>
    %ge3A_1058 = arith.cmpi sge, %add3A_1040, %ge3A_1057 : vector<16xi32>
    %select_n3A_1059 = arith.select %ge3A_1058, %broadcast_in_dim3A_3, %broadcast_in_dim3A_5 : vector<16xi1>, vector<16xi32>
    %add3A_1060 = arith.addi %add3A_1055, %select_n3A_1059 : vector<16xi32>
    %ge3A_1061 = arith.constant 85 : i32
    %ge3A_1062 = vector.broadcast %ge3A_1061 : i32 to vector<16xi32>
    %ge3A_1063 = arith.cmpi sge, %add3A_1040, %ge3A_1062 : vector<16xi32>
    %select_n3A_1064 = arith.select %ge3A_1063, %broadcast_in_dim3A_3, %broadcast_in_dim3A_5 : vector<16xi1>, vector<16xi32>
    %add3A_1065 = arith.addi %add3A_1060, %select_n3A_1064 : vector<16xi32>
    %ge3A_1066 = arith.constant 99 : i32
    %ge3A_1067 = vector.broadcast %ge3A_1066 : i32 to vector<16xi32>
    %ge3A_1068 = arith.cmpi sge, %add3A_1040, %ge3A_1067 : vector<16xi32>
    %select_n3A_1069 = arith.select %ge3A_1068, %broadcast_in_dim3A_3, %broadcast_in_dim3A_5 : vector<16xi1>, vector<16xi32>
    %add3A_1070 = arith.addi %add3A_1065, %select_n3A_1069 : vector<16xi32>
    %ge3A_1071 = arith.constant 112 : i32
    %ge3A_1072 = vector.broadcast %ge3A_1071 : i32 to vector<16xi32>
    %ge3A_1073 = arith.cmpi sge, %add3A_1040, %ge3A_1072 : vector<16xi32>
    %select_n3A_1074 = arith.select %ge3A_1073, %broadcast_in_dim3A_3, %broadcast_in_dim3A_5 : vector<16xi1>, vector<16xi32>
    %add3A_1075 = arith.addi %add3A_1070, %select_n3A_1074 : vector<16xi32>
    %ge3A_1076 = arith.constant 124 : i32
    %ge3A_1077 = vector.broadcast %ge3A_1076 : i32 to vector<16xi32>
    %ge3A_1078 = arith.cmpi sge, %add3A_1040, %ge3A_1077 : vector<16xi32>
    %select_n3A_1079 = arith.select %ge3A_1078, %broadcast_in_dim3A_3, %broadcast_in_dim3A_5 : vector<16xi1>, vector<16xi32>
    %add3A_1080 = arith.addi %add3A_1075, %select_n3A_1079 : vector<16xi32>
    %ge3A_1081 = arith.constant 135 : i32
    %ge3A_1082 = vector.broadcast %ge3A_1081 : i32 to vector<16xi32>
    %ge3A_1083 = arith.cmpi sge, %add3A_1040, %ge3A_1082 : vector<16xi32>
    %select_n3A_1084 = arith.select %ge3A_1083, %broadcast_in_dim3A_3, %broadcast_in_dim3A_5 : vector<16xi1>, vector<16xi32>
    %add3A_1085 = arith.addi %add3A_1080, %select_n3A_1084 : vector<16xi32>
    %ge3A_1086 = arith.constant 145 : i32
    %ge3A_1087 = vector.broadcast %ge3A_1086 : i32 to vector<16xi32>
    %ge3A_1088 = arith.cmpi sge, %add3A_1040, %ge3A_1087 : vector<16xi32>
    %select_n3A_1089 = arith.select %ge3A_1088, %broadcast_in_dim3A_3, %broadcast_in_dim3A_5 : vector<16xi1>, vector<16xi32>
    %add3A_1090 = arith.addi %add3A_1085, %select_n3A_1089 : vector<16xi32>
    %ge3A_1091 = arith.constant 154 : i32
    %ge3A_1092 = vector.broadcast %ge3A_1091 : i32 to vector<16xi32>
    %ge3A_1093 = arith.cmpi sge, %add3A_1040, %ge3A_1092 : vector<16xi32>
    %select_n3A_1094 = arith.select %ge3A_1093, %broadcast_in_dim3A_3, %broadcast_in_dim3A_5 : vector<16xi1>, vector<16xi32>
    %add3A_1095 = arith.addi %add3A_1090, %select_n3A_1094 : vector<16xi32>
    %ge3A_1096 = arith.constant 162 : i32
    %ge3A_1097 = vector.broadcast %ge3A_1096 : i32 to vector<16xi32>
    %ge3A_1098 = arith.cmpi sge, %add3A_1040, %ge3A_1097 : vector<16xi32>
    %select_n3A_1099 = arith.select %ge3A_1098, %broadcast_in_dim3A_3, %broadcast_in_dim3A_5 : vector<16xi1>, vector<16xi32>
    %add3A_1100 = arith.addi %add3A_1095, %select_n3A_1099 : vector<16xi32>
    %ge3A_1101 = arith.constant 169 : i32
    %ge3A_1102 = vector.broadcast %ge3A_1101 : i32 to vector<16xi32>
    %ge3A_1103 = arith.cmpi sge, %add3A_1040, %ge3A_1102 : vector<16xi32>
    %select_n3A_1104 = arith.select %ge3A_1103, %broadcast_in_dim3A_3, %broadcast_in_dim3A_5 : vector<16xi1>, vector<16xi32>
    %add3A_1105 = arith.addi %add3A_1100, %select_n3A_1104 : vector<16xi32>
    %ge3A_1106 = arith.constant 175 : i32
    %ge3A_1107 = vector.broadcast %ge3A_1106 : i32 to vector<16xi32>
    %ge3A_1108 = arith.cmpi sge, %add3A_1040, %ge3A_1107 : vector<16xi32>
    %select_n3A_1109 = arith.select %ge3A_1108, %broadcast_in_dim3A_3, %broadcast_in_dim3A_5 : vector<16xi1>, vector<16xi32>
    %add3A_1110 = arith.addi %add3A_1105, %select_n3A_1109 : vector<16xi32>
    %ge3A_1111 = arith.constant 180 : i32
    %ge3A_1112 = vector.broadcast %ge3A_1111 : i32 to vector<16xi32>
    %ge3A_1113 = arith.cmpi sge, %add3A_1040, %ge3A_1112 : vector<16xi32>
    %select_n3A_1114 = arith.select %ge3A_1113, %broadcast_in_dim3A_3, %broadcast_in_dim3A_5 : vector<16xi1>, vector<16xi32>
    %add3A_1115 = arith.addi %add3A_1110, %select_n3A_1114 : vector<16xi32>
    %ge3A_1116 = arith.constant 184 : i32
    %ge3A_1117 = vector.broadcast %ge3A_1116 : i32 to vector<16xi32>
    %ge3A_1118 = arith.cmpi sge, %add3A_1040, %ge3A_1117 : vector<16xi32>
    %select_n3A_1119 = arith.select %ge3A_1118, %broadcast_in_dim3A_3, %broadcast_in_dim3A_5 : vector<16xi1>, vector<16xi32>
    %add3A_1120 = arith.addi %add3A_1115, %select_n3A_1119 : vector<16xi32>
    %ge3A_1121 = arith.constant 187 : i32
    %ge3A_1122 = vector.broadcast %ge3A_1121 : i32 to vector<16xi32>
    %ge3A_1123 = arith.cmpi sge, %add3A_1040, %ge3A_1122 : vector<16xi32>
    %select_n3A_1124 = arith.select %ge3A_1123, %broadcast_in_dim3A_3, %broadcast_in_dim3A_5 : vector<16xi1>, vector<16xi32>
    %add3A_1125 = arith.addi %add3A_1120, %select_n3A_1124 : vector<16xi32>
    %ge3A_1126 = arith.constant 189 : i32
    %ge3A_1127 = vector.broadcast %ge3A_1126 : i32 to vector<16xi32>
    %ge3A_1128 = arith.cmpi sge, %add3A_1040, %ge3A_1127 : vector<16xi32>
    %select_n3A_1129 = arith.select %ge3A_1128, %broadcast_in_dim3A_3, %broadcast_in_dim3A_5 : vector<16xi1>, vector<16xi32>
    %add3A_1130 = arith.addi %add3A_1125, %select_n3A_1129 : vector<16xi32>
    %ge3A_1131 = arith.constant 190 : i32
    %ge3A_1132 = vector.broadcast %ge3A_1131 : i32 to vector<16xi32>
    %ge3A_1133 = arith.cmpi sge, %add3A_1040, %ge3A_1132 : vector<16xi32>
    %select_n3A_1134 = arith.select %ge3A_1133, %broadcast_in_dim3A_3, %broadcast_in_dim3A_5 : vector<16xi1>, vector<16xi32>
    %add3A_1135 = arith.addi %add3A_1130, %select_n3A_1134 : vector<16xi32>
    %mul3A_1136 = arith.constant 20 : i32
    %mul3A_1137 = vector.broadcast %mul3A_1136 : i32 to vector<16xi32>
    %mul3A_1138 = arith.muli %add3A_1135, %mul3A_1137 : vector<16xi32>
    %add3A_1139 = arith.constant 1 : i32
    %add3A_1140 = vector.broadcast %add3A_1139 : i32 to vector<16xi32>
    %add3A_1141 = arith.addi %add3A_1135, %add3A_1140 : vector<16xi32>
    %mul3A_1142 = arith.muli %add3A_1135, %add3A_1141 : vector<16xi32>
    %jit3A_1143 = arith.constant 2 : i32
    %div3A_1144 = vector.broadcast %jit3A_1143 : i32 to vector<16xi32>
    %div3A_1145 = arith.divsi %mul3A_1142, %div3A_1144 : vector<16xi32>
    %sign3A_1146 = arith.constant 0 : i32
    %sign3A_1147 = vector.broadcast %sign3A_1146 : i32 to vector<16xi32>
    %sign3A_1148 = arith.cmpi sgt, %mul3A_1142, %sign3A_1147 : vector<16xi32>
    %sign3A_1149 = arith.extui %sign3A_1148 : vector<16xi1> to vector<16xi32>
    %sign3A_1150 = arith.constant 0 : i32
    %sign3A_1151 = vector.broadcast %sign3A_1150 : i32 to vector<16xi32>
    %sign3A_1152 = arith.cmpi slt, %mul3A_1142, %sign3A_1151 : vector<16xi32>
    %sign3A_1153 = arith.extui %sign3A_1152 : vector<16xi1> to vector<16xi32>
    %sign3A_1154 = arith.subi %sign3A_1149, %sign3A_1153 : vector<16xi32>
    %sign3A_1155 = arith.constant 0 : i32
    %sign3A_1156 = arith.cmpi sgt, %jit3A_1143, %sign3A_1155 : i32
    %sign3A_1157 = arith.extui %sign3A_1156 : i1 to i32
    %sign3A_1158 = arith.constant 0 : i32
    %sign3A_1159 = arith.cmpi slt, %jit3A_1143, %sign3A_1158 : i32
    %sign3A_1160 = arith.extui %sign3A_1159 : i1 to i32
    %sign3A_1161 = arith.subi %sign3A_1157, %sign3A_1160 : i32
    %ne3A_1162 = vector.broadcast %sign3A_1161 : i32 to vector<16xi32>
    %ne3A_1163 = arith.cmpi ne, %sign3A_1154, %ne3A_1162 : vector<16xi32>
    %rem3A_1164 = vector.broadcast %jit3A_1143 : i32 to vector<16xi32>
    %rem3A_1165 = arith.remsi %mul3A_1142, %rem3A_1164 : vector<16xi32>
    %ne3A_1166 = arith.constant 0 : i32
    %ne3A_1167 = vector.broadcast %ne3A_1166 : i32 to vector<16xi32>
    %ne3A_1168 = arith.cmpi ne, %rem3A_1165, %ne3A_1167 : vector<16xi32>
    %and3A_1169 = arith.andi %ne3A_1163, %ne3A_1168 : vector<16xi1>
    %sub3A_1170 = arith.constant 1 : i32
    %sub3A_1171 = vector.broadcast %sub3A_1170 : i32 to vector<16xi32>
    %sub3A_1172 = arith.subi %div3A_1145, %sub3A_1171 : vector<16xi32>
    %select_n3A_1173 = arith.select %and3A_1169, %sub3A_1172, %div3A_1145 : vector<16xi1>, vector<16xi32>
    %sub3A_1174 = arith.subi %mul3A_1138, %select_n3A_1173 : vector<16xi32>
    %sub3A_1175 = arith.subi %add3A_1040, %sub3A_1174 : vector<16xi32>
    %add3A_1176 = arith.addi %sub3A_1175, %add3A_1135 : vector<16xi32>
    %add3A_1177 = arith.constant 1 : i32
    %add3A_1178 = vector.broadcast %add3A_1177 : i32 to vector<16xi32>
    %add3A_1179 = arith.addi %add3A_1176, %add3A_1178 : vector<16xi32>
    %min3A_1180 = arith.constant 19 : i32
    %min3A_1181 = vector.broadcast %min3A_1180 : i32 to vector<16xi32>
    %min3A_1182 = arith.minsi %add3A_1179, %min3A_1181 : vector<16xi32>
    %swap3A_1183 = arith.constant 112 : index
    %swap3A_1184 = tpu.vector_load %arg6[%swap3A_1183] {strides = array<i32>} : memref<192xi32, #tpu.memory_space<vmem>>, vector<16xi32>,
    tpu.vector_store %arg6[%swap3A_1183], %add3A_1135 {strides = array<i32>} : memref<192xi32, #tpu.memory_space<vmem>>, vector<16xi32>,
    %swap3A_1185 = arith.constant 112 : index
    %swap3A_1186 = tpu.vector_load %arg7[%swap3A_1185] {strides = array<i32>} : memref<192xi32, #tpu.memory_space<vmem>>, vector<16xi32>,
    tpu.vector_store %arg7[%swap3A_1185], %min3A_1182 {strides = array<i32>} : memref<192xi32, #tpu.memory_space<vmem>>, vector<16xi32>,
    %add3A_1187 = arith.constant 128 : i32
    %add3A_1188 = vector.broadcast %add3A_1187 : i32 to vector<16xi32>
    %add3A_1189 = arith.addi %iota3A, %add3A_1188 : vector<16xi32>
    %ge3A_1190 = arith.constant 19 : i32
    %ge3A_1191 = vector.broadcast %ge3A_1190 : i32 to vector<16xi32>
    %ge3A_1192 = arith.cmpi sge, %add3A_1189, %ge3A_1191 : vector<16xi32>
    %select_n3A_1193 = arith.select %ge3A_1192, %broadcast_in_dim3A_3, %broadcast_in_dim3A_5 : vector<16xi1>, vector<16xi32>
    %add3A_1194 = arith.addi %broadcast_in_dim3A_5, %select_n3A_1193 : vector<16xi32>
    %ge3A_1195 = arith.constant 37 : i32
    %ge3A_1196 = vector.broadcast %ge3A_1195 : i32 to vector<16xi32>
    %ge3A_1197 = arith.cmpi sge, %add3A_1189, %ge3A_1196 : vector<16xi32>
    %select_n3A_1198 = arith.select %ge3A_1197, %broadcast_in_dim3A_3, %broadcast_in_dim3A_5 : vector<16xi1>, vector<16xi32>
    %add3A_1199 = arith.addi %add3A_1194, %select_n3A_1198 : vector<16xi32>
    %ge3A_1200 = arith.constant 54 : i32
    %ge3A_1201 = vector.broadcast %ge3A_1200 : i32 to vector<16xi32>
    %ge3A_1202 = arith.cmpi sge, %add3A_1189, %ge3A_1201 : vector<16xi32>
    %select_n3A_1203 = arith.select %ge3A_1202, %broadcast_in_dim3A_3, %broadcast_in_dim3A_5 : vector<16xi1>, vector<16xi32>
    %add3A_1204 = arith.addi %add3A_1199, %select_n3A_1203 : vector<16xi32>
    %ge3A_1205 = arith.constant 70 : i32
    %ge3A_1206 = vector.broadcast %ge3A_1205 : i32 to vector<16xi32>
    %ge3A_1207 = arith.cmpi sge, %add3A_1189, %ge3A_1206 : vector<16xi32>
    %select_n3A_1208 = arith.select %ge3A_1207, %broadcast_in_dim3A_3, %broadcast_in_dim3A_5 : vector<16xi1>, vector<16xi32>
    %add3A_1209 = arith.addi %add3A_1204, %select_n3A_1208 : vector<16xi32>
    %ge3A_1210 = arith.constant 85 : i32
    %ge3A_1211 = vector.broadcast %ge3A_1210 : i32 to vector<16xi32>
    %ge3A_1212 = arith.cmpi sge, %add3A_1189, %ge3A_1211 : vector<16xi32>
    %select_n3A_1213 = arith.select %ge3A_1212, %broadcast_in_dim3A_3, %broadcast_in_dim3A_5 : vector<16xi1>, vector<16xi32>
    %add3A_1214 = arith.addi %add3A_1209, %select_n3A_1213 : vector<16xi32>
    %ge3A_1215 = arith.constant 99 : i32
    %ge3A_1216 = vector.broadcast %ge3A_1215 : i32 to vector<16xi32>
    %ge3A_1217 = arith.cmpi sge, %add3A_1189, %ge3A_1216 : vector<16xi32>
    %select_n3A_1218 = arith.select %ge3A_1217, %broadcast_in_dim3A_3, %broadcast_in_dim3A_5 : vector<16xi1>, vector<16xi32>
    %add3A_1219 = arith.addi %add3A_1214, %select_n3A_1218 : vector<16xi32>
    %ge3A_1220 = arith.constant 112 : i32
    %ge3A_1221 = vector.broadcast %ge3A_1220 : i32 to vector<16xi32>
    %ge3A_1222 = arith.cmpi sge, %add3A_1189, %ge3A_1221 : vector<16xi32>
    %select_n3A_1223 = arith.select %ge3A_1222, %broadcast_in_dim3A_3, %broadcast_in_dim3A_5 : vector<16xi1>, vector<16xi32>
    %add3A_1224 = arith.addi %add3A_1219, %select_n3A_1223 : vector<16xi32>
    %ge3A_1225 = arith.constant 124 : i32
    %ge3A_1226 = vector.broadcast %ge3A_1225 : i32 to vector<16xi32>
    %ge3A_1227 = arith.cmpi sge, %add3A_1189, %ge3A_1226 : vector<16xi32>
    %select_n3A_1228 = arith.select %ge3A_1227, %broadcast_in_dim3A_3, %broadcast_in_dim3A_5 : vector<16xi1>, vector<16xi32>
    %add3A_1229 = arith.addi %add3A_1224, %select_n3A_1228 : vector<16xi32>
    %ge3A_1230 = arith.constant 135 : i32
    %ge3A_1231 = vector.broadcast %ge3A_1230 : i32 to vector<16xi32>
    %ge3A_1232 = arith.cmpi sge, %add3A_1189, %ge3A_1231 : vector<16xi32>
    %select_n3A_1233 = arith.select %ge3A_1232, %broadcast_in_dim3A_3, %broadcast_in_dim3A_5 : vector<16xi1>, vector<16xi32>
    %add3A_1234 = arith.addi %add3A_1229, %select_n3A_1233 : vector<16xi32>
    %ge3A_1235 = arith.constant 145 : i32
    %ge3A_1236 = vector.broadcast %ge3A_1235 : i32 to vector<16xi32>
    %ge3A_1237 = arith.cmpi sge, %add3A_1189, %ge3A_1236 : vector<16xi32>
    %select_n3A_1238 = arith.select %ge3A_1237, %broadcast_in_dim3A_3, %broadcast_in_dim3A_5 : vector<16xi1>, vector<16xi32>
    %add3A_1239 = arith.addi %add3A_1234, %select_n3A_1238 : vector<16xi32>
    %ge3A_1240 = arith.constant 154 : i32
    %ge3A_1241 = vector.broadcast %ge3A_1240 : i32 to vector<16xi32>
    %ge3A_1242 = arith.cmpi sge, %add3A_1189, %ge3A_1241 : vector<16xi32>
    %select_n3A_1243 = arith.select %ge3A_1242, %broadcast_in_dim3A_3, %broadcast_in_dim3A_5 : vector<16xi1>, vector<16xi32>
    %add3A_1244 = arith.addi %add3A_1239, %select_n3A_1243 : vector<16xi32>
    %ge3A_1245 = arith.constant 162 : i32
    %ge3A_1246 = vector.broadcast %ge3A_1245 : i32 to vector<16xi32>
    %ge3A_1247 = arith.cmpi sge, %add3A_1189, %ge3A_1246 : vector<16xi32>
    %select_n3A_1248 = arith.select %ge3A_1247, %broadcast_in_dim3A_3, %broadcast_in_dim3A_5 : vector<16xi1>, vector<16xi32>
    %add3A_1249 = arith.addi %add3A_1244, %select_n3A_1248 : vector<16xi32>
    %ge3A_1250 = arith.constant 169 : i32
    %ge3A_1251 = vector.broadcast %ge3A_1250 : i32 to vector<16xi32>
    %ge3A_1252 = arith.cmpi sge, %add3A_1189, %ge3A_1251 : vector<16xi32>
    %select_n3A_1253 = arith.select %ge3A_1252, %broadcast_in_dim3A_3, %broadcast_in_dim3A_5 : vector<16xi1>, vector<16xi32>
    %add3A_1254 = arith.addi %add3A_1249, %select_n3A_1253 : vector<16xi32>
    %ge3A_1255 = arith.constant 175 : i32
    %ge3A_1256 = vector.broadcast %ge3A_1255 : i32 to vector<16xi32>
    %ge3A_1257 = arith.cmpi sge, %add3A_1189, %ge3A_1256 : vector<16xi32>
    %select_n3A_1258 = arith.select %ge3A_1257, %broadcast_in_dim3A_3, %broadcast_in_dim3A_5 : vector<16xi1>, vector<16xi32>
    %add3A_1259 = arith.addi %add3A_1254, %select_n3A_1258 : vector<16xi32>
    %ge3A_1260 = arith.constant 180 : i32
    %ge3A_1261 = vector.broadcast %ge3A_1260 : i32 to vector<16xi32>
    %ge3A_1262 = arith.cmpi sge, %add3A_1189, %ge3A_1261 : vector<16xi32>
    %select_n3A_1263 = arith.select %ge3A_1262, %broadcast_in_dim3A_3, %broadcast_in_dim3A_5 : vector<16xi1>, vector<16xi32>
    %add3A_1264 = arith.addi %add3A_1259, %select_n3A_1263 : vector<16xi32>
    %ge3A_1265 = arith.constant 184 : i32
    %ge3A_1266 = vector.broadcast %ge3A_1265 : i32 to vector<16xi32>
    %ge3A_1267 = arith.cmpi sge, %add3A_1189, %ge3A_1266 : vector<16xi32>
    %select_n3A_1268 = arith.select %ge3A_1267, %broadcast_in_dim3A_3, %broadcast_in_dim3A_5 : vector<16xi1>, vector<16xi32>
    %add3A_1269 = arith.addi %add3A_1264, %select_n3A_1268 : vector<16xi32>
    %ge3A_1270 = arith.constant 187 : i32
    %ge3A_1271 = vector.broadcast %ge3A_1270 : i32 to vector<16xi32>
    %ge3A_1272 = arith.cmpi sge, %add3A_1189, %ge3A_1271 : vector<16xi32>
    %select_n3A_1273 = arith.select %ge3A_1272, %broadcast_in_dim3A_3, %broadcast_in_dim3A_5 : vector<16xi1>, vector<16xi32>
    %add3A_1274 = arith.addi %add3A_1269, %select_n3A_1273 : vector<16xi32>
    %ge3A_1275 = arith.constant 189 : i32
    %ge3A_1276 = vector.broadcast %ge3A_1275 : i32 to vector<16xi32>
    %ge3A_1277 = arith.cmpi sge, %add3A_1189, %ge3A_1276 : vector<16xi32>
    %select_n3A_1278 = arith.select %ge3A_1277, %broadcast_in_dim3A_3, %broadcast_in_dim3A_5 : vector<16xi1>, vector<16xi32>
    %add3A_1279 = arith.addi %add3A_1274, %select_n3A_1278 : vector<16xi32>
    %ge3A_1280 = arith.constant 190 : i32
    %ge3A_1281 = vector.broadcast %ge3A_1280 : i32 to vector<16xi32>
    %ge3A_1282 = arith.cmpi sge, %add3A_1189, %ge3A_1281 : vector<16xi32>
    %select_n3A_1283 = arith.select %ge3A_1282, %broadcast_in_dim3A_3, %broadcast_in_dim3A_5 : vector<16xi1>, vector<16xi32>
    %add3A_1284 = arith.addi %add3A_1279, %select_n3A_1283 : vector<16xi32>
    %mul3A_1285 = arith.constant 20 : i32
    %mul3A_1286 = vector.broadcast %mul3A_1285 : i32 to vector<16xi32>
    %mul3A_1287 = arith.muli %add3A_1284, %mul3A_1286 : vector<16xi32>
    %add3A_1288 = arith.constant 1 : i32
    %add3A_1289 = vector.broadcast %add3A_1288 : i32 to vector<16xi32>
    %add3A_1290 = arith.addi %add3A_1284, %add3A_1289 : vector<16xi32>
    %mul3A_1291 = arith.muli %add3A_1284, %add3A_1290 : vector<16xi32>
    %jit3A_1292 = arith.constant 2 : i32
    %div3A_1293 = vector.broadcast %jit3A_1292 : i32 to vector<16xi32>
    %div3A_1294 = arith.divsi %mul3A_1291, %div3A_1293 : vector<16xi32>
    %sign3A_1295 = arith.constant 0 : i32
    %sign3A_1296 = vector.broadcast %sign3A_1295 : i32 to vector<16xi32>
    %sign3A_1297 = arith.cmpi sgt, %mul3A_1291, %sign3A_1296 : vector<16xi32>
    %sign3A_1298 = arith.extui %sign3A_1297 : vector<16xi1> to vector<16xi32>
    %sign3A_1299 = arith.constant 0 : i32
    %sign3A_1300 = vector.broadcast %sign3A_1299 : i32 to vector<16xi32>
    %sign3A_1301 = arith.cmpi slt, %mul3A_1291, %sign3A_1300 : vector<16xi32>
    %sign3A_1302 = arith.extui %sign3A_1301 : vector<16xi1> to vector<16xi32>
    %sign3A_1303 = arith.subi %sign3A_1298, %sign3A_1302 : vector<16xi32>
    %sign3A_1304 = arith.constant 0 : i32
    %sign3A_1305 = arith.cmpi sgt, %jit3A_1292, %sign3A_1304 : i32
    %sign3A_1306 = arith.extui %sign3A_1305 : i1 to i32
    %sign3A_1307 = arith.constant 0 : i32
    %sign3A_1308 = arith.cmpi slt, %jit3A_1292, %sign3A_1307 : i32
    %sign3A_1309 = arith.extui %sign3A_1308 : i1 to i32
    %sign3A_1310 = arith.subi %sign3A_1306, %sign3A_1309 : i32
    %ne3A_1311 = vector.broadcast %sign3A_1310 : i32 to vector<16xi32>
    %ne3A_1312 = arith.cmpi ne, %sign3A_1303, %ne3A_1311 : vector<16xi32>
    %rem3A_1313 = vector.broadcast %jit3A_1292 : i32 to vector<16xi32>
    %rem3A_1314 = arith.remsi %mul3A_1291, %rem3A_1313 : vector<16xi32>
    %ne3A_1315 = arith.constant 0 : i32
    %ne3A_1316 = vector.broadcast %ne3A_1315 : i32 to vector<16xi32>
    %ne3A_1317 = arith.cmpi ne, %rem3A_1314, %ne3A_1316 : vector<16xi32>
    %and3A_1318 = arith.andi %ne3A_1312, %ne3A_1317 : vector<16xi1>
    %sub3A_1319 = arith.constant 1 : i32
    %sub3A_1320 = vector.broadcast %sub3A_1319 : i32 to vector<16xi32>
    %sub3A_1321 = arith.subi %div3A_1294, %sub3A_1320 : vector<16xi32>
    %select_n3A_1322 = arith.select %and3A_1318, %sub3A_1321, %div3A_1294 : vector<16xi1>, vector<16xi32>
    %sub3A_1323 = arith.subi %mul3A_1287, %select_n3A_1322 : vector<16xi32>
    %sub3A_1324 = arith.subi %add3A_1189, %sub3A_1323 : vector<16xi32>
    %add3A_1325 = arith.addi %sub3A_1324, %add3A_1284 : vector<16xi32>
    %add3A_1326 = arith.constant 1 : i32
    %add3A_1327 = vector.broadcast %add3A_1326 : i32 to vector<16xi32>
    %add3A_1328 = arith.addi %add3A_1325, %add3A_1327 : vector<16xi32>
    %min3A_1329 = arith.constant 19 : i32
    %min3A_1330 = vector.broadcast %min3A_1329 : i32 to vector<16xi32>
    %min3A_1331 = arith.minsi %add3A_1328, %min3A_1330 : vector<16xi32>
    %swap3A_1332 = arith.constant 128 : index
    %swap3A_1333 = tpu.vector_load %arg6[%swap3A_1332] {strides = array<i32>} : memref<192xi32, #tpu.memory_space<vmem>>, vector<16xi32>,
    tpu.vector_store %arg6[%swap3A_1332], %add3A_1284 {strides = array<i32>} : memref<192xi32, #tpu.memory_space<vmem>>, vector<16xi32>,
    %swap3A_1334 = arith.constant 128 : index
    %swap3A_1335 = tpu.vector_load %arg7[%swap3A_1334] {strides = array<i32>} : memref<192xi32, #tpu.memory_space<vmem>>, vector<16xi32>,
    tpu.vector_store %arg7[%swap3A_1334], %min3A_1331 {strides = array<i32>} : memref<192xi32, #tpu.memory_space<vmem>>, vector<16xi32>,
    %add3A_1336 = arith.constant 144 : i32
    %add3A_1337 = vector.broadcast %add3A_1336 : i32 to vector<16xi32>
    %add3A_1338 = arith.addi %iota3A, %add3A_1337 : vector<16xi32>
    %ge3A_1339 = arith.constant 19 : i32
    %ge3A_1340 = vector.broadcast %ge3A_1339 : i32 to vector<16xi32>
    %ge3A_1341 = arith.cmpi sge, %add3A_1338, %ge3A_1340 : vector<16xi32>
    %select_n3A_1342 = arith.select %ge3A_1341, %broadcast_in_dim3A_3, %broadcast_in_dim3A_5 : vector<16xi1>, vector<16xi32>
    %add3A_1343 = arith.addi %broadcast_in_dim3A_5, %select_n3A_1342 : vector<16xi32>
    %ge3A_1344 = arith.constant 37 : i32
    %ge3A_1345 = vector.broadcast %ge3A_1344 : i32 to vector<16xi32>
    %ge3A_1346 = arith.cmpi sge, %add3A_1338, %ge3A_1345 : vector<16xi32>
    %select_n3A_1347 = arith.select %ge3A_1346, %broadcast_in_dim3A_3, %broadcast_in_dim3A_5 : vector<16xi1>, vector<16xi32>
    %add3A_1348 = arith.addi %add3A_1343, %select_n3A_1347 : vector<16xi32>
    %ge3A_1349 = arith.constant 54 : i32
    %ge3A_1350 = vector.broadcast %ge3A_1349 : i32 to vector<16xi32>
    %ge3A_1351 = arith.cmpi sge, %add3A_1338, %ge3A_1350 : vector<16xi32>
    %select_n3A_1352 = arith.select %ge3A_1351, %broadcast_in_dim3A_3, %broadcast_in_dim3A_5 : vector<16xi1>, vector<16xi32>
    %add3A_1353 = arith.addi %add3A_1348, %select_n3A_1352 : vector<16xi32>
    %ge3A_1354 = arith.constant 70 : i32
    %ge3A_1355 = vector.broadcast %ge3A_1354 : i32 to vector<16xi32>
    %ge3A_1356 = arith.cmpi sge, %add3A_1338, %ge3A_1355 : vector<16xi32>
    %select_n3A_1357 = arith.select %ge3A_1356, %broadcast_in_dim3A_3, %broadcast_in_dim3A_5 : vector<16xi1>, vector<16xi32>
    %add3A_1358 = arith.addi %add3A_1353, %select_n3A_1357 : vector<16xi32>
    %ge3A_1359 = arith.constant 85 : i32
    %ge3A_1360 = vector.broadcast %ge3A_1359 : i32 to vector<16xi32>
    %ge3A_1361 = arith.cmpi sge, %add3A_1338, %ge3A_1360 : vector<16xi32>
    %select_n3A_1362 = arith.select %ge3A_1361, %broadcast_in_dim3A_3, %broadcast_in_dim3A_5 : vector<16xi1>, vector<16xi32>
    %add3A_1363 = arith.addi %add3A_1358, %select_n3A_1362 : vector<16xi32>
    %ge3A_1364 = arith.constant 99 : i32
    %ge3A_1365 = vector.broadcast %ge3A_1364 : i32 to vector<16xi32>
    %ge3A_1366 = arith.cmpi sge, %add3A_1338, %ge3A_1365 : vector<16xi32>
    %select_n3A_1367 = arith.select %ge3A_1366, %broadcast_in_dim3A_3, %broadcast_in_dim3A_5 : vector<16xi1>, vector<16xi32>
    %add3A_1368 = arith.addi %add3A_1363, %select_n3A_1367 : vector<16xi32>
    %ge3A_1369 = arith.constant 112 : i32
    %ge3A_1370 = vector.broadcast %ge3A_1369 : i32 to vector<16xi32>
    %ge3A_1371 = arith.cmpi sge, %add3A_1338, %ge3A_1370 : vector<16xi32>
    %select_n3A_1372 = arith.select %ge3A_1371, %broadcast_in_dim3A_3, %broadcast_in_dim3A_5 : vector<16xi1>, vector<16xi32>
    %add3A_1373 = arith.addi %add3A_1368, %select_n3A_1372 : vector<16xi32>
    %ge3A_1374 = arith.constant 124 : i32
    %ge3A_1375 = vector.broadcast %ge3A_1374 : i32 to vector<16xi32>
    %ge3A_1376 = arith.cmpi sge, %add3A_1338, %ge3A_1375 : vector<16xi32>
    %select_n3A_1377 = arith.select %ge3A_1376, %broadcast_in_dim3A_3, %broadcast_in_dim3A_5 : vector<16xi1>, vector<16xi32>
    %add3A_1378 = arith.addi %add3A_1373, %select_n3A_1377 : vector<16xi32>
    %ge3A_1379 = arith.constant 135 : i32
    %ge3A_1380 = vector.broadcast %ge3A_1379 : i32 to vector<16xi32>
    %ge3A_1381 = arith.cmpi sge, %add3A_1338, %ge3A_1380 : vector<16xi32>
    %select_n3A_1382 = arith.select %ge3A_1381, %broadcast_in_dim3A_3, %broadcast_in_dim3A_5 : vector<16xi1>, vector<16xi32>
    %add3A_1383 = arith.addi %add3A_1378, %select_n3A_1382 : vector<16xi32>
    %ge3A_1384 = arith.constant 145 : i32
    %ge3A_1385 = vector.broadcast %ge3A_1384 : i32 to vector<16xi32>
    %ge3A_1386 = arith.cmpi sge, %add3A_1338, %ge3A_1385 : vector<16xi32>
    %select_n3A_1387 = arith.select %ge3A_1386, %broadcast_in_dim3A_3, %broadcast_in_dim3A_5 : vector<16xi1>, vector<16xi32>
    %add3A_1388 = arith.addi %add3A_1383, %select_n3A_1387 : vector<16xi32>
    %ge3A_1389 = arith.constant 154 : i32
    %ge3A_1390 = vector.broadcast %ge3A_1389 : i32 to vector<16xi32>
    %ge3A_1391 = arith.cmpi sge, %add3A_1338, %ge3A_1390 : vector<16xi32>
    %select_n3A_1392 = arith.select %ge3A_1391, %broadcast_in_dim3A_3, %broadcast_in_dim3A_5 : vector<16xi1>, vector<16xi32>
    %add3A_1393 = arith.addi %add3A_1388, %select_n3A_1392 : vector<16xi32>
    %ge3A_1394 = arith.constant 162 : i32
    %ge3A_1395 = vector.broadcast %ge3A_1394 : i32 to vector<16xi32>
    %ge3A_1396 = arith.cmpi sge, %add3A_1338, %ge3A_1395 : vector<16xi32>
    %select_n3A_1397 = arith.select %ge3A_1396, %broadcast_in_dim3A_3, %broadcast_in_dim3A_5 : vector<16xi1>, vector<16xi32>
    %add3A_1398 = arith.addi %add3A_1393, %select_n3A_1397 : vector<16xi32>
    %ge3A_1399 = arith.constant 169 : i32
    %ge3A_1400 = vector.broadcast %ge3A_1399 : i32 to vector<16xi32>
    %ge3A_1401 = arith.cmpi sge, %add3A_1338, %ge3A_1400 : vector<16xi32>
    %select_n3A_1402 = arith.select %ge3A_1401, %broadcast_in_dim3A_3, %broadcast_in_dim3A_5 : vector<16xi1>, vector<16xi32>
    %add3A_1403 = arith.addi %add3A_1398, %select_n3A_1402 : vector<16xi32>
    %ge3A_1404 = arith.constant 175 : i32
    %ge3A_1405 = vector.broadcast %ge3A_1404 : i32 to vector<16xi32>
    %ge3A_1406 = arith.cmpi sge, %add3A_1338, %ge3A_1405 : vector<16xi32>
    %select_n3A_1407 = arith.select %ge3A_1406, %broadcast_in_dim3A_3, %broadcast_in_dim3A_5 : vector<16xi1>, vector<16xi32>
    %add3A_1408 = arith.addi %add3A_1403, %select_n3A_1407 : vector<16xi32>
    %ge3A_1409 = arith.constant 180 : i32
    %ge3A_1410 = vector.broadcast %ge3A_1409 : i32 to vector<16xi32>
    %ge3A_1411 = arith.cmpi sge, %add3A_1338, %ge3A_1410 : vector<16xi32>
    %select_n3A_1412 = arith.select %ge3A_1411, %broadcast_in_dim3A_3, %broadcast_in_dim3A_5 : vector<16xi1>, vector<16xi32>
    %add3A_1413 = arith.addi %add3A_1408, %select_n3A_1412 : vector<16xi32>
    %ge3A_1414 = arith.constant 184 : i32
    %ge3A_1415 = vector.broadcast %ge3A_1414 : i32 to vector<16xi32>
    %ge3A_1416 = arith.cmpi sge, %add3A_1338, %ge3A_1415 : vector<16xi32>
    %select_n3A_1417 = arith.select %ge3A_1416, %broadcast_in_dim3A_3, %broadcast_in_dim3A_5 : vector<16xi1>, vector<16xi32>
    %add3A_1418 = arith.addi %add3A_1413, %select_n3A_1417 : vector<16xi32>
    %ge3A_1419 = arith.constant 187 : i32
    %ge3A_1420 = vector.broadcast %ge3A_1419 : i32 to vector<16xi32>
    %ge3A_1421 = arith.cmpi sge, %add3A_1338, %ge3A_1420 : vector<16xi32>
    %select_n3A_1422 = arith.select %ge3A_1421, %broadcast_in_dim3A_3, %broadcast_in_dim3A_5 : vector<16xi1>, vector<16xi32>
    %add3A_1423 = arith.addi %add3A_1418, %select_n3A_1422 : vector<16xi32>
    %ge3A_1424 = arith.constant 189 : i32
    %ge3A_1425 = vector.broadcast %ge3A_1424 : i32 to vector<16xi32>
    %ge3A_1426 = arith.cmpi sge, %add3A_1338, %ge3A_1425 : vector<16xi32>
    %select_n3A_1427 = arith.select %ge3A_1426, %broadcast_in_dim3A_3, %broadcast_in_dim3A_5 : vector<16xi1>, vector<16xi32>
    %add3A_1428 = arith.addi %add3A_1423, %select_n3A_1427 : vector<16xi32>
    %ge3A_1429 = arith.constant 190 : i32
    %ge3A_1430 = vector.broadcast %ge3A_1429 : i32 to vector<16xi32>
    %ge3A_1431 = arith.cmpi sge, %add3A_1338, %ge3A_1430 : vector<16xi32>
    %select_n3A_1432 = arith.select %ge3A_1431, %broadcast_in_dim3A_3, %broadcast_in_dim3A_5 : vector<16xi1>, vector<16xi32>
    %add3A_1433 = arith.addi %add3A_1428, %select_n3A_1432 : vector<16xi32>
    %mul3A_1434 = arith.constant 20 : i32
    %mul3A_1435 = vector.broadcast %mul3A_1434 : i32 to vector<16xi32>
    %mul3A_1436 = arith.muli %add3A_1433, %mul3A_1435 : vector<16xi32>
    %add3A_1437 = arith.constant 1 : i32
    %add3A_1438 = vector.broadcast %add3A_1437 : i32 to vector<16xi32>
    %add3A_1439 = arith.addi %add3A_1433, %add3A_1438 : vector<16xi32>
    %mul3A_1440 = arith.muli %add3A_1433, %add3A_1439 : vector<16xi32>
    %jit3A_1441 = arith.constant 2 : i32
    %div3A_1442 = vector.broadcast %jit3A_1441 : i32 to vector<16xi32>
    %div3A_1443 = arith.divsi %mul3A_1440, %div3A_1442 : vector<16xi32>
    %sign3A_1444 = arith.constant 0 : i32
    %sign3A_1445 = vector.broadcast %sign3A_1444 : i32 to vector<16xi32>
    %sign3A_1446 = arith.cmpi sgt, %mul3A_1440, %sign3A_1445 : vector<16xi32>
    %sign3A_1447 = arith.extui %sign3A_1446 : vector<16xi1> to vector<16xi32>
    %sign3A_1448 = arith.constant 0 : i32
    %sign3A_1449 = vector.broadcast %sign3A_1448 : i32 to vector<16xi32>
    %sign3A_1450 = arith.cmpi slt, %mul3A_1440, %sign3A_1449 : vector<16xi32>
    %sign3A_1451 = arith.extui %sign3A_1450 : vector<16xi1> to vector<16xi32>
    %sign3A_1452 = arith.subi %sign3A_1447, %sign3A_1451 : vector<16xi32>
    %sign3A_1453 = arith.constant 0 : i32
    %sign3A_1454 = arith.cmpi sgt, %jit3A_1441, %sign3A_1453 : i32
    %sign3A_1455 = arith.extui %sign3A_1454 : i1 to i32
    %sign3A_1456 = arith.constant 0 : i32
    %sign3A_1457 = arith.cmpi slt, %jit3A_1441, %sign3A_1456 : i32
    %sign3A_1458 = arith.extui %sign3A_1457 : i1 to i32
    %sign3A_1459 = arith.subi %sign3A_1455, %sign3A_1458 : i32
    %ne3A_1460 = vector.broadcast %sign3A_1459 : i32 to vector<16xi32>
    %ne3A_1461 = arith.cmpi ne, %sign3A_1452, %ne3A_1460 : vector<16xi32>
    %rem3A_1462 = vector.broadcast %jit3A_1441 : i32 to vector<16xi32>
    %rem3A_1463 = arith.remsi %mul3A_1440, %rem3A_1462 : vector<16xi32>
    %ne3A_1464 = arith.constant 0 : i32
    %ne3A_1465 = vector.broadcast %ne3A_1464 : i32 to vector<16xi32>
    %ne3A_1466 = arith.cmpi ne, %rem3A_1463, %ne3A_1465 : vector<16xi32>
    %and3A_1467 = arith.andi %ne3A_1461, %ne3A_1466 : vector<16xi1>
    %sub3A_1468 = arith.constant 1 : i32
    %sub3A_1469 = vector.broadcast %sub3A_1468 : i32 to vector<16xi32>
    %sub3A_1470 = arith.subi %div3A_1443, %sub3A_1469 : vector<16xi32>
    %select_n3A_1471 = arith.select %and3A_1467, %sub3A_1470, %div3A_1443 : vector<16xi1>, vector<16xi32>
    %sub3A_1472 = arith.subi %mul3A_1436, %select_n3A_1471 : vector<16xi32>
    %sub3A_1473 = arith.subi %add3A_1338, %sub3A_1472 : vector<16xi32>
    %add3A_1474 = arith.addi %sub3A_1473, %add3A_1433 : vector<16xi32>
    %add3A_1475 = arith.constant 1 : i32
    %add3A_1476 = vector.broadcast %add3A_1475 : i32 to vector<16xi32>
    %add3A_1477 = arith.addi %add3A_1474, %add3A_1476 : vector<16xi32>
    %min3A_1478 = arith.constant 19 : i32
    %min3A_1479 = vector.broadcast %min3A_1478 : i32 to vector<16xi32>
    %min3A_1480 = arith.minsi %add3A_1477, %min3A_1479 : vector<16xi32>
    %swap3A_1481 = arith.constant 144 : index
    %swap3A_1482 = tpu.vector_load %arg6[%swap3A_1481] {strides = array<i32>} : memref<192xi32, #tpu.memory_space<vmem>>, vector<16xi32>,
    tpu.vector_store %arg6[%swap3A_1481], %add3A_1433 {strides = array<i32>} : memref<192xi32, #tpu.memory_space<vmem>>, vector<16xi32>,
    %swap3A_1483 = arith.constant 144 : index
    %swap3A_1484 = tpu.vector_load %arg7[%swap3A_1483] {strides = array<i32>} : memref<192xi32, #tpu.memory_space<vmem>>, vector<16xi32>,
    tpu.vector_store %arg7[%swap3A_1483], %min3A_1480 {strides = array<i32>} : memref<192xi32, #tpu.memory_space<vmem>>, vector<16xi32>,
    %add3A_1485 = arith.constant 160 : i32
    %add3A_1486 = vector.broadcast %add3A_1485 : i32 to vector<16xi32>
    %add3A_1487 = arith.addi %iota3A, %add3A_1486 : vector<16xi32>
    %ge3A_1488 = arith.constant 19 : i32
    %ge3A_1489 = vector.broadcast %ge3A_1488 : i32 to vector<16xi32>
    %ge3A_1490 = arith.cmpi sge, %add3A_1487, %ge3A_1489 : vector<16xi32>
    %select_n3A_1491 = arith.select %ge3A_1490, %broadcast_in_dim3A_3, %broadcast_in_dim3A_5 : vector<16xi1>, vector<16xi32>
    %add3A_1492 = arith.addi %broadcast_in_dim3A_5, %select_n3A_1491 : vector<16xi32>
    %ge3A_1493 = arith.constant 37 : i32
    %ge3A_1494 = vector.broadcast %ge3A_1493 : i32 to vector<16xi32>
    %ge3A_1495 = arith.cmpi sge, %add3A_1487, %ge3A_1494 : vector<16xi32>
    %select_n3A_1496 = arith.select %ge3A_1495, %broadcast_in_dim3A_3, %broadcast_in_dim3A_5 : vector<16xi1>, vector<16xi32>
    %add3A_1497 = arith.addi %add3A_1492, %select_n3A_1496 : vector<16xi32>
    %ge3A_1498 = arith.constant 54 : i32
    %ge3A_1499 = vector.broadcast %ge3A_1498 : i32 to vector<16xi32>
    %ge3A_1500 = arith.cmpi sge, %add3A_1487, %ge3A_1499 : vector<16xi32>
    %select_n3A_1501 = arith.select %ge3A_1500, %broadcast_in_dim3A_3, %broadcast_in_dim3A_5 : vector<16xi1>, vector<16xi32>
    %add3A_1502 = arith.addi %add3A_1497, %select_n3A_1501 : vector<16xi32>
    %ge3A_1503 = arith.constant 70 : i32
    %ge3A_1504 = vector.broadcast %ge3A_1503 : i32 to vector<16xi32>
    %ge3A_1505 = arith.cmpi sge, %add3A_1487, %ge3A_1504 : vector<16xi32>
    %select_n3A_1506 = arith.select %ge3A_1505, %broadcast_in_dim3A_3, %broadcast_in_dim3A_5 : vector<16xi1>, vector<16xi32>
    %add3A_1507 = arith.addi %add3A_1502, %select_n3A_1506 : vector<16xi32>
    %ge3A_1508 = arith.constant 85 : i32
    %ge3A_1509 = vector.broadcast %ge3A_1508 : i32 to vector<16xi32>
    %ge3A_1510 = arith.cmpi sge, %add3A_1487, %ge3A_1509 : vector<16xi32>
    %select_n3A_1511 = arith.select %ge3A_1510, %broadcast_in_dim3A_3, %broadcast_in_dim3A_5 : vector<16xi1>, vector<16xi32>
    %add3A_1512 = arith.addi %add3A_1507, %select_n3A_1511 : vector<16xi32>
    %ge3A_1513 = arith.constant 99 : i32
    %ge3A_1514 = vector.broadcast %ge3A_1513 : i32 to vector<16xi32>
    %ge3A_1515 = arith.cmpi sge, %add3A_1487, %ge3A_1514 : vector<16xi32>
    %select_n3A_1516 = arith.select %ge3A_1515, %broadcast_in_dim3A_3, %broadcast_in_dim3A_5 : vector<16xi1>, vector<16xi32>
    %add3A_1517 = arith.addi %add3A_1512, %select_n3A_1516 : vector<16xi32>
    %ge3A_1518 = arith.constant 112 : i32
    %ge3A_1519 = vector.broadcast %ge3A_1518 : i32 to vector<16xi32>
    %ge3A_1520 = arith.cmpi sge, %add3A_1487, %ge3A_1519 : vector<16xi32>
    %select_n3A_1521 = arith.select %ge3A_1520, %broadcast_in_dim3A_3, %broadcast_in_dim3A_5 : vector<16xi1>, vector<16xi32>
    %add3A_1522 = arith.addi %add3A_1517, %select_n3A_1521 : vector<16xi32>
    %ge3A_1523 = arith.constant 124 : i32
    %ge3A_1524 = vector.broadcast %ge3A_1523 : i32 to vector<16xi32>
    %ge3A_1525 = arith.cmpi sge, %add3A_1487, %ge3A_1524 : vector<16xi32>
    %select_n3A_1526 = arith.select %ge3A_1525, %broadcast_in_dim3A_3, %broadcast_in_dim3A_5 : vector<16xi1>, vector<16xi32>
    %add3A_1527 = arith.addi %add3A_1522, %select_n3A_1526 : vector<16xi32>
    %ge3A_1528 = arith.constant 135 : i32
    %ge3A_1529 = vector.broadcast %ge3A_1528 : i32 to vector<16xi32>
    %ge3A_1530 = arith.cmpi sge, %add3A_1487, %ge3A_1529 : vector<16xi32>
    %select_n3A_1531 = arith.select %ge3A_1530, %broadcast_in_dim3A_3, %broadcast_in_dim3A_5 : vector<16xi1>, vector<16xi32>
    %add3A_1532 = arith.addi %add3A_1527, %select_n3A_1531 : vector<16xi32>
    %ge3A_1533 = arith.constant 145 : i32
    %ge3A_1534 = vector.broadcast %ge3A_1533 : i32 to vector<16xi32>
    %ge3A_1535 = arith.cmpi sge, %add3A_1487, %ge3A_1534 : vector<16xi32>
    %select_n3A_1536 = arith.select %ge3A_1535, %broadcast_in_dim3A_3, %broadcast_in_dim3A_5 : vector<16xi1>, vector<16xi32>
    %add3A_1537 = arith.addi %add3A_1532, %select_n3A_1536 : vector<16xi32>
    %ge3A_1538 = arith.constant 154 : i32
    %ge3A_1539 = vector.broadcast %ge3A_1538 : i32 to vector<16xi32>
    %ge3A_1540 = arith.cmpi sge, %add3A_1487, %ge3A_1539 : vector<16xi32>
    %select_n3A_1541 = arith.select %ge3A_1540, %broadcast_in_dim3A_3, %broadcast_in_dim3A_5 : vector<16xi1>, vector<16xi32>
    %add3A_1542 = arith.addi %add3A_1537, %select_n3A_1541 : vector<16xi32>
    %ge3A_1543 = arith.constant 162 : i32
    %ge3A_1544 = vector.broadcast %ge3A_1543 : i32 to vector<16xi32>
    %ge3A_1545 = arith.cmpi sge, %add3A_1487, %ge3A_1544 : vector<16xi32>
    %select_n3A_1546 = arith.select %ge3A_1545, %broadcast_in_dim3A_3, %broadcast_in_dim3A_5 : vector<16xi1>, vector<16xi32>
    %add3A_1547 = arith.addi %add3A_1542, %select_n3A_1546 : vector<16xi32>
    %ge3A_1548 = arith.constant 169 : i32
    %ge3A_1549 = vector.broadcast %ge3A_1548 : i32 to vector<16xi32>
    %ge3A_1550 = arith.cmpi sge, %add3A_1487, %ge3A_1549 : vector<16xi32>
    %select_n3A_1551 = arith.select %ge3A_1550, %broadcast_in_dim3A_3, %broadcast_in_dim3A_5 : vector<16xi1>, vector<16xi32>
    %add3A_1552 = arith.addi %add3A_1547, %select_n3A_1551 : vector<16xi32>
    %ge3A_1553 = arith.constant 175 : i32
    %ge3A_1554 = vector.broadcast %ge3A_1553 : i32 to vector<16xi32>
    %ge3A_1555 = arith.cmpi sge, %add3A_1487, %ge3A_1554 : vector<16xi32>
    %select_n3A_1556 = arith.select %ge3A_1555, %broadcast_in_dim3A_3, %broadcast_in_dim3A_5 : vector<16xi1>, vector<16xi32>
    %add3A_1557 = arith.addi %add3A_1552, %select_n3A_1556 : vector<16xi32>
    %ge3A_1558 = arith.constant 180 : i32
    %ge3A_1559 = vector.broadcast %ge3A_1558 : i32 to vector<16xi32>
    %ge3A_1560 = arith.cmpi sge, %add3A_1487, %ge3A_1559 : vector<16xi32>
    %select_n3A_1561 = arith.select %ge3A_1560, %broadcast_in_dim3A_3, %broadcast_in_dim3A_5 : vector<16xi1>, vector<16xi32>
    %add3A_1562 = arith.addi %add3A_1557, %select_n3A_1561 : vector<16xi32>
    %ge3A_1563 = arith.constant 184 : i32
    %ge3A_1564 = vector.broadcast %ge3A_1563 : i32 to vector<16xi32>
    %ge3A_1565 = arith.cmpi sge, %add3A_1487, %ge3A_1564 : vector<16xi32>
    %select_n3A_1566 = arith.select %ge3A_1565, %broadcast_in_dim3A_3, %broadcast_in_dim3A_5 : vector<16xi1>, vector<16xi32>
    %add3A_1567 = arith.addi %add3A_1562, %select_n3A_1566 : vector<16xi32>
    %ge3A_1568 = arith.constant 187 : i32
    %ge3A_1569 = vector.broadcast %ge3A_1568 : i32 to vector<16xi32>
    %ge3A_1570 = arith.cmpi sge, %add3A_1487, %ge3A_1569 : vector<16xi32>
    %select_n3A_1571 = arith.select %ge3A_1570, %broadcast_in_dim3A_3, %broadcast_in_dim3A_5 : vector<16xi1>, vector<16xi32>
    %add3A_1572 = arith.addi %add3A_1567, %select_n3A_1571 : vector<16xi32>
    %ge3A_1573 = arith.constant 189 : i32
    %ge3A_1574 = vector.broadcast %ge3A_1573 : i32 to vector<16xi32>
    %ge3A_1575 = arith.cmpi sge, %add3A_1487, %ge3A_1574 : vector<16xi32>
    %select_n3A_1576 = arith.select %ge3A_1575, %broadcast_in_dim3A_3, %broadcast_in_dim3A_5 : vector<16xi1>, vector<16xi32>
    %add3A_1577 = arith.addi %add3A_1572, %select_n3A_1576 : vector<16xi32>
    %ge3A_1578 = arith.constant 190 : i32
    %ge3A_1579 = vector.broadcast %ge3A_1578 : i32 to vector<16xi32>
    %ge3A_1580 = arith.cmpi sge, %add3A_1487, %ge3A_1579 : vector<16xi32>
    %select_n3A_1581 = arith.select %ge3A_1580, %broadcast_in_dim3A_3, %broadcast_in_dim3A_5 : vector<16xi1>, vector<16xi32>
    %add3A_1582 = arith.addi %add3A_1577, %select_n3A_1581 : vector<16xi32>
    %mul3A_1583 = arith.constant 20 : i32
    %mul3A_1584 = vector.broadcast %mul3A_1583 : i32 to vector<16xi32>
    %mul3A_1585 = arith.muli %add3A_1582, %mul3A_1584 : vector<16xi32>
    %add3A_1586 = arith.constant 1 : i32
    %add3A_1587 = vector.broadcast %add3A_1586 : i32 to vector<16xi32>
    %add3A_1588 = arith.addi %add3A_1582, %add3A_1587 : vector<16xi32>
    %mul3A_1589 = arith.muli %add3A_1582, %add3A_1588 : vector<16xi32>
    %jit3A_1590 = arith.constant 2 : i32
    %div3A_1591 = vector.broadcast %jit3A_1590 : i32 to vector<16xi32>
    %div3A_1592 = arith.divsi %mul3A_1589, %div3A_1591 : vector<16xi32>
    %sign3A_1593 = arith.constant 0 : i32
    %sign3A_1594 = vector.broadcast %sign3A_1593 : i32 to vector<16xi32>
    %sign3A_1595 = arith.cmpi sgt, %mul3A_1589, %sign3A_1594 : vector<16xi32>
    %sign3A_1596 = arith.extui %sign3A_1595 : vector<16xi1> to vector<16xi32>
    %sign3A_1597 = arith.constant 0 : i32
    %sign3A_1598 = vector.broadcast %sign3A_1597 : i32 to vector<16xi32>
    %sign3A_1599 = arith.cmpi slt, %mul3A_1589, %sign3A_1598 : vector<16xi32>
    %sign3A_1600 = arith.extui %sign3A_1599 : vector<16xi1> to vector<16xi32>
    %sign3A_1601 = arith.subi %sign3A_1596, %sign3A_1600 : vector<16xi32>
    %sign3A_1602 = arith.constant 0 : i32
    %sign3A_1603 = arith.cmpi sgt, %jit3A_1590, %sign3A_1602 : i32
    %sign3A_1604 = arith.extui %sign3A_1603 : i1 to i32
    %sign3A_1605 = arith.constant 0 : i32
    %sign3A_1606 = arith.cmpi slt, %jit3A_1590, %sign3A_1605 : i32
    %sign3A_1607 = arith.extui %sign3A_1606 : i1 to i32
    %sign3A_1608 = arith.subi %sign3A_1604, %sign3A_1607 : i32
    %ne3A_1609 = vector.broadcast %sign3A_1608 : i32 to vector<16xi32>
    %ne3A_1610 = arith.cmpi ne, %sign3A_1601, %ne3A_1609 : vector<16xi32>
    %rem3A_1611 = vector.broadcast %jit3A_1590 : i32 to vector<16xi32>
    %rem3A_1612 = arith.remsi %mul3A_1589, %rem3A_1611 : vector<16xi32>
    %ne3A_1613 = arith.constant 0 : i32
    %ne3A_1614 = vector.broadcast %ne3A_1613 : i32 to vector<16xi32>
    %ne3A_1615 = arith.cmpi ne, %rem3A_1612, %ne3A_1614 : vector<16xi32>
    %and3A_1616 = arith.andi %ne3A_1610, %ne3A_1615 : vector<16xi1>
    %sub3A_1617 = arith.constant 1 : i32
    %sub3A_1618 = vector.broadcast %sub3A_1617 : i32 to vector<16xi32>
    %sub3A_1619 = arith.subi %div3A_1592, %sub3A_1618 : vector<16xi32>
    %select_n3A_1620 = arith.select %and3A_1616, %sub3A_1619, %div3A_1592 : vector<16xi1>, vector<16xi32>
    %sub3A_1621 = arith.subi %mul3A_1585, %select_n3A_1620 : vector<16xi32>
    %sub3A_1622 = arith.subi %add3A_1487, %sub3A_1621 : vector<16xi32>
    %add3A_1623 = arith.addi %sub3A_1622, %add3A_1582 : vector<16xi32>
    %add3A_1624 = arith.constant 1 : i32
    %add3A_1625 = vector.broadcast %add3A_1624 : i32 to vector<16xi32>
    %add3A_1626 = arith.addi %add3A_1623, %add3A_1625 : vector<16xi32>
    %min3A_1627 = arith.constant 19 : i32
    %min3A_1628 = vector.broadcast %min3A_1627 : i32 to vector<16xi32>
    %min3A_1629 = arith.minsi %add3A_1626, %min3A_1628 : vector<16xi32>
    %swap3A_1630 = arith.constant 160 : index
    %swap3A_1631 = tpu.vector_load %arg6[%swap3A_1630] {strides = array<i32>} : memref<192xi32, #tpu.memory_space<vmem>>, vector<16xi32>,
    tpu.vector_store %arg6[%swap3A_1630], %add3A_1582 {strides = array<i32>} : memref<192xi32, #tpu.memory_space<vmem>>, vector<16xi32>,
    %swap3A_1632 = arith.constant 160 : index
    %swap3A_1633 = tpu.vector_load %arg7[%swap3A_1632] {strides = array<i32>} : memref<192xi32, #tpu.memory_space<vmem>>, vector<16xi32>,
    tpu.vector_store %arg7[%swap3A_1632], %min3A_1629 {strides = array<i32>} : memref<192xi32, #tpu.memory_space<vmem>>, vector<16xi32>,
    %add3A_1634 = arith.constant 176 : i32
    %add3A_1635 = vector.broadcast %add3A_1634 : i32 to vector<16xi32>
    %add3A_1636 = arith.addi %iota3A, %add3A_1635 : vector<16xi32>
    %ge3A_1637 = arith.constant 19 : i32
    %ge3A_1638 = vector.broadcast %ge3A_1637 : i32 to vector<16xi32>
    %ge3A_1639 = arith.cmpi sge, %add3A_1636, %ge3A_1638 : vector<16xi32>
    %select_n3A_1640 = arith.select %ge3A_1639, %broadcast_in_dim3A_3, %broadcast_in_dim3A_5 : vector<16xi1>, vector<16xi32>
    %add3A_1641 = arith.addi %broadcast_in_dim3A_5, %select_n3A_1640 : vector<16xi32>
    %ge3A_1642 = arith.constant 37 : i32
    %ge3A_1643 = vector.broadcast %ge3A_1642 : i32 to vector<16xi32>
    %ge3A_1644 = arith.cmpi sge, %add3A_1636, %ge3A_1643 : vector<16xi32>
    %select_n3A_1645 = arith.select %ge3A_1644, %broadcast_in_dim3A_3, %broadcast_in_dim3A_5 : vector<16xi1>, vector<16xi32>
    %add3A_1646 = arith.addi %add3A_1641, %select_n3A_1645 : vector<16xi32>
    %ge3A_1647 = arith.constant 54 : i32
    %ge3A_1648 = vector.broadcast %ge3A_1647 : i32 to vector<16xi32>
    %ge3A_1649 = arith.cmpi sge, %add3A_1636, %ge3A_1648 : vector<16xi32>
    %select_n3A_1650 = arith.select %ge3A_1649, %broadcast_in_dim3A_3, %broadcast_in_dim3A_5 : vector<16xi1>, vector<16xi32>
    %add3A_1651 = arith.addi %add3A_1646, %select_n3A_1650 : vector<16xi32>
    %ge3A_1652 = arith.constant 70 : i32
    %ge3A_1653 = vector.broadcast %ge3A_1652 : i32 to vector<16xi32>
    %ge3A_1654 = arith.cmpi sge, %add3A_1636, %ge3A_1653 : vector<16xi32>
    %select_n3A_1655 = arith.select %ge3A_1654, %broadcast_in_dim3A_3, %broadcast_in_dim3A_5 : vector<16xi1>, vector<16xi32>
    %add3A_1656 = arith.addi %add3A_1651, %select_n3A_1655 : vector<16xi32>
    %ge3A_1657 = arith.constant 85 : i32
    %ge3A_1658 = vector.broadcast %ge3A_1657 : i32 to vector<16xi32>
    %ge3A_1659 = arith.cmpi sge, %add3A_1636, %ge3A_1658 : vector<16xi32>
    %select_n3A_1660 = arith.select %ge3A_1659, %broadcast_in_dim3A_3, %broadcast_in_dim3A_5 : vector<16xi1>, vector<16xi32>
    %add3A_1661 = arith.addi %add3A_1656, %select_n3A_1660 : vector<16xi32>
    %ge3A_1662 = arith.constant 99 : i32
    %ge3A_1663 = vector.broadcast %ge3A_1662 : i32 to vector<16xi32>
    %ge3A_1664 = arith.cmpi sge, %add3A_1636, %ge3A_1663 : vector<16xi32>
    %select_n3A_1665 = arith.select %ge3A_1664, %broadcast_in_dim3A_3, %broadcast_in_dim3A_5 : vector<16xi1>, vector<16xi32>
    %add3A_1666 = arith.addi %add3A_1661, %select_n3A_1665 : vector<16xi32>
    %ge3A_1667 = arith.constant 112 : i32
    %ge3A_1668 = vector.broadcast %ge3A_1667 : i32 to vector<16xi32>
    %ge3A_1669 = arith.cmpi sge, %add3A_1636, %ge3A_1668 : vector<16xi32>
    %select_n3A_1670 = arith.select %ge3A_1669, %broadcast_in_dim3A_3, %broadcast_in_dim3A_5 : vector<16xi1>, vector<16xi32>
    %add3A_1671 = arith.addi %add3A_1666, %select_n3A_1670 : vector<16xi32>
    %ge3A_1672 = arith.constant 124 : i32
    %ge3A_1673 = vector.broadcast %ge3A_1672 : i32 to vector<16xi32>
    %ge3A_1674 = arith.cmpi sge, %add3A_1636, %ge3A_1673 : vector<16xi32>
    %select_n3A_1675 = arith.select %ge3A_1674, %broadcast_in_dim3A_3, %broadcast_in_dim3A_5 : vector<16xi1>, vector<16xi32>
    %add3A_1676 = arith.addi %add3A_1671, %select_n3A_1675 : vector<16xi32>
    %ge3A_1677 = arith.constant 135 : i32
    %ge3A_1678 = vector.broadcast %ge3A_1677 : i32 to vector<16xi32>
    %ge3A_1679 = arith.cmpi sge, %add3A_1636, %ge3A_1678 : vector<16xi32>
    %select_n3A_1680 = arith.select %ge3A_1679, %broadcast_in_dim3A_3, %broadcast_in_dim3A_5 : vector<16xi1>, vector<16xi32>
    %add3A_1681 = arith.addi %add3A_1676, %select_n3A_1680 : vector<16xi32>
    %ge3A_1682 = arith.constant 145 : i32
    %ge3A_1683 = vector.broadcast %ge3A_1682 : i32 to vector<16xi32>
    %ge3A_1684 = arith.cmpi sge, %add3A_1636, %ge3A_1683 : vector<16xi32>
    %select_n3A_1685 = arith.select %ge3A_1684, %broadcast_in_dim3A_3, %broadcast_in_dim3A_5 : vector<16xi1>, vector<16xi32>
    %add3A_1686 = arith.addi %add3A_1681, %select_n3A_1685 : vector<16xi32>
    %ge3A_1687 = arith.constant 154 : i32
    %ge3A_1688 = vector.broadcast %ge3A_1687 : i32 to vector<16xi32>
    %ge3A_1689 = arith.cmpi sge, %add3A_1636, %ge3A_1688 : vector<16xi32>
    %select_n3A_1690 = arith.select %ge3A_1689, %broadcast_in_dim3A_3, %broadcast_in_dim3A_5 : vector<16xi1>, vector<16xi32>
    %add3A_1691 = arith.addi %add3A_1686, %select_n3A_1690 : vector<16xi32>
    %ge3A_1692 = arith.constant 162 : i32
    %ge3A_1693 = vector.broadcast %ge3A_1692 : i32 to vector<16xi32>
    %ge3A_1694 = arith.cmpi sge, %add3A_1636, %ge3A_1693 : vector<16xi32>
    %select_n3A_1695 = arith.select %ge3A_1694, %broadcast_in_dim3A_3, %broadcast_in_dim3A_5 : vector<16xi1>, vector<16xi32>
    %add3A_1696 = arith.addi %add3A_1691, %select_n3A_1695 : vector<16xi32>
    %ge3A_1697 = arith.constant 169 : i32
    %ge3A_1698 = vector.broadcast %ge3A_1697 : i32 to vector<16xi32>
    %ge3A_1699 = arith.cmpi sge, %add3A_1636, %ge3A_1698 : vector<16xi32>
    %select_n3A_1700 = arith.select %ge3A_1699, %broadcast_in_dim3A_3, %broadcast_in_dim3A_5 : vector<16xi1>, vector<16xi32>
    %add3A_1701 = arith.addi %add3A_1696, %select_n3A_1700 : vector<16xi32>
    %ge3A_1702 = arith.constant 175 : i32
    %ge3A_1703 = vector.broadcast %ge3A_1702 : i32 to vector<16xi32>
    %ge3A_1704 = arith.cmpi sge, %add3A_1636, %ge3A_1703 : vector<16xi32>
    %select_n3A_1705 = arith.select %ge3A_1704, %broadcast_in_dim3A_3, %broadcast_in_dim3A_5 : vector<16xi1>, vector<16xi32>
    %add3A_1706 = arith.addi %add3A_1701, %select_n3A_1705 : vector<16xi32>
    %ge3A_1707 = arith.constant 180 : i32
    %ge3A_1708 = vector.broadcast %ge3A_1707 : i32 to vector<16xi32>
    %ge3A_1709 = arith.cmpi sge, %add3A_1636, %ge3A_1708 : vector<16xi32>
    %select_n3A_1710 = arith.select %ge3A_1709, %broadcast_in_dim3A_3, %broadcast_in_dim3A_5 : vector<16xi1>, vector<16xi32>
    %add3A_1711 = arith.addi %add3A_1706, %select_n3A_1710 : vector<16xi32>
    %ge3A_1712 = arith.constant 184 : i32
    %ge3A_1713 = vector.broadcast %ge3A_1712 : i32 to vector<16xi32>
    %ge3A_1714 = arith.cmpi sge, %add3A_1636, %ge3A_1713 : vector<16xi32>
    %select_n3A_1715 = arith.select %ge3A_1714, %broadcast_in_dim3A_3, %broadcast_in_dim3A_5 : vector<16xi1>, vector<16xi32>
    %add3A_1716 = arith.addi %add3A_1711, %select_n3A_1715 : vector<16xi32>
    %ge3A_1717 = arith.constant 187 : i32
    %ge3A_1718 = vector.broadcast %ge3A_1717 : i32 to vector<16xi32>
    %ge3A_1719 = arith.cmpi sge, %add3A_1636, %ge3A_1718 : vector<16xi32>
    %select_n3A_1720 = arith.select %ge3A_1719, %broadcast_in_dim3A_3, %broadcast_in_dim3A_5 : vector<16xi1>, vector<16xi32>
    %add3A_1721 = arith.addi %add3A_1716, %select_n3A_1720 : vector<16xi32>
    %ge3A_1722 = arith.constant 189 : i32
    %ge3A_1723 = vector.broadcast %ge3A_1722 : i32 to vector<16xi32>
    %ge3A_1724 = arith.cmpi sge, %add3A_1636, %ge3A_1723 : vector<16xi32>
    %select_n3A_1725 = arith.select %ge3A_1724, %broadcast_in_dim3A_3, %broadcast_in_dim3A_5 : vector<16xi1>, vector<16xi32>
    %add3A_1726 = arith.addi %add3A_1721, %select_n3A_1725 : vector<16xi32>
    %ge3A_1727 = arith.constant 190 : i32
    %ge3A_1728 = vector.broadcast %ge3A_1727 : i32 to vector<16xi32>
    %ge3A_1729 = arith.cmpi sge, %add3A_1636, %ge3A_1728 : vector<16xi32>
    %select_n3A_1730 = arith.select %ge3A_1729, %broadcast_in_dim3A_3, %broadcast_in_dim3A_5 : vector<16xi1>, vector<16xi32>
    %add3A_1731 = arith.addi %add3A_1726, %select_n3A_1730 : vector<16xi32>
    %mul3A_1732 = arith.constant 20 : i32
    %mul3A_1733 = vector.broadcast %mul3A_1732 : i32 to vector<16xi32>
    %mul3A_1734 = arith.muli %add3A_1731, %mul3A_1733 : vector<16xi32>
    %add3A_1735 = arith.constant 1 : i32
    %add3A_1736 = vector.broadcast %add3A_1735 : i32 to vector<16xi32>
    %add3A_1737 = arith.addi %add3A_1731, %add3A_1736 : vector<16xi32>
    %mul3A_1738 = arith.muli %add3A_1731, %add3A_1737 : vector<16xi32>
    %jit3A_1739 = arith.constant 2 : i32
    %div3A_1740 = vector.broadcast %jit3A_1739 : i32 to vector<16xi32>
    %div3A_1741 = arith.divsi %mul3A_1738, %div3A_1740 : vector<16xi32>
    %sign3A_1742 = arith.constant 0 : i32
    %sign3A_1743 = vector.broadcast %sign3A_1742 : i32 to vector<16xi32>
    %sign3A_1744 = arith.cmpi sgt, %mul3A_1738, %sign3A_1743 : vector<16xi32>
    %sign3A_1745 = arith.extui %sign3A_1744 : vector<16xi1> to vector<16xi32>
    %sign3A_1746 = arith.constant 0 : i32
    %sign3A_1747 = vector.broadcast %sign3A_1746 : i32 to vector<16xi32>
    %sign3A_1748 = arith.cmpi slt, %mul3A_1738, %sign3A_1747 : vector<16xi32>
    %sign3A_1749 = arith.extui %sign3A_1748 : vector<16xi1> to vector<16xi32>
    %sign3A_1750 = arith.subi %sign3A_1745, %sign3A_1749 : vector<16xi32>
    %sign3A_1751 = arith.constant 0 : i32
    %sign3A_1752 = arith.cmpi sgt, %jit3A_1739, %sign3A_1751 : i32
    %sign3A_1753 = arith.extui %sign3A_1752 : i1 to i32
    %sign3A_1754 = arith.constant 0 : i32
    %sign3A_1755 = arith.cmpi slt, %jit3A_1739, %sign3A_1754 : i32
    %sign3A_1756 = arith.extui %sign3A_1755 : i1 to i32
    %sign3A_1757 = arith.subi %sign3A_1753, %sign3A_1756 : i32
    %ne3A_1758 = vector.broadcast %sign3A_1757 : i32 to vector<16xi32>
    %ne3A_1759 = arith.cmpi ne, %sign3A_1750, %ne3A_1758 : vector<16xi32>
    %rem3A_1760 = vector.broadcast %jit3A_1739 : i32 to vector<16xi32>
    %rem3A_1761 = arith.remsi %mul3A_1738, %rem3A_1760 : vector<16xi32>
    %ne3A_1762 = arith.constant 0 : i32
    %ne3A_1763 = vector.broadcast %ne3A_1762 : i32 to vector<16xi32>
    %ne3A_1764 = arith.cmpi ne, %rem3A_1761, %ne3A_1763 : vector<16xi32>
    %and3A_1765 = arith.andi %ne3A_1759, %ne3A_1764 : vector<16xi1>
    %sub3A_1766 = arith.constant 1 : i32
    %sub3A_1767 = vector.broadcast %sub3A_1766 : i32 to vector<16xi32>
    %sub3A_1768 = arith.subi %div3A_1741, %sub3A_1767 : vector<16xi32>
    %select_n3A_1769 = arith.select %and3A_1765, %sub3A_1768, %div3A_1741 : vector<16xi1>, vector<16xi32>
    %sub3A_1770 = arith.subi %mul3A_1734, %select_n3A_1769 : vector<16xi32>
    %sub3A_1771 = arith.subi %add3A_1636, %sub3A_1770 : vector<16xi32>
    %add3A_1772 = arith.addi %sub3A_1771, %add3A_1731 : vector<16xi32>
    %add3A_1773 = arith.constant 1 : i32
    %add3A_1774 = vector.broadcast %add3A_1773 : i32 to vector<16xi32>
    %add3A_1775 = arith.addi %add3A_1772, %add3A_1774 : vector<16xi32>
    %min3A_1776 = arith.constant 19 : i32
    %min3A_1777 = vector.broadcast %min3A_1776 : i32 to vector<16xi32>
    %min3A_1778 = arith.minsi %add3A_1775, %min3A_1777 : vector<16xi32>
    %swap3A_1779 = arith.constant 176 : index
    %swap3A_1780 = tpu.vector_load %arg6[%swap3A_1779] {strides = array<i32>} : memref<192xi32, #tpu.memory_space<vmem>>, vector<16xi32>,
    tpu.vector_store %arg6[%swap3A_1779], %add3A_1731 {strides = array<i32>} : memref<192xi32, #tpu.memory_space<vmem>>, vector<16xi32>,
    %swap3A_1781 = arith.constant 176 : index
    %swap3A_1782 = tpu.vector_load %arg7[%swap3A_1781] {strides = array<i32>} : memref<192xi32, #tpu.memory_space<vmem>>, vector<16xi32>,
    tpu.vector_store %arg7[%swap3A_1781], %min3A_1778 {strides = array<i32>} : memref<192xi32, #tpu.memory_space<vmem>>, vector<16xi32>,
    %scan3A = arith.constant 0 : i32
    %scan3A_1783 = arith.constant 0 : i32
    %scan3A_1784 = arith.constant 16 : i32
    %scan3A_1785 = arith.addi %scan3A_1783, %scan3A_1784 : i32
    %scan3A_1786 = arith.constant 1 : i32
    scf.for %scan3A_2880 = %scan3A_1783 to %scan3A_1785 step %scan3A_1786  : i32 {
      %mul3A_2881 = arith.constant 20 : i32
      %mul3A_2882 = arith.muli %scan3A_2880, %mul3A_2881 : i32
      %get3A = arith.constant 0 : index
      %get3A_2883 = tpu.vector_load %arg6[%get3A] {strides = array<i32>} : memref<192xi32, #tpu.memory_space<vmem>>, vector<16xi32>,
      %add3A_2884 = vector.broadcast %mul3A_2882 : i32 to vector<16xi32>
      %add3A_2885 = arith.addi %get3A_2883, %add3A_2884 : vector<16xi32>
      %gather3A = tpu.vector_load_idx %arg5[%add3A_2885] : memref<640xi32, #tpu.memory_space<vmem>>[vector<16xi32>], vector<16xi32>,
      %get3A_2886 = arith.constant 0 : index
      %get3A_2887 = tpu.vector_load %arg7[%get3A_2886] {strides = array<i32>} : memref<192xi32, #tpu.memory_space<vmem>>, vector<16xi32>,
      %add3A_2888 = vector.broadcast %mul3A_2882 : i32 to vector<16xi32>
      %add3A_2889 = arith.addi %get3A_2887, %add3A_2888 : vector<16xi32>
      %gather3A_2890 = tpu.vector_load_idx %arg5[%add3A_2889] : memref<640xi32, #tpu.memory_space<vmem>>[vector<16xi32>], vector<16xi32>,
      %mul3A_2891 = arith.constant 1000 : i32
      %mul3A_2892 = vector.broadcast %mul3A_2891 : i32 to vector<16xi32>
      %mul3A_2893 = arith.muli %gather3A, %mul3A_2892 : vector<16xi32>
      %add3A_2894 = arith.addi %mul3A_2893, %gather3A_2890 : vector<16xi32>
      %mul3A_2895 = arith.constant 3 : i32
      %mul3A_2896 = arith.muli %scan3A_2880, %mul3A_2895 : i32
      %add3A_2897 = arith.constant 0 : i32
      %add3A_2898 = arith.addi %mul3A_2896, %add3A_2897 : i32
      %swap3A_2899 = arith.index_cast %add3A_2898 : i32 to index
      %swap3A_2900 = arith.constant 0 : index
      %swap3A_2901 = tpu.vector_load %arg8[%swap3A_2899, %swap3A_2900] {strides = array<i32>} : memref<96x64xi32, #tpu.memory_space<vmem>>, vector<16xi32>,
      tpu.vector_store %arg8[%swap3A_2899, %swap3A_2900], %add3A_2894 {strides = array<i32>} : memref<96x64xi32, #tpu.memory_space<vmem>>, vector<16xi32>,
      %get3A_2902 = arith.constant 16 : index
      %get3A_2903 = tpu.vector_load %arg6[%get3A_2902] {strides = array<i32>} : memref<192xi32, #tpu.memory_space<vmem>>, vector<16xi32>,
      %add3A_2904 = vector.broadcast %mul3A_2882 : i32 to vector<16xi32>
      %add3A_2905 = arith.addi %get3A_2903, %add3A_2904 : vector<16xi32>
      %gather3A_2906 = tpu.vector_load_idx %arg5[%add3A_2905] : memref<640xi32, #tpu.memory_space<vmem>>[vector<16xi32>], vector<16xi32>,
      %get3A_2907 = arith.constant 16 : index
      %get3A_2908 = tpu.vector_load %arg7[%get3A_2907] {strides = array<i32>} : memref<192xi32, #tpu.memory_space<vmem>>, vector<16xi32>,
      %add3A_2909 = vector.broadcast %mul3A_2882 : i32 to vector<16xi32>
      %add3A_2910 = arith.addi %get3A_2908, %add3A_2909 : vector<16xi32>
      %gather3A_2911 = tpu.vector_load_idx %arg5[%add3A_2910] : memref<640xi32, #tpu.memory_space<vmem>>[vector<16xi32>], vector<16xi32>,
      %mul3A_2912 = arith.constant 1000 : i32
      %mul3A_2913 = vector.broadcast %mul3A_2912 : i32 to vector<16xi32>
      %mul3A_2914 = arith.muli %gather3A_2906, %mul3A_2913 : vector<16xi32>
      %add3A_2915 = arith.addi %mul3A_2914, %gather3A_2911 : vector<16xi32>
      %mul3A_2916 = arith.constant 3 : i32
      %mul3A_2917 = arith.muli %scan3A_2880, %mul3A_2916 : i32
      %add3A_2918 = arith.constant 0 : i32
      %add3A_2919 = arith.addi %mul3A_2917, %add3A_2918 : i32
      %swap3A_2920 = arith.index_cast %add3A_2919 : i32 to index
      %swap3A_2921 = arith.constant 16 : index
      %swap3A_2922 = tpu.vector_load %arg8[%swap3A_2920, %swap3A_2921] {strides = array<i32>} : memref<96x64xi32, #tpu.memory_space<vmem>>, vector<16xi32>,
      tpu.vector_store %arg8[%swap3A_2920, %swap3A_2921], %add3A_2915 {strides = array<i32>} : memref<96x64xi32, #tpu.memory_space<vmem>>, vector<16xi32>,
      %get3A_2923 = arith.constant 32 : index
      %get3A_2924 = tpu.vector_load %arg6[%get3A_2923] {strides = array<i32>} : memref<192xi32, #tpu.memory_space<vmem>>, vector<16xi32>,
      %add3A_2925 = vector.broadcast %mul3A_2882 : i32 to vector<16xi32>
      %add3A_2926 = arith.addi %get3A_2924, %add3A_2925 : vector<16xi32>
      %gather3A_2927 = tpu.vector_load_idx %arg5[%add3A_2926] : memref<640xi32, #tpu.memory_space<vmem>>[vector<16xi32>], vector<16xi32>,
      %get3A_2928 = arith.constant 32 : index
      %get3A_2929 = tpu.vector_load %arg7[%get3A_2928] {strides = array<i32>} : memref<192xi32, #tpu.memory_space<vmem>>, vector<16xi32>,
      %add3A_2930 = vector.broadcast %mul3A_2882 : i32 to vector<16xi32>
      %add3A_2931 = arith.addi %get3A_2929, %add3A_2930 : vector<16xi32>
      %gather3A_2932 = tpu.vector_load_idx %arg5[%add3A_2931] : memref<640xi32, #tpu.memory_space<vmem>>[vector<16xi32>], vector<16xi32>,
      %mul3A_2933 = arith.constant 1000 : i32
      %mul3A_2934 = vector.broadcast %mul3A_2933 : i32 to vector<16xi32>
      %mul3A_2935 = arith.muli %gather3A_2927, %mul3A_2934 : vector<16xi32>
      %add3A_2936 = arith.addi %mul3A_2935, %gather3A_2932 : vector<16xi32>
      %mul3A_2937 = arith.constant 3 : i32
      %mul3A_2938 = arith.muli %scan3A_2880, %mul3A_2937 : i32
      %add3A_2939 = arith.constant 0 : i32
      %add3A_2940 = arith.addi %mul3A_2938, %add3A_2939 : i32
      %swap3A_2941 = arith.index_cast %add3A_2940 : i32 to index
      %swap3A_2942 = arith.constant 32 : index
      %swap3A_2943 = tpu.vector_load %arg8[%swap3A_2941, %swap3A_2942] {strides = array<i32>} : memref<96x64xi32, #tpu.memory_space<vmem>>, vector<16xi32>,
      tpu.vector_store %arg8[%swap3A_2941, %swap3A_2942], %add3A_2936 {strides = array<i32>} : memref<96x64xi32, #tpu.memory_space<vmem>>, vector<16xi32>,
      %get3A_2944 = arith.constant 48 : index
      %get3A_2945 = tpu.vector_load %arg6[%get3A_2944] {strides = array<i32>} : memref<192xi32, #tpu.memory_space<vmem>>, vector<16xi32>,
      %add3A_2946 = vector.broadcast %mul3A_2882 : i32 to vector<16xi32>
      %add3A_2947 = arith.addi %get3A_2945, %add3A_2946 : vector<16xi32>
      %gather3A_2948 = tpu.vector_load_idx %arg5[%add3A_2947] : memref<640xi32, #tpu.memory_space<vmem>>[vector<16xi32>], vector<16xi32>,
      %get3A_2949 = arith.constant 48 : index
      %get3A_2950 = tpu.vector_load %arg7[%get3A_2949] {strides = array<i32>} : memref<192xi32, #tpu.memory_space<vmem>>, vector<16xi32>,
      %add3A_2951 = vector.broadcast %mul3A_2882 : i32 to vector<16xi32>
      %add3A_2952 = arith.addi %get3A_2950, %add3A_2951 : vector<16xi32>
      %gather3A_2953 = tpu.vector_load_idx %arg5[%add3A_2952] : memref<640xi32, #tpu.memory_space<vmem>>[vector<16xi32>], vector<16xi32>,
      %mul3A_2954 = arith.constant 1000 : i32
      %mul3A_2955 = vector.broadcast %mul3A_2954 : i32 to vector<16xi32>
      %mul3A_2956 = arith.muli %gather3A_2948, %mul3A_2955 : vector<16xi32>
      %add3A_2957 = arith.addi %mul3A_2956, %gather3A_2953 : vector<16xi32>
      %mul3A_2958 = arith.constant 3 : i32
      %mul3A_2959 = arith.muli %scan3A_2880, %mul3A_2958 : i32
      %add3A_2960 = arith.constant 0 : i32
      %add3A_2961 = arith.addi %mul3A_2959, %add3A_2960 : i32
      %swap3A_2962 = arith.index_cast %add3A_2961 : i32 to index
      %swap3A_2963 = arith.constant 48 : index
      %swap3A_2964 = tpu.vector_load %arg8[%swap3A_2962, %swap3A_2963] {strides = array<i32>} : memref<96x64xi32, #tpu.memory_space<vmem>>, vector<16xi32>,
      tpu.vector_store %arg8[%swap3A_2962, %swap3A_2963], %add3A_2957 {strides = array<i32>} : memref<96x64xi32, #tpu.memory_space<vmem>>, vector<16xi32>,
      %mul3A_2965 = arith.constant 3 : i32
      %mul3A_2966 = arith.muli %scan3A_2880, %mul3A_2965 : i32
      %add3A_2967 = arith.constant 0 : i32
      %add3A_2968 = arith.addi %mul3A_2966, %add3A_2967 : i32
      %mul3A_2969 = arith.constant 3 : i32
      %mul3A_2970 = arith.muli %scan3A_2880, %mul3A_2969 : i32
      %add3A_2971 = arith.constant 0 : i32
      %add3A_2972 = arith.addi %mul3A_2970, %add3A_2971 : i32
      %dma_start3A = arith.constant 0 : i32
      %dma_start3A_2973 = tpu.memref_slice %arg9[%add3A_2972, %dma_start3A] : memref<96x64xf32, #tpu.memory_space<vmem>> -> memref<1x64xf32, #tpu.memory_space<vmem>>
      %dma_start3A_2974 = tpu.memref_squeeze %dma_start3A_2973 : memref<1x64xf32, #tpu.memory_space<vmem>> -> memref<64xf32, #tpu.memory_space<vmem>>
      %dma_start3A_2975 = arith.constant 0 : i32
      %dma_start3A_2976 = tpu.memref_slice %arg8[%add3A_2968, %dma_start3A_2975] : memref<96x64xi32, #tpu.memory_space<vmem>> -> memref<1x64xi32, #tpu.memory_space<vmem>>
      %dma_start3A_2977 = tpu.memref_squeeze %dma_start3A_2976 : memref<1x64xi32, #tpu.memory_space<vmem>> -> memref<64xi32, #tpu.memory_space<vmem>>
      %dma_start3A_2978 = arith.constant 0 : i32
      %dma_start3A_2979 = tpu.memref_slice %arg3[%dma_start3A_2978] : memref<1000000xf32, #tpu.memory_space<hbm>> -> memref<1000000xf32, #tpu.memory_space<hbm>>
      tpu.enqueue_indirect_dma source(%dma_start3A_2979 : memref<1000000xf32, #tpu.memory_space<hbm>>) target(%dma_start3A_2974 : memref<64xf32, #tpu.memory_space<vmem>>) offsets(%dma_start3A_2977 : memref<64xi32, #tpu.memory_space<vmem>>) semaphore(%arg11 : memref<!tpu.dma_semaphore, #tpu.memory_space<semaphore_mem>>)
      %get3A_2980 = arith.constant 64 : index
      %get3A_2981 = tpu.vector_load %arg6[%get3A_2980] {strides = array<i32>} : memref<192xi32, #tpu.memory_space<vmem>>, vector<16xi32>,
      %add3A_2982 = vector.broadcast %mul3A_2882 : i32 to vector<16xi32>
      %add3A_2983 = arith.addi %get3A_2981, %add3A_2982 : vector<16xi32>
      %gather3A_2984 = tpu.vector_load_idx %arg5[%add3A_2983] : memref<640xi32, #tpu.memory_space<vmem>>[vector<16xi32>], vector<16xi32>,
      %get3A_2985 = arith.constant 64 : index
      %get3A_2986 = tpu.vector_load %arg7[%get3A_2985] {strides = array<i32>} : memref<192xi32, #tpu.memory_space<vmem>>, vector<16xi32>,
      %add3A_2987 = vector.broadcast %mul3A_2882 : i32 to vector<16xi32>
      %add3A_2988 = arith.addi %get3A_2986, %add3A_2987 : vector<16xi32>
      %gather3A_2989 = tpu.vector_load_idx %arg5[%add3A_2988] : memref<640xi32, #tpu.memory_space<vmem>>[vector<16xi32>], vector<16xi32>,
      %mul3A_2990 = arith.constant 1000 : i32
      %mul3A_2991 = vector.broadcast %mul3A_2990 : i32 to vector<16xi32>
      %mul3A_2992 = arith.muli %gather3A_2984, %mul3A_2991 : vector<16xi32>
      %add3A_2993 = arith.addi %mul3A_2992, %gather3A_2989 : vector<16xi32>
      %mul3A_2994 = arith.constant 3 : i32
      %mul3A_2995 = arith.muli %scan3A_2880, %mul3A_2994 : i32
      %add3A_2996 = arith.constant 1 : i32
      %add3A_2997 = arith.addi %mul3A_2995, %add3A_2996 : i32
      %swap3A_2998 = arith.index_cast %add3A_2997 : i32 to index
      %swap3A_2999 = arith.constant 0 : index
      %swap3A_3000 = tpu.vector_load %arg8[%swap3A_2998, %swap3A_2999] {strides = array<i32>} : memref<96x64xi32, #tpu.memory_space<vmem>>, vector<16xi32>,
      tpu.vector_store %arg8[%swap3A_2998, %swap3A_2999], %add3A_2993 {strides = array<i32>} : memref<96x64xi32, #tpu.memory_space<vmem>>, vector<16xi32>,
      %get3A_3001 = arith.constant 80 : index
      %get3A_3002 = tpu.vector_load %arg6[%get3A_3001] {strides = array<i32>} : memref<192xi32, #tpu.memory_space<vmem>>, vector<16xi32>,
      %add3A_3003 = vector.broadcast %mul3A_2882 : i32 to vector<16xi32>
      %add3A_3004 = arith.addi %get3A_3002, %add3A_3003 : vector<16xi32>
      %gather3A_3005 = tpu.vector_load_idx %arg5[%add3A_3004] : memref<640xi32, #tpu.memory_space<vmem>>[vector<16xi32>], vector<16xi32>,
      %get3A_3006 = arith.constant 80 : index
      %get3A_3007 = tpu.vector_load %arg7[%get3A_3006] {strides = array<i32>} : memref<192xi32, #tpu.memory_space<vmem>>, vector<16xi32>,
      %add3A_3008 = vector.broadcast %mul3A_2882 : i32 to vector<16xi32>
      %add3A_3009 = arith.addi %get3A_3007, %add3A_3008 : vector<16xi32>
      %gather3A_3010 = tpu.vector_load_idx %arg5[%add3A_3009] : memref<640xi32, #tpu.memory_space<vmem>>[vector<16xi32>], vector<16xi32>,
      %mul3A_3011 = arith.constant 1000 : i32
      %mul3A_3012 = vector.broadcast %mul3A_3011 : i32 to vector<16xi32>
      %mul3A_3013 = arith.muli %gather3A_3005, %mul3A_3012 : vector<16xi32>
      %add3A_3014 = arith.addi %mul3A_3013, %gather3A_3010 : vector<16xi32>
      %mul3A_3015 = arith.constant 3 : i32
      %mul3A_3016 = arith.muli %scan3A_2880, %mul3A_3015 : i32
      %add3A_3017 = arith.constant 1 : i32
      %add3A_3018 = arith.addi %mul3A_3016, %add3A_3017 : i32
      %swap3A_3019 = arith.index_cast %add3A_3018 : i32 to index
      %swap3A_3020 = arith.constant 16 : index
      %swap3A_3021 = tpu.vector_load %arg8[%swap3A_3019, %swap3A_3020] {strides = array<i32>} : memref<96x64xi32, #tpu.memory_space<vmem>>, vector<16xi32>,
      tpu.vector_store %arg8[%swap3A_3019, %swap3A_3020], %add3A_3014 {strides = array<i32>} : memref<96x64xi32, #tpu.memory_space<vmem>>, vector<16xi32>,
      %get3A_3022 = arith.constant 96 : index
      %get3A_3023 = tpu.vector_load %arg6[%get3A_3022] {strides = array<i32>} : memref<192xi32, #tpu.memory_space<vmem>>, vector<16xi32>,
      %add3A_3024 = vector.broadcast %mul3A_2882 : i32 to vector<16xi32>
      %add3A_3025 = arith.addi %get3A_3023, %add3A_3024 : vector<16xi32>
      %gather3A_3026 = tpu.vector_load_idx %arg5[%add3A_3025] : memref<640xi32, #tpu.memory_space<vmem>>[vector<16xi32>], vector<16xi32>,
      %get3A_3027 = arith.constant 96 : index
      %get3A_3028 = tpu.vector_load %arg7[%get3A_3027] {strides = array<i32>} : memref<192xi32, #tpu.memory_space<vmem>>, vector<16xi32>,
      %add3A_3029 = vector.broadcast %mul3A_2882 : i32 to vector<16xi32>
      %add3A_3030 = arith.addi %get3A_3028, %add3A_3029 : vector<16xi32>
      %gather3A_3031 = tpu.vector_load_idx %arg5[%add3A_3030] : memref<640xi32, #tpu.memory_space<vmem>>[vector<16xi32>], vector<16xi32>,
      %mul3A_3032 = arith.constant 1000 : i32
      %mul3A_3033 = vector.broadcast %mul3A_3032 : i32 to vector<16xi32>
      %mul3A_3034 = arith.muli %gather3A_3026, %mul3A_3033 : vector<16xi32>
      %add3A_3035 = arith.addi %mul3A_3034, %gather3A_3031 : vector<16xi32>
      %mul3A_3036 = arith.constant 3 : i32
      %mul3A_3037 = arith.muli %scan3A_2880, %mul3A_3036 : i32
      %add3A_3038 = arith.constant 1 : i32
      %add3A_3039 = arith.addi %mul3A_3037, %add3A_3038 : i32
      %swap3A_3040 = arith.index_cast %add3A_3039 : i32 to index
      %swap3A_3041 = arith.constant 32 : index
      %swap3A_3042 = tpu.vector_load %arg8[%swap3A_3040, %swap3A_3041] {strides = array<i32>} : memref<96x64xi32, #tpu.memory_space<vmem>>, vector<16xi32>,
      tpu.vector_store %arg8[%swap3A_3040, %swap3A_3041], %add3A_3035 {strides = array<i32>} : memref<96x64xi32, #tpu.memory_space<vmem>>, vector<16xi32>,
      %get3A_3043 = arith.constant 112 : index
      %get3A_3044 = tpu.vector_load %arg6[%get3A_3043] {strides = array<i32>} : memref<192xi32, #tpu.memory_space<vmem>>, vector<16xi32>,
      %add3A_3045 = vector.broadcast %mul3A_2882 : i32 to vector<16xi32>
      %add3A_3046 = arith.addi %get3A_3044, %add3A_3045 : vector<16xi32>
      %gather3A_3047 = tpu.vector_load_idx %arg5[%add3A_3046] : memref<640xi32, #tpu.memory_space<vmem>>[vector<16xi32>], vector<16xi32>,
      %get3A_3048 = arith.constant 112 : index
      %get3A_3049 = tpu.vector_load %arg7[%get3A_3048] {strides = array<i32>} : memref<192xi32, #tpu.memory_space<vmem>>, vector<16xi32>,
      %add3A_3050 = vector.broadcast %mul3A_2882 : i32 to vector<16xi32>
      %add3A_3051 = arith.addi %get3A_3049, %add3A_3050 : vector<16xi32>
      %gather3A_3052 = tpu.vector_load_idx %arg5[%add3A_3051] : memref<640xi32, #tpu.memory_space<vmem>>[vector<16xi32>], vector<16xi32>,
      %mul3A_3053 = arith.constant 1000 : i32
      %mul3A_3054 = vector.broadcast %mul3A_3053 : i32 to vector<16xi32>
      %mul3A_3055 = arith.muli %gather3A_3047, %mul3A_3054 : vector<16xi32>
      %add3A_3056 = arith.addi %mul3A_3055, %gather3A_3052 : vector<16xi32>
      %mul3A_3057 = arith.constant 3 : i32
      %mul3A_3058 = arith.muli %scan3A_2880, %mul3A_3057 : i32
      %add3A_3059 = arith.constant 1 : i32
      %add3A_3060 = arith.addi %mul3A_3058, %add3A_3059 : i32
      %swap3A_3061 = arith.index_cast %add3A_3060 : i32 to index
      %swap3A_3062 = arith.constant 48 : index
      %swap3A_3063 = tpu.vector_load %arg8[%swap3A_3061, %swap3A_3062] {strides = array<i32>} : memref<96x64xi32, #tpu.memory_space<vmem>>, vector<16xi32>,
      tpu.vector_store %arg8[%swap3A_3061, %swap3A_3062], %add3A_3056 {strides = array<i32>} : memref<96x64xi32, #tpu.memory_space<vmem>>, vector<16xi32>,
      %mul3A_3064 = arith.constant 3 : i32
      %mul3A_3065 = arith.muli %scan3A_2880, %mul3A_3064 : i32
      %add3A_3066 = arith.constant 1 : i32
      %add3A_3067 = arith.addi %mul3A_3065, %add3A_3066 : i32
      %mul3A_3068 = arith.constant 3 : i32
      %mul3A_3069 = arith.muli %scan3A_2880, %mul3A_3068 : i32
      %add3A_3070 = arith.constant 1 : i32
      %add3A_3071 = arith.addi %mul3A_3069, %add3A_3070 : i32
      %dma_start3A_3072 = arith.constant 0 : i32
      %dma_start3A_3073 = tpu.memref_slice %arg9[%add3A_3071, %dma_start3A_3072] : memref<96x64xf32, #tpu.memory_space<vmem>> -> memref<1x64xf32, #tpu.memory_space<vmem>>
      %dma_start3A_3074 = tpu.memref_squeeze %dma_start3A_3073 : memref<1x64xf32, #tpu.memory_space<vmem>> -> memref<64xf32, #tpu.memory_space<vmem>>
      %dma_start3A_3075 = arith.constant 0 : i32
      %dma_start3A_3076 = tpu.memref_slice %arg8[%add3A_3067, %dma_start3A_3075] : memref<96x64xi32, #tpu.memory_space<vmem>> -> memref<1x64xi32, #tpu.memory_space<vmem>>
      %dma_start3A_3077 = tpu.memref_squeeze %dma_start3A_3076 : memref<1x64xi32, #tpu.memory_space<vmem>> -> memref<64xi32, #tpu.memory_space<vmem>>
      %dma_start3A_3078 = arith.constant 0 : i32
      %dma_start3A_3079 = tpu.memref_slice %arg3[%dma_start3A_3078] : memref<1000000xf32, #tpu.memory_space<hbm>> -> memref<1000000xf32, #tpu.memory_space<hbm>>
      tpu.enqueue_indirect_dma source(%dma_start3A_3079 : memref<1000000xf32, #tpu.memory_space<hbm>>) target(%dma_start3A_3074 : memref<64xf32, #tpu.memory_space<vmem>>) offsets(%dma_start3A_3077 : memref<64xi32, #tpu.memory_space<vmem>>) semaphore(%arg11 : memref<!tpu.dma_semaphore, #tpu.memory_space<semaphore_mem>>)
      %get3A_3080 = arith.constant 128 : index
      %get3A_3081 = tpu.vector_load %arg6[%get3A_3080] {strides = array<i32>} : memref<192xi32, #tpu.memory_space<vmem>>, vector<16xi32>,
      %add3A_3082 = vector.broadcast %mul3A_2882 : i32 to vector<16xi32>
      %add3A_3083 = arith.addi %get3A_3081, %add3A_3082 : vector<16xi32>
      %gather3A_3084 = tpu.vector_load_idx %arg5[%add3A_3083] : memref<640xi32, #tpu.memory_space<vmem>>[vector<16xi32>], vector<16xi32>,
      %get3A_3085 = arith.constant 128 : index
      %get3A_3086 = tpu.vector_load %arg7[%get3A_3085] {strides = array<i32>} : memref<192xi32, #tpu.memory_space<vmem>>, vector<16xi32>,
      %add3A_3087 = vector.broadcast %mul3A_2882 : i32 to vector<16xi32>
      %add3A_3088 = arith.addi %get3A_3086, %add3A_3087 : vector<16xi32>
      %gather3A_3089 = tpu.vector_load_idx %arg5[%add3A_3088] : memref<640xi32, #tpu.memory_space<vmem>>[vector<16xi32>], vector<16xi32>,
      %mul3A_3090 = arith.constant 1000 : i32
      %mul3A_3091 = vector.broadcast %mul3A_3090 : i32 to vector<16xi32>
      %mul3A_3092 = arith.muli %gather3A_3084, %mul3A_3091 : vector<16xi32>
      %add3A_3093 = arith.addi %mul3A_3092, %gather3A_3089 : vector<16xi32>
      %mul3A_3094 = arith.constant 3 : i32
      %mul3A_3095 = arith.muli %scan3A_2880, %mul3A_3094 : i32
      %add3A_3096 = arith.constant 2 : i32
      %add3A_3097 = arith.addi %mul3A_3095, %add3A_3096 : i32
      %swap3A_3098 = arith.index_cast %add3A_3097 : i32 to index
      %swap3A_3099 = arith.constant 0 : index
      %swap3A_3100 = tpu.vector_load %arg8[%swap3A_3098, %swap3A_3099] {strides = array<i32>} : memref<96x64xi32, #tpu.memory_space<vmem>>, vector<16xi32>,
      tpu.vector_store %arg8[%swap3A_3098, %swap3A_3099], %add3A_3093 {strides = array<i32>} : memref<96x64xi32, #tpu.memory_space<vmem>>, vector<16xi32>,
      %get3A_3101 = arith.constant 144 : index
      %get3A_3102 = tpu.vector_load %arg6[%get3A_3101] {strides = array<i32>} : memref<192xi32, #tpu.memory_space<vmem>>, vector<16xi32>,
      %add3A_3103 = vector.broadcast %mul3A_2882 : i32 to vector<16xi32>
      %add3A_3104 = arith.addi %get3A_3102, %add3A_3103 : vector<16xi32>
      %gather3A_3105 = tpu.vector_load_idx %arg5[%add3A_3104] : memref<640xi32, #tpu.memory_space<vmem>>[vector<16xi32>], vector<16xi32>,
      %get3A_3106 = arith.constant 144 : index
      %get3A_3107 = tpu.vector_load %arg7[%get3A_3106] {strides = array<i32>} : memref<192xi32, #tpu.memory_space<vmem>>, vector<16xi32>,
      %add3A_3108 = vector.broadcast %mul3A_2882 : i32 to vector<16xi32>
      %add3A_3109 = arith.addi %get3A_3107, %add3A_3108 : vector<16xi32>
      %gather3A_3110 = tpu.vector_load_idx %arg5[%add3A_3109] : memref<640xi32, #tpu.memory_space<vmem>>[vector<16xi32>], vector<16xi32>,
      %mul3A_3111 = arith.constant 1000 : i32
      %mul3A_3112 = vector.broadcast %mul3A_3111 : i32 to vector<16xi32>
      %mul3A_3113 = arith.muli %gather3A_3105, %mul3A_3112 : vector<16xi32>
      %add3A_3114 = arith.addi %mul3A_3113, %gather3A_3110 : vector<16xi32>
      %mul3A_3115 = arith.constant 3 : i32
      %mul3A_3116 = arith.muli %scan3A_2880, %mul3A_3115 : i32
      %add3A_3117 = arith.constant 2 : i32
      %add3A_3118 = arith.addi %mul3A_3116, %add3A_3117 : i32
      %swap3A_3119 = arith.index_cast %add3A_3118 : i32 to index
      %swap3A_3120 = arith.constant 16 : index
      %swap3A_3121 = tpu.vector_load %arg8[%swap3A_3119, %swap3A_3120] {strides = array<i32>} : memref<96x64xi32, #tpu.memory_space<vmem>>, vector<16xi32>,
      tpu.vector_store %arg8[%swap3A_3119, %swap3A_3120], %add3A_3114 {strides = array<i32>} : memref<96x64xi32, #tpu.memory_space<vmem>>, vector<16xi32>,
      %get3A_3122 = arith.constant 160 : index
      %get3A_3123 = tpu.vector_load %arg6[%get3A_3122] {strides = array<i32>} : memref<192xi32, #tpu.memory_space<vmem>>, vector<16xi32>,
      %add3A_3124 = vector.broadcast %mul3A_2882 : i32 to vector<16xi32>
      %add3A_3125 = arith.addi %get3A_3123, %add3A_3124 : vector<16xi32>
      %gather3A_3126 = tpu.vector_load_idx %arg5[%add3A_3125] : memref<640xi32, #tpu.memory_space<vmem>>[vector<16xi32>], vector<16xi32>,
      %get3A_3127 = arith.constant 160 : index
      %get3A_3128 = tpu.vector_load %arg7[%get3A_3127] {strides = array<i32>} : memref<192xi32, #tpu.memory_space<vmem>>, vector<16xi32>,
      %add3A_3129 = vector.broadcast %mul3A_2882 : i32 to vector<16xi32>
      %add3A_3130 = arith.addi %get3A_3128, %add3A_3129 : vector<16xi32>
      %gather3A_3131 = tpu.vector_load_idx %arg5[%add3A_3130] : memref<640xi32, #tpu.memory_space<vmem>>[vector<16xi32>], vector<16xi32>,
      %mul3A_3132 = arith.constant 1000 : i32
      %mul3A_3133 = vector.broadcast %mul3A_3132 : i32 to vector<16xi32>
      %mul3A_3134 = arith.muli %gather3A_3126, %mul3A_3133 : vector<16xi32>
      %add3A_3135 = arith.addi %mul3A_3134, %gather3A_3131 : vector<16xi32>
      %mul3A_3136 = arith.constant 3 : i32
      %mul3A_3137 = arith.muli %scan3A_2880, %mul3A_3136 : i32
      %add3A_3138 = arith.constant 2 : i32
      %add3A_3139 = arith.addi %mul3A_3137, %add3A_3138 : i32
      %swap3A_3140 = arith.index_cast %add3A_3139 : i32 to index
      %swap3A_3141 = arith.constant 32 : index
      %swap3A_3142 = tpu.vector_load %arg8[%swap3A_3140, %swap3A_3141] {strides = array<i32>} : memref<96x64xi32, #tpu.memory_space<vmem>>, vector<16xi32>,
      tpu.vector_store %arg8[%swap3A_3140, %swap3A_3141], %add3A_3135 {strides = array<i32>} : memref<96x64xi32, #tpu.memory_space<vmem>>, vector<16xi32>,
      %get3A_3143 = arith.constant 176 : index
      %get3A_3144 = tpu.vector_load %arg6[%get3A_3143] {strides = array<i32>} : memref<192xi32, #tpu.memory_space<vmem>>, vector<16xi32>,
      %add3A_3145 = vector.broadcast %mul3A_2882 : i32 to vector<16xi32>
      %add3A_3146 = arith.addi %get3A_3144, %add3A_3145 : vector<16xi32>
      %gather3A_3147 = tpu.vector_load_idx %arg5[%add3A_3146] : memref<640xi32, #tpu.memory_space<vmem>>[vector<16xi32>], vector<16xi32>,
      %get3A_3148 = arith.constant 176 : index
      %get3A_3149 = tpu.vector_load %arg7[%get3A_3148] {strides = array<i32>} : memref<192xi32, #tpu.memory_space<vmem>>, vector<16xi32>,
      %add3A_3150 = vector.broadcast %mul3A_2882 : i32 to vector<16xi32>
      %add3A_3151 = arith.addi %get3A_3149, %add3A_3150 : vector<16xi32>
      %gather3A_3152 = tpu.vector_load_idx %arg5[%add3A_3151] : memref<640xi32, #tpu.memory_space<vmem>>[vector<16xi32>], vector<16xi32>,
      %mul3A_3153 = arith.constant 1000 : i32
      %mul3A_3154 = vector.broadcast %mul3A_3153 : i32 to vector<16xi32>
      %mul3A_3155 = arith.muli %gather3A_3147, %mul3A_3154 : vector<16xi32>
      %add3A_3156 = arith.addi %mul3A_3155, %gather3A_3152 : vector<16xi32>
      %mul3A_3157 = arith.constant 3 : i32
      %mul3A_3158 = arith.muli %scan3A_2880, %mul3A_3157 : i32
      %add3A_3159 = arith.constant 2 : i32
      %add3A_3160 = arith.addi %mul3A_3158, %add3A_3159 : i32
      %swap3A_3161 = arith.index_cast %add3A_3160 : i32 to index
      %swap3A_3162 = arith.constant 48 : index
      %swap3A_3163 = tpu.vector_load %arg8[%swap3A_3161, %swap3A_3162] {strides = array<i32>} : memref<96x64xi32, #tpu.memory_space<vmem>>, vector<16xi32>,
      tpu.vector_store %arg8[%swap3A_3161, %swap3A_3162], %add3A_3156 {strides = array<i32>} : memref<96x64xi32, #tpu.memory_space<vmem>>, vector<16xi32>,
      %mul3A_3164 = arith.constant 3 : i32
      %mul3A_3165 = arith.muli %scan3A_2880, %mul3A_3164 : i32
      %add3A_3166 = arith.constant 2 : i32
      %add3A_3167 = arith.addi %mul3A_3165, %add3A_3166 : i32
      %mul3A_3168 = arith.constant 3 : i32
      %mul3A_3169 = arith.muli %scan3A_2880, %mul3A_3168 : i32
      %add3A_3170 = arith.constant 2 : i32
      %add3A_3171 = arith.addi %mul3A_3169, %add3A_3170 : i32
      %dma_start3A_3172 = arith.constant 0 : i32
      %dma_start3A_3173 = tpu.memref_slice %arg9[%add3A_3171, %dma_start3A_3172] : memref<96x64xf32, #tpu.memory_space<vmem>> -> memref<1x64xf32, #tpu.memory_space<vmem>>
      %dma_start3A_3174 = tpu.memref_squeeze %dma_start3A_3173 : memref<1x64xf32, #tpu.memory_space<vmem>> -> memref<64xf32, #tpu.memory_space<vmem>>
      %dma_start3A_3175 = arith.constant 0 : i32
      %dma_start3A_3176 = tpu.memref_slice %arg8[%add3A_3167, %dma_start3A_3175] : memref<96x64xi32, #tpu.memory_space<vmem>> -> memref<1x64xi32, #tpu.memory_space<vmem>>
      %dma_start3A_3177 = tpu.memref_squeeze %dma_start3A_3176 : memref<1x64xi32, #tpu.memory_space<vmem>> -> memref<64xi32, #tpu.memory_space<vmem>>
      %dma_start3A_3178 = arith.constant 0 : i32
      %dma_start3A_3179 = tpu.memref_slice %arg3[%dma_start3A_3178] : memref<1000000xf32, #tpu.memory_space<hbm>> -> memref<1000000xf32, #tpu.memory_space<hbm>>
      tpu.enqueue_indirect_dma source(%dma_start3A_3179 : memref<1000000xf32, #tpu.memory_space<hbm>>) target(%dma_start3A_3174 : memref<64xf32, #tpu.memory_space<vmem>>) offsets(%dma_start3A_3177 : memref<64xi32, #tpu.memory_space<vmem>>) semaphore(%arg11 : memref<!tpu.dma_semaphore, #tpu.memory_space<semaphore_mem>>)
    }
    %scan3A_1787 = arith.constant 16 : i32
    %scan3A_1788 = arith.constant 0 : i32
    %scan3A_1789 = arith.constant 16 : i32
    %scan3A_1790 = arith.constant 16 : i32
    %scan3A_1791 = arith.addi %scan3A_1789, %scan3A_1790 : i32
    %scan3A_1792 = arith.constant 1 : i32
    scf.for %scan3A_2880 = %scan3A_1789 to %scan3A_1791 step %scan3A_1792  : i32 {
      %mul3A_2881 = arith.constant 20 : i32
      %mul3A_2882 = arith.muli %scan3A_2880, %mul3A_2881 : i32
      %get3A = arith.constant 0 : index
      %get3A_2883 = tpu.vector_load %arg6[%get3A] {strides = array<i32>} : memref<192xi32, #tpu.memory_space<vmem>>, vector<16xi32>,
      %add3A_2884 = vector.broadcast %mul3A_2882 : i32 to vector<16xi32>
      %add3A_2885 = arith.addi %get3A_2883, %add3A_2884 : vector<16xi32>
      %gather3A = tpu.vector_load_idx %arg5[%add3A_2885] : memref<640xi32, #tpu.memory_space<vmem>>[vector<16xi32>], vector<16xi32>,
      %get3A_2886 = arith.constant 0 : index
      %get3A_2887 = tpu.vector_load %arg7[%get3A_2886] {strides = array<i32>} : memref<192xi32, #tpu.memory_space<vmem>>, vector<16xi32>,
      %add3A_2888 = vector.broadcast %mul3A_2882 : i32 to vector<16xi32>
      %add3A_2889 = arith.addi %get3A_2887, %add3A_2888 : vector<16xi32>
      %gather3A_2890 = tpu.vector_load_idx %arg5[%add3A_2889] : memref<640xi32, #tpu.memory_space<vmem>>[vector<16xi32>], vector<16xi32>,
      %mul3A_2891 = arith.constant 1000 : i32
      %mul3A_2892 = vector.broadcast %mul3A_2891 : i32 to vector<16xi32>
      %mul3A_2893 = arith.muli %gather3A, %mul3A_2892 : vector<16xi32>
      %add3A_2894 = arith.addi %mul3A_2893, %gather3A_2890 : vector<16xi32>
      %mul3A_2895 = arith.constant 3 : i32
      %mul3A_2896 = arith.muli %scan3A_2880, %mul3A_2895 : i32
      %add3A_2897 = arith.constant 0 : i32
      %add3A_2898 = arith.addi %mul3A_2896, %add3A_2897 : i32
      %swap3A_2899 = arith.index_cast %add3A_2898 : i32 to index
      %swap3A_2900 = arith.constant 0 : index
      %swap3A_2901 = tpu.vector_load %arg8[%swap3A_2899, %swap3A_2900] {strides = array<i32>} : memref<96x64xi32, #tpu.memory_space<vmem>>, vector<16xi32>,
      tpu.vector_store %arg8[%swap3A_2899, %swap3A_2900], %add3A_2894 {strides = array<i32>} : memref<96x64xi32, #tpu.memory_space<vmem>>, vector<16xi32>,
      %get3A_2902 = arith.constant 16 : index
      %get3A_2903 = tpu.vector_load %arg6[%get3A_2902] {strides = array<i32>} : memref<192xi32, #tpu.memory_space<vmem>>, vector<16xi32>,
      %add3A_2904 = vector.broadcast %mul3A_2882 : i32 to vector<16xi32>
      %add3A_2905 = arith.addi %get3A_2903, %add3A_2904 : vector<16xi32>
      %gather3A_2906 = tpu.vector_load_idx %arg5[%add3A_2905] : memref<640xi32, #tpu.memory_space<vmem>>[vector<16xi32>], vector<16xi32>,
      %get3A_2907 = arith.constant 16 : index
      %get3A_2908 = tpu.vector_load %arg7[%get3A_2907] {strides = array<i32>} : memref<192xi32, #tpu.memory_space<vmem>>, vector<16xi32>,
      %add3A_2909 = vector.broadcast %mul3A_2882 : i32 to vector<16xi32>
      %add3A_2910 = arith.addi %get3A_2908, %add3A_2909 : vector<16xi32>
      %gather3A_2911 = tpu.vector_load_idx %arg5[%add3A_2910] : memref<640xi32, #tpu.memory_space<vmem>>[vector<16xi32>], vector<16xi32>,
      %mul3A_2912 = arith.constant 1000 : i32
      %mul3A_2913 = vector.broadcast %mul3A_2912 : i32 to vector<16xi32>
      %mul3A_2914 = arith.muli %gather3A_2906, %mul3A_2913 : vector<16xi32>
      %add3A_2915 = arith.addi %mul3A_2914, %gather3A_2911 : vector<16xi32>
      %mul3A_2916 = arith.constant 3 : i32
      %mul3A_2917 = arith.muli %scan3A_2880, %mul3A_2916 : i32
      %add3A_2918 = arith.constant 0 : i32
      %add3A_2919 = arith.addi %mul3A_2917, %add3A_2918 : i32
      %swap3A_2920 = arith.index_cast %add3A_2919 : i32 to index
      %swap3A_2921 = arith.constant 16 : index
      %swap3A_2922 = tpu.vector_load %arg8[%swap3A_2920, %swap3A_2921] {strides = array<i32>} : memref<96x64xi32, #tpu.memory_space<vmem>>, vector<16xi32>,
      tpu.vector_store %arg8[%swap3A_2920, %swap3A_2921], %add3A_2915 {strides = array<i32>} : memref<96x64xi32, #tpu.memory_space<vmem>>, vector<16xi32>,
      %get3A_2923 = arith.constant 32 : index
      %get3A_2924 = tpu.vector_load %arg6[%get3A_2923] {strides = array<i32>} : memref<192xi32, #tpu.memory_space<vmem>>, vector<16xi32>,
      %add3A_2925 = vector.broadcast %mul3A_2882 : i32 to vector<16xi32>
      %add3A_2926 = arith.addi %get3A_2924, %add3A_2925 : vector<16xi32>
      %gather3A_2927 = tpu.vector_load_idx %arg5[%add3A_2926] : memref<640xi32, #tpu.memory_space<vmem>>[vector<16xi32>], vector<16xi32>,
      %get3A_2928 = arith.constant 32 : index
      %get3A_2929 = tpu.vector_load %arg7[%get3A_2928] {strides = array<i32>} : memref<192xi32, #tpu.memory_space<vmem>>, vector<16xi32>,
      %add3A_2930 = vector.broadcast %mul3A_2882 : i32 to vector<16xi32>
      %add3A_2931 = arith.addi %get3A_2929, %add3A_2930 : vector<16xi32>
      %gather3A_2932 = tpu.vector_load_idx %arg5[%add3A_2931] : memref<640xi32, #tpu.memory_space<vmem>>[vector<16xi32>], vector<16xi32>,
      %mul3A_2933 = arith.constant 1000 : i32
      %mul3A_2934 = vector.broadcast %mul3A_2933 : i32 to vector<16xi32>
      %mul3A_2935 = arith.muli %gather3A_2927, %mul3A_2934 : vector<16xi32>
      %add3A_2936 = arith.addi %mul3A_2935, %gather3A_2932 : vector<16xi32>
      %mul3A_2937 = arith.constant 3 : i32
      %mul3A_2938 = arith.muli %scan3A_2880, %mul3A_2937 : i32
      %add3A_2939 = arith.constant 0 : i32
      %add3A_2940 = arith.addi %mul3A_2938, %add3A_2939 : i32
      %swap3A_2941 = arith.index_cast %add3A_2940 : i32 to index
      %swap3A_2942 = arith.constant 32 : index
      %swap3A_2943 = tpu.vector_load %arg8[%swap3A_2941, %swap3A_2942] {strides = array<i32>} : memref<96x64xi32, #tpu.memory_space<vmem>>, vector<16xi32>,
      tpu.vector_store %arg8[%swap3A_2941, %swap3A_2942], %add3A_2936 {strides = array<i32>} : memref<96x64xi32, #tpu.memory_space<vmem>>, vector<16xi32>,
      %get3A_2944 = arith.constant 48 : index
      %get3A_2945 = tpu.vector_load %arg6[%get3A_2944] {strides = array<i32>} : memref<192xi32, #tpu.memory_space<vmem>>, vector<16xi32>,
      %add3A_2946 = vector.broadcast %mul3A_2882 : i32 to vector<16xi32>
      %add3A_2947 = arith.addi %get3A_2945, %add3A_2946 : vector<16xi32>
      %gather3A_2948 = tpu.vector_load_idx %arg5[%add3A_2947] : memref<640xi32, #tpu.memory_space<vmem>>[vector<16xi32>], vector<16xi32>,
      %get3A_2949 = arith.constant 48 : index
      %get3A_2950 = tpu.vector_load %arg7[%get3A_2949] {strides = array<i32>} : memref<192xi32, #tpu.memory_space<vmem>>, vector<16xi32>,
      %add3A_2951 = vector.broadcast %mul3A_2882 : i32 to vector<16xi32>
      %add3A_2952 = arith.addi %get3A_2950, %add3A_2951 : vector<16xi32>
      %gather3A_2953 = tpu.vector_load_idx %arg5[%add3A_2952] : memref<640xi32, #tpu.memory_space<vmem>>[vector<16xi32>], vector<16xi32>,
      %mul3A_2954 = arith.constant 1000 : i32
      %mul3A_2955 = vector.broadcast %mul3A_2954 : i32 to vector<16xi32>
      %mul3A_2956 = arith.muli %gather3A_2948, %mul3A_2955 : vector<16xi32>
      %add3A_2957 = arith.addi %mul3A_2956, %gather3A_2953 : vector<16xi32>
      %mul3A_2958 = arith.constant 3 : i32
      %mul3A_2959 = arith.muli %scan3A_2880, %mul3A_2958 : i32
      %add3A_2960 = arith.constant 0 : i32
      %add3A_2961 = arith.addi %mul3A_2959, %add3A_2960 : i32
      %swap3A_2962 = arith.index_cast %add3A_2961 : i32 to index
      %swap3A_2963 = arith.constant 48 : index
      %swap3A_2964 = tpu.vector_load %arg8[%swap3A_2962, %swap3A_2963] {strides = array<i32>} : memref<96x64xi32, #tpu.memory_space<vmem>>, vector<16xi32>,
      tpu.vector_store %arg8[%swap3A_2962, %swap3A_2963], %add3A_2957 {strides = array<i32>} : memref<96x64xi32, #tpu.memory_space<vmem>>, vector<16xi32>,
      %mul3A_2965 = arith.constant 3 : i32
      %mul3A_2966 = arith.muli %scan3A_2880, %mul3A_2965 : i32
      %add3A_2967 = arith.constant 0 : i32
      %add3A_2968 = arith.addi %mul3A_2966, %add3A_2967 : i32
      %mul3A_2969 = arith.constant 3 : i32
      %mul3A_2970 = arith.muli %scan3A_2880, %mul3A_2969 : i32
      %add3A_2971 = arith.constant 0 : i32
      %add3A_2972 = arith.addi %mul3A_2970, %add3A_2971 : i32
      %dma_start3A = arith.constant 0 : i32
      %dma_start3A_2973 = tpu.memref_slice %arg9[%add3A_2972, %dma_start3A] : memref<96x64xf32, #tpu.memory_space<vmem>> -> memref<1x64xf32, #tpu.memory_space<vmem>>
      %dma_start3A_2974 = tpu.memref_squeeze %dma_start3A_2973 : memref<1x64xf32, #tpu.memory_space<vmem>> -> memref<64xf32, #tpu.memory_space<vmem>>
      %dma_start3A_2975 = arith.constant 0 : i32
      %dma_start3A_2976 = tpu.memref_slice %arg8[%add3A_2968, %dma_start3A_2975] : memref<96x64xi32, #tpu.memory_space<vmem>> -> memref<1x64xi32, #tpu.memory_space<vmem>>
      %dma_start3A_2977 = tpu.memref_squeeze %dma_start3A_2976 : memref<1x64xi32, #tpu.memory_space<vmem>> -> memref<64xi32, #tpu.memory_space<vmem>>
      %dma_start3A_2978 = arith.constant 0 : i32
      %dma_start3A_2979 = tpu.memref_slice %arg3[%dma_start3A_2978] : memref<1000000xf32, #tpu.memory_space<hbm>> -> memref<1000000xf32, #tpu.memory_space<hbm>>
      tpu.enqueue_indirect_dma source(%dma_start3A_2979 : memref<1000000xf32, #tpu.memory_space<hbm>>) target(%dma_start3A_2974 : memref<64xf32, #tpu.memory_space<vmem>>) offsets(%dma_start3A_2977 : memref<64xi32, #tpu.memory_space<vmem>>) semaphore(%arg12 : memref<!tpu.dma_semaphore, #tpu.memory_space<semaphore_mem>>)
      %get3A_2980 = arith.constant 64 : index
      %get3A_2981 = tpu.vector_load %arg6[%get3A_2980] {strides = array<i32>} : memref<192xi32, #tpu.memory_space<vmem>>, vector<16xi32>,
      %add3A_2982 = vector.broadcast %mul3A_2882 : i32 to vector<16xi32>
      %add3A_2983 = arith.addi %get3A_2981, %add3A_2982 : vector<16xi32>
      %gather3A_2984 = tpu.vector_load_idx %arg5[%add3A_2983] : memref<640xi32, #tpu.memory_space<vmem>>[vector<16xi32>], vector<16xi32>,
      %get3A_2985 = arith.constant 64 : index
      %get3A_2986 = tpu.vector_load %arg7[%get3A_2985] {strides = array<i32>} : memref<192xi32, #tpu.memory_space<vmem>>, vector<16xi32>,
      %add3A_2987 = vector.broadcast %mul3A_2882 : i32 to vector<16xi32>
      %add3A_2988 = arith.addi %get3A_2986, %add3A_2987 : vector<16xi32>
      %gather3A_2989 = tpu.vector_load_idx %arg5[%add3A_2988] : memref<640xi32, #tpu.memory_space<vmem>>[vector<16xi32>], vector<16xi32>,
      %mul3A_2990 = arith.constant 1000 : i32
      %mul3A_2991 = vector.broadcast %mul3A_2990 : i32 to vector<16xi32>
      %mul3A_2992 = arith.muli %gather3A_2984, %mul3A_2991 : vector<16xi32>
      %add3A_2993 = arith.addi %mul3A_2992, %gather3A_2989 : vector<16xi32>
      %mul3A_2994 = arith.constant 3 : i32
      %mul3A_2995 = arith.muli %scan3A_2880, %mul3A_2994 : i32
      %add3A_2996 = arith.constant 1 : i32
      %add3A_2997 = arith.addi %mul3A_2995, %add3A_2996 : i32
      %swap3A_2998 = arith.index_cast %add3A_2997 : i32 to index
      %swap3A_2999 = arith.constant 0 : index
      %swap3A_3000 = tpu.vector_load %arg8[%swap3A_2998, %swap3A_2999] {strides = array<i32>} : memref<96x64xi32, #tpu.memory_space<vmem>>, vector<16xi32>,
      tpu.vector_store %arg8[%swap3A_2998, %swap3A_2999], %add3A_2993 {strides = array<i32>} : memref<96x64xi32, #tpu.memory_space<vmem>>, vector<16xi32>,
      %get3A_3001 = arith.constant 80 : index
      %get3A_3002 = tpu.vector_load %arg6[%get3A_3001] {strides = array<i32>} : memref<192xi32, #tpu.memory_space<vmem>>, vector<16xi32>,
      %add3A_3003 = vector.broadcast %mul3A_2882 : i32 to vector<16xi32>
      %add3A_3004 = arith.addi %get3A_3002, %add3A_3003 : vector<16xi32>
      %gather3A_3005 = tpu.vector_load_idx %arg5[%add3A_3004] : memref<640xi32, #tpu.memory_space<vmem>>[vector<16xi32>], vector<16xi32>,
      %get3A_3006 = arith.constant 80 : index
      %get3A_3007 = tpu.vector_load %arg7[%get3A_3006] {strides = array<i32>} : memref<192xi32, #tpu.memory_space<vmem>>, vector<16xi32>,
      %add3A_3008 = vector.broadcast %mul3A_2882 : i32 to vector<16xi32>
      %add3A_3009 = arith.addi %get3A_3007, %add3A_3008 : vector<16xi32>
      %gather3A_3010 = tpu.vector_load_idx %arg5[%add3A_3009] : memref<640xi32, #tpu.memory_space<vmem>>[vector<16xi32>], vector<16xi32>,
      %mul3A_3011 = arith.constant 1000 : i32
      %mul3A_3012 = vector.broadcast %mul3A_3011 : i32 to vector<16xi32>
      %mul3A_3013 = arith.muli %gather3A_3005, %mul3A_3012 : vector<16xi32>
      %add3A_3014 = arith.addi %mul3A_3013, %gather3A_3010 : vector<16xi32>
      %mul3A_3015 = arith.constant 3 : i32
      %mul3A_3016 = arith.muli %scan3A_2880, %mul3A_3015 : i32
      %add3A_3017 = arith.constant 1 : i32
      %add3A_3018 = arith.addi %mul3A_3016, %add3A_3017 : i32
      %swap3A_3019 = arith.index_cast %add3A_3018 : i32 to index
      %swap3A_3020 = arith.constant 16 : index
      %swap3A_3021 = tpu.vector_load %arg8[%swap3A_3019, %swap3A_3020] {strides = array<i32>} : memref<96x64xi32, #tpu.memory_space<vmem>>, vector<16xi32>,
      tpu.vector_store %arg8[%swap3A_3019, %swap3A_3020], %add3A_3014 {strides = array<i32>} : memref<96x64xi32, #tpu.memory_space<vmem>>, vector<16xi32>,
      %get3A_3022 = arith.constant 96 : index
      %get3A_3023 = tpu.vector_load %arg6[%get3A_3022] {strides = array<i32>} : memref<192xi32, #tpu.memory_space<vmem>>, vector<16xi32>,
      %add3A_3024 = vector.broadcast %mul3A_2882 : i32 to vector<16xi32>
      %add3A_3025 = arith.addi %get3A_3023, %add3A_3024 : vector<16xi32>
      %gather3A_3026 = tpu.vector_load_idx %arg5[%add3A_3025] : memref<640xi32, #tpu.memory_space<vmem>>[vector<16xi32>], vector<16xi32>,
      %get3A_3027 = arith.constant 96 : index
      %get3A_3028 = tpu.vector_load %arg7[%get3A_3027] {strides = array<i32>} : memref<192xi32, #tpu.memory_space<vmem>>, vector<16xi32>,
      %add3A_3029 = vector.broadcast %mul3A_2882 : i32 to vector<16xi32>
      %add3A_3030 = arith.addi %get3A_3028, %add3A_3029 : vector<16xi32>
      %gather3A_3031 = tpu.vector_load_idx %arg5[%add3A_3030] : memref<640xi32, #tpu.memory_space<vmem>>[vector<16xi32>], vector<16xi32>,
      %mul3A_3032 = arith.constant 1000 : i32
      %mul3A_3033 = vector.broadcast %mul3A_3032 : i32 to vector<16xi32>
      %mul3A_3034 = arith.muli %gather3A_3026, %mul3A_3033 : vector<16xi32>
      %add3A_3035 = arith.addi %mul3A_3034, %gather3A_3031 : vector<16xi32>
      %mul3A_3036 = arith.constant 3 : i32
      %mul3A_3037 = arith.muli %scan3A_2880, %mul3A_3036 : i32
      %add3A_3038 = arith.constant 1 : i32
      %add3A_3039 = arith.addi %mul3A_3037, %add3A_3038 : i32
      %swap3A_3040 = arith.index_cast %add3A_3039 : i32 to index
      %swap3A_3041 = arith.constant 32 : index
      %swap3A_3042 = tpu.vector_load %arg8[%swap3A_3040, %swap3A_3041] {strides = array<i32>} : memref<96x64xi32, #tpu.memory_space<vmem>>, vector<16xi32>,
      tpu.vector_store %arg8[%swap3A_3040, %swap3A_3041], %add3A_3035 {strides = array<i32>} : memref<96x64xi32, #tpu.memory_space<vmem>>, vector<16xi32>,
      %get3A_3043 = arith.constant 112 : index
      %get3A_3044 = tpu.vector_load %arg6[%get3A_3043] {strides = array<i32>} : memref<192xi32, #tpu.memory_space<vmem>>, vector<16xi32>,
      %add3A_3045 = vector.broadcast %mul3A_2882 : i32 to vector<16xi32>
      %add3A_3046 = arith.addi %get3A_3044, %add3A_3045 : vector<16xi32>
      %gather3A_3047 = tpu.vector_load_idx %arg5[%add3A_3046] : memref<640xi32, #tpu.memory_space<vmem>>[vector<16xi32>], vector<16xi32>,
      %get3A_3048 = arith.constant 112 : index
      %get3A_3049 = tpu.vector_load %arg7[%get3A_3048] {strides = array<i32>} : memref<192xi32, #tpu.memory_space<vmem>>, vector<16xi32>,
      %add3A_3050 = vector.broadcast %mul3A_2882 : i32 to vector<16xi32>
      %add3A_3051 = arith.addi %get3A_3049, %add3A_3050 : vector<16xi32>
      %gather3A_3052 = tpu.vector_load_idx %arg5[%add3A_3051] : memref<640xi32, #tpu.memory_space<vmem>>[vector<16xi32>], vector<16xi32>,
      %mul3A_3053 = arith.constant 1000 : i32
      %mul3A_3054 = vector.broadcast %mul3A_3053 : i32 to vector<16xi32>
      %mul3A_3055 = arith.muli %gather3A_3047, %mul3A_3054 : vector<16xi32>
      %add3A_3056 = arith.addi %mul3A_3055, %gather3A_3052 : vector<16xi32>
      %mul3A_3057 = arith.constant 3 : i32
      %mul3A_3058 = arith.muli %scan3A_2880, %mul3A_3057 : i32
      %add3A_3059 = arith.constant 1 : i32
      %add3A_3060 = arith.addi %mul3A_3058, %add3A_3059 : i32
      %swap3A_3061 = arith.index_cast %add3A_3060 : i32 to index
      %swap3A_3062 = arith.constant 48 : index
      %swap3A_3063 = tpu.vector_load %arg8[%swap3A_3061, %swap3A_3062] {strides = array<i32>} : memref<96x64xi32, #tpu.memory_space<vmem>>, vector<16xi32>,
      tpu.vector_store %arg8[%swap3A_3061, %swap3A_3062], %add3A_3056 {strides = array<i32>} : memref<96x64xi32, #tpu.memory_space<vmem>>, vector<16xi32>,
      %mul3A_3064 = arith.constant 3 : i32
      %mul3A_3065 = arith.muli %scan3A_2880, %mul3A_3064 : i32
      %add3A_3066 = arith.constant 1 : i32
      %add3A_3067 = arith.addi %mul3A_3065, %add3A_3066 : i32
      %mul3A_3068 = arith.constant 3 : i32
      %mul3A_3069 = arith.muli %scan3A_2880, %mul3A_3068 : i32
      %add3A_3070 = arith.constant 1 : i32
      %add3A_3071 = arith.addi %mul3A_3069, %add3A_3070 : i32
      %dma_start3A_3072 = arith.constant 0 : i32
      %dma_start3A_3073 = tpu.memref_slice %arg9[%add3A_3071, %dma_start3A_3072] : memref<96x64xf32, #tpu.memory_space<vmem>> -> memref<1x64xf32, #tpu.memory_space<vmem>>
      %dma_start3A_3074 = tpu.memref_squeeze %dma_start3A_3073 : memref<1x64xf32, #tpu.memory_space<vmem>> -> memref<64xf32, #tpu.memory_space<vmem>>
      %dma_start3A_3075 = arith.constant 0 : i32
      %dma_start3A_3076 = tpu.memref_slice %arg8[%add3A_3067, %dma_start3A_3075] : memref<96x64xi32, #tpu.memory_space<vmem>> -> memref<1x64xi32, #tpu.memory_space<vmem>>
      %dma_start3A_3077 = tpu.memref_squeeze %dma_start3A_3076 : memref<1x64xi32, #tpu.memory_space<vmem>> -> memref<64xi32, #tpu.memory_space<vmem>>
      %dma_start3A_3078 = arith.constant 0 : i32
      %dma_start3A_3079 = tpu.memref_slice %arg3[%dma_start3A_3078] : memref<1000000xf32, #tpu.memory_space<hbm>> -> memref<1000000xf32, #tpu.memory_space<hbm>>
      tpu.enqueue_indirect_dma source(%dma_start3A_3079 : memref<1000000xf32, #tpu.memory_space<hbm>>) target(%dma_start3A_3074 : memref<64xf32, #tpu.memory_space<vmem>>) offsets(%dma_start3A_3077 : memref<64xi32, #tpu.memory_space<vmem>>) semaphore(%arg12 : memref<!tpu.dma_semaphore, #tpu.memory_space<semaphore_mem>>)
      %get3A_3080 = arith.constant 128 : index
      %get3A_3081 = tpu.vector_load %arg6[%get3A_3080] {strides = array<i32>} : memref<192xi32, #tpu.memory_space<vmem>>, vector<16xi32>,
      %add3A_3082 = vector.broadcast %mul3A_2882 : i32 to vector<16xi32>
      %add3A_3083 = arith.addi %get3A_3081, %add3A_3082 : vector<16xi32>
      %gather3A_3084 = tpu.vector_load_idx %arg5[%add3A_3083] : memref<640xi32, #tpu.memory_space<vmem>>[vector<16xi32>], vector<16xi32>,
      %get3A_3085 = arith.constant 128 : index
      %get3A_3086 = tpu.vector_load %arg7[%get3A_3085] {strides = array<i32>} : memref<192xi32, #tpu.memory_space<vmem>>, vector<16xi32>,
      %add3A_3087 = vector.broadcast %mul3A_2882 : i32 to vector<16xi32>
      %add3A_3088 = arith.addi %get3A_3086, %add3A_3087 : vector<16xi32>
      %gather3A_3089 = tpu.vector_load_idx %arg5[%add3A_3088] : memref<640xi32, #tpu.memory_space<vmem>>[vector<16xi32>], vector<16xi32>,
      %mul3A_3090 = arith.constant 1000 : i32
      %mul3A_3091 = vector.broadcast %mul3A_3090 : i32 to vector<16xi32>
      %mul3A_3092 = arith.muli %gather3A_3084, %mul3A_3091 : vector<16xi32>
      %add3A_3093 = arith.addi %mul3A_3092, %gather3A_3089 : vector<16xi32>
      %mul3A_3094 = arith.constant 3 : i32
      %mul3A_3095 = arith.muli %scan3A_2880, %mul3A_3094 : i32
      %add3A_3096 = arith.constant 2 : i32
      %add3A_3097 = arith.addi %mul3A_3095, %add3A_3096 : i32
      %swap3A_3098 = arith.index_cast %add3A_3097 : i32 to index
      %swap3A_3099 = arith.constant 0 : index
      %swap3A_3100 = tpu.vector_load %arg8[%swap3A_3098, %swap3A_3099] {strides = array<i32>} : memref<96x64xi32, #tpu.memory_space<vmem>>, vector<16xi32>,
      tpu.vector_store %arg8[%swap3A_3098, %swap3A_3099], %add3A_3093 {strides = array<i32>} : memref<96x64xi32, #tpu.memory_space<vmem>>, vector<16xi32>,
      %get3A_3101 = arith.constant 144 : index
      %get3A_3102 = tpu.vector_load %arg6[%get3A_3101] {strides = array<i32>} : memref<192xi32, #tpu.memory_space<vmem>>, vector<16xi32>,
      %add3A_3103 = vector.broadcast %mul3A_2882 : i32 to vector<16xi32>
      %add3A_3104 = arith.addi %get3A_3102, %add3A_3103 : vector<16xi32>
      %gather3A_3105 = tpu.vector_load_idx %arg5[%add3A_3104] : memref<640xi32, #tpu.memory_space<vmem>>[vector<16xi32>], vector<16xi32>,
      %get3A_3106 = arith.constant 144 : index
      %get3A_3107 = tpu.vector_load %arg7[%get3A_3106] {strides = array<i32>} : memref<192xi32, #tpu.memory_space<vmem>>, vector<16xi32>,
      %add3A_3108 = vector.broadcast %mul3A_2882 : i32 to vector<16xi32>
      %add3A_3109 = arith.addi %get3A_3107, %add3A_3108 : vector<16xi32>
      %gather3A_3110 = tpu.vector_load_idx %arg5[%add3A_3109] : memref<640xi32, #tpu.memory_space<vmem>>[vector<16xi32>], vector<16xi32>,
      %mul3A_3111 = arith.constant 1000 : i32
      %mul3A_3112 = vector.broadcast %mul3A_3111 : i32 to vector<16xi32>
      %mul3A_3113 = arith.muli %gather3A_3105, %mul3A_3112 : vector<16xi32>
      %add3A_3114 = arith.addi %mul3A_3113, %gather3A_3110 : vector<16xi32>
      %mul3A_3115 = arith.constant 3 : i32
      %mul3A_3116 = arith.muli %scan3A_2880, %mul3A_3115 : i32
      %add3A_3117 = arith.constant 2 : i32
      %add3A_3118 = arith.addi %mul3A_3116, %add3A_3117 : i32
      %swap3A_3119 = arith.index_cast %add3A_3118 : i32 to index
      %swap3A_3120 = arith.constant 16 : index
      %swap3A_3121 = tpu.vector_load %arg8[%swap3A_3119, %swap3A_3120] {strides = array<i32>} : memref<96x64xi32, #tpu.memory_space<vmem>>, vector<16xi32>,
      tpu.vector_store %arg8[%swap3A_3119, %swap3A_3120], %add3A_3114 {strides = array<i32>} : memref<96x64xi32, #tpu.memory_space<vmem>>, vector<16xi32>,
      %get3A_3122 = arith.constant 160 : index
      %get3A_3123 = tpu.vector_load %arg6[%get3A_3122] {strides = array<i32>} : memref<192xi32, #tpu.memory_space<vmem>>, vector<16xi32>,
      %add3A_3124 = vector.broadcast %mul3A_2882 : i32 to vector<16xi32>
      %add3A_3125 = arith.addi %get3A_3123, %add3A_3124 : vector<16xi32>
      %gather3A_3126 = tpu.vector_load_idx %arg5[%add3A_3125] : memref<640xi32, #tpu.memory_space<vmem>>[vector<16xi32>], vector<16xi32>,
      %get3A_3127 = arith.constant 160 : index
      %get3A_3128 = tpu.vector_load %arg7[%get3A_3127] {strides = array<i32>} : memref<192xi32, #tpu.memory_space<vmem>>, vector<16xi32>,
      %add3A_3129 = vector.broadcast %mul3A_2882 : i32 to vector<16xi32>
      %add3A_3130 = arith.addi %get3A_3128, %add3A_3129 : vector<16xi32>
      %gather3A_3131 = tpu.vector_load_idx %arg5[%add3A_3130] : memref<640xi32, #tpu.memory_space<vmem>>[vector<16xi32>], vector<16xi32>,
      %mul3A_3132 = arith.constant 1000 : i32
      %mul3A_3133 = vector.broadcast %mul3A_3132 : i32 to vector<16xi32>
      %mul3A_3134 = arith.muli %gather3A_3126, %mul3A_3133 : vector<16xi32>
      %add3A_3135 = arith.addi %mul3A_3134, %gather3A_3131 : vector<16xi32>
      %mul3A_3136 = arith.constant 3 : i32
      %mul3A_3137 = arith.muli %scan3A_2880, %mul3A_3136 : i32
      %add3A_3138 = arith.constant 2 : i32
      %add3A_3139 = arith.addi %mul3A_3137, %add3A_3138 : i32
      %swap3A_3140 = arith.index_cast %add3A_3139 : i32 to index
      %swap3A_3141 = arith.constant 32 : index
      %swap3A_3142 = tpu.vector_load %arg8[%swap3A_3140, %swap3A_3141] {strides = array<i32>} : memref<96x64xi32, #tpu.memory_space<vmem>>, vector<16xi32>,
      tpu.vector_store %arg8[%swap3A_3140, %swap3A_3141], %add3A_3135 {strides = array<i32>} : memref<96x64xi32, #tpu.memory_space<vmem>>, vector<16xi32>,
      %get3A_3143 = arith.constant 176 : index
      %get3A_3144 = tpu.vector_load %arg6[%get3A_3143] {strides = array<i32>} : memref<192xi32, #tpu.memory_space<vmem>>, vector<16xi32>,
      %add3A_3145 = vector.broadcast %mul3A_2882 : i32 to vector<16xi32>
      %add3A_3146 = arith.addi %get3A_3144, %add3A_3145 : vector<16xi32>
      %gather3A_3147 = tpu.vector_load_idx %arg5[%add3A_3146] : memref<640xi32, #tpu.memory_space<vmem>>[vector<16xi32>], vector<16xi32>,
      %get3A_3148 = arith.constant 176 : index
      %get3A_3149 = tpu.vector_load %arg7[%get3A_3148] {strides = array<i32>} : memref<192xi32, #tpu.memory_space<vmem>>, vector<16xi32>,
      %add3A_3150 = vector.broadcast %mul3A_2882 : i32 to vector<16xi32>
      %add3A_3151 = arith.addi %get3A_3149, %add3A_3150 : vector<16xi32>
      %gather3A_3152 = tpu.vector_load_idx %arg5[%add3A_3151] : memref<640xi32, #tpu.memory_space<vmem>>[vector<16xi32>], vector<16xi32>,
      %mul3A_3153 = arith.constant 1000 : i32
      %mul3A_3154 = vector.broadcast %mul3A_3153 : i32 to vector<16xi32>
      %mul3A_3155 = arith.muli %gather3A_3147, %mul3A_3154 : vector<16xi32>
      %add3A_3156 = arith.addi %mul3A_3155, %gather3A_3152 : vector<16xi32>
      %mul3A_3157 = arith.constant 3 : i32
      %mul3A_3158 = arith.muli %scan3A_2880, %mul3A_3157 : i32
      %add3A_3159 = arith.constant 2 : i32
      %add3A_3160 = arith.addi %mul3A_3158, %add3A_3159 : i32
      %swap3A_3161 = arith.index_cast %add3A_3160 : i32 to index
      %swap3A_3162 = arith.constant 48 : index
      %swap3A_3163 = tpu.vector_load %arg8[%swap3A_3161, %swap3A_3162] {strides = array<i32>} : memref<96x64xi32, #tpu.memory_space<vmem>>, vector<16xi32>,
      tpu.vector_store %arg8[%swap3A_3161, %swap3A_3162], %add3A_3156 {strides = array<i32>} : memref<96x64xi32, #tpu.memory_space<vmem>>, vector<16xi32>,
      %mul3A_3164 = arith.constant 3 : i32
      %mul3A_3165 = arith.muli %scan3A_2880, %mul3A_3164 : i32
      %add3A_3166 = arith.constant 2 : i32
      %add3A_3167 = arith.addi %mul3A_3165, %add3A_3166 : i32
      %mul3A_3168 = arith.constant 3 : i32
      %mul3A_3169 = arith.muli %scan3A_2880, %mul3A_3168 : i32
      %add3A_3170 = arith.constant 2 : i32
      %add3A_3171 = arith.addi %mul3A_3169, %add3A_3170 : i32
      %dma_start3A_3172 = arith.constant 0 : i32
      %dma_start3A_3173 = tpu.memref_slice %arg9[%add3A_3171, %dma_start3A_3172] : memref<96x64xf32, #tpu.memory_space<vmem>> -> memref<1x64xf32, #tpu.memory_space<vmem>>
      %dma_start3A_3174 = tpu.memref_squeeze %dma_start3A_3173 : memref<1x64xf32, #tpu.memory_space<vmem>> -> memref<64xf32, #tpu.memory_space<vmem>>
      %dma_start3A_3175 = arith.constant 0 : i32
      %dma_start3A_3176 = tpu.memref_slice %arg8[%add3A_3167, %dma_start3A_3175] : memref<96x64xi32, #tpu.memory_space<vmem>> -> memref<1x64xi32, #tpu.memory_space<vmem>>
      %dma_start3A_3177 = tpu.memref_squeeze %dma_start3A_3176 : memref<1x64xi32, #tpu.memory_space<vmem>> -> memref<64xi32, #tpu.memory_space<vmem>>
      %dma_start3A_3178 = arith.constant 0 : i32
      %dma_start3A_3179 = tpu.memref_slice %arg3[%dma_start3A_3178] : memref<1000000xf32, #tpu.memory_space<hbm>> -> memref<1000000xf32, #tpu.memory_space<hbm>>
      tpu.enqueue_indirect_dma source(%dma_start3A_3179 : memref<1000000xf32, #tpu.memory_space<hbm>>) target(%dma_start3A_3174 : memref<64xf32, #tpu.memory_space<vmem>>) offsets(%dma_start3A_3177 : memref<64xi32, #tpu.memory_space<vmem>>) semaphore(%arg12 : memref<!tpu.dma_semaphore, #tpu.memory_space<semaphore_mem>>)
    }
    %scan3A_1793 = arith.constant 16 : i32
    %add3A_1794 = arith.constant 176 : i32
    %add3A_1795 = vector.broadcast %add3A_1794 : i32 to vector<16xi32>
    %add3A_1796 = arith.addi %iota3A, %add3A_1795 : vector<16xi32>
    %lt3A = arith.constant 190 : i32
    %lt3A_1797 = vector.broadcast %lt3A : i32 to vector<16xi32>
    %lt3A_1798 = arith.cmpi slt, %add3A_1796, %lt3A_1797 : vector<16xi32>
    %jit3A_1799 = arith.constant 1.000000e+00 : f32
    %jit3A_1800 = arith.constant 0.000000e+00 : f32
    %broadcast_in_dim3A_1801 = vector.broadcast %jit3A_1799 : f32 to vector<16xf32>
    %broadcast_in_dim3A_1802 = vector.broadcast %jit3A_1800 : f32 to vector<16xf32>
    %select_n3A_1803 = arith.select %lt3A_1798, %broadcast_in_dim3A_1801, %broadcast_in_dim3A_1802 : vector<16xi1>, vector<16xf32>
    %dma_wait3A = arith.constant 0 : i32
    %dma_wait3A_1804 = arith.constant 0 : i32
    %dma_wait3A_1805 = tpu.memref_slice %arg9[%dma_wait3A, %dma_wait3A_1804] : memref<96x64xf32, #tpu.memory_space<vmem>> -> memref<1x64xf32, #tpu.memory_space<vmem>>
    %dma_wait3A_1806 = tpu.memref_squeeze %dma_wait3A_1805 : memref<1x64xf32, #tpu.memory_space<vmem>> -> memref<64xf32, #tpu.memory_space<vmem>>
    %dma_wait3A_1807 = arith.constant 0 : i32
    %dma_wait3A_1808 = tpu.memref_slice %arg3[%dma_wait3A_1807] : memref<1000000xf32, #tpu.memory_space<hbm>> -> memref<64xf32, #tpu.memory_space<hbm>>
    %dma_wait3A_1809 = arith.constant 0 : i32
    %dma_wait3A_1810 = tpu.memref_slice %arg9[%dma_wait3A, %dma_wait3A_1809] : memref<96x64xf32, #tpu.memory_space<vmem>> -> memref<1x64xf32, #tpu.memory_space<vmem>>
    %dma_wait3A_1811 = tpu.memref_squeeze %dma_wait3A_1810 : memref<1x64xf32, #tpu.memory_space<vmem>> -> memref<64xf32, #tpu.memory_space<vmem>>
    %dma_wait3A_1812 = arith.constant 0 : i32
    %dma_wait3A_1813 = tpu.memref_slice %arg3[%dma_wait3A_1812] : memref<1000000xf32, #tpu.memory_space<hbm>> -> memref<64xf32, #tpu.memory_space<hbm>>
    tpu.wait_dma2 semaphore(%arg11 : memref<!tpu.dma_semaphore, #tpu.memory_space<semaphore_mem>>) src(%dma_wait3A_1813 : memref<64xf32, #tpu.memory_space<hbm>>) dst(%dma_wait3A_1811 : memref<64xf32, #tpu.memory_space<vmem>>)
    %dma_wait3A_1814 = arith.constant 1 : i32
    %dma_wait3A_1815 = arith.constant 0 : i32
    %dma_wait3A_1816 = tpu.memref_slice %arg9[%dma_wait3A_1814, %dma_wait3A_1815] : memref<96x64xf32, #tpu.memory_space<vmem>> -> memref<1x64xf32, #tpu.memory_space<vmem>>
    %dma_wait3A_1817 = tpu.memref_squeeze %dma_wait3A_1816 : memref<1x64xf32, #tpu.memory_space<vmem>> -> memref<64xf32, #tpu.memory_space<vmem>>
    %dma_wait3A_1818 = arith.constant 0 : i32
    %dma_wait3A_1819 = tpu.memref_slice %arg3[%dma_wait3A_1818] : memref<1000000xf32, #tpu.memory_space<hbm>> -> memref<64xf32, #tpu.memory_space<hbm>>
    %dma_wait3A_1820 = arith.constant 0 : i32
    %dma_wait3A_1821 = tpu.memref_slice %arg9[%dma_wait3A_1814, %dma_wait3A_1820] : memref<96x64xf32, #tpu.memory_space<vmem>> -> memref<1x64xf32, #tpu.memory_space<vmem>>
    %dma_wait3A_1822 = tpu.memref_squeeze %dma_wait3A_1821 : memref<1x64xf32, #tpu.memory_space<vmem>> -> memref<64xf32, #tpu.memory_space<vmem>>
    %dma_wait3A_1823 = arith.constant 0 : i32
    %dma_wait3A_1824 = tpu.memref_slice %arg3[%dma_wait3A_1823] : memref<1000000xf32, #tpu.memory_space<hbm>> -> memref<64xf32, #tpu.memory_space<hbm>>
    tpu.wait_dma2 semaphore(%arg11 : memref<!tpu.dma_semaphore, #tpu.memory_space<semaphore_mem>>) src(%dma_wait3A_1824 : memref<64xf32, #tpu.memory_space<hbm>>) dst(%dma_wait3A_1822 : memref<64xf32, #tpu.memory_space<vmem>>)
    %dma_wait3A_1825 = arith.constant 2 : i32
    %dma_wait3A_1826 = arith.constant 0 : i32
    %dma_wait3A_1827 = tpu.memref_slice %arg9[%dma_wait3A_1825, %dma_wait3A_1826] : memref<96x64xf32, #tpu.memory_space<vmem>> -> memref<1x64xf32, #tpu.memory_space<vmem>>
    %dma_wait3A_1828 = tpu.memref_squeeze %dma_wait3A_1827 : memref<1x64xf32, #tpu.memory_space<vmem>> -> memref<64xf32, #tpu.memory_space<vmem>>
    %dma_wait3A_1829 = arith.constant 0 : i32
    %dma_wait3A_1830 = tpu.memref_slice %arg3[%dma_wait3A_1829] : memref<1000000xf32, #tpu.memory_space<hbm>> -> memref<64xf32, #tpu.memory_space<hbm>>
    %dma_wait3A_1831 = arith.constant 0 : i32
    %dma_wait3A_1832 = tpu.memref_slice %arg9[%dma_wait3A_1825, %dma_wait3A_1831] : memref<96x64xf32, #tpu.memory_space<vmem>> -> memref<1x64xf32, #tpu.memory_space<vmem>>
    %dma_wait3A_1833 = tpu.memref_squeeze %dma_wait3A_1832 : memref<1x64xf32, #tpu.memory_space<vmem>> -> memref<64xf32, #tpu.memory_space<vmem>>
    %dma_wait3A_1834 = arith.constant 0 : i32
    %dma_wait3A_1835 = tpu.memref_slice %arg3[%dma_wait3A_1834] : memref<1000000xf32, #tpu.memory_space<hbm>> -> memref<64xf32, #tpu.memory_space<hbm>>
    tpu.wait_dma2 semaphore(%arg11 : memref<!tpu.dma_semaphore, #tpu.memory_space<semaphore_mem>>) src(%dma_wait3A_1835 : memref<64xf32, #tpu.memory_space<hbm>>) dst(%dma_wait3A_1833 : memref<64xf32, #tpu.memory_space<vmem>>)
    %dma_wait3A_1836 = arith.constant 3 : i32
    %dma_wait3A_1837 = arith.constant 0 : i32
    %dma_wait3A_1838 = tpu.memref_slice %arg9[%dma_wait3A_1836, %dma_wait3A_1837] : memref<96x64xf32, #tpu.memory_space<vmem>> -> memref<1x64xf32, #tpu.memory_space<vmem>>
    %dma_wait3A_1839 = tpu.memref_squeeze %dma_wait3A_1838 : memref<1x64xf32, #tpu.memory_space<vmem>> -> memref<64xf32, #tpu.memory_space<vmem>>
    %dma_wait3A_1840 = arith.constant 0 : i32
    %dma_wait3A_1841 = tpu.memref_slice %arg3[%dma_wait3A_1840] : memref<1000000xf32, #tpu.memory_space<hbm>> -> memref<64xf32, #tpu.memory_space<hbm>>
    %dma_wait3A_1842 = arith.constant 0 : i32
    %dma_wait3A_1843 = tpu.memref_slice %arg9[%dma_wait3A_1836, %dma_wait3A_1842] : memref<96x64xf32, #tpu.memory_space<vmem>> -> memref<1x64xf32, #tpu.memory_space<vmem>>
    %dma_wait3A_1844 = tpu.memref_squeeze %dma_wait3A_1843 : memref<1x64xf32, #tpu.memory_space<vmem>> -> memref<64xf32, #tpu.memory_space<vmem>>
    %dma_wait3A_1845 = arith.constant 0 : i32
    %dma_wait3A_1846 = tpu.memref_slice %arg3[%dma_wait3A_1845] : memref<1000000xf32, #tpu.memory_space<hbm>> -> memref<64xf32, #tpu.memory_space<hbm>>
    tpu.wait_dma2 semaphore(%arg11 : memref<!tpu.dma_semaphore, #tpu.memory_space<semaphore_mem>>) src(%dma_wait3A_1846 : memref<64xf32, #tpu.memory_space<hbm>>) dst(%dma_wait3A_1844 : memref<64xf32, #tpu.memory_space<vmem>>)
    %dma_wait3A_1847 = arith.constant 4 : i32
    %dma_wait3A_1848 = arith.constant 0 : i32
    %dma_wait3A_1849 = tpu.memref_slice %arg9[%dma_wait3A_1847, %dma_wait3A_1848] : memref<96x64xf32, #tpu.memory_space<vmem>> -> memref<1x64xf32, #tpu.memory_space<vmem>>
    %dma_wait3A_1850 = tpu.memref_squeeze %dma_wait3A_1849 : memref<1x64xf32, #tpu.memory_space<vmem>> -> memref<64xf32, #tpu.memory_space<vmem>>
    %dma_wait3A_1851 = arith.constant 0 : i32
    %dma_wait3A_1852 = tpu.memref_slice %arg3[%dma_wait3A_1851] : memref<1000000xf32, #tpu.memory_space<hbm>> -> memref<64xf32, #tpu.memory_space<hbm>>
    %dma_wait3A_1853 = arith.constant 0 : i32
    %dma_wait3A_1854 = tpu.memref_slice %arg9[%dma_wait3A_1847, %dma_wait3A_1853] : memref<96x64xf32, #tpu.memory_space<vmem>> -> memref<1x64xf32, #tpu.memory_space<vmem>>
    %dma_wait3A_1855 = tpu.memref_squeeze %dma_wait3A_1854 : memref<1x64xf32, #tpu.memory_space<vmem>> -> memref<64xf32, #tpu.memory_space<vmem>>
    %dma_wait3A_1856 = arith.constant 0 : i32
    %dma_wait3A_1857 = tpu.memref_slice %arg3[%dma_wait3A_1856] : memref<1000000xf32, #tpu.memory_space<hbm>> -> memref<64xf32, #tpu.memory_space<hbm>>
    tpu.wait_dma2 semaphore(%arg11 : memref<!tpu.dma_semaphore, #tpu.memory_space<semaphore_mem>>) src(%dma_wait3A_1857 : memref<64xf32, #tpu.memory_space<hbm>>) dst(%dma_wait3A_1855 : memref<64xf32, #tpu.memory_space<vmem>>)
    %dma_wait3A_1858 = arith.constant 5 : i32
    %dma_wait3A_1859 = arith.constant 0 : i32
    %dma_wait3A_1860 = tpu.memref_slice %arg9[%dma_wait3A_1858, %dma_wait3A_1859] : memref<96x64xf32, #tpu.memory_space<vmem>> -> memref<1x64xf32, #tpu.memory_space<vmem>>
    %dma_wait3A_1861 = tpu.memref_squeeze %dma_wait3A_1860 : memref<1x64xf32, #tpu.memory_space<vmem>> -> memref<64xf32, #tpu.memory_space<vmem>>
    %dma_wait3A_1862 = arith.constant 0 : i32
    %dma_wait3A_1863 = tpu.memref_slice %arg3[%dma_wait3A_1862] : memref<1000000xf32, #tpu.memory_space<hbm>> -> memref<64xf32, #tpu.memory_space<hbm>>
    %dma_wait3A_1864 = arith.constant 0 : i32
    %dma_wait3A_1865 = tpu.memref_slice %arg9[%dma_wait3A_1858, %dma_wait3A_1864] : memref<96x64xf32, #tpu.memory_space<vmem>> -> memref<1x64xf32, #tpu.memory_space<vmem>>
    %dma_wait3A_1866 = tpu.memref_squeeze %dma_wait3A_1865 : memref<1x64xf32, #tpu.memory_space<vmem>> -> memref<64xf32, #tpu.memory_space<vmem>>
    %dma_wait3A_1867 = arith.constant 0 : i32
    %dma_wait3A_1868 = tpu.memref_slice %arg3[%dma_wait3A_1867] : memref<1000000xf32, #tpu.memory_space<hbm>> -> memref<64xf32, #tpu.memory_space<hbm>>
    tpu.wait_dma2 semaphore(%arg11 : memref<!tpu.dma_semaphore, #tpu.memory_space<semaphore_mem>>) src(%dma_wait3A_1868 : memref<64xf32, #tpu.memory_space<hbm>>) dst(%dma_wait3A_1866 : memref<64xf32, #tpu.memory_space<vmem>>)
    %dma_wait3A_1869 = arith.constant 6 : i32
    %dma_wait3A_1870 = arith.constant 0 : i32
    %dma_wait3A_1871 = tpu.memref_slice %arg9[%dma_wait3A_1869, %dma_wait3A_1870] : memref<96x64xf32, #tpu.memory_space<vmem>> -> memref<1x64xf32, #tpu.memory_space<vmem>>
    %dma_wait3A_1872 = tpu.memref_squeeze %dma_wait3A_1871 : memref<1x64xf32, #tpu.memory_space<vmem>> -> memref<64xf32, #tpu.memory_space<vmem>>
    %dma_wait3A_1873 = arith.constant 0 : i32
    %dma_wait3A_1874 = tpu.memref_slice %arg3[%dma_wait3A_1873] : memref<1000000xf32, #tpu.memory_space<hbm>> -> memref<64xf32, #tpu.memory_space<hbm>>
    %dma_wait3A_1875 = arith.constant 0 : i32
    %dma_wait3A_1876 = tpu.memref_slice %arg9[%dma_wait3A_1869, %dma_wait3A_1875] : memref<96x64xf32, #tpu.memory_space<vmem>> -> memref<1x64xf32, #tpu.memory_space<vmem>>
    %dma_wait3A_1877 = tpu.memref_squeeze %dma_wait3A_1876 : memref<1x64xf32, #tpu.memory_space<vmem>> -> memref<64xf32, #tpu.memory_space<vmem>>
    %dma_wait3A_1878 = arith.constant 0 : i32
    %dma_wait3A_1879 = tpu.memref_slice %arg3[%dma_wait3A_1878] : memref<1000000xf32, #tpu.memory_space<hbm>> -> memref<64xf32, #tpu.memory_space<hbm>>
    tpu.wait_dma2 semaphore(%arg11 : memref<!tpu.dma_semaphore, #tpu.memory_space<semaphore_mem>>) src(%dma_wait3A_1879 : memref<64xf32, #tpu.memory_space<hbm>>) dst(%dma_wait3A_1877 : memref<64xf32, #tpu.memory_space<vmem>>)
    %dma_wait3A_1880 = arith.constant 7 : i32
    %dma_wait3A_1881 = arith.constant 0 : i32
    %dma_wait3A_1882 = tpu.memref_slice %arg9[%dma_wait3A_1880, %dma_wait3A_1881] : memref<96x64xf32, #tpu.memory_space<vmem>> -> memref<1x64xf32, #tpu.memory_space<vmem>>
    %dma_wait3A_1883 = tpu.memref_squeeze %dma_wait3A_1882 : memref<1x64xf32, #tpu.memory_space<vmem>> -> memref<64xf32, #tpu.memory_space<vmem>>
    %dma_wait3A_1884 = arith.constant 0 : i32
    %dma_wait3A_1885 = tpu.memref_slice %arg3[%dma_wait3A_1884] : memref<1000000xf32, #tpu.memory_space<hbm>> -> memref<64xf32, #tpu.memory_space<hbm>>
    %dma_wait3A_1886 = arith.constant 0 : i32
    %dma_wait3A_1887 = tpu.memref_slice %arg9[%dma_wait3A_1880, %dma_wait3A_1886] : memref<96x64xf32, #tpu.memory_space<vmem>> -> memref<1x64xf32, #tpu.memory_space<vmem>>
    %dma_wait3A_1888 = tpu.memref_squeeze %dma_wait3A_1887 : memref<1x64xf32, #tpu.memory_space<vmem>> -> memref<64xf32, #tpu.memory_space<vmem>>
    %dma_wait3A_1889 = arith.constant 0 : i32
    %dma_wait3A_1890 = tpu.memref_slice %arg3[%dma_wait3A_1889] : memref<1000000xf32, #tpu.memory_space<hbm>> -> memref<64xf32, #tpu.memory_space<hbm>>
    tpu.wait_dma2 semaphore(%arg11 : memref<!tpu.dma_semaphore, #tpu.memory_space<semaphore_mem>>) src(%dma_wait3A_1890 : memref<64xf32, #tpu.memory_space<hbm>>) dst(%dma_wait3A_1888 : memref<64xf32, #tpu.memory_space<vmem>>)
    %dma_wait3A_1891 = arith.constant 8 : i32
    %dma_wait3A_1892 = arith.constant 0 : i32
    %dma_wait3A_1893 = tpu.memref_slice %arg9[%dma_wait3A_1891, %dma_wait3A_1892] : memref<96x64xf32, #tpu.memory_space<vmem>> -> memref<1x64xf32, #tpu.memory_space<vmem>>
    %dma_wait3A_1894 = tpu.memref_squeeze %dma_wait3A_1893 : memref<1x64xf32, #tpu.memory_space<vmem>> -> memref<64xf32, #tpu.memory_space<vmem>>
    %dma_wait3A_1895 = arith.constant 0 : i32
    %dma_wait3A_1896 = tpu.memref_slice %arg3[%dma_wait3A_1895] : memref<1000000xf32, #tpu.memory_space<hbm>> -> memref<64xf32, #tpu.memory_space<hbm>>
    %dma_wait3A_1897 = arith.constant 0 : i32
    %dma_wait3A_1898 = tpu.memref_slice %arg9[%dma_wait3A_1891, %dma_wait3A_1897] : memref<96x64xf32, #tpu.memory_space<vmem>> -> memref<1x64xf32, #tpu.memory_space<vmem>>
    %dma_wait3A_1899 = tpu.memref_squeeze %dma_wait3A_1898 : memref<1x64xf32, #tpu.memory_space<vmem>> -> memref<64xf32, #tpu.memory_space<vmem>>
    %dma_wait3A_1900 = arith.constant 0 : i32
    %dma_wait3A_1901 = tpu.memref_slice %arg3[%dma_wait3A_1900] : memref<1000000xf32, #tpu.memory_space<hbm>> -> memref<64xf32, #tpu.memory_space<hbm>>
    tpu.wait_dma2 semaphore(%arg11 : memref<!tpu.dma_semaphore, #tpu.memory_space<semaphore_mem>>) src(%dma_wait3A_1901 : memref<64xf32, #tpu.memory_space<hbm>>) dst(%dma_wait3A_1899 : memref<64xf32, #tpu.memory_space<vmem>>)
    %dma_wait3A_1902 = arith.constant 9 : i32
    %dma_wait3A_1903 = arith.constant 0 : i32
    %dma_wait3A_1904 = tpu.memref_slice %arg9[%dma_wait3A_1902, %dma_wait3A_1903] : memref<96x64xf32, #tpu.memory_space<vmem>> -> memref<1x64xf32, #tpu.memory_space<vmem>>
    %dma_wait3A_1905 = tpu.memref_squeeze %dma_wait3A_1904 : memref<1x64xf32, #tpu.memory_space<vmem>> -> memref<64xf32, #tpu.memory_space<vmem>>
    %dma_wait3A_1906 = arith.constant 0 : i32
    %dma_wait3A_1907 = tpu.memref_slice %arg3[%dma_wait3A_1906] : memref<1000000xf32, #tpu.memory_space<hbm>> -> memref<64xf32, #tpu.memory_space<hbm>>
    %dma_wait3A_1908 = arith.constant 0 : i32
    %dma_wait3A_1909 = tpu.memref_slice %arg9[%dma_wait3A_1902, %dma_wait3A_1908] : memref<96x64xf32, #tpu.memory_space<vmem>> -> memref<1x64xf32, #tpu.memory_space<vmem>>
    %dma_wait3A_1910 = tpu.memref_squeeze %dma_wait3A_1909 : memref<1x64xf32, #tpu.memory_space<vmem>> -> memref<64xf32, #tpu.memory_space<vmem>>
    %dma_wait3A_1911 = arith.constant 0 : i32
    %dma_wait3A_1912 = tpu.memref_slice %arg3[%dma_wait3A_1911] : memref<1000000xf32, #tpu.memory_space<hbm>> -> memref<64xf32, #tpu.memory_space<hbm>>
    tpu.wait_dma2 semaphore(%arg11 : memref<!tpu.dma_semaphore, #tpu.memory_space<semaphore_mem>>) src(%dma_wait3A_1912 : memref<64xf32, #tpu.memory_space<hbm>>) dst(%dma_wait3A_1910 : memref<64xf32, #tpu.memory_space<vmem>>)
    %dma_wait3A_1913 = arith.constant 10 : i32
    %dma_wait3A_1914 = arith.constant 0 : i32
    %dma_wait3A_1915 = tpu.memref_slice %arg9[%dma_wait3A_1913, %dma_wait3A_1914] : memref<96x64xf32, #tpu.memory_space<vmem>> -> memref<1x64xf32, #tpu.memory_space<vmem>>
    %dma_wait3A_1916 = tpu.memref_squeeze %dma_wait3A_1915 : memref<1x64xf32, #tpu.memory_space<vmem>> -> memref<64xf32, #tpu.memory_space<vmem>>
    %dma_wait3A_1917 = arith.constant 0 : i32
    %dma_wait3A_1918 = tpu.memref_slice %arg3[%dma_wait3A_1917] : memref<1000000xf32, #tpu.memory_space<hbm>> -> memref<64xf32, #tpu.memory_space<hbm>>
    %dma_wait3A_1919 = arith.constant 0 : i32
    %dma_wait3A_1920 = tpu.memref_slice %arg9[%dma_wait3A_1913, %dma_wait3A_1919] : memref<96x64xf32, #tpu.memory_space<vmem>> -> memref<1x64xf32, #tpu.memory_space<vmem>>
    %dma_wait3A_1921 = tpu.memref_squeeze %dma_wait3A_1920 : memref<1x64xf32, #tpu.memory_space<vmem>> -> memref<64xf32, #tpu.memory_space<vmem>>
    %dma_wait3A_1922 = arith.constant 0 : i32
    %dma_wait3A_1923 = tpu.memref_slice %arg3[%dma_wait3A_1922] : memref<1000000xf32, #tpu.memory_space<hbm>> -> memref<64xf32, #tpu.memory_space<hbm>>
    tpu.wait_dma2 semaphore(%arg11 : memref<!tpu.dma_semaphore, #tpu.memory_space<semaphore_mem>>) src(%dma_wait3A_1923 : memref<64xf32, #tpu.memory_space<hbm>>) dst(%dma_wait3A_1921 : memref<64xf32, #tpu.memory_space<vmem>>)
    %dma_wait3A_1924 = arith.constant 11 : i32
    %dma_wait3A_1925 = arith.constant 0 : i32
    %dma_wait3A_1926 = tpu.memref_slice %arg9[%dma_wait3A_1924, %dma_wait3A_1925] : memref<96x64xf32, #tpu.memory_space<vmem>> -> memref<1x64xf32, #tpu.memory_space<vmem>>
    %dma_wait3A_1927 = tpu.memref_squeeze %dma_wait3A_1926 : memref<1x64xf32, #tpu.memory_space<vmem>> -> memref<64xf32, #tpu.memory_space<vmem>>
    %dma_wait3A_1928 = arith.constant 0 : i32
    %dma_wait3A_1929 = tpu.memref_slice %arg3[%dma_wait3A_1928] : memref<1000000xf32, #tpu.memory_space<hbm>> -> memref<64xf32, #tpu.memory_space<hbm>>
    %dma_wait3A_1930 = arith.constant 0 : i32
    %dma_wait3A_1931 = tpu.memref_slice %arg9[%dma_wait3A_1924, %dma_wait3A_1930] : memref<96x64xf32, #tpu.memory_space<vmem>> -> memref<1x64xf32, #tpu.memory_space<vmem>>
    %dma_wait3A_1932 = tpu.memref_squeeze %dma_wait3A_1931 : memref<1x64xf32, #tpu.memory_space<vmem>> -> memref<64xf32, #tpu.memory_space<vmem>>
    %dma_wait3A_1933 = arith.constant 0 : i32
    %dma_wait3A_1934 = tpu.memref_slice %arg3[%dma_wait3A_1933] : memref<1000000xf32, #tpu.memory_space<hbm>> -> memref<64xf32, #tpu.memory_space<hbm>>
    tpu.wait_dma2 semaphore(%arg11 : memref<!tpu.dma_semaphore, #tpu.memory_space<semaphore_mem>>) src(%dma_wait3A_1934 : memref<64xf32, #tpu.memory_space<hbm>>) dst(%dma_wait3A_1932 : memref<64xf32, #tpu.memory_space<vmem>>)
    %dma_wait3A_1935 = arith.constant 12 : i32
    %dma_wait3A_1936 = arith.constant 0 : i32
    %dma_wait3A_1937 = tpu.memref_slice %arg9[%dma_wait3A_1935, %dma_wait3A_1936] : memref<96x64xf32, #tpu.memory_space<vmem>> -> memref<1x64xf32, #tpu.memory_space<vmem>>
    %dma_wait3A_1938 = tpu.memref_squeeze %dma_wait3A_1937 : memref<1x64xf32, #tpu.memory_space<vmem>> -> memref<64xf32, #tpu.memory_space<vmem>>
    %dma_wait3A_1939 = arith.constant 0 : i32
    %dma_wait3A_1940 = tpu.memref_slice %arg3[%dma_wait3A_1939] : memref<1000000xf32, #tpu.memory_space<hbm>> -> memref<64xf32, #tpu.memory_space<hbm>>
    %dma_wait3A_1941 = arith.constant 0 : i32
    %dma_wait3A_1942 = tpu.memref_slice %arg9[%dma_wait3A_1935, %dma_wait3A_1941] : memref<96x64xf32, #tpu.memory_space<vmem>> -> memref<1x64xf32, #tpu.memory_space<vmem>>
    %dma_wait3A_1943 = tpu.memref_squeeze %dma_wait3A_1942 : memref<1x64xf32, #tpu.memory_space<vmem>> -> memref<64xf32, #tpu.memory_space<vmem>>
    %dma_wait3A_1944 = arith.constant 0 : i32
    %dma_wait3A_1945 = tpu.memref_slice %arg3[%dma_wait3A_1944] : memref<1000000xf32, #tpu.memory_space<hbm>> -> memref<64xf32, #tpu.memory_space<hbm>>
    tpu.wait_dma2 semaphore(%arg11 : memref<!tpu.dma_semaphore, #tpu.memory_space<semaphore_mem>>) src(%dma_wait3A_1945 : memref<64xf32, #tpu.memory_space<hbm>>) dst(%dma_wait3A_1943 : memref<64xf32, #tpu.memory_space<vmem>>)
    %dma_wait3A_1946 = arith.constant 13 : i32
    %dma_wait3A_1947 = arith.constant 0 : i32
    %dma_wait3A_1948 = tpu.memref_slice %arg9[%dma_wait3A_1946, %dma_wait3A_1947] : memref<96x64xf32, #tpu.memory_space<vmem>> -> memref<1x64xf32, #tpu.memory_space<vmem>>
    %dma_wait3A_1949 = tpu.memref_squeeze %dma_wait3A_1948 : memref<1x64xf32, #tpu.memory_space<vmem>> -> memref<64xf32, #tpu.memory_space<vmem>>
    %dma_wait3A_1950 = arith.constant 0 : i32
    %dma_wait3A_1951 = tpu.memref_slice %arg3[%dma_wait3A_1950] : memref<1000000xf32, #tpu.memory_space<hbm>> -> memref<64xf32, #tpu.memory_space<hbm>>
    %dma_wait3A_1952 = arith.constant 0 : i32
    %dma_wait3A_1953 = tpu.memref_slice %arg9[%dma_wait3A_1946, %dma_wait3A_1952] : memref<96x64xf32, #tpu.memory_space<vmem>> -> memref<1x64xf32, #tpu.memory_space<vmem>>
    %dma_wait3A_1954 = tpu.memref_squeeze %dma_wait3A_1953 : memref<1x64xf32, #tpu.memory_space<vmem>> -> memref<64xf32, #tpu.memory_space<vmem>>
    %dma_wait3A_1955 = arith.constant 0 : i32
    %dma_wait3A_1956 = tpu.memref_slice %arg3[%dma_wait3A_1955] : memref<1000000xf32, #tpu.memory_space<hbm>> -> memref<64xf32, #tpu.memory_space<hbm>>
    tpu.wait_dma2 semaphore(%arg11 : memref<!tpu.dma_semaphore, #tpu.memory_space<semaphore_mem>>) src(%dma_wait3A_1956 : memref<64xf32, #tpu.memory_space<hbm>>) dst(%dma_wait3A_1954 : memref<64xf32, #tpu.memory_space<vmem>>)
    %dma_wait3A_1957 = arith.constant 14 : i32
    %dma_wait3A_1958 = arith.constant 0 : i32
    %dma_wait3A_1959 = tpu.memref_slice %arg9[%dma_wait3A_1957, %dma_wait3A_1958] : memref<96x64xf32, #tpu.memory_space<vmem>> -> memref<1x64xf32, #tpu.memory_space<vmem>>
    %dma_wait3A_1960 = tpu.memref_squeeze %dma_wait3A_1959 : memref<1x64xf32, #tpu.memory_space<vmem>> -> memref<64xf32, #tpu.memory_space<vmem>>
    %dma_wait3A_1961 = arith.constant 0 : i32
    %dma_wait3A_1962 = tpu.memref_slice %arg3[%dma_wait3A_1961] : memref<1000000xf32, #tpu.memory_space<hbm>> -> memref<64xf32, #tpu.memory_space<hbm>>
    %dma_wait3A_1963 = arith.constant 0 : i32
    %dma_wait3A_1964 = tpu.memref_slice %arg9[%dma_wait3A_1957, %dma_wait3A_1963] : memref<96x64xf32, #tpu.memory_space<vmem>> -> memref<1x64xf32, #tpu.memory_space<vmem>>
    %dma_wait3A_1965 = tpu.memref_squeeze %dma_wait3A_1964 : memref<1x64xf32, #tpu.memory_space<vmem>> -> memref<64xf32, #tpu.memory_space<vmem>>
    %dma_wait3A_1966 = arith.constant 0 : i32
    %dma_wait3A_1967 = tpu.memref_slice %arg3[%dma_wait3A_1966] : memref<1000000xf32, #tpu.memory_space<hbm>> -> memref<64xf32, #tpu.memory_space<hbm>>
    tpu.wait_dma2 semaphore(%arg11 : memref<!tpu.dma_semaphore, #tpu.memory_space<semaphore_mem>>) src(%dma_wait3A_1967 : memref<64xf32, #tpu.memory_space<hbm>>) dst(%dma_wait3A_1965 : memref<64xf32, #tpu.memory_space<vmem>>)
    %dma_wait3A_1968 = arith.constant 15 : i32
    %dma_wait3A_1969 = arith.constant 0 : i32
    %dma_wait3A_1970 = tpu.memref_slice %arg9[%dma_wait3A_1968, %dma_wait3A_1969] : memref<96x64xf32, #tpu.memory_space<vmem>> -> memref<1x64xf32, #tpu.memory_space<vmem>>
    %dma_wait3A_1971 = tpu.memref_squeeze %dma_wait3A_1970 : memref<1x64xf32, #tpu.memory_space<vmem>> -> memref<64xf32, #tpu.memory_space<vmem>>
    %dma_wait3A_1972 = arith.constant 0 : i32
    %dma_wait3A_1973 = tpu.memref_slice %arg3[%dma_wait3A_1972] : memref<1000000xf32, #tpu.memory_space<hbm>> -> memref<64xf32, #tpu.memory_space<hbm>>
    %dma_wait3A_1974 = arith.constant 0 : i32
    %dma_wait3A_1975 = tpu.memref_slice %arg9[%dma_wait3A_1968, %dma_wait3A_1974] : memref<96x64xf32, #tpu.memory_space<vmem>> -> memref<1x64xf32, #tpu.memory_space<vmem>>
    %dma_wait3A_1976 = tpu.memref_squeeze %dma_wait3A_1975 : memref<1x64xf32, #tpu.memory_space<vmem>> -> memref<64xf32, #tpu.memory_space<vmem>>
    %dma_wait3A_1977 = arith.constant 0 : i32
    %dma_wait3A_1978 = tpu.memref_slice %arg3[%dma_wait3A_1977] : memref<1000000xf32, #tpu.memory_space<hbm>> -> memref<64xf32, #tpu.memory_space<hbm>>
    tpu.wait_dma2 semaphore(%arg11 : memref<!tpu.dma_semaphore, #tpu.memory_space<semaphore_mem>>) src(%dma_wait3A_1978 : memref<64xf32, #tpu.memory_space<hbm>>) dst(%dma_wait3A_1976 : memref<64xf32, #tpu.memory_space<vmem>>)
    %dma_wait3A_1979 = arith.constant 16 : i32
    %dma_wait3A_1980 = arith.constant 0 : i32
    %dma_wait3A_1981 = tpu.memref_slice %arg9[%dma_wait3A_1979, %dma_wait3A_1980] : memref<96x64xf32, #tpu.memory_space<vmem>> -> memref<1x64xf32, #tpu.memory_space<vmem>>
    %dma_wait3A_1982 = tpu.memref_squeeze %dma_wait3A_1981 : memref<1x64xf32, #tpu.memory_space<vmem>> -> memref<64xf32, #tpu.memory_space<vmem>>
    %dma_wait3A_1983 = arith.constant 0 : i32
    %dma_wait3A_1984 = tpu.memref_slice %arg3[%dma_wait3A_1983] : memref<1000000xf32, #tpu.memory_space<hbm>> -> memref<64xf32, #tpu.memory_space<hbm>>
    %dma_wait3A_1985 = arith.constant 0 : i32
    %dma_wait3A_1986 = tpu.memref_slice %arg9[%dma_wait3A_1979, %dma_wait3A_1985] : memref<96x64xf32, #tpu.memory_space<vmem>> -> memref<1x64xf32, #tpu.memory_space<vmem>>
    %dma_wait3A_1987 = tpu.memref_squeeze %dma_wait3A_1986 : memref<1x64xf32, #tpu.memory_space<vmem>> -> memref<64xf32, #tpu.memory_space<vmem>>
    %dma_wait3A_1988 = arith.constant 0 : i32
    %dma_wait3A_1989 = tpu.memref_slice %arg3[%dma_wait3A_1988] : memref<1000000xf32, #tpu.memory_space<hbm>> -> memref<64xf32, #tpu.memory_space<hbm>>
    tpu.wait_dma2 semaphore(%arg11 : memref<!tpu.dma_semaphore, #tpu.memory_space<semaphore_mem>>) src(%dma_wait3A_1989 : memref<64xf32, #tpu.memory_space<hbm>>) dst(%dma_wait3A_1987 : memref<64xf32, #tpu.memory_space<vmem>>)
    %dma_wait3A_1990 = arith.constant 17 : i32
    %dma_wait3A_1991 = arith.constant 0 : i32
    %dma_wait3A_1992 = tpu.memref_slice %arg9[%dma_wait3A_1990, %dma_wait3A_1991] : memref<96x64xf32, #tpu.memory_space<vmem>> -> memref<1x64xf32, #tpu.memory_space<vmem>>
    %dma_wait3A_1993 = tpu.memref_squeeze %dma_wait3A_1992 : memref<1x64xf32, #tpu.memory_space<vmem>> -> memref<64xf32, #tpu.memory_space<vmem>>
    %dma_wait3A_1994 = arith.constant 0 : i32
    %dma_wait3A_1995 = tpu.memref_slice %arg3[%dma_wait3A_1994] : memref<1000000xf32, #tpu.memory_space<hbm>> -> memref<64xf32, #tpu.memory_space<hbm>>
    %dma_wait3A_1996 = arith.constant 0 : i32
    %dma_wait3A_1997 = tpu.memref_slice %arg9[%dma_wait3A_1990, %dma_wait3A_1996] : memref<96x64xf32, #tpu.memory_space<vmem>> -> memref<1x64xf32, #tpu.memory_space<vmem>>
    %dma_wait3A_1998 = tpu.memref_squeeze %dma_wait3A_1997 : memref<1x64xf32, #tpu.memory_space<vmem>> -> memref<64xf32, #tpu.memory_space<vmem>>
    %dma_wait3A_1999 = arith.constant 0 : i32
    %dma_wait3A_2000 = tpu.memref_slice %arg3[%dma_wait3A_1999] : memref<1000000xf32, #tpu.memory_space<hbm>> -> memref<64xf32, #tpu.memory_space<hbm>>
    tpu.wait_dma2 semaphore(%arg11 : memref<!tpu.dma_semaphore, #tpu.memory_space<semaphore_mem>>) src(%dma_wait3A_2000 : memref<64xf32, #tpu.memory_space<hbm>>) dst(%dma_wait3A_1998 : memref<64xf32, #tpu.memory_space<vmem>>)
    %dma_wait3A_2001 = arith.constant 18 : i32
    %dma_wait3A_2002 = arith.constant 0 : i32
    %dma_wait3A_2003 = tpu.memref_slice %arg9[%dma_wait3A_2001, %dma_wait3A_2002] : memref<96x64xf32, #tpu.memory_space<vmem>> -> memref<1x64xf32, #tpu.memory_space<vmem>>
    %dma_wait3A_2004 = tpu.memref_squeeze %dma_wait3A_2003 : memref<1x64xf32, #tpu.memory_space<vmem>> -> memref<64xf32, #tpu.memory_space<vmem>>
    %dma_wait3A_2005 = arith.constant 0 : i32
    %dma_wait3A_2006 = tpu.memref_slice %arg3[%dma_wait3A_2005] : memref<1000000xf32, #tpu.memory_space<hbm>> -> memref<64xf32, #tpu.memory_space<hbm>>
    %dma_wait3A_2007 = arith.constant 0 : i32
    %dma_wait3A_2008 = tpu.memref_slice %arg9[%dma_wait3A_2001, %dma_wait3A_2007] : memref<96x64xf32, #tpu.memory_space<vmem>> -> memref<1x64xf32, #tpu.memory_space<vmem>>
    %dma_wait3A_2009 = tpu.memref_squeeze %dma_wait3A_2008 : memref<1x64xf32, #tpu.memory_space<vmem>> -> memref<64xf32, #tpu.memory_space<vmem>>
    %dma_wait3A_2010 = arith.constant 0 : i32
    %dma_wait3A_2011 = tpu.memref_slice %arg3[%dma_wait3A_2010] : memref<1000000xf32, #tpu.memory_space<hbm>> -> memref<64xf32, #tpu.memory_space<hbm>>
    tpu.wait_dma2 semaphore(%arg11 : memref<!tpu.dma_semaphore, #tpu.memory_space<semaphore_mem>>) src(%dma_wait3A_2011 : memref<64xf32, #tpu.memory_space<hbm>>) dst(%dma_wait3A_2009 : memref<64xf32, #tpu.memory_space<vmem>>)
    %dma_wait3A_2012 = arith.constant 19 : i32
    %dma_wait3A_2013 = arith.constant 0 : i32
    %dma_wait3A_2014 = tpu.memref_slice %arg9[%dma_wait3A_2012, %dma_wait3A_2013] : memref<96x64xf32, #tpu.memory_space<vmem>> -> memref<1x64xf32, #tpu.memory_space<vmem>>
    %dma_wait3A_2015 = tpu.memref_squeeze %dma_wait3A_2014 : memref<1x64xf32, #tpu.memory_space<vmem>> -> memref<64xf32, #tpu.memory_space<vmem>>
    %dma_wait3A_2016 = arith.constant 0 : i32
    %dma_wait3A_2017 = tpu.memref_slice %arg3[%dma_wait3A_2016] : memref<1000000xf32, #tpu.memory_space<hbm>> -> memref<64xf32, #tpu.memory_space<hbm>>
    %dma_wait3A_2018 = arith.constant 0 : i32
    %dma_wait3A_2019 = tpu.memref_slice %arg9[%dma_wait3A_2012, %dma_wait3A_2018] : memref<96x64xf32, #tpu.memory_space<vmem>> -> memref<1x64xf32, #tpu.memory_space<vmem>>
    %dma_wait3A_2020 = tpu.memref_squeeze %dma_wait3A_2019 : memref<1x64xf32, #tpu.memory_space<vmem>> -> memref<64xf32, #tpu.memory_space<vmem>>
    %dma_wait3A_2021 = arith.constant 0 : i32
    %dma_wait3A_2022 = tpu.memref_slice %arg3[%dma_wait3A_2021] : memref<1000000xf32, #tpu.memory_space<hbm>> -> memref<64xf32, #tpu.memory_space<hbm>>
    tpu.wait_dma2 semaphore(%arg11 : memref<!tpu.dma_semaphore, #tpu.memory_space<semaphore_mem>>) src(%dma_wait3A_2022 : memref<64xf32, #tpu.memory_space<hbm>>) dst(%dma_wait3A_2020 : memref<64xf32, #tpu.memory_space<vmem>>)
    %dma_wait3A_2023 = arith.constant 20 : i32
    %dma_wait3A_2024 = arith.constant 0 : i32
    %dma_wait3A_2025 = tpu.memref_slice %arg9[%dma_wait3A_2023, %dma_wait3A_2024] : memref<96x64xf32, #tpu.memory_space<vmem>> -> memref<1x64xf32, #tpu.memory_space<vmem>>
    %dma_wait3A_2026 = tpu.memref_squeeze %dma_wait3A_2025 : memref<1x64xf32, #tpu.memory_space<vmem>> -> memref<64xf32, #tpu.memory_space<vmem>>
    %dma_wait3A_2027 = arith.constant 0 : i32
    %dma_wait3A_2028 = tpu.memref_slice %arg3[%dma_wait3A_2027] : memref<1000000xf32, #tpu.memory_space<hbm>> -> memref<64xf32, #tpu.memory_space<hbm>>
    %dma_wait3A_2029 = arith.constant 0 : i32
    %dma_wait3A_2030 = tpu.memref_slice %arg9[%dma_wait3A_2023, %dma_wait3A_2029] : memref<96x64xf32, #tpu.memory_space<vmem>> -> memref<1x64xf32, #tpu.memory_space<vmem>>
    %dma_wait3A_2031 = tpu.memref_squeeze %dma_wait3A_2030 : memref<1x64xf32, #tpu.memory_space<vmem>> -> memref<64xf32, #tpu.memory_space<vmem>>
    %dma_wait3A_2032 = arith.constant 0 : i32
    %dma_wait3A_2033 = tpu.memref_slice %arg3[%dma_wait3A_2032] : memref<1000000xf32, #tpu.memory_space<hbm>> -> memref<64xf32, #tpu.memory_space<hbm>>
    tpu.wait_dma2 semaphore(%arg11 : memref<!tpu.dma_semaphore, #tpu.memory_space<semaphore_mem>>) src(%dma_wait3A_2033 : memref<64xf32, #tpu.memory_space<hbm>>) dst(%dma_wait3A_2031 : memref<64xf32, #tpu.memory_space<vmem>>)
    %dma_wait3A_2034 = arith.constant 21 : i32
    %dma_wait3A_2035 = arith.constant 0 : i32
    %dma_wait3A_2036 = tpu.memref_slice %arg9[%dma_wait3A_2034, %dma_wait3A_2035] : memref<96x64xf32, #tpu.memory_space<vmem>> -> memref<1x64xf32, #tpu.memory_space<vmem>>
    %dma_wait3A_2037 = tpu.memref_squeeze %dma_wait3A_2036 : memref<1x64xf32, #tpu.memory_space<vmem>> -> memref<64xf32, #tpu.memory_space<vmem>>
    %dma_wait3A_2038 = arith.constant 0 : i32
    %dma_wait3A_2039 = tpu.memref_slice %arg3[%dma_wait3A_2038] : memref<1000000xf32, #tpu.memory_space<hbm>> -> memref<64xf32, #tpu.memory_space<hbm>>
    %dma_wait3A_2040 = arith.constant 0 : i32
    %dma_wait3A_2041 = tpu.memref_slice %arg9[%dma_wait3A_2034, %dma_wait3A_2040] : memref<96x64xf32, #tpu.memory_space<vmem>> -> memref<1x64xf32, #tpu.memory_space<vmem>>
    %dma_wait3A_2042 = tpu.memref_squeeze %dma_wait3A_2041 : memref<1x64xf32, #tpu.memory_space<vmem>> -> memref<64xf32, #tpu.memory_space<vmem>>
    %dma_wait3A_2043 = arith.constant 0 : i32
    %dma_wait3A_2044 = tpu.memref_slice %arg3[%dma_wait3A_2043] : memref<1000000xf32, #tpu.memory_space<hbm>> -> memref<64xf32, #tpu.memory_space<hbm>>
    tpu.wait_dma2 semaphore(%arg11 : memref<!tpu.dma_semaphore, #tpu.memory_space<semaphore_mem>>) src(%dma_wait3A_2044 : memref<64xf32, #tpu.memory_space<hbm>>) dst(%dma_wait3A_2042 : memref<64xf32, #tpu.memory_space<vmem>>)
    %dma_wait3A_2045 = arith.constant 22 : i32
    %dma_wait3A_2046 = arith.constant 0 : i32
    %dma_wait3A_2047 = tpu.memref_slice %arg9[%dma_wait3A_2045, %dma_wait3A_2046] : memref<96x64xf32, #tpu.memory_space<vmem>> -> memref<1x64xf32, #tpu.memory_space<vmem>>
    %dma_wait3A_2048 = tpu.memref_squeeze %dma_wait3A_2047 : memref<1x64xf32, #tpu.memory_space<vmem>> -> memref<64xf32, #tpu.memory_space<vmem>>
    %dma_wait3A_2049 = arith.constant 0 : i32
    %dma_wait3A_2050 = tpu.memref_slice %arg3[%dma_wait3A_2049] : memref<1000000xf32, #tpu.memory_space<hbm>> -> memref<64xf32, #tpu.memory_space<hbm>>
    %dma_wait3A_2051 = arith.constant 0 : i32
    %dma_wait3A_2052 = tpu.memref_slice %arg9[%dma_wait3A_2045, %dma_wait3A_2051] : memref<96x64xf32, #tpu.memory_space<vmem>> -> memref<1x64xf32, #tpu.memory_space<vmem>>
    %dma_wait3A_2053 = tpu.memref_squeeze %dma_wait3A_2052 : memref<1x64xf32, #tpu.memory_space<vmem>> -> memref<64xf32, #tpu.memory_space<vmem>>
    %dma_wait3A_2054 = arith.constant 0 : i32
    %dma_wait3A_2055 = tpu.memref_slice %arg3[%dma_wait3A_2054] : memref<1000000xf32, #tpu.memory_space<hbm>> -> memref<64xf32, #tpu.memory_space<hbm>>
    tpu.wait_dma2 semaphore(%arg11 : memref<!tpu.dma_semaphore, #tpu.memory_space<semaphore_mem>>) src(%dma_wait3A_2055 : memref<64xf32, #tpu.memory_space<hbm>>) dst(%dma_wait3A_2053 : memref<64xf32, #tpu.memory_space<vmem>>)
    %dma_wait3A_2056 = arith.constant 23 : i32
    %dma_wait3A_2057 = arith.constant 0 : i32
    %dma_wait3A_2058 = tpu.memref_slice %arg9[%dma_wait3A_2056, %dma_wait3A_2057] : memref<96x64xf32, #tpu.memory_space<vmem>> -> memref<1x64xf32, #tpu.memory_space<vmem>>
    %dma_wait3A_2059 = tpu.memref_squeeze %dma_wait3A_2058 : memref<1x64xf32, #tpu.memory_space<vmem>> -> memref<64xf32, #tpu.memory_space<vmem>>
    %dma_wait3A_2060 = arith.constant 0 : i32
    %dma_wait3A_2061 = tpu.memref_slice %arg3[%dma_wait3A_2060] : memref<1000000xf32, #tpu.memory_space<hbm>> -> memref<64xf32, #tpu.memory_space<hbm>>
    %dma_wait3A_2062 = arith.constant 0 : i32
    %dma_wait3A_2063 = tpu.memref_slice %arg9[%dma_wait3A_2056, %dma_wait3A_2062] : memref<96x64xf32, #tpu.memory_space<vmem>> -> memref<1x64xf32, #tpu.memory_space<vmem>>
    %dma_wait3A_2064 = tpu.memref_squeeze %dma_wait3A_2063 : memref<1x64xf32, #tpu.memory_space<vmem>> -> memref<64xf32, #tpu.memory_space<vmem>>
    %dma_wait3A_2065 = arith.constant 0 : i32
    %dma_wait3A_2066 = tpu.memref_slice %arg3[%dma_wait3A_2065] : memref<1000000xf32, #tpu.memory_space<hbm>> -> memref<64xf32, #tpu.memory_space<hbm>>
    tpu.wait_dma2 semaphore(%arg11 : memref<!tpu.dma_semaphore, #tpu.memory_space<semaphore_mem>>) src(%dma_wait3A_2066 : memref<64xf32, #tpu.memory_space<hbm>>) dst(%dma_wait3A_2064 : memref<64xf32, #tpu.memory_space<vmem>>)
    %dma_wait3A_2067 = arith.constant 24 : i32
    %dma_wait3A_2068 = arith.constant 0 : i32
    %dma_wait3A_2069 = tpu.memref_slice %arg9[%dma_wait3A_2067, %dma_wait3A_2068] : memref<96x64xf32, #tpu.memory_space<vmem>> -> memref<1x64xf32, #tpu.memory_space<vmem>>
    %dma_wait3A_2070 = tpu.memref_squeeze %dma_wait3A_2069 : memref<1x64xf32, #tpu.memory_space<vmem>> -> memref<64xf32, #tpu.memory_space<vmem>>
    %dma_wait3A_2071 = arith.constant 0 : i32
    %dma_wait3A_2072 = tpu.memref_slice %arg3[%dma_wait3A_2071] : memref<1000000xf32, #tpu.memory_space<hbm>> -> memref<64xf32, #tpu.memory_space<hbm>>
    %dma_wait3A_2073 = arith.constant 0 : i32
    %dma_wait3A_2074 = tpu.memref_slice %arg9[%dma_wait3A_2067, %dma_wait3A_2073] : memref<96x64xf32, #tpu.memory_space<vmem>> -> memref<1x64xf32, #tpu.memory_space<vmem>>
    %dma_wait3A_2075 = tpu.memref_squeeze %dma_wait3A_2074 : memref<1x64xf32, #tpu.memory_space<vmem>> -> memref<64xf32, #tpu.memory_space<vmem>>
    %dma_wait3A_2076 = arith.constant 0 : i32
    %dma_wait3A_2077 = tpu.memref_slice %arg3[%dma_wait3A_2076] : memref<1000000xf32, #tpu.memory_space<hbm>> -> memref<64xf32, #tpu.memory_space<hbm>>
    tpu.wait_dma2 semaphore(%arg11 : memref<!tpu.dma_semaphore, #tpu.memory_space<semaphore_mem>>) src(%dma_wait3A_2077 : memref<64xf32, #tpu.memory_space<hbm>>) dst(%dma_wait3A_2075 : memref<64xf32, #tpu.memory_space<vmem>>)
    %dma_wait3A_2078 = arith.constant 25 : i32
    %dma_wait3A_2079 = arith.constant 0 : i32
    %dma_wait3A_2080 = tpu.memref_slice %arg9[%dma_wait3A_2078, %dma_wait3A_2079] : memref<96x64xf32, #tpu.memory_space<vmem>> -> memref<1x64xf32, #tpu.memory_space<vmem>>
    %dma_wait3A_2081 = tpu.memref_squeeze %dma_wait3A_2080 : memref<1x64xf32, #tpu.memory_space<vmem>> -> memref<64xf32, #tpu.memory_space<vmem>>
    %dma_wait3A_2082 = arith.constant 0 : i32
    %dma_wait3A_2083 = tpu.memref_slice %arg3[%dma_wait3A_2082] : memref<1000000xf32, #tpu.memory_space<hbm>> -> memref<64xf32, #tpu.memory_space<hbm>>
    %dma_wait3A_2084 = arith.constant 0 : i32
    %dma_wait3A_2085 = tpu.memref_slice %arg9[%dma_wait3A_2078, %dma_wait3A_2084] : memref<96x64xf32, #tpu.memory_space<vmem>> -> memref<1x64xf32, #tpu.memory_space<vmem>>
    %dma_wait3A_2086 = tpu.memref_squeeze %dma_wait3A_2085 : memref<1x64xf32, #tpu.memory_space<vmem>> -> memref<64xf32, #tpu.memory_space<vmem>>
    %dma_wait3A_2087 = arith.constant 0 : i32
    %dma_wait3A_2088 = tpu.memref_slice %arg3[%dma_wait3A_2087] : memref<1000000xf32, #tpu.memory_space<hbm>> -> memref<64xf32, #tpu.memory_space<hbm>>
    tpu.wait_dma2 semaphore(%arg11 : memref<!tpu.dma_semaphore, #tpu.memory_space<semaphore_mem>>) src(%dma_wait3A_2088 : memref<64xf32, #tpu.memory_space<hbm>>) dst(%dma_wait3A_2086 : memref<64xf32, #tpu.memory_space<vmem>>)
    %dma_wait3A_2089 = arith.constant 26 : i32
    %dma_wait3A_2090 = arith.constant 0 : i32
    %dma_wait3A_2091 = tpu.memref_slice %arg9[%dma_wait3A_2089, %dma_wait3A_2090] : memref<96x64xf32, #tpu.memory_space<vmem>> -> memref<1x64xf32, #tpu.memory_space<vmem>>
    %dma_wait3A_2092 = tpu.memref_squeeze %dma_wait3A_2091 : memref<1x64xf32, #tpu.memory_space<vmem>> -> memref<64xf32, #tpu.memory_space<vmem>>
    %dma_wait3A_2093 = arith.constant 0 : i32
    %dma_wait3A_2094 = tpu.memref_slice %arg3[%dma_wait3A_2093] : memref<1000000xf32, #tpu.memory_space<hbm>> -> memref<64xf32, #tpu.memory_space<hbm>>
    %dma_wait3A_2095 = arith.constant 0 : i32
    %dma_wait3A_2096 = tpu.memref_slice %arg9[%dma_wait3A_2089, %dma_wait3A_2095] : memref<96x64xf32, #tpu.memory_space<vmem>> -> memref<1x64xf32, #tpu.memory_space<vmem>>
    %dma_wait3A_2097 = tpu.memref_squeeze %dma_wait3A_2096 : memref<1x64xf32, #tpu.memory_space<vmem>> -> memref<64xf32, #tpu.memory_space<vmem>>
    %dma_wait3A_2098 = arith.constant 0 : i32
    %dma_wait3A_2099 = tpu.memref_slice %arg3[%dma_wait3A_2098] : memref<1000000xf32, #tpu.memory_space<hbm>> -> memref<64xf32, #tpu.memory_space<hbm>>
    tpu.wait_dma2 semaphore(%arg11 : memref<!tpu.dma_semaphore, #tpu.memory_space<semaphore_mem>>) src(%dma_wait3A_2099 : memref<64xf32, #tpu.memory_space<hbm>>) dst(%dma_wait3A_2097 : memref<64xf32, #tpu.memory_space<vmem>>)
    %dma_wait3A_2100 = arith.constant 27 : i32
    %dma_wait3A_2101 = arith.constant 0 : i32
    %dma_wait3A_2102 = tpu.memref_slice %arg9[%dma_wait3A_2100, %dma_wait3A_2101] : memref<96x64xf32, #tpu.memory_space<vmem>> -> memref<1x64xf32, #tpu.memory_space<vmem>>
    %dma_wait3A_2103 = tpu.memref_squeeze %dma_wait3A_2102 : memref<1x64xf32, #tpu.memory_space<vmem>> -> memref<64xf32, #tpu.memory_space<vmem>>
    %dma_wait3A_2104 = arith.constant 0 : i32
    %dma_wait3A_2105 = tpu.memref_slice %arg3[%dma_wait3A_2104] : memref<1000000xf32, #tpu.memory_space<hbm>> -> memref<64xf32, #tpu.memory_space<hbm>>
    %dma_wait3A_2106 = arith.constant 0 : i32
    %dma_wait3A_2107 = tpu.memref_slice %arg9[%dma_wait3A_2100, %dma_wait3A_2106] : memref<96x64xf32, #tpu.memory_space<vmem>> -> memref<1x64xf32, #tpu.memory_space<vmem>>
    %dma_wait3A_2108 = tpu.memref_squeeze %dma_wait3A_2107 : memref<1x64xf32, #tpu.memory_space<vmem>> -> memref<64xf32, #tpu.memory_space<vmem>>
    %dma_wait3A_2109 = arith.constant 0 : i32
    %dma_wait3A_2110 = tpu.memref_slice %arg3[%dma_wait3A_2109] : memref<1000000xf32, #tpu.memory_space<hbm>> -> memref<64xf32, #tpu.memory_space<hbm>>
    tpu.wait_dma2 semaphore(%arg11 : memref<!tpu.dma_semaphore, #tpu.memory_space<semaphore_mem>>) src(%dma_wait3A_2110 : memref<64xf32, #tpu.memory_space<hbm>>) dst(%dma_wait3A_2108 : memref<64xf32, #tpu.memory_space<vmem>>)
    %dma_wait3A_2111 = arith.constant 28 : i32
    %dma_wait3A_2112 = arith.constant 0 : i32
    %dma_wait3A_2113 = tpu.memref_slice %arg9[%dma_wait3A_2111, %dma_wait3A_2112] : memref<96x64xf32, #tpu.memory_space<vmem>> -> memref<1x64xf32, #tpu.memory_space<vmem>>
    %dma_wait3A_2114 = tpu.memref_squeeze %dma_wait3A_2113 : memref<1x64xf32, #tpu.memory_space<vmem>> -> memref<64xf32, #tpu.memory_space<vmem>>
    %dma_wait3A_2115 = arith.constant 0 : i32
    %dma_wait3A_2116 = tpu.memref_slice %arg3[%dma_wait3A_2115] : memref<1000000xf32, #tpu.memory_space<hbm>> -> memref<64xf32, #tpu.memory_space<hbm>>
    %dma_wait3A_2117 = arith.constant 0 : i32
    %dma_wait3A_2118 = tpu.memref_slice %arg9[%dma_wait3A_2111, %dma_wait3A_2117] : memref<96x64xf32, #tpu.memory_space<vmem>> -> memref<1x64xf32, #tpu.memory_space<vmem>>
    %dma_wait3A_2119 = tpu.memref_squeeze %dma_wait3A_2118 : memref<1x64xf32, #tpu.memory_space<vmem>> -> memref<64xf32, #tpu.memory_space<vmem>>
    %dma_wait3A_2120 = arith.constant 0 : i32
    %dma_wait3A_2121 = tpu.memref_slice %arg3[%dma_wait3A_2120] : memref<1000000xf32, #tpu.memory_space<hbm>> -> memref<64xf32, #tpu.memory_space<hbm>>
    tpu.wait_dma2 semaphore(%arg11 : memref<!tpu.dma_semaphore, #tpu.memory_space<semaphore_mem>>) src(%dma_wait3A_2121 : memref<64xf32, #tpu.memory_space<hbm>>) dst(%dma_wait3A_2119 : memref<64xf32, #tpu.memory_space<vmem>>)
    %dma_wait3A_2122 = arith.constant 29 : i32
    %dma_wait3A_2123 = arith.constant 0 : i32
    %dma_wait3A_2124 = tpu.memref_slice %arg9[%dma_wait3A_2122, %dma_wait3A_2123] : memref<96x64xf32, #tpu.memory_space<vmem>> -> memref<1x64xf32, #tpu.memory_space<vmem>>
    %dma_wait3A_2125 = tpu.memref_squeeze %dma_wait3A_2124 : memref<1x64xf32, #tpu.memory_space<vmem>> -> memref<64xf32, #tpu.memory_space<vmem>>
    %dma_wait3A_2126 = arith.constant 0 : i32
    %dma_wait3A_2127 = tpu.memref_slice %arg3[%dma_wait3A_2126] : memref<1000000xf32, #tpu.memory_space<hbm>> -> memref<64xf32, #tpu.memory_space<hbm>>
    %dma_wait3A_2128 = arith.constant 0 : i32
    %dma_wait3A_2129 = tpu.memref_slice %arg9[%dma_wait3A_2122, %dma_wait3A_2128] : memref<96x64xf32, #tpu.memory_space<vmem>> -> memref<1x64xf32, #tpu.memory_space<vmem>>
    %dma_wait3A_2130 = tpu.memref_squeeze %dma_wait3A_2129 : memref<1x64xf32, #tpu.memory_space<vmem>> -> memref<64xf32, #tpu.memory_space<vmem>>
    %dma_wait3A_2131 = arith.constant 0 : i32
    %dma_wait3A_2132 = tpu.memref_slice %arg3[%dma_wait3A_2131] : memref<1000000xf32, #tpu.memory_space<hbm>> -> memref<64xf32, #tpu.memory_space<hbm>>
    tpu.wait_dma2 semaphore(%arg11 : memref<!tpu.dma_semaphore, #tpu.memory_space<semaphore_mem>>) src(%dma_wait3A_2132 : memref<64xf32, #tpu.memory_space<hbm>>) dst(%dma_wait3A_2130 : memref<64xf32, #tpu.memory_space<vmem>>)
    %dma_wait3A_2133 = arith.constant 30 : i32
    %dma_wait3A_2134 = arith.constant 0 : i32
    %dma_wait3A_2135 = tpu.memref_slice %arg9[%dma_wait3A_2133, %dma_wait3A_2134] : memref<96x64xf32, #tpu.memory_space<vmem>> -> memref<1x64xf32, #tpu.memory_space<vmem>>
    %dma_wait3A_2136 = tpu.memref_squeeze %dma_wait3A_2135 : memref<1x64xf32, #tpu.memory_space<vmem>> -> memref<64xf32, #tpu.memory_space<vmem>>
    %dma_wait3A_2137 = arith.constant 0 : i32
    %dma_wait3A_2138 = tpu.memref_slice %arg3[%dma_wait3A_2137] : memref<1000000xf32, #tpu.memory_space<hbm>> -> memref<64xf32, #tpu.memory_space<hbm>>
    %dma_wait3A_2139 = arith.constant 0 : i32
    %dma_wait3A_2140 = tpu.memref_slice %arg9[%dma_wait3A_2133, %dma_wait3A_2139] : memref<96x64xf32, #tpu.memory_space<vmem>> -> memref<1x64xf32, #tpu.memory_space<vmem>>
    %dma_wait3A_2141 = tpu.memref_squeeze %dma_wait3A_2140 : memref<1x64xf32, #tpu.memory_space<vmem>> -> memref<64xf32, #tpu.memory_space<vmem>>
    %dma_wait3A_2142 = arith.constant 0 : i32
    %dma_wait3A_2143 = tpu.memref_slice %arg3[%dma_wait3A_2142] : memref<1000000xf32, #tpu.memory_space<hbm>> -> memref<64xf32, #tpu.memory_space<hbm>>
    tpu.wait_dma2 semaphore(%arg11 : memref<!tpu.dma_semaphore, #tpu.memory_space<semaphore_mem>>) src(%dma_wait3A_2143 : memref<64xf32, #tpu.memory_space<hbm>>) dst(%dma_wait3A_2141 : memref<64xf32, #tpu.memory_space<vmem>>)
    %dma_wait3A_2144 = arith.constant 31 : i32
    %dma_wait3A_2145 = arith.constant 0 : i32
    %dma_wait3A_2146 = tpu.memref_slice %arg9[%dma_wait3A_2144, %dma_wait3A_2145] : memref<96x64xf32, #tpu.memory_space<vmem>> -> memref<1x64xf32, #tpu.memory_space<vmem>>
    %dma_wait3A_2147 = tpu.memref_squeeze %dma_wait3A_2146 : memref<1x64xf32, #tpu.memory_space<vmem>> -> memref<64xf32, #tpu.memory_space<vmem>>
    %dma_wait3A_2148 = arith.constant 0 : i32
    %dma_wait3A_2149 = tpu.memref_slice %arg3[%dma_wait3A_2148] : memref<1000000xf32, #tpu.memory_space<hbm>> -> memref<64xf32, #tpu.memory_space<hbm>>
    %dma_wait3A_2150 = arith.constant 0 : i32
    %dma_wait3A_2151 = tpu.memref_slice %arg9[%dma_wait3A_2144, %dma_wait3A_2150] : memref<96x64xf32, #tpu.memory_space<vmem>> -> memref<1x64xf32, #tpu.memory_space<vmem>>
    %dma_wait3A_2152 = tpu.memref_squeeze %dma_wait3A_2151 : memref<1x64xf32, #tpu.memory_space<vmem>> -> memref<64xf32, #tpu.memory_space<vmem>>
    %dma_wait3A_2153 = arith.constant 0 : i32
    %dma_wait3A_2154 = tpu.memref_slice %arg3[%dma_wait3A_2153] : memref<1000000xf32, #tpu.memory_space<hbm>> -> memref<64xf32, #tpu.memory_space<hbm>>
    tpu.wait_dma2 semaphore(%arg11 : memref<!tpu.dma_semaphore, #tpu.memory_space<semaphore_mem>>) src(%dma_wait3A_2154 : memref<64xf32, #tpu.memory_space<hbm>>) dst(%dma_wait3A_2152 : memref<64xf32, #tpu.memory_space<vmem>>)
    %dma_wait3A_2155 = arith.constant 32 : i32
    %dma_wait3A_2156 = arith.constant 0 : i32
    %dma_wait3A_2157 = tpu.memref_slice %arg9[%dma_wait3A_2155, %dma_wait3A_2156] : memref<96x64xf32, #tpu.memory_space<vmem>> -> memref<1x64xf32, #tpu.memory_space<vmem>>
    %dma_wait3A_2158 = tpu.memref_squeeze %dma_wait3A_2157 : memref<1x64xf32, #tpu.memory_space<vmem>> -> memref<64xf32, #tpu.memory_space<vmem>>
    %dma_wait3A_2159 = arith.constant 0 : i32
    %dma_wait3A_2160 = tpu.memref_slice %arg3[%dma_wait3A_2159] : memref<1000000xf32, #tpu.memory_space<hbm>> -> memref<64xf32, #tpu.memory_space<hbm>>
    %dma_wait3A_2161 = arith.constant 0 : i32
    %dma_wait3A_2162 = tpu.memref_slice %arg9[%dma_wait3A_2155, %dma_wait3A_2161] : memref<96x64xf32, #tpu.memory_space<vmem>> -> memref<1x64xf32, #tpu.memory_space<vmem>>
    %dma_wait3A_2163 = tpu.memref_squeeze %dma_wait3A_2162 : memref<1x64xf32, #tpu.memory_space<vmem>> -> memref<64xf32, #tpu.memory_space<vmem>>
    %dma_wait3A_2164 = arith.constant 0 : i32
    %dma_wait3A_2165 = tpu.memref_slice %arg3[%dma_wait3A_2164] : memref<1000000xf32, #tpu.memory_space<hbm>> -> memref<64xf32, #tpu.memory_space<hbm>>
    tpu.wait_dma2 semaphore(%arg11 : memref<!tpu.dma_semaphore, #tpu.memory_space<semaphore_mem>>) src(%dma_wait3A_2165 : memref<64xf32, #tpu.memory_space<hbm>>) dst(%dma_wait3A_2163 : memref<64xf32, #tpu.memory_space<vmem>>)
    %dma_wait3A_2166 = arith.constant 33 : i32
    %dma_wait3A_2167 = arith.constant 0 : i32
    %dma_wait3A_2168 = tpu.memref_slice %arg9[%dma_wait3A_2166, %dma_wait3A_2167] : memref<96x64xf32, #tpu.memory_space<vmem>> -> memref<1x64xf32, #tpu.memory_space<vmem>>
    %dma_wait3A_2169 = tpu.memref_squeeze %dma_wait3A_2168 : memref<1x64xf32, #tpu.memory_space<vmem>> -> memref<64xf32, #tpu.memory_space<vmem>>
    %dma_wait3A_2170 = arith.constant 0 : i32
    %dma_wait3A_2171 = tpu.memref_slice %arg3[%dma_wait3A_2170] : memref<1000000xf32, #tpu.memory_space<hbm>> -> memref<64xf32, #tpu.memory_space<hbm>>
    %dma_wait3A_2172 = arith.constant 0 : i32
    %dma_wait3A_2173 = tpu.memref_slice %arg9[%dma_wait3A_2166, %dma_wait3A_2172] : memref<96x64xf32, #tpu.memory_space<vmem>> -> memref<1x64xf32, #tpu.memory_space<vmem>>
    %dma_wait3A_2174 = tpu.memref_squeeze %dma_wait3A_2173 : memref<1x64xf32, #tpu.memory_space<vmem>> -> memref<64xf32, #tpu.memory_space<vmem>>
    %dma_wait3A_2175 = arith.constant 0 : i32
    %dma_wait3A_2176 = tpu.memref_slice %arg3[%dma_wait3A_2175] : memref<1000000xf32, #tpu.memory_space<hbm>> -> memref<64xf32, #tpu.memory_space<hbm>>
    tpu.wait_dma2 semaphore(%arg11 : memref<!tpu.dma_semaphore, #tpu.memory_space<semaphore_mem>>) src(%dma_wait3A_2176 : memref<64xf32, #tpu.memory_space<hbm>>) dst(%dma_wait3A_2174 : memref<64xf32, #tpu.memory_space<vmem>>)
    %dma_wait3A_2177 = arith.constant 34 : i32
    %dma_wait3A_2178 = arith.constant 0 : i32
    %dma_wait3A_2179 = tpu.memref_slice %arg9[%dma_wait3A_2177, %dma_wait3A_2178] : memref<96x64xf32, #tpu.memory_space<vmem>> -> memref<1x64xf32, #tpu.memory_space<vmem>>
    %dma_wait3A_2180 = tpu.memref_squeeze %dma_wait3A_2179 : memref<1x64xf32, #tpu.memory_space<vmem>> -> memref<64xf32, #tpu.memory_space<vmem>>
    %dma_wait3A_2181 = arith.constant 0 : i32
    %dma_wait3A_2182 = tpu.memref_slice %arg3[%dma_wait3A_2181] : memref<1000000xf32, #tpu.memory_space<hbm>> -> memref<64xf32, #tpu.memory_space<hbm>>
    %dma_wait3A_2183 = arith.constant 0 : i32
    %dma_wait3A_2184 = tpu.memref_slice %arg9[%dma_wait3A_2177, %dma_wait3A_2183] : memref<96x64xf32, #tpu.memory_space<vmem>> -> memref<1x64xf32, #tpu.memory_space<vmem>>
    %dma_wait3A_2185 = tpu.memref_squeeze %dma_wait3A_2184 : memref<1x64xf32, #tpu.memory_space<vmem>> -> memref<64xf32, #tpu.memory_space<vmem>>
    %dma_wait3A_2186 = arith.constant 0 : i32
    %dma_wait3A_2187 = tpu.memref_slice %arg3[%dma_wait3A_2186] : memref<1000000xf32, #tpu.memory_space<hbm>> -> memref<64xf32, #tpu.memory_space<hbm>>
    tpu.wait_dma2 semaphore(%arg11 : memref<!tpu.dma_semaphore, #tpu.memory_space<semaphore_mem>>) src(%dma_wait3A_2187 : memref<64xf32, #tpu.memory_space<hbm>>) dst(%dma_wait3A_2185 : memref<64xf32, #tpu.memory_space<vmem>>)
    %dma_wait3A_2188 = arith.constant 35 : i32
    %dma_wait3A_2189 = arith.constant 0 : i32
    %dma_wait3A_2190 = tpu.memref_slice %arg9[%dma_wait3A_2188, %dma_wait3A_2189] : memref<96x64xf32, #tpu.memory_space<vmem>> -> memref<1x64xf32, #tpu.memory_space<vmem>>
    %dma_wait3A_2191 = tpu.memref_squeeze %dma_wait3A_2190 : memref<1x64xf32, #tpu.memory_space<vmem>> -> memref<64xf32, #tpu.memory_space<vmem>>
    %dma_wait3A_2192 = arith.constant 0 : i32
    %dma_wait3A_2193 = tpu.memref_slice %arg3[%dma_wait3A_2192] : memref<1000000xf32, #tpu.memory_space<hbm>> -> memref<64xf32, #tpu.memory_space<hbm>>
    %dma_wait3A_2194 = arith.constant 0 : i32
    %dma_wait3A_2195 = tpu.memref_slice %arg9[%dma_wait3A_2188, %dma_wait3A_2194] : memref<96x64xf32, #tpu.memory_space<vmem>> -> memref<1x64xf32, #tpu.memory_space<vmem>>
    %dma_wait3A_2196 = tpu.memref_squeeze %dma_wait3A_2195 : memref<1x64xf32, #tpu.memory_space<vmem>> -> memref<64xf32, #tpu.memory_space<vmem>>
    %dma_wait3A_2197 = arith.constant 0 : i32
    %dma_wait3A_2198 = tpu.memref_slice %arg3[%dma_wait3A_2197] : memref<1000000xf32, #tpu.memory_space<hbm>> -> memref<64xf32, #tpu.memory_space<hbm>>
    tpu.wait_dma2 semaphore(%arg11 : memref<!tpu.dma_semaphore, #tpu.memory_space<semaphore_mem>>) src(%dma_wait3A_2198 : memref<64xf32, #tpu.memory_space<hbm>>) dst(%dma_wait3A_2196 : memref<64xf32, #tpu.memory_space<vmem>>)
    %dma_wait3A_2199 = arith.constant 36 : i32
    %dma_wait3A_2200 = arith.constant 0 : i32
    %dma_wait3A_2201 = tpu.memref_slice %arg9[%dma_wait3A_2199, %dma_wait3A_2200] : memref<96x64xf32, #tpu.memory_space<vmem>> -> memref<1x64xf32, #tpu.memory_space<vmem>>
    %dma_wait3A_2202 = tpu.memref_squeeze %dma_wait3A_2201 : memref<1x64xf32, #tpu.memory_space<vmem>> -> memref<64xf32, #tpu.memory_space<vmem>>
    %dma_wait3A_2203 = arith.constant 0 : i32
    %dma_wait3A_2204 = tpu.memref_slice %arg3[%dma_wait3A_2203] : memref<1000000xf32, #tpu.memory_space<hbm>> -> memref<64xf32, #tpu.memory_space<hbm>>
    %dma_wait3A_2205 = arith.constant 0 : i32
    %dma_wait3A_2206 = tpu.memref_slice %arg9[%dma_wait3A_2199, %dma_wait3A_2205] : memref<96x64xf32, #tpu.memory_space<vmem>> -> memref<1x64xf32, #tpu.memory_space<vmem>>
    %dma_wait3A_2207 = tpu.memref_squeeze %dma_wait3A_2206 : memref<1x64xf32, #tpu.memory_space<vmem>> -> memref<64xf32, #tpu.memory_space<vmem>>
    %dma_wait3A_2208 = arith.constant 0 : i32
    %dma_wait3A_2209 = tpu.memref_slice %arg3[%dma_wait3A_2208] : memref<1000000xf32, #tpu.memory_space<hbm>> -> memref<64xf32, #tpu.memory_space<hbm>>
    tpu.wait_dma2 semaphore(%arg11 : memref<!tpu.dma_semaphore, #tpu.memory_space<semaphore_mem>>) src(%dma_wait3A_2209 : memref<64xf32, #tpu.memory_space<hbm>>) dst(%dma_wait3A_2207 : memref<64xf32, #tpu.memory_space<vmem>>)
    %dma_wait3A_2210 = arith.constant 37 : i32
    %dma_wait3A_2211 = arith.constant 0 : i32
    %dma_wait3A_2212 = tpu.memref_slice %arg9[%dma_wait3A_2210, %dma_wait3A_2211] : memref<96x64xf32, #tpu.memory_space<vmem>> -> memref<1x64xf32, #tpu.memory_space<vmem>>
    %dma_wait3A_2213 = tpu.memref_squeeze %dma_wait3A_2212 : memref<1x64xf32, #tpu.memory_space<vmem>> -> memref<64xf32, #tpu.memory_space<vmem>>
    %dma_wait3A_2214 = arith.constant 0 : i32
    %dma_wait3A_2215 = tpu.memref_slice %arg3[%dma_wait3A_2214] : memref<1000000xf32, #tpu.memory_space<hbm>> -> memref<64xf32, #tpu.memory_space<hbm>>
    %dma_wait3A_2216 = arith.constant 0 : i32
    %dma_wait3A_2217 = tpu.memref_slice %arg9[%dma_wait3A_2210, %dma_wait3A_2216] : memref<96x64xf32, #tpu.memory_space<vmem>> -> memref<1x64xf32, #tpu.memory_space<vmem>>
    %dma_wait3A_2218 = tpu.memref_squeeze %dma_wait3A_2217 : memref<1x64xf32, #tpu.memory_space<vmem>> -> memref<64xf32, #tpu.memory_space<vmem>>
    %dma_wait3A_2219 = arith.constant 0 : i32
    %dma_wait3A_2220 = tpu.memref_slice %arg3[%dma_wait3A_2219] : memref<1000000xf32, #tpu.memory_space<hbm>> -> memref<64xf32, #tpu.memory_space<hbm>>
    tpu.wait_dma2 semaphore(%arg11 : memref<!tpu.dma_semaphore, #tpu.memory_space<semaphore_mem>>) src(%dma_wait3A_2220 : memref<64xf32, #tpu.memory_space<hbm>>) dst(%dma_wait3A_2218 : memref<64xf32, #tpu.memory_space<vmem>>)
    %dma_wait3A_2221 = arith.constant 38 : i32
    %dma_wait3A_2222 = arith.constant 0 : i32
    %dma_wait3A_2223 = tpu.memref_slice %arg9[%dma_wait3A_2221, %dma_wait3A_2222] : memref<96x64xf32, #tpu.memory_space<vmem>> -> memref<1x64xf32, #tpu.memory_space<vmem>>
    %dma_wait3A_2224 = tpu.memref_squeeze %dma_wait3A_2223 : memref<1x64xf32, #tpu.memory_space<vmem>> -> memref<64xf32, #tpu.memory_space<vmem>>
    %dma_wait3A_2225 = arith.constant 0 : i32
    %dma_wait3A_2226 = tpu.memref_slice %arg3[%dma_wait3A_2225] : memref<1000000xf32, #tpu.memory_space<hbm>> -> memref<64xf32, #tpu.memory_space<hbm>>
    %dma_wait3A_2227 = arith.constant 0 : i32
    %dma_wait3A_2228 = tpu.memref_slice %arg9[%dma_wait3A_2221, %dma_wait3A_2227] : memref<96x64xf32, #tpu.memory_space<vmem>> -> memref<1x64xf32, #tpu.memory_space<vmem>>
    %dma_wait3A_2229 = tpu.memref_squeeze %dma_wait3A_2228 : memref<1x64xf32, #tpu.memory_space<vmem>> -> memref<64xf32, #tpu.memory_space<vmem>>
    %dma_wait3A_2230 = arith.constant 0 : i32
    %dma_wait3A_2231 = tpu.memref_slice %arg3[%dma_wait3A_2230] : memref<1000000xf32, #tpu.memory_space<hbm>> -> memref<64xf32, #tpu.memory_space<hbm>>
    tpu.wait_dma2 semaphore(%arg11 : memref<!tpu.dma_semaphore, #tpu.memory_space<semaphore_mem>>) src(%dma_wait3A_2231 : memref<64xf32, #tpu.memory_space<hbm>>) dst(%dma_wait3A_2229 : memref<64xf32, #tpu.memory_space<vmem>>)
    %dma_wait3A_2232 = arith.constant 39 : i32
    %dma_wait3A_2233 = arith.constant 0 : i32
    %dma_wait3A_2234 = tpu.memref_slice %arg9[%dma_wait3A_2232, %dma_wait3A_2233] : memref<96x64xf32, #tpu.memory_space<vmem>> -> memref<1x64xf32, #tpu.memory_space<vmem>>
    %dma_wait3A_2235 = tpu.memref_squeeze %dma_wait3A_2234 : memref<1x64xf32, #tpu.memory_space<vmem>> -> memref<64xf32, #tpu.memory_space<vmem>>
    %dma_wait3A_2236 = arith.constant 0 : i32
    %dma_wait3A_2237 = tpu.memref_slice %arg3[%dma_wait3A_2236] : memref<1000000xf32, #tpu.memory_space<hbm>> -> memref<64xf32, #tpu.memory_space<hbm>>
    %dma_wait3A_2238 = arith.constant 0 : i32
    %dma_wait3A_2239 = tpu.memref_slice %arg9[%dma_wait3A_2232, %dma_wait3A_2238] : memref<96x64xf32, #tpu.memory_space<vmem>> -> memref<1x64xf32, #tpu.memory_space<vmem>>
    %dma_wait3A_2240 = tpu.memref_squeeze %dma_wait3A_2239 : memref<1x64xf32, #tpu.memory_space<vmem>> -> memref<64xf32, #tpu.memory_space<vmem>>
    %dma_wait3A_2241 = arith.constant 0 : i32
    %dma_wait3A_2242 = tpu.memref_slice %arg3[%dma_wait3A_2241] : memref<1000000xf32, #tpu.memory_space<hbm>> -> memref<64xf32, #tpu.memory_space<hbm>>
    tpu.wait_dma2 semaphore(%arg11 : memref<!tpu.dma_semaphore, #tpu.memory_space<semaphore_mem>>) src(%dma_wait3A_2242 : memref<64xf32, #tpu.memory_space<hbm>>) dst(%dma_wait3A_2240 : memref<64xf32, #tpu.memory_space<vmem>>)
    %dma_wait3A_2243 = arith.constant 40 : i32
    %dma_wait3A_2244 = arith.constant 0 : i32
    %dma_wait3A_2245 = tpu.memref_slice %arg9[%dma_wait3A_2243, %dma_wait3A_2244] : memref<96x64xf32, #tpu.memory_space<vmem>> -> memref<1x64xf32, #tpu.memory_space<vmem>>
    %dma_wait3A_2246 = tpu.memref_squeeze %dma_wait3A_2245 : memref<1x64xf32, #tpu.memory_space<vmem>> -> memref<64xf32, #tpu.memory_space<vmem>>
    %dma_wait3A_2247 = arith.constant 0 : i32
    %dma_wait3A_2248 = tpu.memref_slice %arg3[%dma_wait3A_2247] : memref<1000000xf32, #tpu.memory_space<hbm>> -> memref<64xf32, #tpu.memory_space<hbm>>
    %dma_wait3A_2249 = arith.constant 0 : i32
    %dma_wait3A_2250 = tpu.memref_slice %arg9[%dma_wait3A_2243, %dma_wait3A_2249] : memref<96x64xf32, #tpu.memory_space<vmem>> -> memref<1x64xf32, #tpu.memory_space<vmem>>
    %dma_wait3A_2251 = tpu.memref_squeeze %dma_wait3A_2250 : memref<1x64xf32, #tpu.memory_space<vmem>> -> memref<64xf32, #tpu.memory_space<vmem>>
    %dma_wait3A_2252 = arith.constant 0 : i32
    %dma_wait3A_2253 = tpu.memref_slice %arg3[%dma_wait3A_2252] : memref<1000000xf32, #tpu.memory_space<hbm>> -> memref<64xf32, #tpu.memory_space<hbm>>
    tpu.wait_dma2 semaphore(%arg11 : memref<!tpu.dma_semaphore, #tpu.memory_space<semaphore_mem>>) src(%dma_wait3A_2253 : memref<64xf32, #tpu.memory_space<hbm>>) dst(%dma_wait3A_2251 : memref<64xf32, #tpu.memory_space<vmem>>)
    %dma_wait3A_2254 = arith.constant 41 : i32
    %dma_wait3A_2255 = arith.constant 0 : i32
    %dma_wait3A_2256 = tpu.memref_slice %arg9[%dma_wait3A_2254, %dma_wait3A_2255] : memref<96x64xf32, #tpu.memory_space<vmem>> -> memref<1x64xf32, #tpu.memory_space<vmem>>
    %dma_wait3A_2257 = tpu.memref_squeeze %dma_wait3A_2256 : memref<1x64xf32, #tpu.memory_space<vmem>> -> memref<64xf32, #tpu.memory_space<vmem>>
    %dma_wait3A_2258 = arith.constant 0 : i32
    %dma_wait3A_2259 = tpu.memref_slice %arg3[%dma_wait3A_2258] : memref<1000000xf32, #tpu.memory_space<hbm>> -> memref<64xf32, #tpu.memory_space<hbm>>
    %dma_wait3A_2260 = arith.constant 0 : i32
    %dma_wait3A_2261 = tpu.memref_slice %arg9[%dma_wait3A_2254, %dma_wait3A_2260] : memref<96x64xf32, #tpu.memory_space<vmem>> -> memref<1x64xf32, #tpu.memory_space<vmem>>
    %dma_wait3A_2262 = tpu.memref_squeeze %dma_wait3A_2261 : memref<1x64xf32, #tpu.memory_space<vmem>> -> memref<64xf32, #tpu.memory_space<vmem>>
    %dma_wait3A_2263 = arith.constant 0 : i32
    %dma_wait3A_2264 = tpu.memref_slice %arg3[%dma_wait3A_2263] : memref<1000000xf32, #tpu.memory_space<hbm>> -> memref<64xf32, #tpu.memory_space<hbm>>
    tpu.wait_dma2 semaphore(%arg11 : memref<!tpu.dma_semaphore, #tpu.memory_space<semaphore_mem>>) src(%dma_wait3A_2264 : memref<64xf32, #tpu.memory_space<hbm>>) dst(%dma_wait3A_2262 : memref<64xf32, #tpu.memory_space<vmem>>)
    %dma_wait3A_2265 = arith.constant 42 : i32
    %dma_wait3A_2266 = arith.constant 0 : i32
    %dma_wait3A_2267 = tpu.memref_slice %arg9[%dma_wait3A_2265, %dma_wait3A_2266] : memref<96x64xf32, #tpu.memory_space<vmem>> -> memref<1x64xf32, #tpu.memory_space<vmem>>
    %dma_wait3A_2268 = tpu.memref_squeeze %dma_wait3A_2267 : memref<1x64xf32, #tpu.memory_space<vmem>> -> memref<64xf32, #tpu.memory_space<vmem>>
    %dma_wait3A_2269 = arith.constant 0 : i32
    %dma_wait3A_2270 = tpu.memref_slice %arg3[%dma_wait3A_2269] : memref<1000000xf32, #tpu.memory_space<hbm>> -> memref<64xf32, #tpu.memory_space<hbm>>
    %dma_wait3A_2271 = arith.constant 0 : i32
    %dma_wait3A_2272 = tpu.memref_slice %arg9[%dma_wait3A_2265, %dma_wait3A_2271] : memref<96x64xf32, #tpu.memory_space<vmem>> -> memref<1x64xf32, #tpu.memory_space<vmem>>
    %dma_wait3A_2273 = tpu.memref_squeeze %dma_wait3A_2272 : memref<1x64xf32, #tpu.memory_space<vmem>> -> memref<64xf32, #tpu.memory_space<vmem>>
    %dma_wait3A_2274 = arith.constant 0 : i32
    %dma_wait3A_2275 = tpu.memref_slice %arg3[%dma_wait3A_2274] : memref<1000000xf32, #tpu.memory_space<hbm>> -> memref<64xf32, #tpu.memory_space<hbm>>
    tpu.wait_dma2 semaphore(%arg11 : memref<!tpu.dma_semaphore, #tpu.memory_space<semaphore_mem>>) src(%dma_wait3A_2275 : memref<64xf32, #tpu.memory_space<hbm>>) dst(%dma_wait3A_2273 : memref<64xf32, #tpu.memory_space<vmem>>)
    %dma_wait3A_2276 = arith.constant 43 : i32
    %dma_wait3A_2277 = arith.constant 0 : i32
    %dma_wait3A_2278 = tpu.memref_slice %arg9[%dma_wait3A_2276, %dma_wait3A_2277] : memref<96x64xf32, #tpu.memory_space<vmem>> -> memref<1x64xf32, #tpu.memory_space<vmem>>
    %dma_wait3A_2279 = tpu.memref_squeeze %dma_wait3A_2278 : memref<1x64xf32, #tpu.memory_space<vmem>> -> memref<64xf32, #tpu.memory_space<vmem>>
    %dma_wait3A_2280 = arith.constant 0 : i32
    %dma_wait3A_2281 = tpu.memref_slice %arg3[%dma_wait3A_2280] : memref<1000000xf32, #tpu.memory_space<hbm>> -> memref<64xf32, #tpu.memory_space<hbm>>
    %dma_wait3A_2282 = arith.constant 0 : i32
    %dma_wait3A_2283 = tpu.memref_slice %arg9[%dma_wait3A_2276, %dma_wait3A_2282] : memref<96x64xf32, #tpu.memory_space<vmem>> -> memref<1x64xf32, #tpu.memory_space<vmem>>
    %dma_wait3A_2284 = tpu.memref_squeeze %dma_wait3A_2283 : memref<1x64xf32, #tpu.memory_space<vmem>> -> memref<64xf32, #tpu.memory_space<vmem>>
    %dma_wait3A_2285 = arith.constant 0 : i32
    %dma_wait3A_2286 = tpu.memref_slice %arg3[%dma_wait3A_2285] : memref<1000000xf32, #tpu.memory_space<hbm>> -> memref<64xf32, #tpu.memory_space<hbm>>
    tpu.wait_dma2 semaphore(%arg11 : memref<!tpu.dma_semaphore, #tpu.memory_space<semaphore_mem>>) src(%dma_wait3A_2286 : memref<64xf32, #tpu.memory_space<hbm>>) dst(%dma_wait3A_2284 : memref<64xf32, #tpu.memory_space<vmem>>)
    %dma_wait3A_2287 = arith.constant 44 : i32
    %dma_wait3A_2288 = arith.constant 0 : i32
    %dma_wait3A_2289 = tpu.memref_slice %arg9[%dma_wait3A_2287, %dma_wait3A_2288] : memref<96x64xf32, #tpu.memory_space<vmem>> -> memref<1x64xf32, #tpu.memory_space<vmem>>
    %dma_wait3A_2290 = tpu.memref_squeeze %dma_wait3A_2289 : memref<1x64xf32, #tpu.memory_space<vmem>> -> memref<64xf32, #tpu.memory_space<vmem>>
    %dma_wait3A_2291 = arith.constant 0 : i32
    %dma_wait3A_2292 = tpu.memref_slice %arg3[%dma_wait3A_2291] : memref<1000000xf32, #tpu.memory_space<hbm>> -> memref<64xf32, #tpu.memory_space<hbm>>
    %dma_wait3A_2293 = arith.constant 0 : i32
    %dma_wait3A_2294 = tpu.memref_slice %arg9[%dma_wait3A_2287, %dma_wait3A_2293] : memref<96x64xf32, #tpu.memory_space<vmem>> -> memref<1x64xf32, #tpu.memory_space<vmem>>
    %dma_wait3A_2295 = tpu.memref_squeeze %dma_wait3A_2294 : memref<1x64xf32, #tpu.memory_space<vmem>> -> memref<64xf32, #tpu.memory_space<vmem>>
    %dma_wait3A_2296 = arith.constant 0 : i32
    %dma_wait3A_2297 = tpu.memref_slice %arg3[%dma_wait3A_2296] : memref<1000000xf32, #tpu.memory_space<hbm>> -> memref<64xf32, #tpu.memory_space<hbm>>
    tpu.wait_dma2 semaphore(%arg11 : memref<!tpu.dma_semaphore, #tpu.memory_space<semaphore_mem>>) src(%dma_wait3A_2297 : memref<64xf32, #tpu.memory_space<hbm>>) dst(%dma_wait3A_2295 : memref<64xf32, #tpu.memory_space<vmem>>)
    %dma_wait3A_2298 = arith.constant 45 : i32
    %dma_wait3A_2299 = arith.constant 0 : i32
    %dma_wait3A_2300 = tpu.memref_slice %arg9[%dma_wait3A_2298, %dma_wait3A_2299] : memref<96x64xf32, #tpu.memory_space<vmem>> -> memref<1x64xf32, #tpu.memory_space<vmem>>
    %dma_wait3A_2301 = tpu.memref_squeeze %dma_wait3A_2300 : memref<1x64xf32, #tpu.memory_space<vmem>> -> memref<64xf32, #tpu.memory_space<vmem>>
    %dma_wait3A_2302 = arith.constant 0 : i32
    %dma_wait3A_2303 = tpu.memref_slice %arg3[%dma_wait3A_2302] : memref<1000000xf32, #tpu.memory_space<hbm>> -> memref<64xf32, #tpu.memory_space<hbm>>
    %dma_wait3A_2304 = arith.constant 0 : i32
    %dma_wait3A_2305 = tpu.memref_slice %arg9[%dma_wait3A_2298, %dma_wait3A_2304] : memref<96x64xf32, #tpu.memory_space<vmem>> -> memref<1x64xf32, #tpu.memory_space<vmem>>
    %dma_wait3A_2306 = tpu.memref_squeeze %dma_wait3A_2305 : memref<1x64xf32, #tpu.memory_space<vmem>> -> memref<64xf32, #tpu.memory_space<vmem>>
    %dma_wait3A_2307 = arith.constant 0 : i32
    %dma_wait3A_2308 = tpu.memref_slice %arg3[%dma_wait3A_2307] : memref<1000000xf32, #tpu.memory_space<hbm>> -> memref<64xf32, #tpu.memory_space<hbm>>
    tpu.wait_dma2 semaphore(%arg11 : memref<!tpu.dma_semaphore, #tpu.memory_space<semaphore_mem>>) src(%dma_wait3A_2308 : memref<64xf32, #tpu.memory_space<hbm>>) dst(%dma_wait3A_2306 : memref<64xf32, #tpu.memory_space<vmem>>)
    %dma_wait3A_2309 = arith.constant 46 : i32
    %dma_wait3A_2310 = arith.constant 0 : i32
    %dma_wait3A_2311 = tpu.memref_slice %arg9[%dma_wait3A_2309, %dma_wait3A_2310] : memref<96x64xf32, #tpu.memory_space<vmem>> -> memref<1x64xf32, #tpu.memory_space<vmem>>
    %dma_wait3A_2312 = tpu.memref_squeeze %dma_wait3A_2311 : memref<1x64xf32, #tpu.memory_space<vmem>> -> memref<64xf32, #tpu.memory_space<vmem>>
    %dma_wait3A_2313 = arith.constant 0 : i32
    %dma_wait3A_2314 = tpu.memref_slice %arg3[%dma_wait3A_2313] : memref<1000000xf32, #tpu.memory_space<hbm>> -> memref<64xf32, #tpu.memory_space<hbm>>
    %dma_wait3A_2315 = arith.constant 0 : i32
    %dma_wait3A_2316 = tpu.memref_slice %arg9[%dma_wait3A_2309, %dma_wait3A_2315] : memref<96x64xf32, #tpu.memory_space<vmem>> -> memref<1x64xf32, #tpu.memory_space<vmem>>
    %dma_wait3A_2317 = tpu.memref_squeeze %dma_wait3A_2316 : memref<1x64xf32, #tpu.memory_space<vmem>> -> memref<64xf32, #tpu.memory_space<vmem>>
    %dma_wait3A_2318 = arith.constant 0 : i32
    %dma_wait3A_2319 = tpu.memref_slice %arg3[%dma_wait3A_2318] : memref<1000000xf32, #tpu.memory_space<hbm>> -> memref<64xf32, #tpu.memory_space<hbm>>
    tpu.wait_dma2 semaphore(%arg11 : memref<!tpu.dma_semaphore, #tpu.memory_space<semaphore_mem>>) src(%dma_wait3A_2319 : memref<64xf32, #tpu.memory_space<hbm>>) dst(%dma_wait3A_2317 : memref<64xf32, #tpu.memory_space<vmem>>)
    %dma_wait3A_2320 = arith.constant 47 : i32
    %dma_wait3A_2321 = arith.constant 0 : i32
    %dma_wait3A_2322 = tpu.memref_slice %arg9[%dma_wait3A_2320, %dma_wait3A_2321] : memref<96x64xf32, #tpu.memory_space<vmem>> -> memref<1x64xf32, #tpu.memory_space<vmem>>
    %dma_wait3A_2323 = tpu.memref_squeeze %dma_wait3A_2322 : memref<1x64xf32, #tpu.memory_space<vmem>> -> memref<64xf32, #tpu.memory_space<vmem>>
    %dma_wait3A_2324 = arith.constant 0 : i32
    %dma_wait3A_2325 = tpu.memref_slice %arg3[%dma_wait3A_2324] : memref<1000000xf32, #tpu.memory_space<hbm>> -> memref<64xf32, #tpu.memory_space<hbm>>
    %dma_wait3A_2326 = arith.constant 0 : i32
    %dma_wait3A_2327 = tpu.memref_slice %arg9[%dma_wait3A_2320, %dma_wait3A_2326] : memref<96x64xf32, #tpu.memory_space<vmem>> -> memref<1x64xf32, #tpu.memory_space<vmem>>
    %dma_wait3A_2328 = tpu.memref_squeeze %dma_wait3A_2327 : memref<1x64xf32, #tpu.memory_space<vmem>> -> memref<64xf32, #tpu.memory_space<vmem>>
    %dma_wait3A_2329 = arith.constant 0 : i32
    %dma_wait3A_2330 = tpu.memref_slice %arg3[%dma_wait3A_2329] : memref<1000000xf32, #tpu.memory_space<hbm>> -> memref<64xf32, #tpu.memory_space<hbm>>
    tpu.wait_dma2 semaphore(%arg11 : memref<!tpu.dma_semaphore, #tpu.memory_space<semaphore_mem>>) src(%dma_wait3A_2330 : memref<64xf32, #tpu.memory_space<hbm>>) dst(%dma_wait3A_2328 : memref<64xf32, #tpu.memory_space<vmem>>)
    %broadcast_in_dim3A_2331 = arith.constant 0.000000e+00 : f32
    %broadcast_in_dim3A_2332 = vector.broadcast %broadcast_in_dim3A_2331 : f32 to vector<16xf32>
    %scan3A_2333 = arith.constant 0 : i32
    %scan3A_2334 = arith.constant 48 : i32
    %scan3A_2335 = arith.addi %scan3A_2333, %scan3A_2334 : i32
    %scan3A_2336 = arith.constant 1 : i32
    %scan3A_2337 = scf.for %scan3A_2880 = %scan3A_2333 to %scan3A_2335 step %scan3A_2336 iter_args(%scan3A_2881 = %broadcast_in_dim3A_2332) -> (vector<16xf32>)  : i32 {
      %get3A = arith.index_cast %scan3A_2880 : i32 to index
      %get3A_2882 = arith.constant 0 : index
      %get3A_2883 = tpu.vector_load %arg9[%get3A, %get3A_2882] {strides = array<i32>} : memref<96x64xf32, #tpu.memory_space<vmem>>, vector<16xf32>,
      %add3A_2884 = arith.addf %scan3A_2881, %get3A_2883 : vector<16xf32>
      %get3A_2885 = arith.index_cast %scan3A_2880 : i32 to index
      %get3A_2886 = arith.constant 16 : index
      %get3A_2887 = tpu.vector_load %arg9[%get3A_2885, %get3A_2886] {strides = array<i32>} : memref<96x64xf32, #tpu.memory_space<vmem>>, vector<16xf32>,
      %add3A_2888 = arith.addf %add3A_2884, %get3A_2887 : vector<16xf32>
      %get3A_2889 = arith.index_cast %scan3A_2880 : i32 to index
      %get3A_2890 = arith.constant 32 : index
      %get3A_2891 = tpu.vector_load %arg9[%get3A_2889, %get3A_2890] {strides = array<i32>} : memref<96x64xf32, #tpu.memory_space<vmem>>, vector<16xf32>,
      %add3A_2892 = arith.addf %add3A_2888, %get3A_2891 : vector<16xf32>
      %get3A_2893 = arith.index_cast %scan3A_2880 : i32 to index
      %get3A_2894 = arith.constant 48 : index
      %get3A_2895 = tpu.vector_load %arg9[%get3A_2893, %get3A_2894] {strides = array<i32>} : memref<96x64xf32, #tpu.memory_space<vmem>>, vector<16xf32>,
      %jit3A_2896 = arith.constant 3 : i32
      %eq3A = arith.constant 0 : i32
      %eq3A_2897 = arith.cmpi eq, %jit3A_2896, %eq3A : i32
      %jit3A_2898 = arith.constant 1 : i32
      %select_n3A_2899 = arith.select %eq3A_2897, %jit3A_2898, %jit3A_2896 : i32
      %rem3A_2900 = arith.remsi %scan3A_2880, %select_n3A_2899 : i32
      %ne3A_2901 = arith.constant 0 : i32
      %ne3A_2902 = arith.cmpi ne, %rem3A_2900, %ne3A_2901 : i32
      %lt3A_2903 = arith.constant 0 : i32
      %lt3A_2904 = arith.cmpi slt, %rem3A_2900, %lt3A_2903 : i32
      %lt3A_2905 = arith.constant 0 : i32
      %lt3A_2906 = arith.cmpi slt, %select_n3A_2899, %lt3A_2905 : i32
      %ne3A_2907 = arith.xori %lt3A_2904, %lt3A_2906 : i1
      %and3A_2908 = arith.andi %ne3A_2907, %ne3A_2902 : i1
      %add3A_2909 = arith.addi %rem3A_2900, %select_n3A_2899 : i32
      %select_n3A_2910 = arith.select %and3A_2908, %add3A_2909, %rem3A_2900 : i32
      %eq3A_2911 = arith.constant 2 : i32
      %eq3A_2912 = arith.cmpi eq, %select_n3A_2910, %eq3A_2911 : i32
      %mul3A_2913 = arith.mulf %get3A_2895, %select_n3A_1803 : vector<16xf32>
      %select_n3A_2914 = arith.select %eq3A_2912, %mul3A_2913, %get3A_2895 : vector<16xf32>
      %add3A_2915 = arith.addf %add3A_2892, %select_n3A_2914 : vector<16xf32>
      scf.yield %add3A_2915 : vector<16xf32>
    }
    %scan3A_2338 = arith.constant 48 : i32
    %dma_wait3A_2339 = arith.constant 48 : i32
    %dma_wait3A_2340 = arith.constant 0 : i32
    %dma_wait3A_2341 = tpu.memref_slice %arg9[%dma_wait3A_2339, %dma_wait3A_2340] : memref<96x64xf32, #tpu.memory_space<vmem>> -> memref<1x64xf32, #tpu.memory_space<vmem>>
    %dma_wait3A_2342 = tpu.memref_squeeze %dma_wait3A_2341 : memref<1x64xf32, #tpu.memory_space<vmem>> -> memref<64xf32, #tpu.memory_space<vmem>>
    %dma_wait3A_2343 = arith.constant 0 : i32
    %dma_wait3A_2344 = tpu.memref_slice %arg3[%dma_wait3A_2343] : memref<1000000xf32, #tpu.memory_space<hbm>> -> memref<64xf32, #tpu.memory_space<hbm>>
    %dma_wait3A_2345 = arith.constant 0 : i32
    %dma_wait3A_2346 = tpu.memref_slice %arg9[%dma_wait3A_2339, %dma_wait3A_2345] : memref<96x64xf32, #tpu.memory_space<vmem>> -> memref<1x64xf32, #tpu.memory_space<vmem>>
    %dma_wait3A_2347 = tpu.memref_squeeze %dma_wait3A_2346 : memref<1x64xf32, #tpu.memory_space<vmem>> -> memref<64xf32, #tpu.memory_space<vmem>>
    %dma_wait3A_2348 = arith.constant 0 : i32
    %dma_wait3A_2349 = tpu.memref_slice %arg3[%dma_wait3A_2348] : memref<1000000xf32, #tpu.memory_space<hbm>> -> memref<64xf32, #tpu.memory_space<hbm>>
    tpu.wait_dma2 semaphore(%arg12 : memref<!tpu.dma_semaphore, #tpu.memory_space<semaphore_mem>>) src(%dma_wait3A_2349 : memref<64xf32, #tpu.memory_space<hbm>>) dst(%dma_wait3A_2347 : memref<64xf32, #tpu.memory_space<vmem>>)
    %dma_wait3A_2350 = arith.constant 49 : i32
    %dma_wait3A_2351 = arith.constant 0 : i32
    %dma_wait3A_2352 = tpu.memref_slice %arg9[%dma_wait3A_2350, %dma_wait3A_2351] : memref<96x64xf32, #tpu.memory_space<vmem>> -> memref<1x64xf32, #tpu.memory_space<vmem>>
    %dma_wait3A_2353 = tpu.memref_squeeze %dma_wait3A_2352 : memref<1x64xf32, #tpu.memory_space<vmem>> -> memref<64xf32, #tpu.memory_space<vmem>>
    %dma_wait3A_2354 = arith.constant 0 : i32
    %dma_wait3A_2355 = tpu.memref_slice %arg3[%dma_wait3A_2354] : memref<1000000xf32, #tpu.memory_space<hbm>> -> memref<64xf32, #tpu.memory_space<hbm>>
    %dma_wait3A_2356 = arith.constant 0 : i32
    %dma_wait3A_2357 = tpu.memref_slice %arg9[%dma_wait3A_2350, %dma_wait3A_2356] : memref<96x64xf32, #tpu.memory_space<vmem>> -> memref<1x64xf32, #tpu.memory_space<vmem>>
    %dma_wait3A_2358 = tpu.memref_squeeze %dma_wait3A_2357 : memref<1x64xf32, #tpu.memory_space<vmem>> -> memref<64xf32, #tpu.memory_space<vmem>>
    %dma_wait3A_2359 = arith.constant 0 : i32
    %dma_wait3A_2360 = tpu.memref_slice %arg3[%dma_wait3A_2359] : memref<1000000xf32, #tpu.memory_space<hbm>> -> memref<64xf32, #tpu.memory_space<hbm>>
    tpu.wait_dma2 semaphore(%arg12 : memref<!tpu.dma_semaphore, #tpu.memory_space<semaphore_mem>>) src(%dma_wait3A_2360 : memref<64xf32, #tpu.memory_space<hbm>>) dst(%dma_wait3A_2358 : memref<64xf32, #tpu.memory_space<vmem>>)
    %dma_wait3A_2361 = arith.constant 50 : i32
    %dma_wait3A_2362 = arith.constant 0 : i32
    %dma_wait3A_2363 = tpu.memref_slice %arg9[%dma_wait3A_2361, %dma_wait3A_2362] : memref<96x64xf32, #tpu.memory_space<vmem>> -> memref<1x64xf32, #tpu.memory_space<vmem>>
    %dma_wait3A_2364 = tpu.memref_squeeze %dma_wait3A_2363 : memref<1x64xf32, #tpu.memory_space<vmem>> -> memref<64xf32, #tpu.memory_space<vmem>>
    %dma_wait3A_2365 = arith.constant 0 : i32
    %dma_wait3A_2366 = tpu.memref_slice %arg3[%dma_wait3A_2365] : memref<1000000xf32, #tpu.memory_space<hbm>> -> memref<64xf32, #tpu.memory_space<hbm>>
    %dma_wait3A_2367 = arith.constant 0 : i32
    %dma_wait3A_2368 = tpu.memref_slice %arg9[%dma_wait3A_2361, %dma_wait3A_2367] : memref<96x64xf32, #tpu.memory_space<vmem>> -> memref<1x64xf32, #tpu.memory_space<vmem>>
    %dma_wait3A_2369 = tpu.memref_squeeze %dma_wait3A_2368 : memref<1x64xf32, #tpu.memory_space<vmem>> -> memref<64xf32, #tpu.memory_space<vmem>>
    %dma_wait3A_2370 = arith.constant 0 : i32
    %dma_wait3A_2371 = tpu.memref_slice %arg3[%dma_wait3A_2370] : memref<1000000xf32, #tpu.memory_space<hbm>> -> memref<64xf32, #tpu.memory_space<hbm>>
    tpu.wait_dma2 semaphore(%arg12 : memref<!tpu.dma_semaphore, #tpu.memory_space<semaphore_mem>>) src(%dma_wait3A_2371 : memref<64xf32, #tpu.memory_space<hbm>>) dst(%dma_wait3A_2369 : memref<64xf32, #tpu.memory_space<vmem>>)
    %dma_wait3A_2372 = arith.constant 51 : i32
    %dma_wait3A_2373 = arith.constant 0 : i32
    %dma_wait3A_2374 = tpu.memref_slice %arg9[%dma_wait3A_2372, %dma_wait3A_2373] : memref<96x64xf32, #tpu.memory_space<vmem>> -> memref<1x64xf32, #tpu.memory_space<vmem>>
    %dma_wait3A_2375 = tpu.memref_squeeze %dma_wait3A_2374 : memref<1x64xf32, #tpu.memory_space<vmem>> -> memref<64xf32, #tpu.memory_space<vmem>>
    %dma_wait3A_2376 = arith.constant 0 : i32
    %dma_wait3A_2377 = tpu.memref_slice %arg3[%dma_wait3A_2376] : memref<1000000xf32, #tpu.memory_space<hbm>> -> memref<64xf32, #tpu.memory_space<hbm>>
    %dma_wait3A_2378 = arith.constant 0 : i32
    %dma_wait3A_2379 = tpu.memref_slice %arg9[%dma_wait3A_2372, %dma_wait3A_2378] : memref<96x64xf32, #tpu.memory_space<vmem>> -> memref<1x64xf32, #tpu.memory_space<vmem>>
    %dma_wait3A_2380 = tpu.memref_squeeze %dma_wait3A_2379 : memref<1x64xf32, #tpu.memory_space<vmem>> -> memref<64xf32, #tpu.memory_space<vmem>>
    %dma_wait3A_2381 = arith.constant 0 : i32
    %dma_wait3A_2382 = tpu.memref_slice %arg3[%dma_wait3A_2381] : memref<1000000xf32, #tpu.memory_space<hbm>> -> memref<64xf32, #tpu.memory_space<hbm>>
    tpu.wait_dma2 semaphore(%arg12 : memref<!tpu.dma_semaphore, #tpu.memory_space<semaphore_mem>>) src(%dma_wait3A_2382 : memref<64xf32, #tpu.memory_space<hbm>>) dst(%dma_wait3A_2380 : memref<64xf32, #tpu.memory_space<vmem>>)
    %dma_wait3A_2383 = arith.constant 52 : i32
    %dma_wait3A_2384 = arith.constant 0 : i32
    %dma_wait3A_2385 = tpu.memref_slice %arg9[%dma_wait3A_2383, %dma_wait3A_2384] : memref<96x64xf32, #tpu.memory_space<vmem>> -> memref<1x64xf32, #tpu.memory_space<vmem>>
    %dma_wait3A_2386 = tpu.memref_squeeze %dma_wait3A_2385 : memref<1x64xf32, #tpu.memory_space<vmem>> -> memref<64xf32, #tpu.memory_space<vmem>>
    %dma_wait3A_2387 = arith.constant 0 : i32
    %dma_wait3A_2388 = tpu.memref_slice %arg3[%dma_wait3A_2387] : memref<1000000xf32, #tpu.memory_space<hbm>> -> memref<64xf32, #tpu.memory_space<hbm>>
    %dma_wait3A_2389 = arith.constant 0 : i32
    %dma_wait3A_2390 = tpu.memref_slice %arg9[%dma_wait3A_2383, %dma_wait3A_2389] : memref<96x64xf32, #tpu.memory_space<vmem>> -> memref<1x64xf32, #tpu.memory_space<vmem>>
    %dma_wait3A_2391 = tpu.memref_squeeze %dma_wait3A_2390 : memref<1x64xf32, #tpu.memory_space<vmem>> -> memref<64xf32, #tpu.memory_space<vmem>>
    %dma_wait3A_2392 = arith.constant 0 : i32
    %dma_wait3A_2393 = tpu.memref_slice %arg3[%dma_wait3A_2392] : memref<1000000xf32, #tpu.memory_space<hbm>> -> memref<64xf32, #tpu.memory_space<hbm>>
    tpu.wait_dma2 semaphore(%arg12 : memref<!tpu.dma_semaphore, #tpu.memory_space<semaphore_mem>>) src(%dma_wait3A_2393 : memref<64xf32, #tpu.memory_space<hbm>>) dst(%dma_wait3A_2391 : memref<64xf32, #tpu.memory_space<vmem>>)
    %dma_wait3A_2394 = arith.constant 53 : i32
    %dma_wait3A_2395 = arith.constant 0 : i32
    %dma_wait3A_2396 = tpu.memref_slice %arg9[%dma_wait3A_2394, %dma_wait3A_2395] : memref<96x64xf32, #tpu.memory_space<vmem>> -> memref<1x64xf32, #tpu.memory_space<vmem>>
    %dma_wait3A_2397 = tpu.memref_squeeze %dma_wait3A_2396 : memref<1x64xf32, #tpu.memory_space<vmem>> -> memref<64xf32, #tpu.memory_space<vmem>>
    %dma_wait3A_2398 = arith.constant 0 : i32
    %dma_wait3A_2399 = tpu.memref_slice %arg3[%dma_wait3A_2398] : memref<1000000xf32, #tpu.memory_space<hbm>> -> memref<64xf32, #tpu.memory_space<hbm>>
    %dma_wait3A_2400 = arith.constant 0 : i32
    %dma_wait3A_2401 = tpu.memref_slice %arg9[%dma_wait3A_2394, %dma_wait3A_2400] : memref<96x64xf32, #tpu.memory_space<vmem>> -> memref<1x64xf32, #tpu.memory_space<vmem>>
    %dma_wait3A_2402 = tpu.memref_squeeze %dma_wait3A_2401 : memref<1x64xf32, #tpu.memory_space<vmem>> -> memref<64xf32, #tpu.memory_space<vmem>>
    %dma_wait3A_2403 = arith.constant 0 : i32
    %dma_wait3A_2404 = tpu.memref_slice %arg3[%dma_wait3A_2403] : memref<1000000xf32, #tpu.memory_space<hbm>> -> memref<64xf32, #tpu.memory_space<hbm>>
    tpu.wait_dma2 semaphore(%arg12 : memref<!tpu.dma_semaphore, #tpu.memory_space<semaphore_mem>>) src(%dma_wait3A_2404 : memref<64xf32, #tpu.memory_space<hbm>>) dst(%dma_wait3A_2402 : memref<64xf32, #tpu.memory_space<vmem>>)
    %dma_wait3A_2405 = arith.constant 54 : i32
    %dma_wait3A_2406 = arith.constant 0 : i32
    %dma_wait3A_2407 = tpu.memref_slice %arg9[%dma_wait3A_2405, %dma_wait3A_2406] : memref<96x64xf32, #tpu.memory_space<vmem>> -> memref<1x64xf32, #tpu.memory_space<vmem>>
    %dma_wait3A_2408 = tpu.memref_squeeze %dma_wait3A_2407 : memref<1x64xf32, #tpu.memory_space<vmem>> -> memref<64xf32, #tpu.memory_space<vmem>>
    %dma_wait3A_2409 = arith.constant 0 : i32
    %dma_wait3A_2410 = tpu.memref_slice %arg3[%dma_wait3A_2409] : memref<1000000xf32, #tpu.memory_space<hbm>> -> memref<64xf32, #tpu.memory_space<hbm>>
    %dma_wait3A_2411 = arith.constant 0 : i32
    %dma_wait3A_2412 = tpu.memref_slice %arg9[%dma_wait3A_2405, %dma_wait3A_2411] : memref<96x64xf32, #tpu.memory_space<vmem>> -> memref<1x64xf32, #tpu.memory_space<vmem>>
    %dma_wait3A_2413 = tpu.memref_squeeze %dma_wait3A_2412 : memref<1x64xf32, #tpu.memory_space<vmem>> -> memref<64xf32, #tpu.memory_space<vmem>>
    %dma_wait3A_2414 = arith.constant 0 : i32
    %dma_wait3A_2415 = tpu.memref_slice %arg3[%dma_wait3A_2414] : memref<1000000xf32, #tpu.memory_space<hbm>> -> memref<64xf32, #tpu.memory_space<hbm>>
    tpu.wait_dma2 semaphore(%arg12 : memref<!tpu.dma_semaphore, #tpu.memory_space<semaphore_mem>>) src(%dma_wait3A_2415 : memref<64xf32, #tpu.memory_space<hbm>>) dst(%dma_wait3A_2413 : memref<64xf32, #tpu.memory_space<vmem>>)
    %dma_wait3A_2416 = arith.constant 55 : i32
    %dma_wait3A_2417 = arith.constant 0 : i32
    %dma_wait3A_2418 = tpu.memref_slice %arg9[%dma_wait3A_2416, %dma_wait3A_2417] : memref<96x64xf32, #tpu.memory_space<vmem>> -> memref<1x64xf32, #tpu.memory_space<vmem>>
    %dma_wait3A_2419 = tpu.memref_squeeze %dma_wait3A_2418 : memref<1x64xf32, #tpu.memory_space<vmem>> -> memref<64xf32, #tpu.memory_space<vmem>>
    %dma_wait3A_2420 = arith.constant 0 : i32
    %dma_wait3A_2421 = tpu.memref_slice %arg3[%dma_wait3A_2420] : memref<1000000xf32, #tpu.memory_space<hbm>> -> memref<64xf32, #tpu.memory_space<hbm>>
    %dma_wait3A_2422 = arith.constant 0 : i32
    %dma_wait3A_2423 = tpu.memref_slice %arg9[%dma_wait3A_2416, %dma_wait3A_2422] : memref<96x64xf32, #tpu.memory_space<vmem>> -> memref<1x64xf32, #tpu.memory_space<vmem>>
    %dma_wait3A_2424 = tpu.memref_squeeze %dma_wait3A_2423 : memref<1x64xf32, #tpu.memory_space<vmem>> -> memref<64xf32, #tpu.memory_space<vmem>>
    %dma_wait3A_2425 = arith.constant 0 : i32
    %dma_wait3A_2426 = tpu.memref_slice %arg3[%dma_wait3A_2425] : memref<1000000xf32, #tpu.memory_space<hbm>> -> memref<64xf32, #tpu.memory_space<hbm>>
    tpu.wait_dma2 semaphore(%arg12 : memref<!tpu.dma_semaphore, #tpu.memory_space<semaphore_mem>>) src(%dma_wait3A_2426 : memref<64xf32, #tpu.memory_space<hbm>>) dst(%dma_wait3A_2424 : memref<64xf32, #tpu.memory_space<vmem>>)
    %dma_wait3A_2427 = arith.constant 56 : i32
    %dma_wait3A_2428 = arith.constant 0 : i32
    %dma_wait3A_2429 = tpu.memref_slice %arg9[%dma_wait3A_2427, %dma_wait3A_2428] : memref<96x64xf32, #tpu.memory_space<vmem>> -> memref<1x64xf32, #tpu.memory_space<vmem>>
    %dma_wait3A_2430 = tpu.memref_squeeze %dma_wait3A_2429 : memref<1x64xf32, #tpu.memory_space<vmem>> -> memref<64xf32, #tpu.memory_space<vmem>>
    %dma_wait3A_2431 = arith.constant 0 : i32
    %dma_wait3A_2432 = tpu.memref_slice %arg3[%dma_wait3A_2431] : memref<1000000xf32, #tpu.memory_space<hbm>> -> memref<64xf32, #tpu.memory_space<hbm>>
    %dma_wait3A_2433 = arith.constant 0 : i32
    %dma_wait3A_2434 = tpu.memref_slice %arg9[%dma_wait3A_2427, %dma_wait3A_2433] : memref<96x64xf32, #tpu.memory_space<vmem>> -> memref<1x64xf32, #tpu.memory_space<vmem>>
    %dma_wait3A_2435 = tpu.memref_squeeze %dma_wait3A_2434 : memref<1x64xf32, #tpu.memory_space<vmem>> -> memref<64xf32, #tpu.memory_space<vmem>>
    %dma_wait3A_2436 = arith.constant 0 : i32
    %dma_wait3A_2437 = tpu.memref_slice %arg3[%dma_wait3A_2436] : memref<1000000xf32, #tpu.memory_space<hbm>> -> memref<64xf32, #tpu.memory_space<hbm>>
    tpu.wait_dma2 semaphore(%arg12 : memref<!tpu.dma_semaphore, #tpu.memory_space<semaphore_mem>>) src(%dma_wait3A_2437 : memref<64xf32, #tpu.memory_space<hbm>>) dst(%dma_wait3A_2435 : memref<64xf32, #tpu.memory_space<vmem>>)
    %dma_wait3A_2438 = arith.constant 57 : i32
    %dma_wait3A_2439 = arith.constant 0 : i32
    %dma_wait3A_2440 = tpu.memref_slice %arg9[%dma_wait3A_2438, %dma_wait3A_2439] : memref<96x64xf32, #tpu.memory_space<vmem>> -> memref<1x64xf32, #tpu.memory_space<vmem>>
    %dma_wait3A_2441 = tpu.memref_squeeze %dma_wait3A_2440 : memref<1x64xf32, #tpu.memory_space<vmem>> -> memref<64xf32, #tpu.memory_space<vmem>>
    %dma_wait3A_2442 = arith.constant 0 : i32
    %dma_wait3A_2443 = tpu.memref_slice %arg3[%dma_wait3A_2442] : memref<1000000xf32, #tpu.memory_space<hbm>> -> memref<64xf32, #tpu.memory_space<hbm>>
    %dma_wait3A_2444 = arith.constant 0 : i32
    %dma_wait3A_2445 = tpu.memref_slice %arg9[%dma_wait3A_2438, %dma_wait3A_2444] : memref<96x64xf32, #tpu.memory_space<vmem>> -> memref<1x64xf32, #tpu.memory_space<vmem>>
    %dma_wait3A_2446 = tpu.memref_squeeze %dma_wait3A_2445 : memref<1x64xf32, #tpu.memory_space<vmem>> -> memref<64xf32, #tpu.memory_space<vmem>>
    %dma_wait3A_2447 = arith.constant 0 : i32
    %dma_wait3A_2448 = tpu.memref_slice %arg3[%dma_wait3A_2447] : memref<1000000xf32, #tpu.memory_space<hbm>> -> memref<64xf32, #tpu.memory_space<hbm>>
    tpu.wait_dma2 semaphore(%arg12 : memref<!tpu.dma_semaphore, #tpu.memory_space<semaphore_mem>>) src(%dma_wait3A_2448 : memref<64xf32, #tpu.memory_space<hbm>>) dst(%dma_wait3A_2446 : memref<64xf32, #tpu.memory_space<vmem>>)
    %dma_wait3A_2449 = arith.constant 58 : i32
    %dma_wait3A_2450 = arith.constant 0 : i32
    %dma_wait3A_2451 = tpu.memref_slice %arg9[%dma_wait3A_2449, %dma_wait3A_2450] : memref<96x64xf32, #tpu.memory_space<vmem>> -> memref<1x64xf32, #tpu.memory_space<vmem>>
    %dma_wait3A_2452 = tpu.memref_squeeze %dma_wait3A_2451 : memref<1x64xf32, #tpu.memory_space<vmem>> -> memref<64xf32, #tpu.memory_space<vmem>>
    %dma_wait3A_2453 = arith.constant 0 : i32
    %dma_wait3A_2454 = tpu.memref_slice %arg3[%dma_wait3A_2453] : memref<1000000xf32, #tpu.memory_space<hbm>> -> memref<64xf32, #tpu.memory_space<hbm>>
    %dma_wait3A_2455 = arith.constant 0 : i32
    %dma_wait3A_2456 = tpu.memref_slice %arg9[%dma_wait3A_2449, %dma_wait3A_2455] : memref<96x64xf32, #tpu.memory_space<vmem>> -> memref<1x64xf32, #tpu.memory_space<vmem>>
    %dma_wait3A_2457 = tpu.memref_squeeze %dma_wait3A_2456 : memref<1x64xf32, #tpu.memory_space<vmem>> -> memref<64xf32, #tpu.memory_space<vmem>>
    %dma_wait3A_2458 = arith.constant 0 : i32
    %dma_wait3A_2459 = tpu.memref_slice %arg3[%dma_wait3A_2458] : memref<1000000xf32, #tpu.memory_space<hbm>> -> memref<64xf32, #tpu.memory_space<hbm>>
    tpu.wait_dma2 semaphore(%arg12 : memref<!tpu.dma_semaphore, #tpu.memory_space<semaphore_mem>>) src(%dma_wait3A_2459 : memref<64xf32, #tpu.memory_space<hbm>>) dst(%dma_wait3A_2457 : memref<64xf32, #tpu.memory_space<vmem>>)
    %dma_wait3A_2460 = arith.constant 59 : i32
    %dma_wait3A_2461 = arith.constant 0 : i32
    %dma_wait3A_2462 = tpu.memref_slice %arg9[%dma_wait3A_2460, %dma_wait3A_2461] : memref<96x64xf32, #tpu.memory_space<vmem>> -> memref<1x64xf32, #tpu.memory_space<vmem>>
    %dma_wait3A_2463 = tpu.memref_squeeze %dma_wait3A_2462 : memref<1x64xf32, #tpu.memory_space<vmem>> -> memref<64xf32, #tpu.memory_space<vmem>>
    %dma_wait3A_2464 = arith.constant 0 : i32
    %dma_wait3A_2465 = tpu.memref_slice %arg3[%dma_wait3A_2464] : memref<1000000xf32, #tpu.memory_space<hbm>> -> memref<64xf32, #tpu.memory_space<hbm>>
    %dma_wait3A_2466 = arith.constant 0 : i32
    %dma_wait3A_2467 = tpu.memref_slice %arg9[%dma_wait3A_2460, %dma_wait3A_2466] : memref<96x64xf32, #tpu.memory_space<vmem>> -> memref<1x64xf32, #tpu.memory_space<vmem>>
    %dma_wait3A_2468 = tpu.memref_squeeze %dma_wait3A_2467 : memref<1x64xf32, #tpu.memory_space<vmem>> -> memref<64xf32, #tpu.memory_space<vmem>>
    %dma_wait3A_2469 = arith.constant 0 : i32
    %dma_wait3A_2470 = tpu.memref_slice %arg3[%dma_wait3A_2469] : memref<1000000xf32, #tpu.memory_space<hbm>> -> memref<64xf32, #tpu.memory_space<hbm>>
    tpu.wait_dma2 semaphore(%arg12 : memref<!tpu.dma_semaphore, #tpu.memory_space<semaphore_mem>>) src(%dma_wait3A_2470 : memref<64xf32, #tpu.memory_space<hbm>>) dst(%dma_wait3A_2468 : memref<64xf32, #tpu.memory_space<vmem>>)
    %dma_wait3A_2471 = arith.constant 60 : i32
    %dma_wait3A_2472 = arith.constant 0 : i32
    %dma_wait3A_2473 = tpu.memref_slice %arg9[%dma_wait3A_2471, %dma_wait3A_2472] : memref<96x64xf32, #tpu.memory_space<vmem>> -> memref<1x64xf32, #tpu.memory_space<vmem>>
    %dma_wait3A_2474 = tpu.memref_squeeze %dma_wait3A_2473 : memref<1x64xf32, #tpu.memory_space<vmem>> -> memref<64xf32, #tpu.memory_space<vmem>>
    %dma_wait3A_2475 = arith.constant 0 : i32
    %dma_wait3A_2476 = tpu.memref_slice %arg3[%dma_wait3A_2475] : memref<1000000xf32, #tpu.memory_space<hbm>> -> memref<64xf32, #tpu.memory_space<hbm>>
    %dma_wait3A_2477 = arith.constant 0 : i32
    %dma_wait3A_2478 = tpu.memref_slice %arg9[%dma_wait3A_2471, %dma_wait3A_2477] : memref<96x64xf32, #tpu.memory_space<vmem>> -> memref<1x64xf32, #tpu.memory_space<vmem>>
    %dma_wait3A_2479 = tpu.memref_squeeze %dma_wait3A_2478 : memref<1x64xf32, #tpu.memory_space<vmem>> -> memref<64xf32, #tpu.memory_space<vmem>>
    %dma_wait3A_2480 = arith.constant 0 : i32
    %dma_wait3A_2481 = tpu.memref_slice %arg3[%dma_wait3A_2480] : memref<1000000xf32, #tpu.memory_space<hbm>> -> memref<64xf32, #tpu.memory_space<hbm>>
    tpu.wait_dma2 semaphore(%arg12 : memref<!tpu.dma_semaphore, #tpu.memory_space<semaphore_mem>>) src(%dma_wait3A_2481 : memref<64xf32, #tpu.memory_space<hbm>>) dst(%dma_wait3A_2479 : memref<64xf32, #tpu.memory_space<vmem>>)
    %dma_wait3A_2482 = arith.constant 61 : i32
    %dma_wait3A_2483 = arith.constant 0 : i32
    %dma_wait3A_2484 = tpu.memref_slice %arg9[%dma_wait3A_2482, %dma_wait3A_2483] : memref<96x64xf32, #tpu.memory_space<vmem>> -> memref<1x64xf32, #tpu.memory_space<vmem>>
    %dma_wait3A_2485 = tpu.memref_squeeze %dma_wait3A_2484 : memref<1x64xf32, #tpu.memory_space<vmem>> -> memref<64xf32, #tpu.memory_space<vmem>>
    %dma_wait3A_2486 = arith.constant 0 : i32
    %dma_wait3A_2487 = tpu.memref_slice %arg3[%dma_wait3A_2486] : memref<1000000xf32, #tpu.memory_space<hbm>> -> memref<64xf32, #tpu.memory_space<hbm>>
    %dma_wait3A_2488 = arith.constant 0 : i32
    %dma_wait3A_2489 = tpu.memref_slice %arg9[%dma_wait3A_2482, %dma_wait3A_2488] : memref<96x64xf32, #tpu.memory_space<vmem>> -> memref<1x64xf32, #tpu.memory_space<vmem>>
    %dma_wait3A_2490 = tpu.memref_squeeze %dma_wait3A_2489 : memref<1x64xf32, #tpu.memory_space<vmem>> -> memref<64xf32, #tpu.memory_space<vmem>>
    %dma_wait3A_2491 = arith.constant 0 : i32
    %dma_wait3A_2492 = tpu.memref_slice %arg3[%dma_wait3A_2491] : memref<1000000xf32, #tpu.memory_space<hbm>> -> memref<64xf32, #tpu.memory_space<hbm>>
    tpu.wait_dma2 semaphore(%arg12 : memref<!tpu.dma_semaphore, #tpu.memory_space<semaphore_mem>>) src(%dma_wait3A_2492 : memref<64xf32, #tpu.memory_space<hbm>>) dst(%dma_wait3A_2490 : memref<64xf32, #tpu.memory_space<vmem>>)
    %dma_wait3A_2493 = arith.constant 62 : i32
    %dma_wait3A_2494 = arith.constant 0 : i32
    %dma_wait3A_2495 = tpu.memref_slice %arg9[%dma_wait3A_2493, %dma_wait3A_2494] : memref<96x64xf32, #tpu.memory_space<vmem>> -> memref<1x64xf32, #tpu.memory_space<vmem>>
    %dma_wait3A_2496 = tpu.memref_squeeze %dma_wait3A_2495 : memref<1x64xf32, #tpu.memory_space<vmem>> -> memref<64xf32, #tpu.memory_space<vmem>>
    %dma_wait3A_2497 = arith.constant 0 : i32
    %dma_wait3A_2498 = tpu.memref_slice %arg3[%dma_wait3A_2497] : memref<1000000xf32, #tpu.memory_space<hbm>> -> memref<64xf32, #tpu.memory_space<hbm>>
    %dma_wait3A_2499 = arith.constant 0 : i32
    %dma_wait3A_2500 = tpu.memref_slice %arg9[%dma_wait3A_2493, %dma_wait3A_2499] : memref<96x64xf32, #tpu.memory_space<vmem>> -> memref<1x64xf32, #tpu.memory_space<vmem>>
    %dma_wait3A_2501 = tpu.memref_squeeze %dma_wait3A_2500 : memref<1x64xf32, #tpu.memory_space<vmem>> -> memref<64xf32, #tpu.memory_space<vmem>>
    %dma_wait3A_2502 = arith.constant 0 : i32
    %dma_wait3A_2503 = tpu.memref_slice %arg3[%dma_wait3A_2502] : memref<1000000xf32, #tpu.memory_space<hbm>> -> memref<64xf32, #tpu.memory_space<hbm>>
    tpu.wait_dma2 semaphore(%arg12 : memref<!tpu.dma_semaphore, #tpu.memory_space<semaphore_mem>>) src(%dma_wait3A_2503 : memref<64xf32, #tpu.memory_space<hbm>>) dst(%dma_wait3A_2501 : memref<64xf32, #tpu.memory_space<vmem>>)
    %dma_wait3A_2504 = arith.constant 63 : i32
    %dma_wait3A_2505 = arith.constant 0 : i32
    %dma_wait3A_2506 = tpu.memref_slice %arg9[%dma_wait3A_2504, %dma_wait3A_2505] : memref<96x64xf32, #tpu.memory_space<vmem>> -> memref<1x64xf32, #tpu.memory_space<vmem>>
    %dma_wait3A_2507 = tpu.memref_squeeze %dma_wait3A_2506 : memref<1x64xf32, #tpu.memory_space<vmem>> -> memref<64xf32, #tpu.memory_space<vmem>>
    %dma_wait3A_2508 = arith.constant 0 : i32
    %dma_wait3A_2509 = tpu.memref_slice %arg3[%dma_wait3A_2508] : memref<1000000xf32, #tpu.memory_space<hbm>> -> memref<64xf32, #tpu.memory_space<hbm>>
    %dma_wait3A_2510 = arith.constant 0 : i32
    %dma_wait3A_2511 = tpu.memref_slice %arg9[%dma_wait3A_2504, %dma_wait3A_2510] : memref<96x64xf32, #tpu.memory_space<vmem>> -> memref<1x64xf32, #tpu.memory_space<vmem>>
    %dma_wait3A_2512 = tpu.memref_squeeze %dma_wait3A_2511 : memref<1x64xf32, #tpu.memory_space<vmem>> -> memref<64xf32, #tpu.memory_space<vmem>>
    %dma_wait3A_2513 = arith.constant 0 : i32
    %dma_wait3A_2514 = tpu.memref_slice %arg3[%dma_wait3A_2513] : memref<1000000xf32, #tpu.memory_space<hbm>> -> memref<64xf32, #tpu.memory_space<hbm>>
    tpu.wait_dma2 semaphore(%arg12 : memref<!tpu.dma_semaphore, #tpu.memory_space<semaphore_mem>>) src(%dma_wait3A_2514 : memref<64xf32, #tpu.memory_space<hbm>>) dst(%dma_wait3A_2512 : memref<64xf32, #tpu.memory_space<vmem>>)
    %dma_wait3A_2515 = arith.constant 64 : i32
    %dma_wait3A_2516 = arith.constant 0 : i32
    %dma_wait3A_2517 = tpu.memref_slice %arg9[%dma_wait3A_2515, %dma_wait3A_2516] : memref<96x64xf32, #tpu.memory_space<vmem>> -> memref<1x64xf32, #tpu.memory_space<vmem>>
    %dma_wait3A_2518 = tpu.memref_squeeze %dma_wait3A_2517 : memref<1x64xf32, #tpu.memory_space<vmem>> -> memref<64xf32, #tpu.memory_space<vmem>>
    %dma_wait3A_2519 = arith.constant 0 : i32
    %dma_wait3A_2520 = tpu.memref_slice %arg3[%dma_wait3A_2519] : memref<1000000xf32, #tpu.memory_space<hbm>> -> memref<64xf32, #tpu.memory_space<hbm>>
    %dma_wait3A_2521 = arith.constant 0 : i32
    %dma_wait3A_2522 = tpu.memref_slice %arg9[%dma_wait3A_2515, %dma_wait3A_2521] : memref<96x64xf32, #tpu.memory_space<vmem>> -> memref<1x64xf32, #tpu.memory_space<vmem>>
    %dma_wait3A_2523 = tpu.memref_squeeze %dma_wait3A_2522 : memref<1x64xf32, #tpu.memory_space<vmem>> -> memref<64xf32, #tpu.memory_space<vmem>>
    %dma_wait3A_2524 = arith.constant 0 : i32
    %dma_wait3A_2525 = tpu.memref_slice %arg3[%dma_wait3A_2524] : memref<1000000xf32, #tpu.memory_space<hbm>> -> memref<64xf32, #tpu.memory_space<hbm>>
    tpu.wait_dma2 semaphore(%arg12 : memref<!tpu.dma_semaphore, #tpu.memory_space<semaphore_mem>>) src(%dma_wait3A_2525 : memref<64xf32, #tpu.memory_space<hbm>>) dst(%dma_wait3A_2523 : memref<64xf32, #tpu.memory_space<vmem>>)
    %dma_wait3A_2526 = arith.constant 65 : i32
    %dma_wait3A_2527 = arith.constant 0 : i32
    %dma_wait3A_2528 = tpu.memref_slice %arg9[%dma_wait3A_2526, %dma_wait3A_2527] : memref<96x64xf32, #tpu.memory_space<vmem>> -> memref<1x64xf32, #tpu.memory_space<vmem>>
    %dma_wait3A_2529 = tpu.memref_squeeze %dma_wait3A_2528 : memref<1x64xf32, #tpu.memory_space<vmem>> -> memref<64xf32, #tpu.memory_space<vmem>>
    %dma_wait3A_2530 = arith.constant 0 : i32
    %dma_wait3A_2531 = tpu.memref_slice %arg3[%dma_wait3A_2530] : memref<1000000xf32, #tpu.memory_space<hbm>> -> memref<64xf32, #tpu.memory_space<hbm>>
    %dma_wait3A_2532 = arith.constant 0 : i32
    %dma_wait3A_2533 = tpu.memref_slice %arg9[%dma_wait3A_2526, %dma_wait3A_2532] : memref<96x64xf32, #tpu.memory_space<vmem>> -> memref<1x64xf32, #tpu.memory_space<vmem>>
    %dma_wait3A_2534 = tpu.memref_squeeze %dma_wait3A_2533 : memref<1x64xf32, #tpu.memory_space<vmem>> -> memref<64xf32, #tpu.memory_space<vmem>>
    %dma_wait3A_2535 = arith.constant 0 : i32
    %dma_wait3A_2536 = tpu.memref_slice %arg3[%dma_wait3A_2535] : memref<1000000xf32, #tpu.memory_space<hbm>> -> memref<64xf32, #tpu.memory_space<hbm>>
    tpu.wait_dma2 semaphore(%arg12 : memref<!tpu.dma_semaphore, #tpu.memory_space<semaphore_mem>>) src(%dma_wait3A_2536 : memref<64xf32, #tpu.memory_space<hbm>>) dst(%dma_wait3A_2534 : memref<64xf32, #tpu.memory_space<vmem>>)
    %dma_wait3A_2537 = arith.constant 66 : i32
    %dma_wait3A_2538 = arith.constant 0 : i32
    %dma_wait3A_2539 = tpu.memref_slice %arg9[%dma_wait3A_2537, %dma_wait3A_2538] : memref<96x64xf32, #tpu.memory_space<vmem>> -> memref<1x64xf32, #tpu.memory_space<vmem>>
    %dma_wait3A_2540 = tpu.memref_squeeze %dma_wait3A_2539 : memref<1x64xf32, #tpu.memory_space<vmem>> -> memref<64xf32, #tpu.memory_space<vmem>>
    %dma_wait3A_2541 = arith.constant 0 : i32
    %dma_wait3A_2542 = tpu.memref_slice %arg3[%dma_wait3A_2541] : memref<1000000xf32, #tpu.memory_space<hbm>> -> memref<64xf32, #tpu.memory_space<hbm>>
    %dma_wait3A_2543 = arith.constant 0 : i32
    %dma_wait3A_2544 = tpu.memref_slice %arg9[%dma_wait3A_2537, %dma_wait3A_2543] : memref<96x64xf32, #tpu.memory_space<vmem>> -> memref<1x64xf32, #tpu.memory_space<vmem>>
    %dma_wait3A_2545 = tpu.memref_squeeze %dma_wait3A_2544 : memref<1x64xf32, #tpu.memory_space<vmem>> -> memref<64xf32, #tpu.memory_space<vmem>>
    %dma_wait3A_2546 = arith.constant 0 : i32
    %dma_wait3A_2547 = tpu.memref_slice %arg3[%dma_wait3A_2546] : memref<1000000xf32, #tpu.memory_space<hbm>> -> memref<64xf32, #tpu.memory_space<hbm>>
    tpu.wait_dma2 semaphore(%arg12 : memref<!tpu.dma_semaphore, #tpu.memory_space<semaphore_mem>>) src(%dma_wait3A_2547 : memref<64xf32, #tpu.memory_space<hbm>>) dst(%dma_wait3A_2545 : memref<64xf32, #tpu.memory_space<vmem>>)
    %dma_wait3A_2548 = arith.constant 67 : i32
    %dma_wait3A_2549 = arith.constant 0 : i32
    %dma_wait3A_2550 = tpu.memref_slice %arg9[%dma_wait3A_2548, %dma_wait3A_2549] : memref<96x64xf32, #tpu.memory_space<vmem>> -> memref<1x64xf32, #tpu.memory_space<vmem>>
    %dma_wait3A_2551 = tpu.memref_squeeze %dma_wait3A_2550 : memref<1x64xf32, #tpu.memory_space<vmem>> -> memref<64xf32, #tpu.memory_space<vmem>>
    %dma_wait3A_2552 = arith.constant 0 : i32
    %dma_wait3A_2553 = tpu.memref_slice %arg3[%dma_wait3A_2552] : memref<1000000xf32, #tpu.memory_space<hbm>> -> memref<64xf32, #tpu.memory_space<hbm>>
    %dma_wait3A_2554 = arith.constant 0 : i32
    %dma_wait3A_2555 = tpu.memref_slice %arg9[%dma_wait3A_2548, %dma_wait3A_2554] : memref<96x64xf32, #tpu.memory_space<vmem>> -> memref<1x64xf32, #tpu.memory_space<vmem>>
    %dma_wait3A_2556 = tpu.memref_squeeze %dma_wait3A_2555 : memref<1x64xf32, #tpu.memory_space<vmem>> -> memref<64xf32, #tpu.memory_space<vmem>>
    %dma_wait3A_2557 = arith.constant 0 : i32
    %dma_wait3A_2558 = tpu.memref_slice %arg3[%dma_wait3A_2557] : memref<1000000xf32, #tpu.memory_space<hbm>> -> memref<64xf32, #tpu.memory_space<hbm>>
    tpu.wait_dma2 semaphore(%arg12 : memref<!tpu.dma_semaphore, #tpu.memory_space<semaphore_mem>>) src(%dma_wait3A_2558 : memref<64xf32, #tpu.memory_space<hbm>>) dst(%dma_wait3A_2556 : memref<64xf32, #tpu.memory_space<vmem>>)
    %dma_wait3A_2559 = arith.constant 68 : i32
    %dma_wait3A_2560 = arith.constant 0 : i32
    %dma_wait3A_2561 = tpu.memref_slice %arg9[%dma_wait3A_2559, %dma_wait3A_2560] : memref<96x64xf32, #tpu.memory_space<vmem>> -> memref<1x64xf32, #tpu.memory_space<vmem>>
    %dma_wait3A_2562 = tpu.memref_squeeze %dma_wait3A_2561 : memref<1x64xf32, #tpu.memory_space<vmem>> -> memref<64xf32, #tpu.memory_space<vmem>>
    %dma_wait3A_2563 = arith.constant 0 : i32
    %dma_wait3A_2564 = tpu.memref_slice %arg3[%dma_wait3A_2563] : memref<1000000xf32, #tpu.memory_space<hbm>> -> memref<64xf32, #tpu.memory_space<hbm>>
    %dma_wait3A_2565 = arith.constant 0 : i32
    %dma_wait3A_2566 = tpu.memref_slice %arg9[%dma_wait3A_2559, %dma_wait3A_2565] : memref<96x64xf32, #tpu.memory_space<vmem>> -> memref<1x64xf32, #tpu.memory_space<vmem>>
    %dma_wait3A_2567 = tpu.memref_squeeze %dma_wait3A_2566 : memref<1x64xf32, #tpu.memory_space<vmem>> -> memref<64xf32, #tpu.memory_space<vmem>>
    %dma_wait3A_2568 = arith.constant 0 : i32
    %dma_wait3A_2569 = tpu.memref_slice %arg3[%dma_wait3A_2568] : memref<1000000xf32, #tpu.memory_space<hbm>> -> memref<64xf32, #tpu.memory_space<hbm>>
    tpu.wait_dma2 semaphore(%arg12 : memref<!tpu.dma_semaphore, #tpu.memory_space<semaphore_mem>>) src(%dma_wait3A_2569 : memref<64xf32, #tpu.memory_space<hbm>>) dst(%dma_wait3A_2567 : memref<64xf32, #tpu.memory_space<vmem>>)
    %dma_wait3A_2570 = arith.constant 69 : i32
    %dma_wait3A_2571 = arith.constant 0 : i32
    %dma_wait3A_2572 = tpu.memref_slice %arg9[%dma_wait3A_2570, %dma_wait3A_2571] : memref<96x64xf32, #tpu.memory_space<vmem>> -> memref<1x64xf32, #tpu.memory_space<vmem>>
    %dma_wait3A_2573 = tpu.memref_squeeze %dma_wait3A_2572 : memref<1x64xf32, #tpu.memory_space<vmem>> -> memref<64xf32, #tpu.memory_space<vmem>>
    %dma_wait3A_2574 = arith.constant 0 : i32
    %dma_wait3A_2575 = tpu.memref_slice %arg3[%dma_wait3A_2574] : memref<1000000xf32, #tpu.memory_space<hbm>> -> memref<64xf32, #tpu.memory_space<hbm>>
    %dma_wait3A_2576 = arith.constant 0 : i32
    %dma_wait3A_2577 = tpu.memref_slice %arg9[%dma_wait3A_2570, %dma_wait3A_2576] : memref<96x64xf32, #tpu.memory_space<vmem>> -> memref<1x64xf32, #tpu.memory_space<vmem>>
    %dma_wait3A_2578 = tpu.memref_squeeze %dma_wait3A_2577 : memref<1x64xf32, #tpu.memory_space<vmem>> -> memref<64xf32, #tpu.memory_space<vmem>>
    %dma_wait3A_2579 = arith.constant 0 : i32
    %dma_wait3A_2580 = tpu.memref_slice %arg3[%dma_wait3A_2579] : memref<1000000xf32, #tpu.memory_space<hbm>> -> memref<64xf32, #tpu.memory_space<hbm>>
    tpu.wait_dma2 semaphore(%arg12 : memref<!tpu.dma_semaphore, #tpu.memory_space<semaphore_mem>>) src(%dma_wait3A_2580 : memref<64xf32, #tpu.memory_space<hbm>>) dst(%dma_wait3A_2578 : memref<64xf32, #tpu.memory_space<vmem>>)
    %dma_wait3A_2581 = arith.constant 70 : i32
    %dma_wait3A_2582 = arith.constant 0 : i32
    %dma_wait3A_2583 = tpu.memref_slice %arg9[%dma_wait3A_2581, %dma_wait3A_2582] : memref<96x64xf32, #tpu.memory_space<vmem>> -> memref<1x64xf32, #tpu.memory_space<vmem>>
    %dma_wait3A_2584 = tpu.memref_squeeze %dma_wait3A_2583 : memref<1x64xf32, #tpu.memory_space<vmem>> -> memref<64xf32, #tpu.memory_space<vmem>>
    %dma_wait3A_2585 = arith.constant 0 : i32
    %dma_wait3A_2586 = tpu.memref_slice %arg3[%dma_wait3A_2585] : memref<1000000xf32, #tpu.memory_space<hbm>> -> memref<64xf32, #tpu.memory_space<hbm>>
    %dma_wait3A_2587 = arith.constant 0 : i32
    %dma_wait3A_2588 = tpu.memref_slice %arg9[%dma_wait3A_2581, %dma_wait3A_2587] : memref<96x64xf32, #tpu.memory_space<vmem>> -> memref<1x64xf32, #tpu.memory_space<vmem>>
    %dma_wait3A_2589 = tpu.memref_squeeze %dma_wait3A_2588 : memref<1x64xf32, #tpu.memory_space<vmem>> -> memref<64xf32, #tpu.memory_space<vmem>>
    %dma_wait3A_2590 = arith.constant 0 : i32
    %dma_wait3A_2591 = tpu.memref_slice %arg3[%dma_wait3A_2590] : memref<1000000xf32, #tpu.memory_space<hbm>> -> memref<64xf32, #tpu.memory_space<hbm>>
    tpu.wait_dma2 semaphore(%arg12 : memref<!tpu.dma_semaphore, #tpu.memory_space<semaphore_mem>>) src(%dma_wait3A_2591 : memref<64xf32, #tpu.memory_space<hbm>>) dst(%dma_wait3A_2589 : memref<64xf32, #tpu.memory_space<vmem>>)
    %dma_wait3A_2592 = arith.constant 71 : i32
    %dma_wait3A_2593 = arith.constant 0 : i32
    %dma_wait3A_2594 = tpu.memref_slice %arg9[%dma_wait3A_2592, %dma_wait3A_2593] : memref<96x64xf32, #tpu.memory_space<vmem>> -> memref<1x64xf32, #tpu.memory_space<vmem>>
    %dma_wait3A_2595 = tpu.memref_squeeze %dma_wait3A_2594 : memref<1x64xf32, #tpu.memory_space<vmem>> -> memref<64xf32, #tpu.memory_space<vmem>>
    %dma_wait3A_2596 = arith.constant 0 : i32
    %dma_wait3A_2597 = tpu.memref_slice %arg3[%dma_wait3A_2596] : memref<1000000xf32, #tpu.memory_space<hbm>> -> memref<64xf32, #tpu.memory_space<hbm>>
    %dma_wait3A_2598 = arith.constant 0 : i32
    %dma_wait3A_2599 = tpu.memref_slice %arg9[%dma_wait3A_2592, %dma_wait3A_2598] : memref<96x64xf32, #tpu.memory_space<vmem>> -> memref<1x64xf32, #tpu.memory_space<vmem>>
    %dma_wait3A_2600 = tpu.memref_squeeze %dma_wait3A_2599 : memref<1x64xf32, #tpu.memory_space<vmem>> -> memref<64xf32, #tpu.memory_space<vmem>>
    %dma_wait3A_2601 = arith.constant 0 : i32
    %dma_wait3A_2602 = tpu.memref_slice %arg3[%dma_wait3A_2601] : memref<1000000xf32, #tpu.memory_space<hbm>> -> memref<64xf32, #tpu.memory_space<hbm>>
    tpu.wait_dma2 semaphore(%arg12 : memref<!tpu.dma_semaphore, #tpu.memory_space<semaphore_mem>>) src(%dma_wait3A_2602 : memref<64xf32, #tpu.memory_space<hbm>>) dst(%dma_wait3A_2600 : memref<64xf32, #tpu.memory_space<vmem>>)
    %dma_wait3A_2603 = arith.constant 72 : i32
    %dma_wait3A_2604 = arith.constant 0 : i32
    %dma_wait3A_2605 = tpu.memref_slice %arg9[%dma_wait3A_2603, %dma_wait3A_2604] : memref<96x64xf32, #tpu.memory_space<vmem>> -> memref<1x64xf32, #tpu.memory_space<vmem>>
    %dma_wait3A_2606 = tpu.memref_squeeze %dma_wait3A_2605 : memref<1x64xf32, #tpu.memory_space<vmem>> -> memref<64xf32, #tpu.memory_space<vmem>>
    %dma_wait3A_2607 = arith.constant 0 : i32
    %dma_wait3A_2608 = tpu.memref_slice %arg3[%dma_wait3A_2607] : memref<1000000xf32, #tpu.memory_space<hbm>> -> memref<64xf32, #tpu.memory_space<hbm>>
    %dma_wait3A_2609 = arith.constant 0 : i32
    %dma_wait3A_2610 = tpu.memref_slice %arg9[%dma_wait3A_2603, %dma_wait3A_2609] : memref<96x64xf32, #tpu.memory_space<vmem>> -> memref<1x64xf32, #tpu.memory_space<vmem>>
    %dma_wait3A_2611 = tpu.memref_squeeze %dma_wait3A_2610 : memref<1x64xf32, #tpu.memory_space<vmem>> -> memref<64xf32, #tpu.memory_space<vmem>>
    %dma_wait3A_2612 = arith.constant 0 : i32
    %dma_wait3A_2613 = tpu.memref_slice %arg3[%dma_wait3A_2612] : memref<1000000xf32, #tpu.memory_space<hbm>> -> memref<64xf32, #tpu.memory_space<hbm>>
    tpu.wait_dma2 semaphore(%arg12 : memref<!tpu.dma_semaphore, #tpu.memory_space<semaphore_mem>>) src(%dma_wait3A_2613 : memref<64xf32, #tpu.memory_space<hbm>>) dst(%dma_wait3A_2611 : memref<64xf32, #tpu.memory_space<vmem>>)
    %dma_wait3A_2614 = arith.constant 73 : i32
    %dma_wait3A_2615 = arith.constant 0 : i32
    %dma_wait3A_2616 = tpu.memref_slice %arg9[%dma_wait3A_2614, %dma_wait3A_2615] : memref<96x64xf32, #tpu.memory_space<vmem>> -> memref<1x64xf32, #tpu.memory_space<vmem>>
    %dma_wait3A_2617 = tpu.memref_squeeze %dma_wait3A_2616 : memref<1x64xf32, #tpu.memory_space<vmem>> -> memref<64xf32, #tpu.memory_space<vmem>>
    %dma_wait3A_2618 = arith.constant 0 : i32
    %dma_wait3A_2619 = tpu.memref_slice %arg3[%dma_wait3A_2618] : memref<1000000xf32, #tpu.memory_space<hbm>> -> memref<64xf32, #tpu.memory_space<hbm>>
    %dma_wait3A_2620 = arith.constant 0 : i32
    %dma_wait3A_2621 = tpu.memref_slice %arg9[%dma_wait3A_2614, %dma_wait3A_2620] : memref<96x64xf32, #tpu.memory_space<vmem>> -> memref<1x64xf32, #tpu.memory_space<vmem>>
    %dma_wait3A_2622 = tpu.memref_squeeze %dma_wait3A_2621 : memref<1x64xf32, #tpu.memory_space<vmem>> -> memref<64xf32, #tpu.memory_space<vmem>>
    %dma_wait3A_2623 = arith.constant 0 : i32
    %dma_wait3A_2624 = tpu.memref_slice %arg3[%dma_wait3A_2623] : memref<1000000xf32, #tpu.memory_space<hbm>> -> memref<64xf32, #tpu.memory_space<hbm>>
    tpu.wait_dma2 semaphore(%arg12 : memref<!tpu.dma_semaphore, #tpu.memory_space<semaphore_mem>>) src(%dma_wait3A_2624 : memref<64xf32, #tpu.memory_space<hbm>>) dst(%dma_wait3A_2622 : memref<64xf32, #tpu.memory_space<vmem>>)
    %dma_wait3A_2625 = arith.constant 74 : i32
    %dma_wait3A_2626 = arith.constant 0 : i32
    %dma_wait3A_2627 = tpu.memref_slice %arg9[%dma_wait3A_2625, %dma_wait3A_2626] : memref<96x64xf32, #tpu.memory_space<vmem>> -> memref<1x64xf32, #tpu.memory_space<vmem>>
    %dma_wait3A_2628 = tpu.memref_squeeze %dma_wait3A_2627 : memref<1x64xf32, #tpu.memory_space<vmem>> -> memref<64xf32, #tpu.memory_space<vmem>>
    %dma_wait3A_2629 = arith.constant 0 : i32
    %dma_wait3A_2630 = tpu.memref_slice %arg3[%dma_wait3A_2629] : memref<1000000xf32, #tpu.memory_space<hbm>> -> memref<64xf32, #tpu.memory_space<hbm>>
    %dma_wait3A_2631 = arith.constant 0 : i32
    %dma_wait3A_2632 = tpu.memref_slice %arg9[%dma_wait3A_2625, %dma_wait3A_2631] : memref<96x64xf32, #tpu.memory_space<vmem>> -> memref<1x64xf32, #tpu.memory_space<vmem>>
    %dma_wait3A_2633 = tpu.memref_squeeze %dma_wait3A_2632 : memref<1x64xf32, #tpu.memory_space<vmem>> -> memref<64xf32, #tpu.memory_space<vmem>>
    %dma_wait3A_2634 = arith.constant 0 : i32
    %dma_wait3A_2635 = tpu.memref_slice %arg3[%dma_wait3A_2634] : memref<1000000xf32, #tpu.memory_space<hbm>> -> memref<64xf32, #tpu.memory_space<hbm>>
    tpu.wait_dma2 semaphore(%arg12 : memref<!tpu.dma_semaphore, #tpu.memory_space<semaphore_mem>>) src(%dma_wait3A_2635 : memref<64xf32, #tpu.memory_space<hbm>>) dst(%dma_wait3A_2633 : memref<64xf32, #tpu.memory_space<vmem>>)
    %dma_wait3A_2636 = arith.constant 75 : i32
    %dma_wait3A_2637 = arith.constant 0 : i32
    %dma_wait3A_2638 = tpu.memref_slice %arg9[%dma_wait3A_2636, %dma_wait3A_2637] : memref<96x64xf32, #tpu.memory_space<vmem>> -> memref<1x64xf32, #tpu.memory_space<vmem>>
    %dma_wait3A_2639 = tpu.memref_squeeze %dma_wait3A_2638 : memref<1x64xf32, #tpu.memory_space<vmem>> -> memref<64xf32, #tpu.memory_space<vmem>>
    %dma_wait3A_2640 = arith.constant 0 : i32
    %dma_wait3A_2641 = tpu.memref_slice %arg3[%dma_wait3A_2640] : memref<1000000xf32, #tpu.memory_space<hbm>> -> memref<64xf32, #tpu.memory_space<hbm>>
    %dma_wait3A_2642 = arith.constant 0 : i32
    %dma_wait3A_2643 = tpu.memref_slice %arg9[%dma_wait3A_2636, %dma_wait3A_2642] : memref<96x64xf32, #tpu.memory_space<vmem>> -> memref<1x64xf32, #tpu.memory_space<vmem>>
    %dma_wait3A_2644 = tpu.memref_squeeze %dma_wait3A_2643 : memref<1x64xf32, #tpu.memory_space<vmem>> -> memref<64xf32, #tpu.memory_space<vmem>>
    %dma_wait3A_2645 = arith.constant 0 : i32
    %dma_wait3A_2646 = tpu.memref_slice %arg3[%dma_wait3A_2645] : memref<1000000xf32, #tpu.memory_space<hbm>> -> memref<64xf32, #tpu.memory_space<hbm>>
    tpu.wait_dma2 semaphore(%arg12 : memref<!tpu.dma_semaphore, #tpu.memory_space<semaphore_mem>>) src(%dma_wait3A_2646 : memref<64xf32, #tpu.memory_space<hbm>>) dst(%dma_wait3A_2644 : memref<64xf32, #tpu.memory_space<vmem>>)
    %dma_wait3A_2647 = arith.constant 76 : i32
    %dma_wait3A_2648 = arith.constant 0 : i32
    %dma_wait3A_2649 = tpu.memref_slice %arg9[%dma_wait3A_2647, %dma_wait3A_2648] : memref<96x64xf32, #tpu.memory_space<vmem>> -> memref<1x64xf32, #tpu.memory_space<vmem>>
    %dma_wait3A_2650 = tpu.memref_squeeze %dma_wait3A_2649 : memref<1x64xf32, #tpu.memory_space<vmem>> -> memref<64xf32, #tpu.memory_space<vmem>>
    %dma_wait3A_2651 = arith.constant 0 : i32
    %dma_wait3A_2652 = tpu.memref_slice %arg3[%dma_wait3A_2651] : memref<1000000xf32, #tpu.memory_space<hbm>> -> memref<64xf32, #tpu.memory_space<hbm>>
    %dma_wait3A_2653 = arith.constant 0 : i32
    %dma_wait3A_2654 = tpu.memref_slice %arg9[%dma_wait3A_2647, %dma_wait3A_2653] : memref<96x64xf32, #tpu.memory_space<vmem>> -> memref<1x64xf32, #tpu.memory_space<vmem>>
    %dma_wait3A_2655 = tpu.memref_squeeze %dma_wait3A_2654 : memref<1x64xf32, #tpu.memory_space<vmem>> -> memref<64xf32, #tpu.memory_space<vmem>>
    %dma_wait3A_2656 = arith.constant 0 : i32
    %dma_wait3A_2657 = tpu.memref_slice %arg3[%dma_wait3A_2656] : memref<1000000xf32, #tpu.memory_space<hbm>> -> memref<64xf32, #tpu.memory_space<hbm>>
    tpu.wait_dma2 semaphore(%arg12 : memref<!tpu.dma_semaphore, #tpu.memory_space<semaphore_mem>>) src(%dma_wait3A_2657 : memref<64xf32, #tpu.memory_space<hbm>>) dst(%dma_wait3A_2655 : memref<64xf32, #tpu.memory_space<vmem>>)
    %dma_wait3A_2658 = arith.constant 77 : i32
    %dma_wait3A_2659 = arith.constant 0 : i32
    %dma_wait3A_2660 = tpu.memref_slice %arg9[%dma_wait3A_2658, %dma_wait3A_2659] : memref<96x64xf32, #tpu.memory_space<vmem>> -> memref<1x64xf32, #tpu.memory_space<vmem>>
    %dma_wait3A_2661 = tpu.memref_squeeze %dma_wait3A_2660 : memref<1x64xf32, #tpu.memory_space<vmem>> -> memref<64xf32, #tpu.memory_space<vmem>>
    %dma_wait3A_2662 = arith.constant 0 : i32
    %dma_wait3A_2663 = tpu.memref_slice %arg3[%dma_wait3A_2662] : memref<1000000xf32, #tpu.memory_space<hbm>> -> memref<64xf32, #tpu.memory_space<hbm>>
    %dma_wait3A_2664 = arith.constant 0 : i32
    %dma_wait3A_2665 = tpu.memref_slice %arg9[%dma_wait3A_2658, %dma_wait3A_2664] : memref<96x64xf32, #tpu.memory_space<vmem>> -> memref<1x64xf32, #tpu.memory_space<vmem>>
    %dma_wait3A_2666 = tpu.memref_squeeze %dma_wait3A_2665 : memref<1x64xf32, #tpu.memory_space<vmem>> -> memref<64xf32, #tpu.memory_space<vmem>>
    %dma_wait3A_2667 = arith.constant 0 : i32
    %dma_wait3A_2668 = tpu.memref_slice %arg3[%dma_wait3A_2667] : memref<1000000xf32, #tpu.memory_space<hbm>> -> memref<64xf32, #tpu.memory_space<hbm>>
    tpu.wait_dma2 semaphore(%arg12 : memref<!tpu.dma_semaphore, #tpu.memory_space<semaphore_mem>>) src(%dma_wait3A_2668 : memref<64xf32, #tpu.memory_space<hbm>>) dst(%dma_wait3A_2666 : memref<64xf32, #tpu.memory_space<vmem>>)
    %dma_wait3A_2669 = arith.constant 78 : i32
    %dma_wait3A_2670 = arith.constant 0 : i32
    %dma_wait3A_2671 = tpu.memref_slice %arg9[%dma_wait3A_2669, %dma_wait3A_2670] : memref<96x64xf32, #tpu.memory_space<vmem>> -> memref<1x64xf32, #tpu.memory_space<vmem>>
    %dma_wait3A_2672 = tpu.memref_squeeze %dma_wait3A_2671 : memref<1x64xf32, #tpu.memory_space<vmem>> -> memref<64xf32, #tpu.memory_space<vmem>>
    %dma_wait3A_2673 = arith.constant 0 : i32
    %dma_wait3A_2674 = tpu.memref_slice %arg3[%dma_wait3A_2673] : memref<1000000xf32, #tpu.memory_space<hbm>> -> memref<64xf32, #tpu.memory_space<hbm>>
    %dma_wait3A_2675 = arith.constant 0 : i32
    %dma_wait3A_2676 = tpu.memref_slice %arg9[%dma_wait3A_2669, %dma_wait3A_2675] : memref<96x64xf32, #tpu.memory_space<vmem>> -> memref<1x64xf32, #tpu.memory_space<vmem>>
    %dma_wait3A_2677 = tpu.memref_squeeze %dma_wait3A_2676 : memref<1x64xf32, #tpu.memory_space<vmem>> -> memref<64xf32, #tpu.memory_space<vmem>>
    %dma_wait3A_2678 = arith.constant 0 : i32
    %dma_wait3A_2679 = tpu.memref_slice %arg3[%dma_wait3A_2678] : memref<1000000xf32, #tpu.memory_space<hbm>> -> memref<64xf32, #tpu.memory_space<hbm>>
    tpu.wait_dma2 semaphore(%arg12 : memref<!tpu.dma_semaphore, #tpu.memory_space<semaphore_mem>>) src(%dma_wait3A_2679 : memref<64xf32, #tpu.memory_space<hbm>>) dst(%dma_wait3A_2677 : memref<64xf32, #tpu.memory_space<vmem>>)
    %dma_wait3A_2680 = arith.constant 79 : i32
    %dma_wait3A_2681 = arith.constant 0 : i32
    %dma_wait3A_2682 = tpu.memref_slice %arg9[%dma_wait3A_2680, %dma_wait3A_2681] : memref<96x64xf32, #tpu.memory_space<vmem>> -> memref<1x64xf32, #tpu.memory_space<vmem>>
    %dma_wait3A_2683 = tpu.memref_squeeze %dma_wait3A_2682 : memref<1x64xf32, #tpu.memory_space<vmem>> -> memref<64xf32, #tpu.memory_space<vmem>>
    %dma_wait3A_2684 = arith.constant 0 : i32
    %dma_wait3A_2685 = tpu.memref_slice %arg3[%dma_wait3A_2684] : memref<1000000xf32, #tpu.memory_space<hbm>> -> memref<64xf32, #tpu.memory_space<hbm>>
    %dma_wait3A_2686 = arith.constant 0 : i32
    %dma_wait3A_2687 = tpu.memref_slice %arg9[%dma_wait3A_2680, %dma_wait3A_2686] : memref<96x64xf32, #tpu.memory_space<vmem>> -> memref<1x64xf32, #tpu.memory_space<vmem>>
    %dma_wait3A_2688 = tpu.memref_squeeze %dma_wait3A_2687 : memref<1x64xf32, #tpu.memory_space<vmem>> -> memref<64xf32, #tpu.memory_space<vmem>>
    %dma_wait3A_2689 = arith.constant 0 : i32
    %dma_wait3A_2690 = tpu.memref_slice %arg3[%dma_wait3A_2689] : memref<1000000xf32, #tpu.memory_space<hbm>> -> memref<64xf32, #tpu.memory_space<hbm>>
    tpu.wait_dma2 semaphore(%arg12 : memref<!tpu.dma_semaphore, #tpu.memory_space<semaphore_mem>>) src(%dma_wait3A_2690 : memref<64xf32, #tpu.memory_space<hbm>>) dst(%dma_wait3A_2688 : memref<64xf32, #tpu.memory_space<vmem>>)
    %dma_wait3A_2691 = arith.constant 80 : i32
    %dma_wait3A_2692 = arith.constant 0 : i32
    %dma_wait3A_2693 = tpu.memref_slice %arg9[%dma_wait3A_2691, %dma_wait3A_2692] : memref<96x64xf32, #tpu.memory_space<vmem>> -> memref<1x64xf32, #tpu.memory_space<vmem>>
    %dma_wait3A_2694 = tpu.memref_squeeze %dma_wait3A_2693 : memref<1x64xf32, #tpu.memory_space<vmem>> -> memref<64xf32, #tpu.memory_space<vmem>>
    %dma_wait3A_2695 = arith.constant 0 : i32
    %dma_wait3A_2696 = tpu.memref_slice %arg3[%dma_wait3A_2695] : memref<1000000xf32, #tpu.memory_space<hbm>> -> memref<64xf32, #tpu.memory_space<hbm>>
    %dma_wait3A_2697 = arith.constant 0 : i32
    %dma_wait3A_2698 = tpu.memref_slice %arg9[%dma_wait3A_2691, %dma_wait3A_2697] : memref<96x64xf32, #tpu.memory_space<vmem>> -> memref<1x64xf32, #tpu.memory_space<vmem>>
    %dma_wait3A_2699 = tpu.memref_squeeze %dma_wait3A_2698 : memref<1x64xf32, #tpu.memory_space<vmem>> -> memref<64xf32, #tpu.memory_space<vmem>>
    %dma_wait3A_2700 = arith.constant 0 : i32
    %dma_wait3A_2701 = tpu.memref_slice %arg3[%dma_wait3A_2700] : memref<1000000xf32, #tpu.memory_space<hbm>> -> memref<64xf32, #tpu.memory_space<hbm>>
    tpu.wait_dma2 semaphore(%arg12 : memref<!tpu.dma_semaphore, #tpu.memory_space<semaphore_mem>>) src(%dma_wait3A_2701 : memref<64xf32, #tpu.memory_space<hbm>>) dst(%dma_wait3A_2699 : memref<64xf32, #tpu.memory_space<vmem>>)
    %dma_wait3A_2702 = arith.constant 81 : i32
    %dma_wait3A_2703 = arith.constant 0 : i32
    %dma_wait3A_2704 = tpu.memref_slice %arg9[%dma_wait3A_2702, %dma_wait3A_2703] : memref<96x64xf32, #tpu.memory_space<vmem>> -> memref<1x64xf32, #tpu.memory_space<vmem>>
    %dma_wait3A_2705 = tpu.memref_squeeze %dma_wait3A_2704 : memref<1x64xf32, #tpu.memory_space<vmem>> -> memref<64xf32, #tpu.memory_space<vmem>>
    %dma_wait3A_2706 = arith.constant 0 : i32
    %dma_wait3A_2707 = tpu.memref_slice %arg3[%dma_wait3A_2706] : memref<1000000xf32, #tpu.memory_space<hbm>> -> memref<64xf32, #tpu.memory_space<hbm>>
    %dma_wait3A_2708 = arith.constant 0 : i32
    %dma_wait3A_2709 = tpu.memref_slice %arg9[%dma_wait3A_2702, %dma_wait3A_2708] : memref<96x64xf32, #tpu.memory_space<vmem>> -> memref<1x64xf32, #tpu.memory_space<vmem>>
    %dma_wait3A_2710 = tpu.memref_squeeze %dma_wait3A_2709 : memref<1x64xf32, #tpu.memory_space<vmem>> -> memref<64xf32, #tpu.memory_space<vmem>>
    %dma_wait3A_2711 = arith.constant 0 : i32
    %dma_wait3A_2712 = tpu.memref_slice %arg3[%dma_wait3A_2711] : memref<1000000xf32, #tpu.memory_space<hbm>> -> memref<64xf32, #tpu.memory_space<hbm>>
    tpu.wait_dma2 semaphore(%arg12 : memref<!tpu.dma_semaphore, #tpu.memory_space<semaphore_mem>>) src(%dma_wait3A_2712 : memref<64xf32, #tpu.memory_space<hbm>>) dst(%dma_wait3A_2710 : memref<64xf32, #tpu.memory_space<vmem>>)
    %dma_wait3A_2713 = arith.constant 82 : i32
    %dma_wait3A_2714 = arith.constant 0 : i32
    %dma_wait3A_2715 = tpu.memref_slice %arg9[%dma_wait3A_2713, %dma_wait3A_2714] : memref<96x64xf32, #tpu.memory_space<vmem>> -> memref<1x64xf32, #tpu.memory_space<vmem>>
    %dma_wait3A_2716 = tpu.memref_squeeze %dma_wait3A_2715 : memref<1x64xf32, #tpu.memory_space<vmem>> -> memref<64xf32, #tpu.memory_space<vmem>>
    %dma_wait3A_2717 = arith.constant 0 : i32
    %dma_wait3A_2718 = tpu.memref_slice %arg3[%dma_wait3A_2717] : memref<1000000xf32, #tpu.memory_space<hbm>> -> memref<64xf32, #tpu.memory_space<hbm>>
    %dma_wait3A_2719 = arith.constant 0 : i32
    %dma_wait3A_2720 = tpu.memref_slice %arg9[%dma_wait3A_2713, %dma_wait3A_2719] : memref<96x64xf32, #tpu.memory_space<vmem>> -> memref<1x64xf32, #tpu.memory_space<vmem>>
    %dma_wait3A_2721 = tpu.memref_squeeze %dma_wait3A_2720 : memref<1x64xf32, #tpu.memory_space<vmem>> -> memref<64xf32, #tpu.memory_space<vmem>>
    %dma_wait3A_2722 = arith.constant 0 : i32
    %dma_wait3A_2723 = tpu.memref_slice %arg3[%dma_wait3A_2722] : memref<1000000xf32, #tpu.memory_space<hbm>> -> memref<64xf32, #tpu.memory_space<hbm>>
    tpu.wait_dma2 semaphore(%arg12 : memref<!tpu.dma_semaphore, #tpu.memory_space<semaphore_mem>>) src(%dma_wait3A_2723 : memref<64xf32, #tpu.memory_space<hbm>>) dst(%dma_wait3A_2721 : memref<64xf32, #tpu.memory_space<vmem>>)
    %dma_wait3A_2724 = arith.constant 83 : i32
    %dma_wait3A_2725 = arith.constant 0 : i32
    %dma_wait3A_2726 = tpu.memref_slice %arg9[%dma_wait3A_2724, %dma_wait3A_2725] : memref<96x64xf32, #tpu.memory_space<vmem>> -> memref<1x64xf32, #tpu.memory_space<vmem>>
    %dma_wait3A_2727 = tpu.memref_squeeze %dma_wait3A_2726 : memref<1x64xf32, #tpu.memory_space<vmem>> -> memref<64xf32, #tpu.memory_space<vmem>>
    %dma_wait3A_2728 = arith.constant 0 : i32
    %dma_wait3A_2729 = tpu.memref_slice %arg3[%dma_wait3A_2728] : memref<1000000xf32, #tpu.memory_space<hbm>> -> memref<64xf32, #tpu.memory_space<hbm>>
    %dma_wait3A_2730 = arith.constant 0 : i32
    %dma_wait3A_2731 = tpu.memref_slice %arg9[%dma_wait3A_2724, %dma_wait3A_2730] : memref<96x64xf32, #tpu.memory_space<vmem>> -> memref<1x64xf32, #tpu.memory_space<vmem>>
    %dma_wait3A_2732 = tpu.memref_squeeze %dma_wait3A_2731 : memref<1x64xf32, #tpu.memory_space<vmem>> -> memref<64xf32, #tpu.memory_space<vmem>>
    %dma_wait3A_2733 = arith.constant 0 : i32
    %dma_wait3A_2734 = tpu.memref_slice %arg3[%dma_wait3A_2733] : memref<1000000xf32, #tpu.memory_space<hbm>> -> memref<64xf32, #tpu.memory_space<hbm>>
    tpu.wait_dma2 semaphore(%arg12 : memref<!tpu.dma_semaphore, #tpu.memory_space<semaphore_mem>>) src(%dma_wait3A_2734 : memref<64xf32, #tpu.memory_space<hbm>>) dst(%dma_wait3A_2732 : memref<64xf32, #tpu.memory_space<vmem>>)
    %dma_wait3A_2735 = arith.constant 84 : i32
    %dma_wait3A_2736 = arith.constant 0 : i32
    %dma_wait3A_2737 = tpu.memref_slice %arg9[%dma_wait3A_2735, %dma_wait3A_2736] : memref<96x64xf32, #tpu.memory_space<vmem>> -> memref<1x64xf32, #tpu.memory_space<vmem>>
    %dma_wait3A_2738 = tpu.memref_squeeze %dma_wait3A_2737 : memref<1x64xf32, #tpu.memory_space<vmem>> -> memref<64xf32, #tpu.memory_space<vmem>>
    %dma_wait3A_2739 = arith.constant 0 : i32
    %dma_wait3A_2740 = tpu.memref_slice %arg3[%dma_wait3A_2739] : memref<1000000xf32, #tpu.memory_space<hbm>> -> memref<64xf32, #tpu.memory_space<hbm>>
    %dma_wait3A_2741 = arith.constant 0 : i32
    %dma_wait3A_2742 = tpu.memref_slice %arg9[%dma_wait3A_2735, %dma_wait3A_2741] : memref<96x64xf32, #tpu.memory_space<vmem>> -> memref<1x64xf32, #tpu.memory_space<vmem>>
    %dma_wait3A_2743 = tpu.memref_squeeze %dma_wait3A_2742 : memref<1x64xf32, #tpu.memory_space<vmem>> -> memref<64xf32, #tpu.memory_space<vmem>>
    %dma_wait3A_2744 = arith.constant 0 : i32
    %dma_wait3A_2745 = tpu.memref_slice %arg3[%dma_wait3A_2744] : memref<1000000xf32, #tpu.memory_space<hbm>> -> memref<64xf32, #tpu.memory_space<hbm>>
    tpu.wait_dma2 semaphore(%arg12 : memref<!tpu.dma_semaphore, #tpu.memory_space<semaphore_mem>>) src(%dma_wait3A_2745 : memref<64xf32, #tpu.memory_space<hbm>>) dst(%dma_wait3A_2743 : memref<64xf32, #tpu.memory_space<vmem>>)
    %dma_wait3A_2746 = arith.constant 85 : i32
    %dma_wait3A_2747 = arith.constant 0 : i32
    %dma_wait3A_2748 = tpu.memref_slice %arg9[%dma_wait3A_2746, %dma_wait3A_2747] : memref<96x64xf32, #tpu.memory_space<vmem>> -> memref<1x64xf32, #tpu.memory_space<vmem>>
    %dma_wait3A_2749 = tpu.memref_squeeze %dma_wait3A_2748 : memref<1x64xf32, #tpu.memory_space<vmem>> -> memref<64xf32, #tpu.memory_space<vmem>>
    %dma_wait3A_2750 = arith.constant 0 : i32
    %dma_wait3A_2751 = tpu.memref_slice %arg3[%dma_wait3A_2750] : memref<1000000xf32, #tpu.memory_space<hbm>> -> memref<64xf32, #tpu.memory_space<hbm>>
    %dma_wait3A_2752 = arith.constant 0 : i32
    %dma_wait3A_2753 = tpu.memref_slice %arg9[%dma_wait3A_2746, %dma_wait3A_2752] : memref<96x64xf32, #tpu.memory_space<vmem>> -> memref<1x64xf32, #tpu.memory_space<vmem>>
    %dma_wait3A_2754 = tpu.memref_squeeze %dma_wait3A_2753 : memref<1x64xf32, #tpu.memory_space<vmem>> -> memref<64xf32, #tpu.memory_space<vmem>>
    %dma_wait3A_2755 = arith.constant 0 : i32
    %dma_wait3A_2756 = tpu.memref_slice %arg3[%dma_wait3A_2755] : memref<1000000xf32, #tpu.memory_space<hbm>> -> memref<64xf32, #tpu.memory_space<hbm>>
    tpu.wait_dma2 semaphore(%arg12 : memref<!tpu.dma_semaphore, #tpu.memory_space<semaphore_mem>>) src(%dma_wait3A_2756 : memref<64xf32, #tpu.memory_space<hbm>>) dst(%dma_wait3A_2754 : memref<64xf32, #tpu.memory_space<vmem>>)
    %dma_wait3A_2757 = arith.constant 86 : i32
    %dma_wait3A_2758 = arith.constant 0 : i32
    %dma_wait3A_2759 = tpu.memref_slice %arg9[%dma_wait3A_2757, %dma_wait3A_2758] : memref<96x64xf32, #tpu.memory_space<vmem>> -> memref<1x64xf32, #tpu.memory_space<vmem>>
    %dma_wait3A_2760 = tpu.memref_squeeze %dma_wait3A_2759 : memref<1x64xf32, #tpu.memory_space<vmem>> -> memref<64xf32, #tpu.memory_space<vmem>>
    %dma_wait3A_2761 = arith.constant 0 : i32
    %dma_wait3A_2762 = tpu.memref_slice %arg3[%dma_wait3A_2761] : memref<1000000xf32, #tpu.memory_space<hbm>> -> memref<64xf32, #tpu.memory_space<hbm>>
    %dma_wait3A_2763 = arith.constant 0 : i32
    %dma_wait3A_2764 = tpu.memref_slice %arg9[%dma_wait3A_2757, %dma_wait3A_2763] : memref<96x64xf32, #tpu.memory_space<vmem>> -> memref<1x64xf32, #tpu.memory_space<vmem>>
    %dma_wait3A_2765 = tpu.memref_squeeze %dma_wait3A_2764 : memref<1x64xf32, #tpu.memory_space<vmem>> -> memref<64xf32, #tpu.memory_space<vmem>>
    %dma_wait3A_2766 = arith.constant 0 : i32
    %dma_wait3A_2767 = tpu.memref_slice %arg3[%dma_wait3A_2766] : memref<1000000xf32, #tpu.memory_space<hbm>> -> memref<64xf32, #tpu.memory_space<hbm>>
    tpu.wait_dma2 semaphore(%arg12 : memref<!tpu.dma_semaphore, #tpu.memory_space<semaphore_mem>>) src(%dma_wait3A_2767 : memref<64xf32, #tpu.memory_space<hbm>>) dst(%dma_wait3A_2765 : memref<64xf32, #tpu.memory_space<vmem>>)
    %dma_wait3A_2768 = arith.constant 87 : i32
    %dma_wait3A_2769 = arith.constant 0 : i32
    %dma_wait3A_2770 = tpu.memref_slice %arg9[%dma_wait3A_2768, %dma_wait3A_2769] : memref<96x64xf32, #tpu.memory_space<vmem>> -> memref<1x64xf32, #tpu.memory_space<vmem>>
    %dma_wait3A_2771 = tpu.memref_squeeze %dma_wait3A_2770 : memref<1x64xf32, #tpu.memory_space<vmem>> -> memref<64xf32, #tpu.memory_space<vmem>>
    %dma_wait3A_2772 = arith.constant 0 : i32
    %dma_wait3A_2773 = tpu.memref_slice %arg3[%dma_wait3A_2772] : memref<1000000xf32, #tpu.memory_space<hbm>> -> memref<64xf32, #tpu.memory_space<hbm>>
    %dma_wait3A_2774 = arith.constant 0 : i32
    %dma_wait3A_2775 = tpu.memref_slice %arg9[%dma_wait3A_2768, %dma_wait3A_2774] : memref<96x64xf32, #tpu.memory_space<vmem>> -> memref<1x64xf32, #tpu.memory_space<vmem>>
    %dma_wait3A_2776 = tpu.memref_squeeze %dma_wait3A_2775 : memref<1x64xf32, #tpu.memory_space<vmem>> -> memref<64xf32, #tpu.memory_space<vmem>>
    %dma_wait3A_2777 = arith.constant 0 : i32
    %dma_wait3A_2778 = tpu.memref_slice %arg3[%dma_wait3A_2777] : memref<1000000xf32, #tpu.memory_space<hbm>> -> memref<64xf32, #tpu.memory_space<hbm>>
    tpu.wait_dma2 semaphore(%arg12 : memref<!tpu.dma_semaphore, #tpu.memory_space<semaphore_mem>>) src(%dma_wait3A_2778 : memref<64xf32, #tpu.memory_space<hbm>>) dst(%dma_wait3A_2776 : memref<64xf32, #tpu.memory_space<vmem>>)
    %dma_wait3A_2779 = arith.constant 88 : i32
    %dma_wait3A_2780 = arith.constant 0 : i32
    %dma_wait3A_2781 = tpu.memref_slice %arg9[%dma_wait3A_2779, %dma_wait3A_2780] : memref<96x64xf32, #tpu.memory_space<vmem>> -> memref<1x64xf32, #tpu.memory_space<vmem>>
    %dma_wait3A_2782 = tpu.memref_squeeze %dma_wait3A_2781 : memref<1x64xf32, #tpu.memory_space<vmem>> -> memref<64xf32, #tpu.memory_space<vmem>>
    %dma_wait3A_2783 = arith.constant 0 : i32
    %dma_wait3A_2784 = tpu.memref_slice %arg3[%dma_wait3A_2783] : memref<1000000xf32, #tpu.memory_space<hbm>> -> memref<64xf32, #tpu.memory_space<hbm>>
    %dma_wait3A_2785 = arith.constant 0 : i32
    %dma_wait3A_2786 = tpu.memref_slice %arg9[%dma_wait3A_2779, %dma_wait3A_2785] : memref<96x64xf32, #tpu.memory_space<vmem>> -> memref<1x64xf32, #tpu.memory_space<vmem>>
    %dma_wait3A_2787 = tpu.memref_squeeze %dma_wait3A_2786 : memref<1x64xf32, #tpu.memory_space<vmem>> -> memref<64xf32, #tpu.memory_space<vmem>>
    %dma_wait3A_2788 = arith.constant 0 : i32
    %dma_wait3A_2789 = tpu.memref_slice %arg3[%dma_wait3A_2788] : memref<1000000xf32, #tpu.memory_space<hbm>> -> memref<64xf32, #tpu.memory_space<hbm>>
    tpu.wait_dma2 semaphore(%arg12 : memref<!tpu.dma_semaphore, #tpu.memory_space<semaphore_mem>>) src(%dma_wait3A_2789 : memref<64xf32, #tpu.memory_space<hbm>>) dst(%dma_wait3A_2787 : memref<64xf32, #tpu.memory_space<vmem>>)
    %dma_wait3A_2790 = arith.constant 89 : i32
    %dma_wait3A_2791 = arith.constant 0 : i32
    %dma_wait3A_2792 = tpu.memref_slice %arg9[%dma_wait3A_2790, %dma_wait3A_2791] : memref<96x64xf32, #tpu.memory_space<vmem>> -> memref<1x64xf32, #tpu.memory_space<vmem>>
    %dma_wait3A_2793 = tpu.memref_squeeze %dma_wait3A_2792 : memref<1x64xf32, #tpu.memory_space<vmem>> -> memref<64xf32, #tpu.memory_space<vmem>>
    %dma_wait3A_2794 = arith.constant 0 : i32
    %dma_wait3A_2795 = tpu.memref_slice %arg3[%dma_wait3A_2794] : memref<1000000xf32, #tpu.memory_space<hbm>> -> memref<64xf32, #tpu.memory_space<hbm>>
    %dma_wait3A_2796 = arith.constant 0 : i32
    %dma_wait3A_2797 = tpu.memref_slice %arg9[%dma_wait3A_2790, %dma_wait3A_2796] : memref<96x64xf32, #tpu.memory_space<vmem>> -> memref<1x64xf32, #tpu.memory_space<vmem>>
    %dma_wait3A_2798 = tpu.memref_squeeze %dma_wait3A_2797 : memref<1x64xf32, #tpu.memory_space<vmem>> -> memref<64xf32, #tpu.memory_space<vmem>>
    %dma_wait3A_2799 = arith.constant 0 : i32
    %dma_wait3A_2800 = tpu.memref_slice %arg3[%dma_wait3A_2799] : memref<1000000xf32, #tpu.memory_space<hbm>> -> memref<64xf32, #tpu.memory_space<hbm>>
    tpu.wait_dma2 semaphore(%arg12 : memref<!tpu.dma_semaphore, #tpu.memory_space<semaphore_mem>>) src(%dma_wait3A_2800 : memref<64xf32, #tpu.memory_space<hbm>>) dst(%dma_wait3A_2798 : memref<64xf32, #tpu.memory_space<vmem>>)
    %dma_wait3A_2801 = arith.constant 90 : i32
    %dma_wait3A_2802 = arith.constant 0 : i32
    %dma_wait3A_2803 = tpu.memref_slice %arg9[%dma_wait3A_2801, %dma_wait3A_2802] : memref<96x64xf32, #tpu.memory_space<vmem>> -> memref<1x64xf32, #tpu.memory_space<vmem>>
    %dma_wait3A_2804 = tpu.memref_squeeze %dma_wait3A_2803 : memref<1x64xf32, #tpu.memory_space<vmem>> -> memref<64xf32, #tpu.memory_space<vmem>>
    %dma_wait3A_2805 = arith.constant 0 : i32
    %dma_wait3A_2806 = tpu.memref_slice %arg3[%dma_wait3A_2805] : memref<1000000xf32, #tpu.memory_space<hbm>> -> memref<64xf32, #tpu.memory_space<hbm>>
    %dma_wait3A_2807 = arith.constant 0 : i32
    %dma_wait3A_2808 = tpu.memref_slice %arg9[%dma_wait3A_2801, %dma_wait3A_2807] : memref<96x64xf32, #tpu.memory_space<vmem>> -> memref<1x64xf32, #tpu.memory_space<vmem>>
    %dma_wait3A_2809 = tpu.memref_squeeze %dma_wait3A_2808 : memref<1x64xf32, #tpu.memory_space<vmem>> -> memref<64xf32, #tpu.memory_space<vmem>>
    %dma_wait3A_2810 = arith.constant 0 : i32
    %dma_wait3A_2811 = tpu.memref_slice %arg3[%dma_wait3A_2810] : memref<1000000xf32, #tpu.memory_space<hbm>> -> memref<64xf32, #tpu.memory_space<hbm>>
    tpu.wait_dma2 semaphore(%arg12 : memref<!tpu.dma_semaphore, #tpu.memory_space<semaphore_mem>>) src(%dma_wait3A_2811 : memref<64xf32, #tpu.memory_space<hbm>>) dst(%dma_wait3A_2809 : memref<64xf32, #tpu.memory_space<vmem>>)
    %dma_wait3A_2812 = arith.constant 91 : i32
    %dma_wait3A_2813 = arith.constant 0 : i32
    %dma_wait3A_2814 = tpu.memref_slice %arg9[%dma_wait3A_2812, %dma_wait3A_2813] : memref<96x64xf32, #tpu.memory_space<vmem>> -> memref<1x64xf32, #tpu.memory_space<vmem>>
    %dma_wait3A_2815 = tpu.memref_squeeze %dma_wait3A_2814 : memref<1x64xf32, #tpu.memory_space<vmem>> -> memref<64xf32, #tpu.memory_space<vmem>>
    %dma_wait3A_2816 = arith.constant 0 : i32
    %dma_wait3A_2817 = tpu.memref_slice %arg3[%dma_wait3A_2816] : memref<1000000xf32, #tpu.memory_space<hbm>> -> memref<64xf32, #tpu.memory_space<hbm>>
    %dma_wait3A_2818 = arith.constant 0 : i32
    %dma_wait3A_2819 = tpu.memref_slice %arg9[%dma_wait3A_2812, %dma_wait3A_2818] : memref<96x64xf32, #tpu.memory_space<vmem>> -> memref<1x64xf32, #tpu.memory_space<vmem>>
    %dma_wait3A_2820 = tpu.memref_squeeze %dma_wait3A_2819 : memref<1x64xf32, #tpu.memory_space<vmem>> -> memref<64xf32, #tpu.memory_space<vmem>>
    %dma_wait3A_2821 = arith.constant 0 : i32
    %dma_wait3A_2822 = tpu.memref_slice %arg3[%dma_wait3A_2821] : memref<1000000xf32, #tpu.memory_space<hbm>> -> memref<64xf32, #tpu.memory_space<hbm>>
    tpu.wait_dma2 semaphore(%arg12 : memref<!tpu.dma_semaphore, #tpu.memory_space<semaphore_mem>>) src(%dma_wait3A_2822 : memref<64xf32, #tpu.memory_space<hbm>>) dst(%dma_wait3A_2820 : memref<64xf32, #tpu.memory_space<vmem>>)
    %dma_wait3A_2823 = arith.constant 92 : i32
    %dma_wait3A_2824 = arith.constant 0 : i32
    %dma_wait3A_2825 = tpu.memref_slice %arg9[%dma_wait3A_2823, %dma_wait3A_2824] : memref<96x64xf32, #tpu.memory_space<vmem>> -> memref<1x64xf32, #tpu.memory_space<vmem>>
    %dma_wait3A_2826 = tpu.memref_squeeze %dma_wait3A_2825 : memref<1x64xf32, #tpu.memory_space<vmem>> -> memref<64xf32, #tpu.memory_space<vmem>>
    %dma_wait3A_2827 = arith.constant 0 : i32
    %dma_wait3A_2828 = tpu.memref_slice %arg3[%dma_wait3A_2827] : memref<1000000xf32, #tpu.memory_space<hbm>> -> memref<64xf32, #tpu.memory_space<hbm>>
    %dma_wait3A_2829 = arith.constant 0 : i32
    %dma_wait3A_2830 = tpu.memref_slice %arg9[%dma_wait3A_2823, %dma_wait3A_2829] : memref<96x64xf32, #tpu.memory_space<vmem>> -> memref<1x64xf32, #tpu.memory_space<vmem>>
    %dma_wait3A_2831 = tpu.memref_squeeze %dma_wait3A_2830 : memref<1x64xf32, #tpu.memory_space<vmem>> -> memref<64xf32, #tpu.memory_space<vmem>>
    %dma_wait3A_2832 = arith.constant 0 : i32
    %dma_wait3A_2833 = tpu.memref_slice %arg3[%dma_wait3A_2832] : memref<1000000xf32, #tpu.memory_space<hbm>> -> memref<64xf32, #tpu.memory_space<hbm>>
    tpu.wait_dma2 semaphore(%arg12 : memref<!tpu.dma_semaphore, #tpu.memory_space<semaphore_mem>>) src(%dma_wait3A_2833 : memref<64xf32, #tpu.memory_space<hbm>>) dst(%dma_wait3A_2831 : memref<64xf32, #tpu.memory_space<vmem>>)
    %dma_wait3A_2834 = arith.constant 93 : i32
    %dma_wait3A_2835 = arith.constant 0 : i32
    %dma_wait3A_2836 = tpu.memref_slice %arg9[%dma_wait3A_2834, %dma_wait3A_2835] : memref<96x64xf32, #tpu.memory_space<vmem>> -> memref<1x64xf32, #tpu.memory_space<vmem>>
    %dma_wait3A_2837 = tpu.memref_squeeze %dma_wait3A_2836 : memref<1x64xf32, #tpu.memory_space<vmem>> -> memref<64xf32, #tpu.memory_space<vmem>>
    %dma_wait3A_2838 = arith.constant 0 : i32
    %dma_wait3A_2839 = tpu.memref_slice %arg3[%dma_wait3A_2838] : memref<1000000xf32, #tpu.memory_space<hbm>> -> memref<64xf32, #tpu.memory_space<hbm>>
    %dma_wait3A_2840 = arith.constant 0 : i32
    %dma_wait3A_2841 = tpu.memref_slice %arg9[%dma_wait3A_2834, %dma_wait3A_2840] : memref<96x64xf32, #tpu.memory_space<vmem>> -> memref<1x64xf32, #tpu.memory_space<vmem>>
    %dma_wait3A_2842 = tpu.memref_squeeze %dma_wait3A_2841 : memref<1x64xf32, #tpu.memory_space<vmem>> -> memref<64xf32, #tpu.memory_space<vmem>>
    %dma_wait3A_2843 = arith.constant 0 : i32
    %dma_wait3A_2844 = tpu.memref_slice %arg3[%dma_wait3A_2843] : memref<1000000xf32, #tpu.memory_space<hbm>> -> memref<64xf32, #tpu.memory_space<hbm>>
    tpu.wait_dma2 semaphore(%arg12 : memref<!tpu.dma_semaphore, #tpu.memory_space<semaphore_mem>>) src(%dma_wait3A_2844 : memref<64xf32, #tpu.memory_space<hbm>>) dst(%dma_wait3A_2842 : memref<64xf32, #tpu.memory_space<vmem>>)
    %dma_wait3A_2845 = arith.constant 94 : i32
    %dma_wait3A_2846 = arith.constant 0 : i32
    %dma_wait3A_2847 = tpu.memref_slice %arg9[%dma_wait3A_2845, %dma_wait3A_2846] : memref<96x64xf32, #tpu.memory_space<vmem>> -> memref<1x64xf32, #tpu.memory_space<vmem>>
    %dma_wait3A_2848 = tpu.memref_squeeze %dma_wait3A_2847 : memref<1x64xf32, #tpu.memory_space<vmem>> -> memref<64xf32, #tpu.memory_space<vmem>>
    %dma_wait3A_2849 = arith.constant 0 : i32
    %dma_wait3A_2850 = tpu.memref_slice %arg3[%dma_wait3A_2849] : memref<1000000xf32, #tpu.memory_space<hbm>> -> memref<64xf32, #tpu.memory_space<hbm>>
    %dma_wait3A_2851 = arith.constant 0 : i32
    %dma_wait3A_2852 = tpu.memref_slice %arg9[%dma_wait3A_2845, %dma_wait3A_2851] : memref<96x64xf32, #tpu.memory_space<vmem>> -> memref<1x64xf32, #tpu.memory_space<vmem>>
    %dma_wait3A_2853 = tpu.memref_squeeze %dma_wait3A_2852 : memref<1x64xf32, #tpu.memory_space<vmem>> -> memref<64xf32, #tpu.memory_space<vmem>>
    %dma_wait3A_2854 = arith.constant 0 : i32
    %dma_wait3A_2855 = tpu.memref_slice %arg3[%dma_wait3A_2854] : memref<1000000xf32, #tpu.memory_space<hbm>> -> memref<64xf32, #tpu.memory_space<hbm>>
    tpu.wait_dma2 semaphore(%arg12 : memref<!tpu.dma_semaphore, #tpu.memory_space<semaphore_mem>>) src(%dma_wait3A_2855 : memref<64xf32, #tpu.memory_space<hbm>>) dst(%dma_wait3A_2853 : memref<64xf32, #tpu.memory_space<vmem>>)
    %dma_wait3A_2856 = arith.constant 95 : i32
    %dma_wait3A_2857 = arith.constant 0 : i32
    %dma_wait3A_2858 = tpu.memref_slice %arg9[%dma_wait3A_2856, %dma_wait3A_2857] : memref<96x64xf32, #tpu.memory_space<vmem>> -> memref<1x64xf32, #tpu.memory_space<vmem>>
    %dma_wait3A_2859 = tpu.memref_squeeze %dma_wait3A_2858 : memref<1x64xf32, #tpu.memory_space<vmem>> -> memref<64xf32, #tpu.memory_space<vmem>>
    %dma_wait3A_2860 = arith.constant 0 : i32
    %dma_wait3A_2861 = tpu.memref_slice %arg3[%dma_wait3A_2860] : memref<1000000xf32, #tpu.memory_space<hbm>> -> memref<64xf32, #tpu.memory_space<hbm>>
    %dma_wait3A_2862 = arith.constant 0 : i32
    %dma_wait3A_2863 = tpu.memref_slice %arg9[%dma_wait3A_2856, %dma_wait3A_2862] : memref<96x64xf32, #tpu.memory_space<vmem>> -> memref<1x64xf32, #tpu.memory_space<vmem>>
    %dma_wait3A_2864 = tpu.memref_squeeze %dma_wait3A_2863 : memref<1x64xf32, #tpu.memory_space<vmem>> -> memref<64xf32, #tpu.memory_space<vmem>>
    %dma_wait3A_2865 = arith.constant 0 : i32
    %dma_wait3A_2866 = tpu.memref_slice %arg3[%dma_wait3A_2865] : memref<1000000xf32, #tpu.memory_space<hbm>> -> memref<64xf32, #tpu.memory_space<hbm>>
    tpu.wait_dma2 semaphore(%arg12 : memref<!tpu.dma_semaphore, #tpu.memory_space<semaphore_mem>>) src(%dma_wait3A_2866 : memref<64xf32, #tpu.memory_space<hbm>>) dst(%dma_wait3A_2864 : memref<64xf32, #tpu.memory_space<vmem>>)
    %scan3A_2867 = arith.constant 48 : i32
    %scan3A_2868 = arith.constant 48 : i32
    %scan3A_2869 = arith.addi %scan3A_2867, %scan3A_2868 : i32
    %scan3A_2870 = arith.constant 1 : i32
    %scan3A_2871 = scf.for %scan3A_2880 = %scan3A_2867 to %scan3A_2869 step %scan3A_2870 iter_args(%scan3A_2881 = %scan3A_2337) -> (vector<16xf32>)  : i32 {
      %get3A = arith.index_cast %scan3A_2880 : i32 to index
      %get3A_2882 = arith.constant 0 : index
      %get3A_2883 = tpu.vector_load %arg9[%get3A, %get3A_2882] {strides = array<i32>} : memref<96x64xf32, #tpu.memory_space<vmem>>, vector<16xf32>,
      %add3A_2884 = arith.addf %scan3A_2881, %get3A_2883 : vector<16xf32>
      %get3A_2885 = arith.index_cast %scan3A_2880 : i32 to index
      %get3A_2886 = arith.constant 16 : index
      %get3A_2887 = tpu.vector_load %arg9[%get3A_2885, %get3A_2886] {strides = array<i32>} : memref<96x64xf32, #tpu.memory_space<vmem>>, vector<16xf32>,
      %add3A_2888 = arith.addf %add3A_2884, %get3A_2887 : vector<16xf32>
      %get3A_2889 = arith.index_cast %scan3A_2880 : i32 to index
      %get3A_2890 = arith.constant 32 : index
      %get3A_2891 = tpu.vector_load %arg9[%get3A_2889, %get3A_2890] {strides = array<i32>} : memref<96x64xf32, #tpu.memory_space<vmem>>, vector<16xf32>,
      %add3A_2892 = arith.addf %add3A_2888, %get3A_2891 : vector<16xf32>
      %get3A_2893 = arith.index_cast %scan3A_2880 : i32 to index
      %get3A_2894 = arith.constant 48 : index
      %get3A_2895 = tpu.vector_load %arg9[%get3A_2893, %get3A_2894] {strides = array<i32>} : memref<96x64xf32, #tpu.memory_space<vmem>>, vector<16xf32>,
      %jit3A_2896 = arith.constant 3 : i32
      %eq3A = arith.constant 0 : i32
      %eq3A_2897 = arith.cmpi eq, %jit3A_2896, %eq3A : i32
      %jit3A_2898 = arith.constant 1 : i32
      %select_n3A_2899 = arith.select %eq3A_2897, %jit3A_2898, %jit3A_2896 : i32
      %rem3A_2900 = arith.remsi %scan3A_2880, %select_n3A_2899 : i32
      %ne3A_2901 = arith.constant 0 : i32
      %ne3A_2902 = arith.cmpi ne, %rem3A_2900, %ne3A_2901 : i32
      %lt3A_2903 = arith.constant 0 : i32
      %lt3A_2904 = arith.cmpi slt, %rem3A_2900, %lt3A_2903 : i32
      %lt3A_2905 = arith.constant 0 : i32
      %lt3A_2906 = arith.cmpi slt, %select_n3A_2899, %lt3A_2905 : i32
      %ne3A_2907 = arith.xori %lt3A_2904, %lt3A_2906 : i1
      %and3A_2908 = arith.andi %ne3A_2907, %ne3A_2902 : i1
      %add3A_2909 = arith.addi %rem3A_2900, %select_n3A_2899 : i32
      %select_n3A_2910 = arith.select %and3A_2908, %add3A_2909, %rem3A_2900 : i32
      %eq3A_2911 = arith.constant 2 : i32
      %eq3A_2912 = arith.cmpi eq, %select_n3A_2910, %eq3A_2911 : i32
      %mul3A_2913 = arith.mulf %get3A_2895, %select_n3A_1803 : vector<16xf32>
      %select_n3A_2914 = arith.select %eq3A_2912, %mul3A_2913, %get3A_2895 : vector<16xf32>
      %add3A_2915 = arith.addf %add3A_2892, %select_n3A_2914 : vector<16xf32>
      scf.yield %add3A_2915 : vector<16xf32>
    }
    %scan3A_2872 = arith.constant 48 : i32
    %mul3A_2873 = arith.constant 2.56990143E-6 : f32
    %mul3A_2874 = vector.broadcast %mul3A_2873 : f32 to vector<16xf32>
    %mul3A_2875 = arith.mulf %scan3A_2871, %mul3A_2874 : vector<16xf32>
    %swap3A_2876 = arith.constant 0 : index
    %swap3A_2877 = tpu.vector_load %arg10[%swap3A_2876] {strides = array<i32>} : memref<16xf32, #tpu.memory_space<vmem>>, vector<16xf32>,
    tpu.vector_store %arg10[%swap3A_2876], %mul3A_2875 {strides = array<i32>} : memref<16xf32, #tpu.memory_space<vmem>>, vector<16xf32>,
    %mul3A_2878 = arith.constant 16 : i32
    %mul3A_2879 = arith.muli %add3A, %mul3A_2878 : i32
    "tpu.region"() ({
      %run_scoped3A = tpu.sem_alloc : memref<!tpu.dma_semaphore, #tpu.memory_space<semaphore_mem>>
      %dma_start3A = tpu.memref_slice %arg4[%mul3A_2879] : memref<512xf32, #tpu.memory_space<hbm>> -> memref<16xf32, #tpu.memory_space<hbm>>
      %dma_start3A_2880 = tpu.memref_slice %arg4[%mul3A_2879] : memref<512xf32, #tpu.memory_space<hbm>> -> memref<16xf32, #tpu.memory_space<hbm>>
      tpu.enqueue_dma source(%arg10 : memref<16xf32, #tpu.memory_space<vmem>>) target(%dma_start3A_2880 : memref<16xf32, #tpu.memory_space<hbm>>) target_semaphore(%run_scoped3A : memref<!tpu.dma_semaphore, #tpu.memory_space<semaphore_mem>>)
      %dma_wait3A_2881 = tpu.memref_slice %arg4[%mul3A_2879] : memref<512xf32, #tpu.memory_space<hbm>> -> memref<16xf32, #tpu.memory_space<hbm>>
      %dma_wait3A_2882 = tpu.memref_slice %arg4[%mul3A_2879] : memref<512xf32, #tpu.memory_space<hbm>> -> memref<16xf32, #tpu.memory_space<hbm>>
      tpu.wait_dma2 semaphore(%run_scoped3A : memref<!tpu.dma_semaphore, #tpu.memory_space<semaphore_mem>>) src(%arg10 : memref<16xf32, #tpu.memory_space<vmem>>) dst(%dma_wait3A_2882 : memref<16xf32, #tpu.memory_space<hbm>>)
      tpu.yield
    }) : () -> ()
    return
  }
}

</mosaic_0001>

<sc_bundles>
// kernel: kernel.3.cloned.1.call-start
scs
__scs_entry_jumppad:
0x0: {  	(pc) =	sbr.rel $0x88, $3  }
0x1: {  	(tag) =	ssettag $0x0;
	lr =	simm.s32 $0x1  }
0x2: {  	[smem:$0x3F9F] =	sst lr;
	_ =	strace $0xD0000000  }
0x3: {  	_ = 	snop  }
0x4: {  	_ = 	snop  }
0x5: {  	_ = 	snop  }
0x6: {  	_ = 	snop  }
0x7: {  	_ = 	snop  }
__scs_overlays_trampoline_lowered:
0x8: {  	[smem:$0x3FAE] =	sst s0  }
0x9: {  	[smem:$0x3FAF] =	sst s1  }
0xa: {  	[smem:$0x3FB0] =	sst s2  }
0xb: {  	[smem:$0x3FB1] =	sst s3  }
0xc: {  	[smem:$0x3FB2] =	sst s4  }
0xd: {  	[smem:$0x3FB3] =	sst s5  }
0xe: {  	[smem:$0x3FB4] =	sst s6  }
0xf: {  	[smem:$0x3FB5] =	sst s7  }
0x10: {  	[smem:$0x3FB6] =	sst s8  }
0x11: {  	[smem:$0x3FB7] =	sst s9;
	s0 =	simm.s32 @!p0 $0x0  }
0x12: {  	s1 =	sld [smem:$0x3F9D];
	s0 =	simm.s32 @p0 $0x1  }
0x13: {  	[smem:$0x3FB8] =	sst s0;
	s0 =	simm.s32 @!p1 $0x0  }
0x14: {  	s2 =	sld [smem:$0x3F9C];
	s0 =	simm.s32 @p1 $0x1  }
0x15: {  	[smem:$0x3FB9] =	sst s0;
	s0 =	simm.s32 @!p2 $0x0  }
0x16: {  	s3 =	sld [smem:$0x3FDB];
	s0 =	simm.s32 @p2 $0x1  }
0x17: {  	s4 =	simm.s32 $0x1BF5;
	[smem:$0x3FBB] =	sst s0  }
0x18: {  	s0 =	sld [smem:$0x3F9E];
	_ =	swait.ge [sflag:s4], $0x0  }
0x19: {  	s7 =	sld [smem:$0x3F9F]  }
0x1a: {  	s8 =	sadd.s32 $0xFFFFE003, lr  }
0x1b: {  	s9 =	sadd.s32 $0xFFFFFEF7, lr;
	s5 =	simm.s32 $0xFFFFFFFF;
	p2 =	slt.u32 s8, $0xFFFFF086  }
0x1c: {  	p1 =	slt.u32 s9, $0xF7A;
	s5 =	simm.s32 @!p2 $0x0  }
0x1d: {  	s5 =	simm.s32 @p1 $0x1;
	p0 =	seq.s32 s7, s2  }
0x1e: {  	s7 =	smul.u32 @!p0 $0xF7A, s2;
	p2 =	seq.s32 @!p0 s5, $0x0  }
0x1f: {  	s9 =	smul.u32 $0xF7A, s1;
	s8 =	simm.s32 @!p0 $0x1BF5;
	p2 =	por !p2, p0  }
0x20: {  	[sflag:s8] =	ssyncset.s32 @!p0 $0xFFFFF086;
	s6 =	sadd.s32 @!p0 s3, s7;
	s7 =	simm.s32 @!p0 $0x108  }
0x21: {  	s3 =	sadd.s32 s3, s9;
	s6 =	sadd.s32 @!p0 $0x88, s6;
	s7 =	simm.s32 @p2 $0x1082  }
0x22: {  	[simem:s7], [sflag:s8] =	dma.local @!p0 [hbm:s6], $0xF7A  }
0x23: {  	s9 =	sor.u32 $0xD0000000, s2;
	s6 =	simm.s32 $0x108;
	_ =	swait.ge @!p0 [sflag:s8], $0x0  }
0x24: {  	s3 =	sadd.s32 $0x88, s3;
	s6 =	simm.s32 @!p1 $0x1082;
	[sflag:s4] =	ssyncset.s32 $0xFFFFF086  }
0x25: {  	[simem:s6], [sflag:s4] =	dma.local [hbm:s3], $0xF7A  }
0x26: {  	[smem:$0x3F9F] =	sst s1;
	(tag) =	ssettag s2;
	_ =	strace s9  }
0x27: {  	s1 =	sld [smem:$0x3FAF]  }
0x28: {  	s2 =	sld [smem:$0x3FB0]  }
0x29: {  	s4 =	sld [smem:$0x3FB2]  }
0x2a: {  	p0 =	seq.s32 s5, $0x0;
	s5 =	sld [smem:$0x3FB3]  }
0x2b: {  	s6 =	sld [smem:$0x3FB4]  }
0x2c: {  	s7 =	sld [smem:$0x3FB5]  }
0x2d: {  	s3 =	simm.s32 $0x108;
	s8 =	sld [smem:$0x3FB6]  }
0x2e: {  	s3 =	simm.s32 @!p0 $0x1082;
	s9 =	sld [smem:$0x3FB7]  }
0x2f: {  	lr =	sadd.s32 s0, s3;
	s0 =	sld [smem:$0x3FAE]  }
0x30: {  	s3 =	sld [smem:$0x3FB1]  }
0x31: {  	[smem:$0x3FBA] =	sst s10  }
0x32: {  	s10 =	sld [smem:$0x3FB8];
	_ =	sdelay $0x3  }
0x33: {  	p0 =	seq.s32 s10, $0x1;
	s10 =	sld [smem:$0x3FBA];
	_ =	sdelay $0x3  }
0x34: {  	[smem:$0x3FBA] =	sst s10  }
0x35: {  	s10 =	sld [smem:$0x3FB9];
	_ =	sdelay $0x3  }
0x36: {  	p1 =	seq.s32 s10, $0x1;
	s10 =	sld [smem:$0x3FBA];
	_ =	sdelay $0x3  }
0x37: {  	[smem:$0x3FBA] =	sst s10  }
0x38: {  	s10 =	sld [smem:$0x3FBB]  }
0x39: {  	_ = 	snop;
	(pc) =	sbr.ind lr, $3  }
0x3a: {  	_ = 	snop  }
0x3b: {  	_ = 	snop  }
0x3c: {  	p2 =	seq.s32 s10, $0x1;
	s10 =	sld [smem:$0x3FBA]  }
0x3d: {  	_ =	shalt  }
0x3e: {  	_ =	shalt  }
0x3f: {  	_ =	shalt  }
0x40: {  	_ =	shalt  }
0x41: {  	_ =	shalt  }
0x42: {  	_ =	shalt  }
0x43: {  	_ =	shalt  }
0x44: {  	_ =	shalt  }
0x45: {  	_ =	shalt  }
0x46: {  	_ =	shalt  }
0x47: {  	_ =	shalt  }
0x48: {  	_ =	shalt  }
0x49: {  	_ =	shalt  }
0x4a: {  	_ =	shalt  }
0x4b: {  	_ =	shalt  }
0x4c: {  	_ =	shalt  }
0x4d: {  	_ =	shalt  }
0x4e: {  	_ =	shalt  }
0x4f: {  	_ =	shalt  }
0x50: {  	_ =	shalt  }
0x51: {  	_ =	shalt  }
0x52: {  	_ =	shalt  }
0x53: {  	_ =	shalt  }
0x54: {  	_ =	shalt  }
0x55: {  	_ =	shalt  }
0x56: {  	_ =	shalt  }
0x57: {  	_ =	shalt  }
0x58: {  	_ =	shalt  }
0x59: {  	_ =	shalt  }
0x5a: {  	_ =	shalt  }
0x5b: {  	_ =	shalt  }
0x5c: {  	_ =	shalt  }
0x5d: {  	_ =	shalt  }
0x5e: {  	_ =	shalt  }
0x5f: {  	_ =	shalt  }
0x60: {  	_ =	shalt  }
0x61: {  	_ =	shalt  }
0x62: {  	_ =	shalt  }
0x63: {  	_ =	shalt  }
0x64: {  	_ =	shalt  }
0x65: {  	_ =	shalt  }
0x66: {  	_ =	shalt  }
0x67: {  	_ =	shalt  }
0x68: {  	_ =	shalt  }
0x69: {  	_ =	shalt  }
0x6a: {  	_ =	shalt  }
0x6b: {  	_ =	shalt  }
0x6c: {  	_ =	shalt  }
0x6d: {  	_ =	shalt  }
0x6e: {  	_ =	shalt  }
0x6f: {  	_ =	shalt  }
0x70: {  	_ =	shalt  }
0x71: {  	_ =	shalt  }
0x72: {  	_ =	shalt  }
0x73: {  	_ =	shalt  }
0x74: {  	_ =	shalt  }
0x75: {  	_ =	shalt  }
0x76: {  	_ =	shalt  }
0x77: {  	_ =	shalt  }
0x78: {  	_ =	shalt  }
0x79: {  	_ =	shalt  }
0x7a: {  	_ =	shalt  }
0x7b: {  	_ =	shalt  }
0x7c: {  	_ =	shalt  }
0x7d: {  	_ =	shalt  }
0x7e: {  	_ =	shalt  }
0x7f: {  	_ =	shalt  }
0x80: {  	_ =	shalt  }
0x81: {  	_ =	shalt  }
0x82: {  	_ =	shalt  }
0x83: {  	_ =	shalt  }
0x84: {  	_ =	shalt  }
0x85: {  	_ =	shalt  }
0x86: {  	_ =	shalt  }
0x87: {  	_ =	shalt  }
.Lfunc_end0:
.L_simem_size_0:
called_computation_lowered:
.L_overlay_start_0:
0x88: {  	s2 =	sld [smem:$0x3FD9]  }
0x89: {  	s3 =	sld [smem:$0x3FFE];
	_ =	sdelay $0x1  }
0x8a: {  	s1 =	srdreg.scid  }
0x8b: {  	s0 =	sand.u32 $0x1, s1  }
0x8c: {  	s16 =	sshll.u32 s0, $0xA;
	s2 =	sadd.s32 s3, s2  }
0x8d: {  	s2 =	sadd.s32 s2, s16  }
0x8e: {  	[smem:$0x3FC6] =	sst s2  }
0x8f: {  	_ = 	snop  }
0x90: {  	(tm) =	ssettm $0x1  }
0x91: {  	s17 =	sld [smem:$0x3FFB];
	_ =	sdelay $0x3  }
0x92: {  	_ =	strace s17  }
0x93: {  	s2 =	sld [smem:$0x3FFC];
	_ =	sdelay $0x3  }
0x94: {  	_ =	strace s2  }
0x95: {  	s2 =	sld [smem:$0x3FFD];
	_ =	sdelay $0x3  }
0x96: {  	_ =	strace s2  }
0x97: {  	_ =	strace $0x8FFFFFFF  }
0x98: {  	s18 =	sld [smem:$0x3FDB];
	_ =	sdelay $0x1  }
0x99: {  	s19 =	simm.s32 $_scs_section_size  }
0x9a: {  	s4 =	simm.s32 $_size__tile_overlayer_lowered;
	s5 =	simm.s32 $_tile_overlayer_lowered  }
0x9b: {  	s22 =	simm.s32 $0x1BFF;
	s21 =	sshll.u32 s5, $0x1;
	s2 =	sadd.s32 s19, s18  }
0x9c: {  	s6 =	simm.s32 $0x0;
	s20 =	sshll.u32 s4, $0x1;
	s4 =	sadd.s32 s21, s2  }
0x9d: {  	[timem:s6], [sflag:s22] =	dma.local [hbm:s4], s20  }
0x9e: {  	_ =	swait.ge [sflag:s22], s20  }
0x9f: {  	s3 =	ssub.s32 $0x0, s20;
	[sflag:s22] =	ssyncset.done $0x0  }
0xa0: {  	[sflag:s22] =	ssyncadd.s32 s3;
	_ =	sdelay $0x1  }
0xa1: {  	s23 =	simm.s32 $0x1B8B  }
0xa2: {  	_ =	swait.ge [sflag:s23], $0x1  }
0xa3: {  	[sflag:s23] =	ssyncset.done $0x0  }
0xa4: {  	s25 =	simm.s32 $0x1B8E;
	s24 =	sld [smem:$0x3FFE];
	[sflag:s23] =	ssyncadd.s32 $0xFFFFFFFF  }
0xa5: {  	s26 =	simm.s32 $execute0_lowered;
	[smem:$0x3FD2] =	sst s25  }
0xa6: {  	s4 =	sshll.u32 s26, $0x1;
	_ =	strace $0x80000046;
	[dreg:$0x1] =	wrdreg $0xFFFFFFFF  }
0xa7: {  	s28 =	simm.s32 $_size_execute0_lowered;
	s2 =	sadd.s32 s2, s4;
	[dreg:$0x0] =	wrdreg $0x0  }
0xa8: {  	s4 =	sshll.u32 s28, $0x1;
	[dreg:$0x2] =	wrdreg s2  }
0xa9: {  	[dreg:$0x3] =	wrdreg s4  }
0xaa: {  	[dreg:$0x4] =	wrdreg $0xC0  }
0xab: {  	_ =	task [dreg:s6], $0x5FFFF  }
0xac: {  	[dreg:$0x1] =	wrdreg $0xFFFFFFFF  }
0xad: {  	[dreg:$0x0] =	wrdreg $0x60  }
0xae: {  	[dreg:$0x2] =	wrdreg s24  }
0xaf: {  	[dreg:$0x3] =	wrdreg $0x9  }
0xb0: {  	_ =	task.clear_ibuf [dreg:s6], $0x4FFFF;
	_ =	strace $0x90000046  }
0xb1: {  	s29 =	simm.s32 $0x9;
	_ =	strace $0x80000048  }
0xb2: {  	_ =	swait.ge [sflag:s29], $0x1  }
0xb3: {  	[sflag:s29] =	ssyncadd.s32 $0xFFFFFFFF  }
0xb4: {  	_ =	strace $0x90000048  }
0xb5: {  	_ =	sfence  }
0xb6: {  	s30 =	sld [smem:$0x0];
	_ =	sdelay $0x2  }
0xb7: {  	s31 =	sshll.u32 s1, $0xD;
	s1 =	sshrl.u32 s1, $0x2  }
0xb8: {  	s3 =	sand.u32 $0x4000, s31;
	s1 =	sadd.s32 s1, s30  }
0xb9: {  	s0 =	sor.u32 s3, s0;
	s1 =	sshll.u32 s1, $0x11  }
0xba: {  	s0 =	sor.u32 s1, s0  }
0xbb: {  	s0 =	sadd.s32 $0x8F2B, s0  }
0xbc: {  	[sflag:s0] =	ssyncadd.remote.s32 $0x1  }
0xbd: {  	_ =	sfence.sel $0xFFFF  }
0xbe: {  	[dreg:$0x0] =	wrdreg $0xFFFFFFFF;
	(pc) =	sbr.abs _section_cstart, $3  }
0xbf: {  	[dreg:$0x1] =	wrdreg $0xFFFFFFFF  }
0xc0: {  	_ =	task.clear_ibuf [dreg:s6], $0x2FFFF;
	_ =	strace $0x9FFFFFFF  }
0xc1: {  	(tm) =	ssettm $0x7FFFFFFF  }
tec
execute0_lowered:
.L_overlay_start_1:
0x0: {  	(tag) =	ssettag $0x1  }
0x1: {  	v0 =	vimm.s32 $0x6543A987  }
0x2: {  	v1 =	vimm.s32 $0x2131211;
	vm2 =	vcmask $0xB00;
	v2 =	vimm.s32 $0x1  }
0x3: {  	vm5 =	vcmask $0x2F10;
	v4 =	vimm.s32 $0xE0D0C0B;
	vm3 =	vcmask $0x3F30  }
0x4: {  	vm6 =	vcmask $0x1300;
	v5 =	vimm.s32 $0x1211100F;
	vm0 =	vcmask $0x1F10  }
0x5: {  	v6 =	vimm.s32 $0x11100F0E;
	vm4 =	vcmask $0x1700;
	v7 =	vimm.s32 $0x3  }
0x6: {  	v9 =	vimm.s32 $0x6051307;
	v10 =	vimm.s32 $0x4;
	vm1 =	vcmask $0x1304  }
0x7: {  	vm12 =	vcmask $0x2314;
	vm13 =	vcmask $0x3F24;
	vm14 =	vcmask $0xF00  }
0x8: {  	v12 =	vimm.s32 $0x5;
	vm15 =	vcmask $0x3B20;
	v15 =	vimm.s32 $0xFEDCB  }
0x9: {  	v16 =	vimm.s32 $0x100F0E0D;
	v18 =	vimm.s32 $0xA131211;
	v19 =	vimm.s32 $0x12111000  }
0xa: {  	v20 =	vimm.s32 $0x9;
	vm7 =	vcmask $0x1B00;
	vm8 =	vcmask $0x2710  }
0xb: {  	v22 =	vimm.s32 $0xE0D1312;
	v23 =	vimm.s32 $0x12111013;
	vm9 =	vcmask $0x2310  }
0xc: {  	vm10 =	vcmask $0x3324;
	vm11 =	vcmask $0x3F34;
	v24 =	vlaneseq.u32  }
0xd: {  	v25 =	vimm.f32 $0.0e+00;
	v0 =	vunpack.c.l.s4.s8 v0;
	v1 =	vunpack.c.0.s8.s32 v1  }
0xe: {  	v8 =	vunpack.c.0.s8.s32 v5;
	v5 =	vimm.s32 $0x5041312;
	v17 =	vunpack.c.0.s8.s32 v6  }
0xf: {  	v9 =	vunpack.c.0.s8.s32 v9;
	v15 =	vunpack.c.l.s4.s8 v15;
	v16 =	vunpack.c.0.s8.s32 v16  }
0x10: {  	v18 =	vunpack.c.0.s8.s32 v18;
	v22 =	vunpack.c.0.s8.s32 v22;
	v0 =	vunpack.c.0.s8.s32 v0  }
0x11: {  	v5 =	vunpack.c.0.s8.s32 v5;
	v13 =	vnsel vm14, $0x10, v8;
	v15 =	vunpack.c.0.s8.s32 v15  }
0x12: {  	v16 =	vsel vm0, v18, v16;
	v18 =	vunpack.c.0.s8.s32 v19;
	v3 =	vand.u32 $0xF, v0  }
0x13: {  	v0 =	vsel vm2, $0x0, v2;
	v2 =	vunpack.c.0.s8.s32 v4;
	v4 =	vimm.s32 $0x5040313  }
0x14: {  	v1 =	vsel vm5, v3, v1;
	v3 =	vimm.s32 $0x2;
	v4 =	vunpack.c.0.s8.s32 v4  }
0x15: {  	v1 =	vsel vm3, v2, v1;
	v2 =	vsel vm6, $0x1, v3;
	v3 =	vimm.s32 $0xDCBA9876  }
0x16: {  	v19 =	vimm.s32 $0xA0A0A09;
	v15 =	vand.u32 $0xF, v15;
	v3 =	vunpack.c.l.s4.s8 v3  }
0x17: {  	v4 =	vsel vm0, v4, v8;
	v8 =	vsel vm6, $0x4, v12;
	vm6 =	vcmask $0x1F14  }
0x18: {  	v22 =	vnsel vm14, $0xF, v22;
	v5 =	vsel vm0, v5, v17;
	v15 =	vsel vm6, v18, v15  }
0x19: {  	v18 =	vunpack.c.0.s8.s32 v19;
	v19 =	vimm.s32 $0xD0C0B13;
	v3 =	vunpack.c.0.s8.s32 v3  }
0x1a: {  	v12 =	vimm.s32 $0x7131211;
	v15 =	vcombine.low v16, v15;
	v19 =	vunpack.c.0.s8.s32 v19  }
0x1b: {  	v16 =	vnsel vm14, $0xB, v18;
	v18 =	vimm.s32 $0xD0C1312;
	v6 =	vand.u32 $0xF, v3  }
0x1c: {  	v18 =	vunpack.c.0.s8.s32 v18;
	v3 =	vcombine.low v4, v6;
	v4 =	vsel vm4, $0x2, v7  }
0x1d: {  	v5 =	vcombine.low v5, v6;
	v6 =	vimm.s32 $0x11100F12;
	v7 =	vimm.s32 $0xEDCBA980  }
0x1e: {  	v12 =	vunpack.c.0.s8.s32 v12;
	v6 =	vunpack.c.0.s8.s32 v6;
	v7 =	vunpack.c.l.s4.s8 v7  }
0x1f: {  	v16 =	vsel vm8, $0xA, v16;
	v19 =	vsel vm0, v17, v19;
	v18 =	vsel vm0, v17, v18  }
0x20: {  	v17 =	vunpack.c.0.s8.s32 v23;
	v11 =	vnsel vm1, $0xE, v6;
	v7 =	vunpack.c.0.s8.s32 v7  }
0x21: {  	v23 =	vimm.s32 $0x100F0E11;
	v9 =	vsel vm12, v9, v11;
	v11 =	vimm.s32 $0xBA98FEDC  }
0x22: {  	v18 =	vcombine.low v19, v18;
	v7 =	vand.u32 $0xF, v7;
	v11 =	vunpack.c.l.s4.s8 v11  }
0x23: {  	v6 =	vsel vm4, $0x3, v10;
	v7 =	vsel vm13, v7, v9;
	v9 =	vimm.s32 $0x8070613  }
0x24: {  	v10 =	vimm.s32 $0xFEDCBA9;
	v9 =	vunpack.c.0.s8.s32 v9;
	v11 =	vunpack.c.0.s8.s32 v11  }
0x25: {  	v17 =	vsel vm12, v17, v22;
	v22 =	vunpack.c.0.s8.s32 v23;
	v23 =	vimm.s32 $0xF131200  }
0x26: {  	v9 =	vsel vm0, v9, v13;
	v11 =	vand.u32 $0xF, v11;
	v13 =	vimm.s32 $0x13121110  }
0x27: {  	v11 =	vsel vm5, v11, v12;
	v21 =	vunpack.c.0.s8.s32 v13;
	v12 =	vimm.s32 $0xFEDCBA98  }
0x28: {  	vm5 =	vcmask $0x2F00;
	v13 =	vimm.s32 $0x8;
	v14 =	vunpack.c.l.s4.s8 v12  }
0x29: {  	v10 =	vunpack.c.l.s4.s8 v10;
	v12 =	vsel vm5, $0x7, v13;
	v13 =	vimm.s32 $0xC0B0A09  }
0x2a: {  	v23 =	vunpack.c.0.s8.s32 v23;
	v13 =	vunpack.c.0.s8.s32 v13;
	v14 =	vunpack.c.0.s8.s32 v14  }
0x2b: {  	vm12 =	vcmask $0x3B24;
	v17 =	vsel vm10, v22, v17;
	v22 =	vimm.s32 $0x11101010  }
0x2c: {  	v10 =	vunpack.c.0.s8.s32 v10;
	v13 =	vsel vm0, v13, v21;
	v14 =	vand.u32 $0xF, v14  }
0x2d: {  	s4 =	rddreg [dreg:$0x0];
	v13 =	vcombine.low v14, v13;
	v14 =	vsel vm7, $0x8, v20;
	v20 =	vimm.s32 $0xC0C0B0B  }
0x2e: {  	s0 =	rddreg [dreg:$0x1];
	v17 =	vsel vm11, v23, v17;
	v23 =	vimm.s32 $0x13131211;
	v20 =	vunpack.c.0.s8.s32 v20  }
0x2f: {  	s2 =	simm.s32 $0x0;
	s3 =	srdreg.scid;
	s1 =	stileid.u32;
	v22 =	vunpack.c.0.s8.s32 v22;
	vm13 =	vcmask $0x1F00;
	v10 =	vand.u32 $0xF, v10  }
0x30: {  	s9 =	simm.s32 $0x1;
	s10 =	simm.s32 $0x2;
	s11 =	simm.s32 $0x6480;
	v23 =	vunpack.c.0.s8.s32 v23;
	v9 =	vsel vm15, v10, v9;
	v20 =	vnsel vm14, $0xE, v20  }
0x31: {  	[smem:$0x7FF] =	sst s2;
	s3 =	sand.u32 $0x1, s3;
	s5 =	sshll.u32 s1, $0x1;
	v10 =	vimm.s32 $0x6;
	vm15 =	vcmask $0x3700;
	v20 =	vsel vm9, $0xC, v20  }
0x32: {  	s12 =	simm.s32 $0x0;
	_ =	strace $0x80000047;
	s5 =	sor.u32 s3, s5;
	v10 =	vsel vm2, $0x5, v10;
	v11 =	vsel vm3, v21, v11;
	v19 =	vsel vm12, $0xD, v20  }
0x33: {  	s6 =	ssub.s32 $0x2, s3;
	s7 =	sshll.u32 s5, $0x1;
	s5 =	smul.u32 $0x50, s5;
	v20 =	vsel vm0, v23, v22;
	v22 =	vimm.s32 $0xE;
	v23 =	vimm.s32 $0x12131211  }
0x34: {  	s3 =	sadd.s32 $0xA00, s4;
	s8 =	sshrl.u32 s6, $0x1;
	s7 =	sadd.s32 s7, s4;
	v21 =	vnsel vm13, $0x13, v21;
	v22 =	vsel vm0, $0xF, v22;
	v23 =	vunpack.c.0.s8.s32 v23  }
0x35: {  	s6 =	ssub.s32 s6, s8;
	s8 =	simm.s32 $0x40;
	s4 =	sadd.s32 s4, s5;
	vm14 =	vcmask $0x2F20;
	v20 =	vcombine.low v22, v20;
	v22 =	vimm.s32 $0x0  }
0x36: {  	s5 =	sadd.s32 $0x1F400, s7;
	s6 =	smax.u32 s6, $0x1;
	s7 =	simm.s32 $0x3;
	v21 =	vsel vm14, v23, v21;
	v23 =	vadd.s32 $0x1, v24;
	v24 =	vsel vm15, $0x3F800000, v25  }
.LBB2_1:
0x37: {  	[tilespmem:s2], [sflag:$0x3] =	stream.linear.gather [hbm4b:s4+s2], $0x280, $0x38;
	[tilespmem:$0x6500] =	vst v63  }
0x38: {  	_ =	swait.ge [sflag:s7], $0x280  }
0x39: {  	[sflag:s7] =	ssyncset.done $0x0  }
0x3a: {  	[sflag:s7] =	ssyncadd.s32 $0xFFFFFD80  }
0x3b: {  	[tilespmem:$0x280] =	vst v22  }
0x3c: {  	[tilespmem:$0x380] =	vst v23  }
0x3d: {  	[tilespmem:$0x290] =	vst v0  }
0x3e: {  	[tilespmem:$0x390] =	vst v1  }
0x3f: {  	[tilespmem:$0x2A0] =	vst v2  }
0x40: {  	[tilespmem:$0x3A0] =	vst v3  }
0x41: {  	[tilespmem:$0x2B0] =	vst v4  }
0x42: {  	[tilespmem:$0x3B0] =	vst v5  }
0x43: {  	[tilespmem:$0x2C0] =	vst v6  }
0x44: {  	[tilespmem:$0x3C0] =	vst v7  }
0x45: {  	[tilespmem:$0x2D0] =	vst v8  }
0x46: {  	[tilespmem:$0x3D0] =	vst v9  }
0x47: {  	[tilespmem:$0x2E0] =	vst v10  }
0x48: {  	[tilespmem:$0x3E0] =	vst v11  }
0x49: {  	[tilespmem:$0x2F0] =	vst v12  }
0x4a: {  	[tilespmem:$0x3F0] =	vst v13  }
0x4b: {  	[tilespmem:$0x300] =	vst v14  }
0x4c: {  	[tilespmem:$0x400] =	vst v15  }
0x4d: {  	[tilespmem:$0x310] =	vst v16  }
0x4e: {  	[tilespmem:$0x410] =	vst v18  }
0x4f: {  	[tilespmem:$0x320] =	vst v19  }
0x50: {  	[tilespmem:$0x420] =	vst v17  }
0x51: {  	[tilespmem:$0x330] =	vst v20  }
0x52: {  	s14 =	simm.s32 $0x0;
	s15 =	simm.s32 $0x0;
	[tilespmem:$0x430] =	vst v21  }
.LBB2_2:
0x53: {  	v25 =	vld [tilespmem:$0x280];
	_ =	sdelay $0x1  }
0x54: {  	v26 =	vld [tilespmem:$0x380];
	_ =	sdelay $0x2  }
0x55: {  	v25 =	vadd.s32 s14, v25;
	_ =	sdelay $0x1  }
0x56: {  	v26 =	vadd.s32 s14, v26;
	_ =	sdelay $0x1  }
0x57: {  	s13 =	simm.s32 $0x0  }
0x58: {  	v25 =	vld.idx.msk [tilespmem:v25+s13+$0x0], $0xffff;
	_ =	sdelay $0x1  }
0x59: {  	v26 =	vld.idx.msk [tilespmem:v26+s13+$0x0], $0xffff;
	_ =	sdelay $0x2  }
0x5a: {  	v25 =	vmul.u32 $0x3E8, v25;
	_ =	sdelay $0x1  }
0x5b: {  	s16 =	sshra.s32 s15, $0x2;
	v25 =	vadd.s32 v25, v26  }
0x5c: {  	[tilespmem:s16+$0x480] =	vst v25  }
0x5d: {  	v25 =	vld [tilespmem:$0x290];
	_ =	sdelay $0x1  }
0x5e: {  	v26 =	vld [tilespmem:$0x390];
	_ =	sdelay $0x2  }
0x5f: {  	v25 =	vadd.s32 s14, v25;
	_ =	sdelay $0x1  }
0x60: {  	v26 =	vadd.s32 s14, v26;
	_ =	sdelay $0x2  }
0x61: {  	v25 =	vld.idx.msk [tilespmem:v25+s13+$0x0], $0xffff;
	_ =	sdelay $0x1  }
0x62: {  	v26 =	vld.idx.msk [tilespmem:v26+s13+$0x0], $0xffff;
	_ =	sdelay $0x2  }
0x63: {  	v25 =	vmul.u32 $0x3E8, v25;
	_ =	sdelay $0x1  }
0x64: {  	v25 =	vadd.s32 v25, v26  }
0x65: {  	[tilespmem:s16+$0x490] =	vst v25  }
0x66: {  	v25 =	vld [tilespmem:$0x2A0];
	_ =	sdelay $0x1  }
0x67: {  	v26 =	vld [tilespmem:$0x3A0];
	_ =	sdelay $0x2  }
0x68: {  	v25 =	vadd.s32 s14, v25;
	_ =	sdelay $0x1  }
0x69: {  	v26 =	vadd.s32 s14, v26;
	_ =	sdelay $0x2  }
0x6a: {  	v25 =	vld.idx.msk [tilespmem:v25+s13+$0x0], $0xffff;
	_ =	sdelay $0x1  }
0x6b: {  	v26 =	vld.idx.msk [tilespmem:v26+s13+$0x0], $0xffff;
	_ =	sdelay $0x2  }
0x6c: {  	v25 =	vmul.u32 $0x3E8, v25;
	_ =	sdelay $0x1  }
0x6d: {  	v25 =	vadd.s32 v25, v26  }
0x6e: {  	[tilespmem:s16+$0x4A0] =	vst v25  }
0x6f: {  	v25 =	vld [tilespmem:$0x2B0];
	_ =	sdelay $0x1  }
0x70: {  	v26 =	vld [tilespmem:$0x3B0];
	_ =	sdelay $0x2  }
0x71: {  	v25 =	vadd.s32 s14, v25;
	_ =	sdelay $0x1  }
0x72: {  	v26 =	vadd.s32 s14, v26;
	_ =	sdelay $0x2  }
0x73: {  	v25 =	vld.idx.msk [tilespmem:v25+s13+$0x0], $0xffff;
	_ =	sdelay $0x1  }
0x74: {  	v26 =	vld.idx.msk [tilespmem:v26+s13+$0x0], $0xffff;
	_ =	sdelay $0x2  }
0x75: {  	v25 =	vmul.u32 $0x3E8, v25;
	_ =	sdelay $0x1  }
0x76: {  	v25 =	vadd.s32 v25, v26  }
0x77: {  	s17 =	sadd.s32 $0x480, s16;
	s18 =	sadd.s32 $0x3480, s16;
	[tilespmem:s16+$0x4B0] =	vst v25  }
0x78: {  	[tilespmem:s18], [sflag:$0x1] =	stream.indirect.gather [hbm4b:s3+s8], $0x1, s17, s8, $0xb8;
	[tilespmem:$0x6500] =	vst v63  }
0x79: {  	v25 =	vld [tilespmem:$0x2C0];
	_ =	sdelay $0x1  }
0x7a: {  	v26 =	vld [tilespmem:$0x3C0];
	_ =	sdelay $0x2  }
0x7b: {  	v25 =	vadd.s32 s14, v25;
	_ =	sdelay $0x1  }
0x7c: {  	v26 =	vadd.s32 s14, v26;
	_ =	sdelay $0x2  }
0x7d: {  	v25 =	vld.idx.msk [tilespmem:v25+s13+$0x0], $0xffff;
	_ =	sdelay $0x1  }
0x7e: {  	v26 =	vld.idx.msk [tilespmem:v26+s13+$0x0], $0xffff;
	_ =	sdelay $0x2  }
0x7f: {  	v25 =	vmul.u32 $0x3E8, v25;
	_ =	sdelay $0x1  }
0x80: {  	v25 =	vadd.s32 v25, v26  }
0x81: {  	[tilespmem:s16+$0x500] =	vst v25  }
0x82: {  	v25 =	vld [tilespmem:$0x2D0];
	_ =	sdelay $0x1  }
0x83: {  	v26 =	vld [tilespmem:$0x3D0];
	_ =	sdelay $0x2  }
0x84: {  	v25 =	vadd.s32 s14, v25;
	_ =	sdelay $0x1  }
0x85: {  	v26 =	vadd.s32 s14, v26;
	_ =	sdelay $0x2  }
0x86: {  	v25 =	vld.idx.msk [tilespmem:v25+s13+$0x0], $0xffff;
	_ =	sdelay $0x1  }
0x87: {  	v26 =	vld.idx.msk [tilespmem:v26+s13+$0x0], $0xffff;
	_ =	sdelay $0x2  }
0x88: {  	v25 =	vmul.u32 $0x3E8, v25;
	_ =	sdelay $0x1  }
0x89: {  	v25 =	vadd.s32 v25, v26  }
0x8a: {  	[tilespmem:s16+$0x510] =	vst v25  }
0x8b: {  	v25 =	vld [tilespmem:$0x2E0];
	_ =	sdelay $0x1  }
0x8c: {  	v26 =	vld [tilespmem:$0x3E0];
	_ =	sdelay $0x2  }
0x8d: {  	v25 =	vadd.s32 s14, v25;
	_ =	sdelay $0x1  }
0x8e: {  	v26 =	vadd.s32 s14, v26;
	_ =	sdelay $0x2  }
0x8f: {  	v25 =	vld.idx.msk [tilespmem:v25+s13+$0x0], $0xffff;
	_ =	sdelay $0x1  }
0x90: {  	v26 =	vld.idx.msk [tilespmem:v26+s13+$0x0], $0xffff;
	_ =	sdelay $0x2  }
0x91: {  	v25 =	vmul.u32 $0x3E8, v25;
	_ =	sdelay $0x1  }
0x92: {  	v25 =	vadd.s32 v25, v26  }
0x93: {  	[tilespmem:s16+$0x520] =	vst v25  }
0x94: {  	v25 =	vld [tilespmem:$0x2F0];
	_ =	sdelay $0x1  }
0x95: {  	v26 =	vld [tilespmem:$0x3F0];
	_ =	sdelay $0x2  }
0x96: {  	v25 =	vadd.s32 s14, v25;
	_ =	sdelay $0x1  }
0x97: {  	v26 =	vadd.s32 s14, v26;
	_ =	sdelay $0x2  }
0x98: {  	v25 =	vld.idx.msk [tilespmem:v25+s13+$0x0], $0xffff;
	_ =	sdelay $0x1  }
0x99: {  	v26 =	vld.idx.msk [tilespmem:v26+s13+$0x0], $0xffff;
	_ =	sdelay $0x2  }
0x9a: {  	v25 =	vmul.u32 $0x3E8, v25;
	_ =	sdelay $0x1  }
0x9b: {  	v25 =	vadd.s32 v25, v26  }
0x9c: {  	s29 =	sadd.s32 $0x500, s16;
	s30 =	sadd.s32 $0x3500, s16;
	[tilespmem:s16+$0x530] =	vst v25  }
0x9d: {  	[tilespmem:s30], [sflag:$0x1] =	stream.indirect.gather [hbm4b:s3+s8], $0x1, s29, s8, $0xb8;
	[tilespmem:$0x6500] =	vst v63  }
0x9e: {  	v25 =	vld [tilespmem:$0x300];
	_ =	sdelay $0x1  }
0x9f: {  	v26 =	vld [tilespmem:$0x400];
	_ =	sdelay $0x2  }
0xa0: {  	v25 =	vadd.s32 s14, v25;
	_ =	sdelay $0x1  }
0xa1: {  	v26 =	vadd.s32 s14, v26;
	_ =	sdelay $0x2  }
0xa2: {  	v25 =	vld.idx.msk [tilespmem:v25+s13+$0x0], $0xffff;
	_ =	sdelay $0x1  }
0xa3: {  	v26 =	vld.idx.msk [tilespmem:v26+s13+$0x0], $0xffff;
	_ =	sdelay $0x2  }
0xa4: {  	v25 =	vmul.u32 $0x3E8, v25;
	_ =	sdelay $0x1  }
0xa5: {  	v25 =	vadd.s32 v25, v26  }
0xa6: {  	[tilespmem:s16+$0x580] =	vst v25  }
0xa7: {  	v25 =	vld [tilespmem:$0x310];
	_ =	sdelay $0x1  }
0xa8: {  	v26 =	vld [tilespmem:$0x410];
	_ =	sdelay $0x2  }
0xa9: {  	v25 =	vadd.s32 s14, v25;
	_ =	sdelay $0x1  }
0xaa: {  	v26 =	vadd.s32 s14, v26;
	_ =	sdelay $0x2  }
0xab: {  	v25 =	vld.idx.msk [tilespmem:v25+s13+$0x0], $0xffff;
	_ =	sdelay $0x1  }
0xac: {  	v26 =	vld.idx.msk [tilespmem:v26+s13+$0x0], $0xffff;
	_ =	sdelay $0x2  }
0xad: {  	v25 =	vmul.u32 $0x3E8, v25;
	_ =	sdelay $0x1  }
0xae: {  	v25 =	vadd.s32 v25, v26  }
0xaf: {  	[tilespmem:s16+$0x590] =	vst v25  }
0xb0: {  	v25 =	vld [tilespmem:$0x320];
	_ =	sdelay $0x1  }
0xb1: {  	v26 =	vld [tilespmem:$0x420];
	_ =	sdelay $0x2  }
0xb2: {  	v25 =	vadd.s32 s14, v25;
	_ =	sdelay $0x1  }
0xb3: {  	v26 =	vadd.s32 s14, v26;
	_ =	sdelay $0x2  }
0xb4: {  	v25 =	vld.idx.msk [tilespmem:v25+s13+$0x0], $0xffff;
	_ =	sdelay $0x1  }
0xb5: {  	v26 =	vld.idx.msk [tilespmem:v26+s13+$0x0], $0xffff;
	_ =	sdelay $0x2  }
0xb6: {  	v25 =	vmul.u32 $0x3E8, v25;
	_ =	sdelay $0x1  }
0xb7: {  	v25 =	vadd.s32 v25, v26  }
0xb8: {  	[tilespmem:s16+$0x5A0] =	vst v25  }
0xb9: {  	v25 =	vld [tilespmem:$0x330];
	_ =	sdelay $0x1  }
0xba: {  	v26 =	vld [tilespmem:$0x430];
	_ =	sdelay $0x2  }
0xbb: {  	v25 =	vadd.s32 s14, v25;
	_ =	sdelay $0x1  }
0xbc: {  	v26 =	vadd.s32 s14, v26;
	_ =	sdelay $0x2  }
0xbd: {  	v25 =	vld.idx.msk [tilespmem:v25+s13+$0x0], $0xffff;
	_ =	sdelay $0x1  }
0xbe: {  	v26 =	vld.idx.msk [tilespmem:v26+s13+$0x0], $0xffff;
	_ =	sdelay $0x1  }
0xbf: {  	p0 =	sne.s32 s15, $0x5A00  }
.Ltmp0:
0xc0: {  	v25 =	vmul.u32 $0x3E8, v25;
	(pc) =	sbr.rel @p0 .LBB2_2-.Ltmp0, $4  }
0xc1: {  	_ = 	snop  }
0xc2: {  	s15 =	sadd.s32 $0x600, s15;
	v25 =	vadd.s32 v25, v26  }
0xc3: {  	s31 =	sadd.s32 $0x580, s16;
	s14 =	sadd.s32 $0x14, s14;
	[tilespmem:s16+$0x5B0] =	vst v25;
	s16 =	sadd.s32 $0x3580, s16  }
0xc4: {  	[tilespmem:s16], [sflag:$0x1] =	stream.indirect.gather [hbm4b:s3+s8], $0x1, s31, s8, $0xb8;
	[tilespmem:$0x6500] =	vst v63  }
0xc5: {  	s14 =	simm.s32 $0x140  }
.LBB2_4:
0xc6: {  	v25 =	vld [tilespmem:$0x280];
	_ =	sdelay $0x1  }
0xc7: {  	v26 =	vld [tilespmem:$0x380];
	_ =	sdelay $0x2  }
0xc8: {  	v25 =	vadd.s32 s14, v25;
	_ =	sdelay $0x1  }
0xc9: {  	v26 =	vadd.s32 s14, v26;
	_ =	sdelay $0x2  }
0xca: {  	v25 =	vld.idx.msk [tilespmem:v25+s2+$0x0], $0xffff;
	_ =	sdelay $0x1  }
0xcb: {  	v26 =	vld.idx.msk [tilespmem:v26+s2+$0x0], $0xffff;
	_ =	sdelay $0x2  }
0xcc: {  	v25 =	vmul.u32 $0x3E8, v25;
	_ =	sdelay $0x1  }
0xcd: {  	s15 =	sshra.s32 s13, $0x2;
	v25 =	vadd.s32 v25, v26  }
0xce: {  	[tilespmem:s15+$0x1C80] =	vst v25  }
0xcf: {  	v25 =	vld [tilespmem:$0x290];
	_ =	sdelay $0x1  }
0xd0: {  	v26 =	vld [tilespmem:$0x390];
	_ =	sdelay $0x2  }
0xd1: {  	v25 =	vadd.s32 s14, v25;
	_ =	sdelay $0x1  }
0xd2: {  	v26 =	vadd.s32 s14, v26;
	_ =	sdelay $0x2  }
0xd3: {  	v25 =	vld.idx.msk [tilespmem:v25+s2+$0x0], $0xffff;
	_ =	sdelay $0x1  }
0xd4: {  	v26 =	vld.idx.msk [tilespmem:v26+s2+$0x0], $0xffff;
	_ =	sdelay $0x2  }
0xd5: {  	v25 =	vmul.u32 $0x3E8, v25;
	_ =	sdelay $0x1  }
0xd6: {  	v25 =	vadd.s32 v25, v26  }
0xd7: {  	[tilespmem:s15+$0x1C90] =	vst v25  }
0xd8: {  	v25 =	vld [tilespmem:$0x2A0];
	_ =	sdelay $0x1  }
0xd9: {  	v26 =	vld [tilespmem:$0x3A0];
	_ =	sdelay $0x2  }
0xda: {  	v25 =	vadd.s32 s14, v25;
	_ =	sdelay $0x1  }
0xdb: {  	v26 =	vadd.s32 s14, v26;
	_ =	sdelay $0x2  }
0xdc: {  	v25 =	vld.idx.msk [tilespmem:v25+s2+$0x0], $0xffff;
	_ =	sdelay $0x1  }
0xdd: {  	v26 =	vld.idx.msk [tilespmem:v26+s2+$0x0], $0xffff;
	_ =	sdelay $0x2  }
0xde: {  	v25 =	vmul.u32 $0x3E8, v25;
	_ =	sdelay $0x1  }
0xdf: {  	v25 =	vadd.s32 v25, v26  }
0xe0: {  	[tilespmem:s15+$0x1CA0] =	vst v25  }
0xe1: {  	v25 =	vld [tilespmem:$0x2B0];
	_ =	sdelay $0x1  }
0xe2: {  	v26 =	vld [tilespmem:$0x3B0];
	_ =	sdelay $0x2  }
0xe3: {  	v25 =	vadd.s32 s14, v25;
	_ =	sdelay $0x1  }
0xe4: {  	v26 =	vadd.s32 s14, v26;
	_ =	sdelay $0x2  }
0xe5: {  	v25 =	vld.idx.msk [tilespmem:v25+s2+$0x0], $0xffff;
	_ =	sdelay $0x1  }
0xe6: {  	v26 =	vld.idx.msk [tilespmem:v26+s2+$0x0], $0xffff;
	_ =	sdelay $0x2  }
0xe7: {  	v25 =	vmul.u32 $0x3E8, v25;
	_ =	sdelay $0x1  }
0xe8: {  	v25 =	vadd.s32 v25, v26  }
0xe9: {  	s16 =	sadd.s32 $0x1C80, s15;
	s17 =	sadd.s32 $0x4C80, s15;
	[tilespmem:s15+$0x1CB0] =	vst v25  }
0xea: {  	[tilespmem:s17], [sflag:$0x2] =	stream.indirect.gather [hbm4b:s3+s8], $0x1, s16, s8, $0xb8;
	[tilespmem:$0x6500] =	vst v63  }
0xeb: {  	v25 =	vld [tilespmem:$0x2C0];
	_ =	sdelay $0x1  }
0xec: {  	v26 =	vld [tilespmem:$0x3C0];
	_ =	sdelay $0x2  }
0xed: {  	v25 =	vadd.s32 s14, v25;
	_ =	sdelay $0x1  }
0xee: {  	v26 =	vadd.s32 s14, v26;
	_ =	sdelay $0x2  }
0xef: {  	v25 =	vld.idx.msk [tilespmem:v25+s2+$0x0], $0xffff;
	_ =	sdelay $0x1  }
0xf0: {  	v26 =	vld.idx.msk [tilespmem:v26+s2+$0x0], $0xffff;
	_ =	sdelay $0x2  }
0xf1: {  	v25 =	vmul.u32 $0x3E8, v25;
	_ =	sdelay $0x1  }
0xf2: {  	v25 =	vadd.s32 v25, v26  }
0xf3: {  	[tilespmem:s15+$0x1D00] =	vst v25  }
0xf4: {  	v25 =	vld [tilespmem:$0x2D0];
	_ =	sdelay $0x1  }
0xf5: {  	v26 =	vld [tilespmem:$0x3D0];
	_ =	sdelay $0x2  }
0xf6: {  	v25 =	vadd.s32 s14, v25;
	_ =	sdelay $0x1  }
0xf7: {  	v26 =	vadd.s32 s14, v26;
	_ =	sdelay $0x2  }
0xf8: {  	v25 =	vld.idx.msk [tilespmem:v25+s2+$0x0], $0xffff;
	_ =	sdelay $0x1  }
0xf9: {  	v26 =	vld.idx.msk [tilespmem:v26+s2+$0x0], $0xffff;
	_ =	sdelay $0x2  }
0xfa: {  	v25 =	vmul.u32 $0x3E8, v25;
	_ =	sdelay $0x1  }
0xfb: {  	v25 =	vadd.s32 v25, v26  }
0xfc: {  	[tilespmem:s15+$0x1D10] =	vst v25  }
0xfd: {  	v25 =	vld [tilespmem:$0x2E0];
	_ =	sdelay $0x1  }
0xfe: {  	v26 =	vld [tilespmem:$0x3E0];
	_ =	sdelay $0x2  }
0xff: {  	v25 =	vadd.s32 s14, v25;
	_ =	sdelay $0x1  }
0x100: {  	v26 =	vadd.s32 s14, v26;
	_ =	sdelay $0x2  }
0x101: {  	v25 =	vld.idx.msk [tilespmem:v25+s2+$0x0], $0xffff;
	_ =	sdelay $0x1  }
0x102: {  	v26 =	vld.idx.msk [tilespmem:v26+s2+$0x0], $0xffff;
	_ =	sdelay $0x2  }
0x103: {  	v25 =	vmul.u32 $0x3E8, v25;
	_ =	sdelay $0x1  }
0x104: {  	v25 =	vadd.s32 v25, v26  }
0x105: {  	[tilespmem:s15+$0x1D20] =	vst v25  }
0x106: {  	v25 =	vld [tilespmem:$0x2F0];
	_ =	sdelay $0x1  }
0x107: {  	v26 =	vld [tilespmem:$0x3F0];
	_ =	sdelay $0x2  }
0x108: {  	v25 =	vadd.s32 s14, v25;
	_ =	sdelay $0x1  }
0x109: {  	v26 =	vadd.s32 s14, v26;
	_ =	sdelay $0x2  }
0x10a: {  	v25 =	vld.idx.msk [tilespmem:v25+s2+$0x0], $0xffff;
	_ =	sdelay $0x1  }
0x10b: {  	v26 =	vld.idx.msk [tilespmem:v26+s2+$0x0], $0xffff;
	_ =	sdelay $0x2  }
0x10c: {  	v25 =	vmul.u32 $0x3E8, v25;
	_ =	sdelay $0x1  }
0x10d: {  	v25 =	vadd.s32 v25, v26  }
0x10e: {  	s29 =	sadd.s32 $0x1D00, s15;
	s30 =	sadd.s32 $0x4D00, s15;
	[tilespmem:s15+$0x1D30] =	vst v25  }
0x10f: {  	[tilespmem:s30], [sflag:$0x2] =	stream.indirect.gather [hbm4b:s3+s8], $0x1, s29, s8, $0xb8;
	[tilespmem:$0x6500] =	vst v63  }
0x110: {  	v25 =	vld [tilespmem:$0x300];
	_ =	sdelay $0x1  }
0x111: {  	v26 =	vld [tilespmem:$0x400];
	_ =	sdelay $0x2  }
0x112: {  	v25 =	vadd.s32 s14, v25;
	_ =	sdelay $0x1  }
0x113: {  	v26 =	vadd.s32 s14, v26;
	_ =	sdelay $0x2  }
0x114: {  	v25 =	vld.idx.msk [tilespmem:v25+s2+$0x0], $0xffff;
	_ =	sdelay $0x1  }
0x115: {  	v26 =	vld.idx.msk [tilespmem:v26+s2+$0x0], $0xffff;
	_ =	sdelay $0x2  }
0x116: {  	v25 =	vmul.u32 $0x3E8, v25;
	_ =	sdelay $0x1  }
0x117: {  	v25 =	vadd.s32 v25, v26  }
0x118: {  	[tilespmem:s15+$0x1D80] =	vst v25  }
0x119: {  	v25 =	vld [tilespmem:$0x310];
	_ =	sdelay $0x1  }
0x11a: {  	v26 =	vld [tilespmem:$0x410];
	_ =	sdelay $0x2  }
0x11b: {  	v25 =	vadd.s32 s14, v25;
	_ =	sdelay $0x1  }
0x11c: {  	v26 =	vadd.s32 s14, v26;
	_ =	sdelay $0x2  }
0x11d: {  	v25 =	vld.idx.msk [tilespmem:v25+s2+$0x0], $0xffff;
	_ =	sdelay $0x1  }
0x11e: {  	v26 =	vld.idx.msk [tilespmem:v26+s2+$0x0], $0xffff;
	_ =	sdelay $0x2  }
0x11f: {  	v25 =	vmul.u32 $0x3E8, v25;
	_ =	sdelay $0x1  }
0x120: {  	v25 =	vadd.s32 v25, v26  }
0x121: {  	[tilespmem:s15+$0x1D90] =	vst v25  }
0x122: {  	v25 =	vld [tilespmem:$0x320];
	_ =	sdelay $0x1  }
0x123: {  	v26 =	vld [tilespmem:$0x420];
	_ =	sdelay $0x2  }
0x124: {  	v25 =	vadd.s32 s14, v25;
	_ =	sdelay $0x1  }
0x125: {  	v26 =	vadd.s32 s14, v26;
	_ =	sdelay $0x2  }
0x126: {  	v25 =	vld.idx.msk [tilespmem:v25+s2+$0x0], $0xffff;
	_ =	sdelay $0x1  }
0x127: {  	v26 =	vld.idx.msk [tilespmem:v26+s2+$0x0], $0xffff;
	_ =	sdelay $0x2  }
0x128: {  	v25 =	vmul.u32 $0x3E8, v25;
	_ =	sdelay $0x1  }
0x129: {  	v25 =	vadd.s32 v25, v26  }
0x12a: {  	[tilespmem:s15+$0x1DA0] =	vst v25  }
0x12b: {  	v25 =	vld [tilespmem:$0x330];
	_ =	sdelay $0x1  }
0x12c: {  	v26 =	vld [tilespmem:$0x430];
	_ =	sdelay $0x2  }
0x12d: {  	v25 =	vadd.s32 s14, v25;
	_ =	sdelay $0x1  }
0x12e: {  	v26 =	vadd.s32 s14, v26;
	_ =	sdelay $0x2  }
0x12f: {  	v25 =	vld.idx.msk [tilespmem:v25+s2+$0x0], $0xffff;
	_ =	sdelay $0x1  }
0x130: {  	v26 =	vld.idx.msk [tilespmem:v26+s2+$0x0], $0xffff;
	_ =	sdelay $0x1  }
0x131: {  	p0 =	sne.s32 s13, $0x5A00  }
.Ltmp1:
0x132: {  	v25 =	vmul.u32 $0x3E8, v25;
	(pc) =	sbr.rel @p0 .LBB2_4-.Ltmp1, $4  }
0x133: {  	_ = 	snop  }
0x134: {  	s13 =	sadd.s32 $0x600, s13;
	v25 =	vadd.s32 v25, v26  }
0x135: {  	s31 =	sadd.s32 $0x1D80, s15;
	s14 =	sadd.s32 $0x14, s14;
	[tilespmem:s15+$0x1DB0] =	vst v25;
	s15 =	sadd.s32 $0x4D80, s15  }
0x136: {  	[tilespmem:s15], [sflag:$0x2] =	stream.indirect.gather [hbm4b:s3+s8], $0x1, s31, s8, $0xb8;
	[tilespmem:$0x6500] =	vst v63  }
0x137: {  	_ =	swait.ge [sflag:s9], $0x40  }
0x138: {  	[sflag:s9] =	ssyncset.done $0x0  }
0x139: {  	[sflag:s9] =	ssyncadd.s32 $0xFFFFFFC0  }
0x13a: {  	_ =	swait.ge [sflag:s9], $0x40  }
0x13b: {  	[sflag:s9] =	ssyncset.done $0x0  }
0x13c: {  	[sflag:s9] =	ssyncadd.s32 $0xFFFFFFC0  }
0x13d: {  	_ =	swait.ge [sflag:s9], $0x40  }
0x13e: {  	[sflag:s9] =	ssyncset.done $0x0  }
0x13f: {  	[sflag:s9] =	ssyncadd.s32 $0xFFFFFFC0  }
0x140: {  	_ =	swait.ge [sflag:s9], $0x40  }
0x141: {  	[sflag:s9] =	ssyncset.done $0x0  }
0x142: {  	[sflag:s9] =	ssyncadd.s32 $0xFFFFFFC0  }
0x143: {  	_ =	swait.ge [sflag:s9], $0x40  }
0x144: {  	[sflag:s9] =	ssyncset.done $0x0  }
0x145: {  	[sflag:s9] =	ssyncadd.s32 $0xFFFFFFC0  }
0x146: {  	_ =	swait.ge [sflag:s9], $0x40  }
0x147: {  	[sflag:s9] =	ssyncset.done $0x0  }
0x148: {  	[sflag:s9] =	ssyncadd.s32 $0xFFFFFFC0  }
0x149: {  	_ =	swait.ge [sflag:s9], $0x40  }
0x14a: {  	[sflag:s9] =	ssyncset.done $0x0  }
0x14b: {  	[sflag:s9] =	ssyncadd.s32 $0xFFFFFFC0  }
0x14c: {  	_ =	swait.ge [sflag:s9], $0x40  }
0x14d: {  	[sflag:s9] =	ssyncset.done $0x0  }
0x14e: {  	[sflag:s9] =	ssyncadd.s32 $0xFFFFFFC0  }
0x14f: {  	_ =	swait.ge [sflag:s9], $0x40  }
0x150: {  	[sflag:s9] =	ssyncset.done $0x0  }
0x151: {  	[sflag:s9] =	ssyncadd.s32 $0xFFFFFFC0  }
0x152: {  	_ =	swait.ge [sflag:s9], $0x40  }
0x153: {  	[sflag:s9] =	ssyncset.done $0x0  }
0x154: {  	[sflag:s9] =	ssyncadd.s32 $0xFFFFFFC0  }
0x155: {  	_ =	swait.ge [sflag:s9], $0x40  }
0x156: {  	[sflag:s9] =	ssyncset.done $0x0  }
0x157: {  	[sflag:s9] =	ssyncadd.s32 $0xFFFFFFC0  }
0x158: {  	_ =	swait.ge [sflag:s9], $0x40  }
0x159: {  	[sflag:s9] =	ssyncset.done $0x0  }
0x15a: {  	[sflag:s9] =	ssyncadd.s32 $0xFFFFFFC0  }
0x15b: {  	_ =	swait.ge [sflag:s9], $0x40  }
0x15c: {  	[sflag:s9] =	ssyncset.done $0x0  }
0x15d: {  	[sflag:s9] =	ssyncadd.s32 $0xFFFFFFC0  }
0x15e: {  	_ =	swait.ge [sflag:s9], $0x40  }
0x15f: {  	[sflag:s9] =	ssyncset.done $0x0  }
0x160: {  	[sflag:s9] =	ssyncadd.s32 $0xFFFFFFC0  }
0x161: {  	_ =	swait.ge [sflag:s9], $0x40  }
0x162: {  	[sflag:s9] =	ssyncset.done $0x0  }
0x163: {  	[sflag:s9] =	ssyncadd.s32 $0xFFFFFFC0  }
0x164: {  	_ =	swait.ge [sflag:s9], $0x40  }
0x165: {  	[sflag:s9] =	ssyncset.done $0x0  }
0x166: {  	[sflag:s9] =	ssyncadd.s32 $0xFFFFFFC0  }
0x167: {  	_ =	swait.ge [sflag:s9], $0x40  }
0x168: {  	[sflag:s9] =	ssyncset.done $0x0  }
0x169: {  	[sflag:s9] =	ssyncadd.s32 $0xFFFFFFC0  }
0x16a: {  	_ =	swait.ge [sflag:s9], $0x40  }
0x16b: {  	[sflag:s9] =	ssyncset.done $0x0  }
0x16c: {  	[sflag:s9] =	ssyncadd.s32 $0xFFFFFFC0  }
0x16d: {  	_ =	swait.ge [sflag:s9], $0x40  }
0x16e: {  	[sflag:s9] =	ssyncset.done $0x0  }
0x16f: {  	[sflag:s9] =	ssyncadd.s32 $0xFFFFFFC0  }
0x170: {  	_ =	swait.ge [sflag:s9], $0x40  }
0x171: {  	[sflag:s9] =	ssyncset.done $0x0  }
0x172: {  	[sflag:s9] =	ssyncadd.s32 $0xFFFFFFC0  }
0x173: {  	_ =	swait.ge [sflag:s9], $0x40  }
0x174: {  	[sflag:s9] =	ssyncset.done $0x0  }
0x175: {  	[sflag:s9] =	ssyncadd.s32 $0xFFFFFFC0  }
0x176: {  	_ =	swait.ge [sflag:s9], $0x40  }
0x177: {  	[sflag:s9] =	ssyncset.done $0x0  }
0x178: {  	[sflag:s9] =	ssyncadd.s32 $0xFFFFFFC0  }
0x179: {  	_ =	swait.ge [sflag:s9], $0x40  }
0x17a: {  	[sflag:s9] =	ssyncset.done $0x0  }
0x17b: {  	[sflag:s9] =	ssyncadd.s32 $0xFFFFFFC0  }
0x17c: {  	_ =	swait.ge [sflag:s9], $0x40  }
0x17d: {  	[sflag:s9] =	ssyncset.done $0x0  }
0x17e: {  	[sflag:s9] =	ssyncadd.s32 $0xFFFFFFC0  }
0x17f: {  	_ =	swait.ge [sflag:s9], $0x40  }
0x180: {  	[sflag:s9] =	ssyncset.done $0x0  }
0x181: {  	[sflag:s9] =	ssyncadd.s32 $0xFFFFFFC0  }
0x182: {  	_ =	swait.ge [sflag:s9], $0x40  }
0x183: {  	[sflag:s9] =	ssyncset.done $0x0  }
0x184: {  	[sflag:s9] =	ssyncadd.s32 $0xFFFFFFC0  }
0x185: {  	_ =	swait.ge [sflag:s9], $0x40  }
0x186: {  	[sflag:s9] =	ssyncset.done $0x0  }
0x187: {  	[sflag:s9] =	ssyncadd.s32 $0xFFFFFFC0  }
0x188: {  	_ =	swait.ge [sflag:s9], $0x40  }
0x189: {  	[sflag:s9] =	ssyncset.done $0x0  }
0x18a: {  	[sflag:s9] =	ssyncadd.s32 $0xFFFFFFC0  }
0x18b: {  	_ =	swait.ge [sflag:s9], $0x40  }
0x18c: {  	[sflag:s9] =	ssyncset.done $0x0  }
0x18d: {  	[sflag:s9] =	ssyncadd.s32 $0xFFFFFFC0  }
0x18e: {  	_ =	swait.ge [sflag:s9], $0x40  }
0x18f: {  	[sflag:s9] =	ssyncset.done $0x0  }
0x190: {  	[sflag:s9] =	ssyncadd.s32 $0xFFFFFFC0  }
0x191: {  	_ =	swait.ge [sflag:s9], $0x40  }
0x192: {  	[sflag:s9] =	ssyncset.done $0x0  }
0x193: {  	[sflag:s9] =	ssyncadd.s32 $0xFFFFFFC0  }
0x194: {  	_ =	swait.ge [sflag:s9], $0x40  }
0x195: {  	[sflag:s9] =	ssyncset.done $0x0  }
0x196: {  	[sflag:s9] =	ssyncadd.s32 $0xFFFFFFC0  }
0x197: {  	_ =	swait.ge [sflag:s9], $0x40  }
0x198: {  	[sflag:s9] =	ssyncset.done $0x0  }
0x199: {  	[sflag:s9] =	ssyncadd.s32 $0xFFFFFFC0  }
0x19a: {  	_ =	swait.ge [sflag:s9], $0x40  }
0x19b: {  	[sflag:s9] =	ssyncset.done $0x0  }
0x19c: {  	[sflag:s9] =	ssyncadd.s32 $0xFFFFFFC0  }
0x19d: {  	_ =	swait.ge [sflag:s9], $0x40  }
0x19e: {  	[sflag:s9] =	ssyncset.done $0x0  }
0x19f: {  	[sflag:s9] =	ssyncadd.s32 $0xFFFFFFC0  }
0x1a0: {  	_ =	swait.ge [sflag:s9], $0x40  }
0x1a1: {  	[sflag:s9] =	ssyncset.done $0x0  }
0x1a2: {  	[sflag:s9] =	ssyncadd.s32 $0xFFFFFFC0  }
0x1a3: {  	_ =	swait.ge [sflag:s9], $0x40  }
0x1a4: {  	[sflag:s9] =	ssyncset.done $0x0  }
0x1a5: {  	[sflag:s9] =	ssyncadd.s32 $0xFFFFFFC0  }
0x1a6: {  	_ =	swait.ge [sflag:s9], $0x40  }
0x1a7: {  	[sflag:s9] =	ssyncset.done $0x0  }
0x1a8: {  	[sflag:s9] =	ssyncadd.s32 $0xFFFFFFC0  }
0x1a9: {  	_ =	swait.ge [sflag:s9], $0x40  }
0x1aa: {  	[sflag:s9] =	ssyncset.done $0x0  }
0x1ab: {  	[sflag:s9] =	ssyncadd.s32 $0xFFFFFFC0  }
0x1ac: {  	_ =	swait.ge [sflag:s9], $0x40  }
0x1ad: {  	[sflag:s9] =	ssyncset.done $0x0  }
0x1ae: {  	[sflag:s9] =	ssyncadd.s32 $0xFFFFFFC0  }
0x1af: {  	_ =	swait.ge [sflag:s9], $0x40  }
0x1b0: {  	[sflag:s9] =	ssyncset.done $0x0  }
0x1b1: {  	[sflag:s9] =	ssyncadd.s32 $0xFFFFFFC0  }
0x1b2: {  	_ =	swait.ge [sflag:s9], $0x40  }
0x1b3: {  	[sflag:s9] =	ssyncset.done $0x0  }
0x1b4: {  	[sflag:s9] =	ssyncadd.s32 $0xFFFFFFC0  }
0x1b5: {  	_ =	swait.ge [sflag:s9], $0x40  }
0x1b6: {  	[sflag:s9] =	ssyncset.done $0x0  }
0x1b7: {  	[sflag:s9] =	ssyncadd.s32 $0xFFFFFFC0  }
0x1b8: {  	_ =	swait.ge [sflag:s9], $0x40  }
0x1b9: {  	[sflag:s9] =	ssyncset.done $0x0  }
0x1ba: {  	[sflag:s9] =	ssyncadd.s32 $0xFFFFFFC0  }
0x1bb: {  	_ =	swait.ge [sflag:s9], $0x40  }
0x1bc: {  	[sflag:s9] =	ssyncset.done $0x0  }
0x1bd: {  	[sflag:s9] =	ssyncadd.s32 $0xFFFFFFC0  }
0x1be: {  	_ =	swait.ge [sflag:s9], $0x40  }
0x1bf: {  	[sflag:s9] =	ssyncset.done $0x0  }
0x1c0: {  	[sflag:s9] =	ssyncadd.s32 $0xFFFFFFC0  }
0x1c1: {  	_ =	swait.ge [sflag:s9], $0x40  }
0x1c2: {  	[sflag:s9] =	ssyncset.done $0x0  }
0x1c3: {  	[sflag:s9] =	ssyncadd.s32 $0xFFFFFFC0  }
0x1c4: {  	_ =	swait.ge [sflag:s9], $0x40  }
0x1c5: {  	[sflag:s9] =	ssyncset.done $0x0  }
0x1c6: {  	s13 =	simm.s32 $0x34A0;
	[sflag:s9] =	ssyncadd.s32 $0xFFFFFFC0  }
0x1c7: {  	v26 =	vld [tilespmem:s13+$0xFFFFFFE0];
	_ =	sdelay $0x2  }
0x1c8: {  	v28 =	vld [tilespmem:s13+$0xFFFFFFF0]  }
0x1c9: {  	v27 =	vimm.f32 $0.0e+00;
	v25 =	vld [tilespmem:s13+$0x10]  }
0x1ca: {  	s14 =	simm.s32 $0x0;
	v26 =	vadd.f32 v26, v27;
	v27 =	vld [tilespmem:s13+$0x0]  }
0x1cb: {  	s14 =	smul.u32 $0xFFFFFFAB, s14;
	_ =	sdelay $0x1  }
0x1cc: {  	s15 =	simm.s32 $0x3520;
	s14 =	sadd.s32 $0xFFFFFFAA, s14;
	v29 =	vadd.f32 v28, v26  }
0x1cd: {  	s16 =	simm.s32 $0x2;
	s14 =	sand.u32 $0xFF, s14;
	s13 =	simm.s32 $0x1;
	v31 =	vmul.f32 v24, v25;
	v26 =	vld [tilespmem:s15+$0xFFFFFFE0]  }
.LBB2_6:
0x1ce: {  	p0 =	sne.s32 s16, $0x2F;
	v27 =	vadd.f32 v27, v29;
	p1 =	slt.u32 s14, $0x55  }
0x1cf: {  	v28 =	vld [tilespmem:s15+$0xFFFFFFF0];
	v29 =	vpsel p1, v31, v25  }
0x1d0: {  	v25 =	vld [tilespmem:s15+$0x10];
	v29 =	vadd.f32 v29, v27  }
.Ltmp2:
0x1d1: {  	v27 =	vld [tilespmem:s15+$0x0];
	(pc) =	sbr.rel @p0 .LBB2_6-.Ltmp2, $3  }
0x1d2: {  	s14 =	smul.u32 $0xFFFFFFAB, s13;
	s13 =	smov.u32 s16;
	v26 =	vadd.f32 v26, v29;
	_ =	sdelay $0x1  }
0x1d3: {  	s14 =	sadd.s32 $0xFFFFFFAA, s14;
	s15 =	sadd.s32 $0x80, s15;
	v29 =	vadd.f32 v28, v26  }
0x1d4: {  	s16 =	sadd.s32 $0x1, s16;
	s14 =	sand.u32 $0xFF, s14;
	v26 =	vld [tilespmem:s15+$0xFFFFFFE0];
	v31 =	vmul.f32 v24, v25  }
0x1d5: {  	v32 =	vld [tilespmem:s15+$0xFFFFFFF0]  }
0x1d6: {  	v28 =	vld [tilespmem:s15+$0x10]  }
0x1d7: {  	v30 =	vld [tilespmem:s15+$0x0];
	_ =	swait.ge [sflag:s10], $0x40  }
0x1d8: {  	[sflag:s10] =	ssyncset.done $0x0  }
0x1d9: {  	[sflag:s10] =	ssyncadd.s32 $0xFFFFFFC0  }
0x1da: {  	_ =	swait.ge [sflag:s10], $0x40  }
0x1db: {  	[sflag:s10] =	ssyncset.done $0x0  }
0x1dc: {  	[sflag:s10] =	ssyncadd.s32 $0xFFFFFFC0  }
0x1dd: {  	_ =	swait.ge [sflag:s10], $0x40  }
0x1de: {  	[sflag:s10] =	ssyncset.done $0x0  }
0x1df: {  	[sflag:s10] =	ssyncadd.s32 $0xFFFFFFC0  }
0x1e0: {  	_ =	swait.ge [sflag:s10], $0x40  }
0x1e1: {  	[sflag:s10] =	ssyncset.done $0x0  }
0x1e2: {  	[sflag:s10] =	ssyncadd.s32 $0xFFFFFFC0  }
0x1e3: {  	_ =	swait.ge [sflag:s10], $0x40  }
0x1e4: {  	[sflag:s10] =	ssyncset.done $0x0  }
0x1e5: {  	[sflag:s10] =	ssyncadd.s32 $0xFFFFFFC0  }
0x1e6: {  	_ =	swait.ge [sflag:s10], $0x40  }
0x1e7: {  	[sflag:s10] =	ssyncset.done $0x0  }
0x1e8: {  	[sflag:s10] =	ssyncadd.s32 $0xFFFFFFC0  }
0x1e9: {  	_ =	swait.ge [sflag:s10], $0x40  }
0x1ea: {  	[sflag:s10] =	ssyncset.done $0x0  }
0x1eb: {  	[sflag:s10] =	ssyncadd.s32 $0xFFFFFFC0  }
0x1ec: {  	_ =	swait.ge [sflag:s10], $0x40  }
0x1ed: {  	[sflag:s10] =	ssyncset.done $0x0  }
0x1ee: {  	[sflag:s10] =	ssyncadd.s32 $0xFFFFFFC0  }
0x1ef: {  	_ =	swait.ge [sflag:s10], $0x40  }
0x1f0: {  	[sflag:s10] =	ssyncset.done $0x0  }
0x1f1: {  	[sflag:s10] =	ssyncadd.s32 $0xFFFFFFC0  }
0x1f2: {  	_ =	swait.ge [sflag:s10], $0x40  }
0x1f3: {  	[sflag:s10] =	ssyncset.done $0x0  }
0x1f4: {  	[sflag:s10] =	ssyncadd.s32 $0xFFFFFFC0  }
0x1f5: {  	_ =	swait.ge [sflag:s10], $0x40  }
0x1f6: {  	[sflag:s10] =	ssyncset.done $0x0  }
0x1f7: {  	[sflag:s10] =	ssyncadd.s32 $0xFFFFFFC0  }
0x1f8: {  	_ =	swait.ge [sflag:s10], $0x40  }
0x1f9: {  	[sflag:s10] =	ssyncset.done $0x0  }
0x1fa: {  	[sflag:s10] =	ssyncadd.s32 $0xFFFFFFC0  }
0x1fb: {  	_ =	swait.ge [sflag:s10], $0x40  }
0x1fc: {  	[sflag:s10] =	ssyncset.done $0x0  }
0x1fd: {  	[sflag:s10] =	ssyncadd.s32 $0xFFFFFFC0  }
0x1fe: {  	_ =	swait.ge [sflag:s10], $0x40  }
0x1ff: {  	[sflag:s10] =	ssyncset.done $0x0  }
0x200: {  	[sflag:s10] =	ssyncadd.s32 $0xFFFFFFC0  }
0x201: {  	_ =	swait.ge [sflag:s10], $0x40  }
0x202: {  	[sflag:s10] =	ssyncset.done $0x0  }
0x203: {  	[sflag:s10] =	ssyncadd.s32 $0xFFFFFFC0  }
0x204: {  	_ =	swait.ge [sflag:s10], $0x40  }
0x205: {  	[sflag:s10] =	ssyncset.done $0x0  }
0x206: {  	[sflag:s10] =	ssyncadd.s32 $0xFFFFFFC0  }
0x207: {  	_ =	swait.ge [sflag:s10], $0x40  }
0x208: {  	[sflag:s10] =	ssyncset.done $0x0  }
0x209: {  	[sflag:s10] =	ssyncadd.s32 $0xFFFFFFC0  }
0x20a: {  	_ =	swait.ge [sflag:s10], $0x40  }
0x20b: {  	[sflag:s10] =	ssyncset.done $0x0  }
0x20c: {  	[sflag:s10] =	ssyncadd.s32 $0xFFFFFFC0  }
0x20d: {  	_ =	swait.ge [sflag:s10], $0x40  }
0x20e: {  	[sflag:s10] =	ssyncset.done $0x0  }
0x20f: {  	[sflag:s10] =	ssyncadd.s32 $0xFFFFFFC0  }
0x210: {  	_ =	swait.ge [sflag:s10], $0x40  }
0x211: {  	[sflag:s10] =	ssyncset.done $0x0  }
0x212: {  	[sflag:s10] =	ssyncadd.s32 $0xFFFFFFC0  }
0x213: {  	_ =	swait.ge [sflag:s10], $0x40  }
0x214: {  	[sflag:s10] =	ssyncset.done $0x0  }
0x215: {  	[sflag:s10] =	ssyncadd.s32 $0xFFFFFFC0  }
0x216: {  	_ =	swait.ge [sflag:s10], $0x40  }
0x217: {  	[sflag:s10] =	ssyncset.done $0x0  }
0x218: {  	[sflag:s10] =	ssyncadd.s32 $0xFFFFFFC0  }
0x219: {  	_ =	swait.ge [sflag:s10], $0x40  }
0x21a: {  	[sflag:s10] =	ssyncset.done $0x0  }
0x21b: {  	[sflag:s10] =	ssyncadd.s32 $0xFFFFFFC0  }
0x21c: {  	_ =	swait.ge [sflag:s10], $0x40  }
0x21d: {  	[sflag:s10] =	ssyncset.done $0x0  }
0x21e: {  	[sflag:s10] =	ssyncadd.s32 $0xFFFFFFC0  }
0x21f: {  	_ =	swait.ge [sflag:s10], $0x40  }
0x220: {  	[sflag:s10] =	ssyncset.done $0x0  }
0x221: {  	[sflag:s10] =	ssyncadd.s32 $0xFFFFFFC0  }
0x222: {  	_ =	swait.ge [sflag:s10], $0x40  }
0x223: {  	[sflag:s10] =	ssyncset.done $0x0  }
0x224: {  	[sflag:s10] =	ssyncadd.s32 $0xFFFFFFC0  }
0x225: {  	_ =	swait.ge [sflag:s10], $0x40  }
0x226: {  	[sflag:s10] =	ssyncset.done $0x0  }
0x227: {  	[sflag:s10] =	ssyncadd.s32 $0xFFFFFFC0  }
0x228: {  	_ =	swait.ge [sflag:s10], $0x40  }
0x229: {  	[sflag:s10] =	ssyncset.done $0x0  }
0x22a: {  	[sflag:s10] =	ssyncadd.s32 $0xFFFFFFC0  }
0x22b: {  	_ =	swait.ge [sflag:s10], $0x40  }
0x22c: {  	[sflag:s10] =	ssyncset.done $0x0  }
0x22d: {  	[sflag:s10] =	ssyncadd.s32 $0xFFFFFFC0  }
0x22e: {  	_ =	swait.ge [sflag:s10], $0x40  }
0x22f: {  	[sflag:s10] =	ssyncset.done $0x0  }
0x230: {  	[sflag:s10] =	ssyncadd.s32 $0xFFFFFFC0  }
0x231: {  	_ =	swait.ge [sflag:s10], $0x40  }
0x232: {  	[sflag:s10] =	ssyncset.done $0x0  }
0x233: {  	[sflag:s10] =	ssyncadd.s32 $0xFFFFFFC0  }
0x234: {  	_ =	swait.ge [sflag:s10], $0x40  }
0x235: {  	[sflag:s10] =	ssyncset.done $0x0  }
0x236: {  	[sflag:s10] =	ssyncadd.s32 $0xFFFFFFC0  }
0x237: {  	_ =	swait.ge [sflag:s10], $0x40  }
0x238: {  	[sflag:s10] =	ssyncset.done $0x0  }
0x239: {  	[sflag:s10] =	ssyncadd.s32 $0xFFFFFFC0  }
0x23a: {  	_ =	swait.ge [sflag:s10], $0x40  }
0x23b: {  	[sflag:s10] =	ssyncset.done $0x0  }
0x23c: {  	[sflag:s10] =	ssyncadd.s32 $0xFFFFFFC0  }
0x23d: {  	_ =	swait.ge [sflag:s10], $0x40  }
0x23e: {  	[sflag:s10] =	ssyncset.done $0x0  }
0x23f: {  	[sflag:s10] =	ssyncadd.s32 $0xFFFFFFC0  }
0x240: {  	_ =	swait.ge [sflag:s10], $0x40  }
0x241: {  	[sflag:s10] =	ssyncset.done $0x0  }
0x242: {  	[sflag:s10] =	ssyncadd.s32 $0xFFFFFFC0  }
0x243: {  	_ =	swait.ge [sflag:s10], $0x40  }
0x244: {  	[sflag:s10] =	ssyncset.done $0x0  }
0x245: {  	[sflag:s10] =	ssyncadd.s32 $0xFFFFFFC0  }
0x246: {  	_ =	swait.ge [sflag:s10], $0x40  }
0x247: {  	[sflag:s10] =	ssyncset.done $0x0  }
0x248: {  	[sflag:s10] =	ssyncadd.s32 $0xFFFFFFC0  }
0x249: {  	_ =	swait.ge [sflag:s10], $0x40  }
0x24a: {  	[sflag:s10] =	ssyncset.done $0x0  }
0x24b: {  	[sflag:s10] =	ssyncadd.s32 $0xFFFFFFC0  }
0x24c: {  	_ =	swait.ge [sflag:s10], $0x40  }
0x24d: {  	[sflag:s10] =	ssyncset.done $0x0  }
0x24e: {  	[sflag:s10] =	ssyncadd.s32 $0xFFFFFFC0  }
0x24f: {  	_ =	swait.ge [sflag:s10], $0x40  }
0x250: {  	[sflag:s10] =	ssyncset.done $0x0  }
0x251: {  	[sflag:s10] =	ssyncadd.s32 $0xFFFFFFC0  }
0x252: {  	_ =	swait.ge [sflag:s10], $0x40  }
0x253: {  	[sflag:s10] =	ssyncset.done $0x0  }
0x254: {  	[sflag:s10] =	ssyncadd.s32 $0xFFFFFFC0  }
0x255: {  	_ =	swait.ge [sflag:s10], $0x40  }
0x256: {  	[sflag:s10] =	ssyncset.done $0x0  }
0x257: {  	[sflag:s10] =	ssyncadd.s32 $0xFFFFFFC0  }
0x258: {  	_ =	swait.ge [sflag:s10], $0x40  }
0x259: {  	[sflag:s10] =	ssyncset.done $0x0  }
0x25a: {  	[sflag:s10] =	ssyncadd.s32 $0xFFFFFFC0  }
0x25b: {  	_ =	swait.ge [sflag:s10], $0x40  }
0x25c: {  	[sflag:s10] =	ssyncset.done $0x0  }
0x25d: {  	[sflag:s10] =	ssyncadd.s32 $0xFFFFFFC0  }
0x25e: {  	_ =	swait.ge [sflag:s10], $0x40  }
0x25f: {  	[sflag:s10] =	ssyncset.done $0x0  }
0x260: {  	v27 =	vadd.f32 v27, v29;
	p0 =	slt.u32 s14, $0x55;
	[sflag:s10] =	ssyncadd.s32 $0xFFFFFFC0  }
0x261: {  	v25 =	vpsel p0, v31, v25;
	_ =	swait.ge [sflag:s10], $0x40  }
0x262: {  	v25 =	vadd.f32 v25, v27;
	[sflag:s10] =	ssyncset.done $0x0  }
0x263: {  	[sflag:s10] =	ssyncadd.s32 $0xFFFFFFC0  }
0x264: {  	s13 =	smul.u32 $0xFFFFFFAB, s13;
	v25 =	vadd.f32 v26, v25;
	_ =	swait.ge [sflag:s10], $0x40  }
0x265: {  	[sflag:s10] =	ssyncset.done $0x0  }
0x266: {  	s30 =	simm.s32 $0x4CB0;
	s13 =	sadd.s32 $0xFFFFFFAA, s13;
	v25 =	vadd.f32 v32, v25;
	[sflag:s10] =	ssyncadd.s32 $0xFFFFFFC0  }
0x267: {  	s13 =	sand.u32 $0xFF, s13;
	v26 =	vmul.f32 v24, v28;
	v27 =	vld [tilespmem:s30+$0xFFFFFFD0]  }
0x268: {  	p6 =	slt.u32 s13, $0x55;
	v29 =	vadd.f32 v30, v25  }
0x269: {  	v26 =	vpsel p6, v26, v28  }
0x26a: {  	v26 =	vadd.f32 v26, v29;
	v30 =	vld [tilespmem:s30+$0xFFFFFFE0]  }
0x26b: {  	v25 =	vld [tilespmem:s30+$0x0]  }
0x26c: {  	s31 =	simm.s32 $0x30;
	v26 =	vadd.f32 v27, v26;
	v27 =	vld [tilespmem:s30+$0xFFFFFFF0]  }
0x26d: {  	s13 =	smul.u32 $0xFFFFFFAB, s31;
	_ =	sdelay $0x1  }
0x26e: {  	s14 =	simm.s32 $0x4D30;
	s16 =	sadd.s32 $0xFFFFFFAA, s13;
	v28 =	vadd.f32 v30, v26  }
0x26f: {  	s15 =	simm.s32 $0x32;
	s13 =	simm.s32 $0x31;
	s16 =	sand.u32 $0xFF, s16;
	v29 =	vmul.f32 v24, v25;
	v26 =	vld [tilespmem:s14+$0xFFFFFFD0]  }
.LBB2_8:
0x270: {  	p0 =	sne.s32 s15, $0x5F;
	v27 =	vadd.f32 v27, v28;
	p1 =	slt.u32 s16, $0x55  }
0x271: {  	v28 =	vld [tilespmem:s14+$0xFFFFFFE0];
	v29 =	vpsel p1, v29, v25  }
0x272: {  	v25 =	vld [tilespmem:s14+$0x0];
	v29 =	vadd.f32 v29, v27  }
.Ltmp3:
0x273: {  	v27 =	vld [tilespmem:s14+$0xFFFFFFF0];
	(pc) =	sbr.rel @p0 .LBB2_8-.Ltmp3, $3  }
0x274: {  	s16 =	smul.u32 $0xFFFFFFAB, s13;
	s13 =	smov.u32 s15;
	v26 =	vadd.f32 v26, v29;
	_ =	sdelay $0x1  }
0x275: {  	s16 =	sadd.s32 $0xFFFFFFAA, s16;
	s14 =	sadd.s32 $0x80, s14;
	v28 =	vadd.f32 v28, v26  }
0x276: {  	s15 =	sadd.s32 $0x1, s15;
	s16 =	sand.u32 $0xFF, s16;
	v26 =	vld [tilespmem:s14+$0xFFFFFFD0];
	v29 =	vmul.f32 v24, v25  }
0x277: {  	v27 =	vadd.f32 v27, v28;
	p0 =	slt.u32 s16, $0x55  }
0x278: {  	v62 =	vld [tilespmem:s14+$0xFFFFFFE0];
	v25 =	vpsel p0, v29, v25  }
0x279: {  	v63 =	vld [tilespmem:s14+$0x0];
	v25 =	vadd.f32 v25, v27  }
0x27a: {  	v27 =	vld [tilespmem:s14+$0xFFFFFFF0]  }
0x27b: {  	s13 =	smul.u32 $0xFFFFFFAB, s13;
	v25 =	vadd.f32 v26, v25;
	_ =	sdelay $0x1  }
0x27c: {  	s13 =	sadd.s32 $0xFFFFFFAA, s13;
	v25 =	vadd.f32 v62, v25  }
0x27d: {  	s13 =	sand.u32 $0xFF, s13;
	v26 =	vmul.f32 v24, v63  }
0x27e: {  	p6 =	slt.u32 s13, $0x55;
	v25 =	vadd.f32 v27, v25  }
0x27f: {  	v26 =	vpsel p6, v26, v63  }
0x280: {  	v25 =	vadd.f32 v26, v25;
	_ =	sdelay $0x1  }
0x281: {  	s12 =	sadd.s32 $0x1, s12;
	v25 =	vmul.f32 $2.569901430e-06, v25  }
0x282: {  	p0 =	sne.s32 s12, s6  }
.Ltmp4:
0x283: {  	[tilespmem:$0x6480] =	vst v25;
	(pc) =	sbr.rel @p0 .LBB2_1-.Ltmp4, $4  }
0x284: {  	[hbm4b:s5+s2] =	stream.linear.scatter [tilespmem:s11], [sflag:$0x3], $0x10, $0x38;
	[tilespmem:$0x6500] =	vst v63  }
0x285: {  	_ =	swait.ge [sflag:s7], $0x10  }
0x286: {  	[sflag:s7] =	ssyncset.done $0x0  }
0x287: {  	[sflag:s7] =	ssyncadd.s32 $0xFFFFFFF0  }
0x288: {  	_ =	sfence.sel $0x180000  }
0x289: {  	[bflag:$0x0] =	sbarrier.arrive $0xFFFF  }
0x28a: {  	p0 =	sne.s32 s1, $0x0;
	_ =	strace $0x90000047  }
0x28b: {  	s0 =	sadd.s32 @!p0 $0x100000, s0;
	[bflag:$0x2] =	sbarrier.arrive $0xFFFF  }
0x28c: {  	[sflag:s0] =	ssyncadd.tile.s32 @!p0 $0x1;
	_ =	shalt  }
.Lfunc_end2:
_tile_overlayer_lowered:
.L_overlay_start_2:
0x28d: {  	(tag) =	ssettag $0x2  }
0x28e: {  	s0 =	rddreg [dreg:$0x0];
	s2 =	stileid.u32  }
0x28f: {  	s1 =	rddreg [dreg:$0x1];
	p0 =	sne.s32 s2, $0x0  }
0x290: {  	s3 =	rddreg [dreg:$0x2];
	[bflag:$0x3] =	sbarrier.arrive $0xFFFF;
	s2 =	simm.s32 @!p0 $0x1C03  }
0x291: {  	[timem:s3], [sflag:s2] =	dma.local @!p0 [hbm:s0], s1  }
0x292: {  	s0 =	simm.s32 @!p0 $0x3  }
0x293: {  	_ =	swait.ge @!p0 [sflag:s0], s1  }
0x294: {  	s1 =	ssub.s32 @!p0 $0x0, s1;
	[sflag:s0] =	ssyncset.done @!p0 $0x0  }
0x295: {  	[sflag:s0] =	ssyncadd.s32 @!p0 s1  }
0x296: {  	[bflag:$0x3] =	sbarrier.arrive $0xFFFF  }
0x297: {  	_ =	shalt  }

</sc_bundles>
